<compile_context>
chip_gen: v7x
topology: tpu7x:2x2x1
jax: 0.10.2.dev20260603
libtpu: 0.0.44.dev20260713+nightly
codegen_flags: <defaults>
</compile_context>

<pallas_src>
import jax
import jax.numpy as jnp
from jax import lax
from jax.experimental import pallas as pl
from jax.experimental.pallas import tpu as pltpu
from jax.experimental.pallas import tpu_sc as plsc

NC, NS, L = 2, 16, 16
NW = NC * NS
B, C, W, H = 8, 96, 224, 224
N = W * H
R = B * C
RPW = R // NW
NV = N // L
NBINS = 256
CH = 6272
NCHUNK = N // CH
MIN_I32 = -2147483648


def _wid():
    return lax.axis_index("s") * NC + lax.axis_index("c")


def _to_key(v16_f32):
    b = lax.bitcast_convert_type(v16_f32, jnp.int32)
    s = jnp.right_shift(b, 31)
    return jnp.bitwise_xor(b, jnp.bitwise_or(s, jnp.int32(MIN_I32)))


def _from_key(k16_i32):
    s = jnp.right_shift(k16_i32, 31)
    m = jnp.bitwise_or(jnp.bitwise_not(s), jnp.int32(MIN_I32))
    return lax.bitcast_convert_type(jnp.bitwise_xor(k16_i32, m), jnp.float32)


def _digit(k16_i32, shift):
    ku = lax.bitcast_convert_type(k16_i32, jnp.uint32)
    return (jnp.right_shift(ku, shift) & jnp.uint32(255)).astype(jnp.int32)


def _sort_body(x3_hbm, wl_hbm, k1_hbm, sv_hbm, ka, kb, hist, fbuf, wlv, k1v):
    wid = _wid()
    lanes = jnp.arange(L, dtype=jnp.int32)
    ones = jnp.ones((L,), jnp.int32)
    segbase = lanes * NV

    pltpu.sync_copy(wl_hbm.at[wid], wlv)
    pltpu.sync_copy(k1_hbm, k1v)
    k1 = jnp.max(k1v[...])

    def slot(t, _):
        pos = wid + t * NW

        def do_sort():
            _sort_one_row(x3_hbm, sv_hbm, wlv, t, pos, ka, kb, hist, fbuf,
                          lanes, ones, segbase)
        lax.cond(pos < k1, do_sort, lambda: None)
        return 0

    lax.fori_loop(0, RPW, slot, 0)


def _sort_one_row(x3_hbm, sv_hbm, wlv, t, pos, ka, kb, hist, fbuf,
                  lanes, ones, segbase):
        def load_chunk(ci, _):
            pltpu.sync_copy(x3_hbm.at[wlv.at[t, pl.ds(ci, 1)]], fbuf)

            @plsc.parallel_loop(0, CH // L, unroll=4)
            def _conv(j):
                ka[pl.ds(ci * CH + j * L, L)] = _to_key(fbuf[0, pl.ds(j * L, L)])
            return 0
        lax.fori_loop(0, NCHUNK, load_chunk, 0)

        for p in range(4):
            src = ka if p % 2 == 0 else kb
            dst = kb if p % 2 == 0 else ka
            shift = jnp.uint32(8 * p)

            def zero(i, _):
                hist[pl.ds(i * L, L)] = jnp.zeros((L,), jnp.int32)
                return 0
            lax.fori_loop(0, NBINS * L // L, zero, 0)

            def count(i, _):
                i4 = i * 4
                ks = [plsc.load_gather(src, [segbase + (i4 + u)])
                      for u in range(4)]
                idxs = [jnp.left_shift(_digit(k, shift), 4) + lanes
                        for k in ks]
                for idx in idxs:
                    plsc.addupdate_scatter(hist, [idx], ones)
                return 0
            lax.fori_loop(0, NV // 4, count, 0)

            def scan(i, carry):
                v = hist[pl.ds(i * L, L)]
                inc = plsc.cumsum(v)
                hist[pl.ds(i * L, L)] = inc - v + carry
                return carry + jnp.sum(v)
            lax.fori_loop(0, NBINS, scan, jnp.int32(0))

            def permute(i, _):
                i4 = i * 4
                for u in range(4):
                    k = plsc.load_gather(src, [segbase + (i4 + u)])
                    idx = jnp.left_shift(_digit(k, shift), 4) + lanes
                    pos = plsc.load_gather(hist, [idx])
                    plsc.store_scatter(dst, [pos], k)
                    plsc.addupdate_scatter(hist, [idx], ones)
                return 0
            lax.fori_loop(0, NV // 4, permute, 0)

        def store_chunk(ci, _):
            @plsc.parallel_loop(0, CH // L, unroll=4)
            def _conv(j):
                fbuf[0, pl.ds(j * L, L)] = _from_key(
                    ka[pl.ds(ci * CH + j * L, L)])
            pltpu.sync_copy(fbuf, sv_hbm.at[pl.ds(pos, 1), pl.ds(ci * CH, CH)])
            return 0
        lax.fori_loop(0, NCHUNK, store_chunk, 0)


def _match_body(x3_hbm, sv_hbm, alphaS_hbm, svbS_hbm, svpS_hbm, wlx_hbm,
                k2_hbm, mout_hbm, svb, svp, bidx, pidx, av, wlv, k2v, xc, oc,
                sem):
    wid = _wid()
    zeros16 = jnp.zeros((L,), jnp.int32)
    pltpu.sync_copy(wlx_hbm.at[wid], wlv)
    pltpu.sync_copy(k2_hbm, k2v)
    k2 = jnp.max(k2v[...])

    def slot(t, _):
        pos = wid + t * NW

        def match():
            pltpu.sync_copy(alphaS_hbm.at[pos], av)
            pltpu.sync_copy(svbS_hbm.at[pos], bidx)
            pltpu.sync_copy(svpS_hbm.at[pos], pidx)
            pltpu.async_copy(sv_hbm.at[bidx.at[pl.ds(0, 1)]], svb, sem).wait()
            pltpu.async_copy(sv_hbm.at[pidx.at[pl.ds(0, 1)]], svp, sem).wait()
            alpha = av[...]

            def chunk(ci, _):
                pltpu.sync_copy(x3_hbm.at[wlv.at[t, pl.ds(ci, 1)]], xc)

                @plsc.parallel_loop(0, CH // L, unroll=4)
                def _elem(j):
                    xv = xc[0, pl.ds(j * L, L)]
                    rk = jnp.zeros((L,), jnp.int32)
                    for bit in (32768, 16384, 8192, 4096, 2048, 1024, 512,
                                256, 128, 64, 32, 16, 8, 4, 2, 1):
                        nr = rk + bit
                        im = jnp.minimum(nr, jnp.int32(N)) - 1
                        v = plsc.load_gather(svb, [zeros16, im])
                        rk = jnp.where(v < xv, nr, rk)
                    m = plsc.load_gather(svp, [zeros16, rk])
                    oc[pl.ds(j * L, L)] = xv + alpha * (m - xv)
                pltpu.sync_copy(oc, mout_hbm.at[pos, pl.ds(ci * CH, CH)])
                return 0
            lax.fori_loop(0, NCHUNK, chunk, 0)

        lax.cond(pos < k2, match, lambda: None)
        return 0

    lax.fori_loop(0, RPW, slot, 0)


def _distribute_body(x_hbm, m3_hbm, alpha_hbm, posm_hbm, out_hbm,
                     av, pm, xc1, xc, sem):
    wid = _wid()

    def row(t, _):
        r = wid * RPW + t
        pltpu.sync_copy(alpha_hbm.at[r], av)
        a16 = av[...]
        active = jnp.sum(jnp.where(a16 != 0.0, jnp.int32(1), jnp.int32(0))) > 0

        def dist():
            pltpu.sync_copy(posm_hbm.at[r], pm)
            pltpu.async_copy(m3_hbm.at[pm.at[0]], xc1, sem).wait()
            pltpu.sync_copy(xc1, out_hbm.at[pl.ds(r, 1)])

        def copy():
            pltpu.sync_copy(x_hbm.at[r], xc)
            pltpu.sync_copy(xc, out_hbm.at[r])

        lax.cond(active, dist, copy)
        return 0

    lax.fori_loop(0, RPW, row, 0)


def kernel(CA, x):
    xr = x.reshape(R, N)

    perm = jnp.arange(B - 1, -1, -1)
    pk1, pk2 = jax.random.split(jax.random.key(42))
    perm_b = perm[: B // 2][jax.random.permutation(pk1, B // 2)]
    perm_a = perm[B // 2:][jax.random.permutation(pk2, B // 2)]
    perm = jnp.concatenate([perm_b, perm_a], axis=0)

    alpha = jax.nn.sigmoid(-999999.0 * (CA + CA[perm] - 0.6))
    alpha16 = jnp.broadcast_to(alpha.reshape(R, 1), (R, L)).astype(jnp.float32)
    srcrow = (perm[:, None] * C + jnp.arange(C)[None, :]).reshape(R)

    need = alpha.reshape(B, C) != 0.0
    pinv = jnp.argsort(perm)
    sortneed = (need | need[pinv]).reshape(R)

    orderA = jnp.argsort(1 - sortneed.astype(jnp.int32), stable=True)
    k1 = jnp.sum(sortneed.astype(jnp.int32)).astype(jnp.int32)
    k1v = jnp.full((L,), k1, jnp.int32)
    posA = jnp.argsort(orderA).astype(jnp.int32)
    slots = (jnp.arange(NW)[:, None] + jnp.arange(RPW)[None, :] * NW)
    wlA8 = (orderA[slots][..., None] * 8
            + jnp.arange(8)[None, None, :]).astype(jnp.int32)
    posb8 = jnp.broadcast_to(posA.reshape(R, 1), (R, 8)).astype(jnp.int32)
    posp8 = jnp.broadcast_to(posA[srcrow].reshape(R, 1), (R, 8)).astype(jnp.int32)

    needR = need.reshape(R)
    orderB = jnp.argsort(1 - needR.astype(jnp.int32), stable=True)
    k2 = jnp.sum(needR.astype(jnp.int32)).astype(jnp.int32)
    k2v = jnp.full((L,), k2, jnp.int32)
    posB = jnp.argsort(orderB).astype(jnp.int32)
    wlBx8 = (orderB[slots][..., None] * NCHUNK
             + jnp.arange(NCHUNK)[None, None, :]).astype(jnp.int32)
    alphaS = alpha16[orderB]
    svbS8 = posb8[orderB]
    svpS8 = posp8[orderB]
    posm8 = jnp.broadcast_to(
        posB.reshape(R, 1, 1), (R, NCHUNK, 1)).astype(jnp.int32)

    mesh = plsc.VectorSubcoreMesh(core_axis_name="c", subcore_axis_name="s")

    sv = pl.kernel(
        _sort_body,
        out_type=jax.ShapeDtypeStruct((R, N), jnp.float32),
        mesh=mesh,
        compiler_params=pltpu.CompilerParams(needs_layout_passes=False),
        scratch_types=[
            pltpu.VMEM((N,), jnp.int32),
            pltpu.VMEM((N,), jnp.int32),
            pltpu.VMEM((NBINS * L,), jnp.int32),
            pltpu.VMEM((1, CH), jnp.float32),
            pltpu.VMEM((RPW, 8), jnp.int32),
            pltpu.VMEM((L,), jnp.int32),
        ],
    )(xr.reshape(R * NCHUNK, CH), wlA8, k1v)

    mout = pl.kernel(
        _match_body,
        out_type=jax.ShapeDtypeStruct((R, N), jnp.float32),
        mesh=mesh,
        compiler_params=pltpu.CompilerParams(needs_layout_passes=False),
        scratch_types=[
            pltpu.VMEM((1, N), jnp.float32),
            pltpu.VMEM((1, N), jnp.float32),
            pltpu.VMEM((8,), jnp.int32),
            pltpu.VMEM((8,), jnp.int32),
            pltpu.VMEM((L,), jnp.float32),
            pltpu.VMEM((RPW, 8), jnp.int32),
            pltpu.VMEM((L,), jnp.int32),
            pltpu.VMEM((1, CH), jnp.float32),
            pltpu.VMEM((CH,), jnp.float32),
            pltpu.SemaphoreType.DMA,
        ],
    )(xr.reshape(R * NCHUNK, CH), sv, alphaS, svbS8, svpS8, wlBx8, k2v)

    out = pl.kernel(
        _distribute_body,
        out_type=jax.ShapeDtypeStruct((R, N), jnp.float32),
        mesh=mesh,
        compiler_params=pltpu.CompilerParams(needs_layout_passes=False),
        scratch_types=[
            pltpu.VMEM((L,), jnp.float32),
            pltpu.VMEM((NCHUNK, 1), jnp.int32),
            pltpu.VMEM((1, N), jnp.float32),
            pltpu.VMEM((N,), jnp.float32),
            pltpu.SemaphoreType.DMA,
        ],
    )(xr, mout, alpha16, posm8)

    return out.reshape(B, C, W, H)

# --- scband reference (transcript-rebuilt; emitter-appended) ---
"""Pipeline reference for scband-interpolator-22548578304746 (READ-ONLY COPY).

The authoritative reference and input builder live on the scoring server;
editing this copy changes nothing except your own understanding.
"""

import jax, jax.numpy as jnp
import numpy as np


def setup_inputs(seed: int = 0) -> dict:
    key = jax.random.key(seed)
    k1, k2 = jax.random.split(key)
    CA = jax.random.uniform(k1, (8, 96), dtype=jnp.float32)
    x = jax.random.normal(k2, (8, 96, 224, 224), dtype=jnp.float32)
    return {"CA": CA, "x": x}


def reference(CA, x):
    B, C, W, H = x.shape
    x_view = x.reshape(B, C, -1)
    # torch.sort returns (values, indices)
    index_x = jnp.argsort(x_view, axis=-1)
    value_x = jnp.take_along_axis(x_view, index_x, axis=-1)
    # perm = arange(B-1, -1, -1), halves shuffled with fixed keys (torch.randperm analog)
    perm = jnp.arange(B - 1, -1, -1)
    pk = jax.random.key(42)
    pk1, pk2 = jax.random.split(pk)
    perm_b = perm[: B // 2]
    perm_a = perm[B // 2 :]
    perm_b = perm_b[jax.random.permutation(pk1, B // 2)]
    perm_a = perm_a[jax.random.permutation(pk2, B // 2)]
    perm = jnp.concatenate([perm_b, perm_a], axis=0)
    CA_perm = CA[perm]
    alpha = jax.nn.sigmoid(-999999.0 * (CA + CA_perm - 0.6)).reshape(B, C, 1)
    inverse_index = jnp.argsort(index_x, axis=-1)
    x_view_copy = jnp.take_along_axis(value_x[perm], inverse_index, axis=-1) * alpha
    new_x = x_view + (x_view_copy - jax.lax.stop_gradient(x_view) * alpha)
    return new_x.reshape(B, C, W, H)

if __name__ == "__main__":
    import jax
    _d = setup_inputs()
    print(jax.jit(kernel)(*tuple(_d.values())))

</pallas_src>

<mosaic_0001>
#map = affine_map<(d0, d1) -> (0, 0)>
#map1 = affine_map<(d0, d1) -> (0, 0, 0)>
#map2 = affine_map<(d0, d1) -> (0)>
module attributes {stable_mosaic.version = 14 : i64} {
  func.func @_match_body(%arg0: i32, %arg1: i32, %arg2: memref<6144x6272xf32, #tpu.memory_space<hbm>>, %arg3: memref<768x50176xf32, #tpu.memory_space<hbm>>, %arg4: memref<768x16xf32, #tpu.memory_space<hbm>>, %arg5: memref<768x8xi32, #tpu.memory_space<hbm>>, %arg6: memref<768x8xi32, #tpu.memory_space<hbm>>, %arg7: memref<32x24x8xi32, #tpu.memory_space<hbm>>, %arg8: memref<16xi32, #tpu.memory_space<hbm>>, %arg9: memref<768x50176xf32, #tpu.memory_space<hbm>>, %arg10: memref<1x50176xf32, #tpu.memory_space<vmem>>, %arg11: memref<1x50176xf32, #tpu.memory_space<vmem>>, %arg12: memref<8xi32, #tpu.memory_space<vmem>>, %arg13: memref<8xi32, #tpu.memory_space<vmem>>, %arg14: memref<16xf32, #tpu.memory_space<vmem>>, %arg15: memref<24x8xi32, #tpu.memory_space<vmem>>, %arg16: memref<16xi32, #tpu.memory_space<vmem>>, %arg17: memref<1x6272xf32, #tpu.memory_space<vmem>>, %arg18: memref<6272xf32, #tpu.memory_space<vmem>>, %arg19: memref<!tpu.dma_semaphore, #tpu.memory_space<semaphore_mem>>) attributes {dimension_semantics = [#tpu.dimension_semantics<core_parallel>, #tpu.dimension_semantics<subcore_parallel>], iteration_bounds = array<i64: 2, 16>, scalar_prefetch = 0 : i64, scratch_operands = 10 : i64, tpu.core_type = #tpu.core_type<sc_vector_subcore>, window_params = [{transform_indices = #map}, {transform_indices = #map}, {transform_indices = #map}, {transform_indices = #map}, {transform_indices = #map}, {transform_indices = #map1}, {transform_indices = #map2}, {transform_indices = #map}]} {
    %mul3A = arith.constant 2 : i32
    %mul3A_0 = arith.muli %arg1, %mul3A : i32
    %add3A = arith.addi %mul3A_0, %arg0 : i32
    %broadcast_in_dim3A = arith.constant 0 : i32
    %broadcast_in_dim3A_1 = vector.broadcast %broadcast_in_dim3A : i32 to vector<16xi32>
    "tpu.region"() ({
      %run_scoped3A = tpu.sem_alloc : memref<!tpu.dma_semaphore, #tpu.memory_space<semaphore_mem>>
      %dma_start3A = arith.constant 0 : i32
      %dma_start3A_16 = arith.constant 0 : i32
      %dma_start3A_17 = tpu.memref_slice %arg7[%add3A, %dma_start3A, %dma_start3A_16] : memref<32x24x8xi32, #tpu.memory_space<hbm>> -> memref<1x24x8xi32, #tpu.memory_space<hbm>>
      %dma_start3A_18 = tpu.memref_squeeze %dma_start3A_17 : memref<1x24x8xi32, #tpu.memory_space<hbm>> -> memref<24x8xi32, #tpu.memory_space<hbm>>
      %dma_start3A_19 = arith.constant 0 : i32
      %dma_start3A_20 = arith.constant 0 : i32
      %dma_start3A_21 = tpu.memref_slice %arg7[%add3A, %dma_start3A_19, %dma_start3A_20] : memref<32x24x8xi32, #tpu.memory_space<hbm>> -> memref<1x24x8xi32, #tpu.memory_space<hbm>>
      %dma_start3A_22 = tpu.memref_squeeze %dma_start3A_21 : memref<1x24x8xi32, #tpu.memory_space<hbm>> -> memref<24x8xi32, #tpu.memory_space<hbm>>
      tpu.enqueue_dma source(%dma_start3A_22 : memref<24x8xi32, #tpu.memory_space<hbm>>) target(%arg15 : memref<24x8xi32, #tpu.memory_space<vmem>>) target_semaphore(%run_scoped3A : memref<!tpu.dma_semaphore, #tpu.memory_space<semaphore_mem>>)
      %dma_wait3A = arith.constant 0 : i32
      %dma_wait3A_23 = arith.constant 0 : i32
      %dma_wait3A_24 = tpu.memref_slice %arg7[%add3A, %dma_wait3A, %dma_wait3A_23] : memref<32x24x8xi32, #tpu.memory_space<hbm>> -> memref<1x24x8xi32, #tpu.memory_space<hbm>>
      %dma_wait3A_25 = tpu.memref_squeeze %dma_wait3A_24 : memref<1x24x8xi32, #tpu.memory_space<hbm>> -> memref<24x8xi32, #tpu.memory_space<hbm>>
      %dma_wait3A_26 = arith.constant 0 : i32
      %dma_wait3A_27 = arith.constant 0 : i32
      %dma_wait3A_28 = tpu.memref_slice %arg7[%add3A, %dma_wait3A_26, %dma_wait3A_27] : memref<32x24x8xi32, #tpu.memory_space<hbm>> -> memref<1x24x8xi32, #tpu.memory_space<hbm>>
      %dma_wait3A_29 = tpu.memref_squeeze %dma_wait3A_28 : memref<1x24x8xi32, #tpu.memory_space<hbm>> -> memref<24x8xi32, #tpu.memory_space<hbm>>
      tpu.wait_dma2 semaphore(%run_scoped3A : memref<!tpu.dma_semaphore, #tpu.memory_space<semaphore_mem>>) src(%dma_wait3A_29 : memref<24x8xi32, #tpu.memory_space<hbm>>) dst(%arg15 : memref<24x8xi32, #tpu.memory_space<vmem>>)
      tpu.yield
    }) : () -> ()
    "tpu.region"() ({
      %run_scoped3A = tpu.sem_alloc : memref<!tpu.dma_semaphore, #tpu.memory_space<semaphore_mem>>
      tpu.enqueue_dma source(%arg8 : memref<16xi32, #tpu.memory_space<hbm>>) target(%arg16 : memref<16xi32, #tpu.memory_space<vmem>>) target_semaphore(%run_scoped3A : memref<!tpu.dma_semaphore, #tpu.memory_space<semaphore_mem>>)
      tpu.wait_dma2 semaphore(%run_scoped3A : memref<!tpu.dma_semaphore, #tpu.memory_space<semaphore_mem>>) src(%arg8 : memref<16xi32, #tpu.memory_space<hbm>>) dst(%arg16 : memref<16xi32, #tpu.memory_space<vmem>>)
      tpu.yield
    }) : () -> ()
    %get3A = arith.constant 0 : index
    %get3A_2 = tpu.vector_load %arg16[%get3A] {strides = array<i32>} : memref<16xi32, #tpu.memory_space<vmem>>, vector<16xi32>,
    %reduce_max3A = arith.constant true
    %reduce_max3A_3 = vector.broadcast %reduce_max3A : i1 to vector<16xi1>
    %reduce_max3A_4 = arith.constant -2147483648 : i32
    %reduce_max3A_5 = vector.broadcast %reduce_max3A_4 : i32 to vector<16xi32>
    %reduce_max3A_6 = arith.xori %get3A_2, %reduce_max3A_5 : vector<16xi32>
    %reduce_max3A_7 = tpu.scan <max>, %reduce_max3A_6 masked %reduce_max3A_3 : vector<16xi32>, vector<16xi1> -> vector<16xi32>
    %reduce_max3A_8 = arith.xori %reduce_max3A_7, %reduce_max3A_5 : vector<16xi32>
    %reduce_max3A_9 = vector.extract %reduce_max3A_8[15] : i32 from vector<16xi32>
    %scan3A = arith.constant 0 : i32
    %scan3A_10 = arith.constant 0 : i32
    %scan3A_11 = arith.constant 24 : i32
    %scan3A_12 = arith.addi %scan3A_10, %scan3A_11 : i32
    %scan3A_13 = arith.constant 1 : i32
    %scan3A_14 = scf.for %scan3A_16 = %scan3A_10 to %scan3A_12 step %scan3A_13 iter_args(%scan3A_17 = %scan3A) -> (i32)  : i32 {
      %mul3A_18 = arith.constant 32 : i32
      %mul3A_19 = arith.muli %scan3A_16, %mul3A_18 : i32
      %add3A_20 = arith.addi %add3A, %mul3A_19 : i32
      %lt3A = arith.cmpi slt, %add3A_20, %reduce_max3A_9 : i32
      %convert_element_type3A = arith.extui %lt3A : i1 to i32
      %cond3A = arith.constant 0 : i32
      %cond3A_21 = arith.cmpi ne, %convert_element_type3A, %cond3A : i32
      scf.if %cond3A_21 {
        "tpu.region"() ({
          %run_scoped3A = tpu.sem_alloc : memref<!tpu.dma_semaphore, #tpu.memory_space<semaphore_mem>>
          %dma_start3A_50 = arith.constant 0 : i32
          %dma_start3A_51 = tpu.memref_slice %arg4[%add3A_20, %dma_start3A_50] : memref<768x16xf32, #tpu.memory_space<hbm>> -> memref<1x16xf32, #tpu.memory_space<hbm>>
          %dma_start3A_52 = tpu.memref_squeeze %dma_start3A_51 : memref<1x16xf32, #tpu.memory_space<hbm>> -> memref<16xf32, #tpu.memory_space<hbm>>
          %dma_start3A_53 = arith.constant 0 : i32
          %dma_start3A_54 = tpu.memref_slice %arg4[%add3A_20, %dma_start3A_53] : memref<768x16xf32, #tpu.memory_space<hbm>> -> memref<1x16xf32, #tpu.memory_space<hbm>>
          %dma_start3A_55 = tpu.memref_squeeze %dma_start3A_54 : memref<1x16xf32, #tpu.memory_space<hbm>> -> memref<16xf32, #tpu.memory_space<hbm>>
          tpu.enqueue_dma source(%dma_start3A_55 : memref<16xf32, #tpu.memory_space<hbm>>) target(%arg14 : memref<16xf32, #tpu.memory_space<vmem>>) target_semaphore(%run_scoped3A : memref<!tpu.dma_semaphore, #tpu.memory_space<semaphore_mem>>)
          %dma_wait3A_56 = arith.constant 0 : i32
          %dma_wait3A_57 = tpu.memref_slice %arg4[%add3A_20, %dma_wait3A_56] : memref<768x16xf32, #tpu.memory_space<hbm>> -> memref<1x16xf32, #tpu.memory_space<hbm>>
          %dma_wait3A_58 = tpu.memref_squeeze %dma_wait3A_57 : memref<1x16xf32, #tpu.memory_space<hbm>> -> memref<16xf32, #tpu.memory_space<hbm>>
          %dma_wait3A_59 = arith.constant 0 : i32
          %dma_wait3A_60 = tpu.memref_slice %arg4[%add3A_20, %dma_wait3A_59] : memref<768x16xf32, #tpu.memory_space<hbm>> -> memref<1x16xf32, #tpu.memory_space<hbm>>
          %dma_wait3A_61 = tpu.memref_squeeze %dma_wait3A_60 : memref<1x16xf32, #tpu.memory_space<hbm>> -> memref<16xf32, #tpu.memory_space<hbm>>
          tpu.wait_dma2 semaphore(%run_scoped3A : memref<!tpu.dma_semaphore, #tpu.memory_space<semaphore_mem>>) src(%dma_wait3A_61 : memref<16xf32, #tpu.memory_space<hbm>>) dst(%arg14 : memref<16xf32, #tpu.memory_space<vmem>>)
          tpu.yield
        }) : () -> ()
        "tpu.region"() ({
          %run_scoped3A = tpu.sem_alloc : memref<!tpu.dma_semaphore, #tpu.memory_space<semaphore_mem>>
          %dma_start3A_50 = arith.constant 0 : i32
          %dma_start3A_51 = tpu.memref_slice %arg5[%add3A_20, %dma_start3A_50] : memref<768x8xi32, #tpu.memory_space<hbm>> -> memref<1x8xi32, #tpu.memory_space<hbm>>
          %dma_start3A_52 = tpu.memref_squeeze %dma_start3A_51 : memref<1x8xi32, #tpu.memory_space<hbm>> -> memref<8xi32, #tpu.memory_space<hbm>>
          %dma_start3A_53 = arith.constant 0 : i32
          %dma_start3A_54 = tpu.memref_slice %arg5[%add3A_20, %dma_start3A_53] : memref<768x8xi32, #tpu.memory_space<hbm>> -> memref<1x8xi32, #tpu.memory_space<hbm>>
          %dma_start3A_55 = tpu.memref_squeeze %dma_start3A_54 : memref<1x8xi32, #tpu.memory_space<hbm>> -> memref<8xi32, #tpu.memory_space<hbm>>
          tpu.enqueue_dma source(%dma_start3A_55 : memref<8xi32, #tpu.memory_space<hbm>>) target(%arg12 : memref<8xi32, #tpu.memory_space<vmem>>) target_semaphore(%run_scoped3A : memref<!tpu.dma_semaphore, #tpu.memory_space<semaphore_mem>>)
          %dma_wait3A_56 = arith.constant 0 : i32
          %dma_wait3A_57 = tpu.memref_slice %arg5[%add3A_20, %dma_wait3A_56] : memref<768x8xi32, #tpu.memory_space<hbm>> -> memref<1x8xi32, #tpu.memory_space<hbm>>
          %dma_wait3A_58 = tpu.memref_squeeze %dma_wait3A_57 : memref<1x8xi32, #tpu.memory_space<hbm>> -> memref<8xi32, #tpu.memory_space<hbm>>
          %dma_wait3A_59 = arith.constant 0 : i32
          %dma_wait3A_60 = tpu.memref_slice %arg5[%add3A_20, %dma_wait3A_59] : memref<768x8xi32, #tpu.memory_space<hbm>> -> memref<1x8xi32, #tpu.memory_space<hbm>>
          %dma_wait3A_61 = tpu.memref_squeeze %dma_wait3A_60 : memref<1x8xi32, #tpu.memory_space<hbm>> -> memref<8xi32, #tpu.memory_space<hbm>>
          tpu.wait_dma2 semaphore(%run_scoped3A : memref<!tpu.dma_semaphore, #tpu.memory_space<semaphore_mem>>) src(%dma_wait3A_61 : memref<8xi32, #tpu.memory_space<hbm>>) dst(%arg12 : memref<8xi32, #tpu.memory_space<vmem>>)
          tpu.yield
        }) : () -> ()
        "tpu.region"() ({
          %run_scoped3A = tpu.sem_alloc : memref<!tpu.dma_semaphore, #tpu.memory_space<semaphore_mem>>
          %dma_start3A_50 = arith.constant 0 : i32
          %dma_start3A_51 = tpu.memref_slice %arg6[%add3A_20, %dma_start3A_50] : memref<768x8xi32, #tpu.memory_space<hbm>> -> memref<1x8xi32, #tpu.memory_space<hbm>>
          %dma_start3A_52 = tpu.memref_squeeze %dma_start3A_51 : memref<1x8xi32, #tpu.memory_space<hbm>> -> memref<8xi32, #tpu.memory_space<hbm>>
          %dma_start3A_53 = arith.constant 0 : i32
          %dma_start3A_54 = tpu.memref_slice %arg6[%add3A_20, %dma_start3A_53] : memref<768x8xi32, #tpu.memory_space<hbm>> -> memref<1x8xi32, #tpu.memory_space<hbm>>
          %dma_start3A_55 = tpu.memref_squeeze %dma_start3A_54 : memref<1x8xi32, #tpu.memory_space<hbm>> -> memref<8xi32, #tpu.memory_space<hbm>>
          tpu.enqueue_dma source(%dma_start3A_55 : memref<8xi32, #tpu.memory_space<hbm>>) target(%arg13 : memref<8xi32, #tpu.memory_space<vmem>>) target_semaphore(%run_scoped3A : memref<!tpu.dma_semaphore, #tpu.memory_space<semaphore_mem>>)
          %dma_wait3A_56 = arith.constant 0 : i32
          %dma_wait3A_57 = tpu.memref_slice %arg6[%add3A_20, %dma_wait3A_56] : memref<768x8xi32, #tpu.memory_space<hbm>> -> memref<1x8xi32, #tpu.memory_space<hbm>>
          %dma_wait3A_58 = tpu.memref_squeeze %dma_wait3A_57 : memref<1x8xi32, #tpu.memory_space<hbm>> -> memref<8xi32, #tpu.memory_space<hbm>>
          %dma_wait3A_59 = arith.constant 0 : i32
          %dma_wait3A_60 = tpu.memref_slice %arg6[%add3A_20, %dma_wait3A_59] : memref<768x8xi32, #tpu.memory_space<hbm>> -> memref<1x8xi32, #tpu.memory_space<hbm>>
          %dma_wait3A_61 = tpu.memref_squeeze %dma_wait3A_60 : memref<1x8xi32, #tpu.memory_space<hbm>> -> memref<8xi32, #tpu.memory_space<hbm>>
          tpu.wait_dma2 semaphore(%run_scoped3A : memref<!tpu.dma_semaphore, #tpu.memory_space<semaphore_mem>>) src(%dma_wait3A_61 : memref<8xi32, #tpu.memory_space<hbm>>) dst(%arg13 : memref<8xi32, #tpu.memory_space<vmem>>)
          tpu.yield
        }) : () -> ()
        %dma_start3A = arith.constant 0 : i32
        %dma_start3A_23 = tpu.memref_slice %arg12[%dma_start3A] : memref<8xi32, #tpu.memory_space<vmem>> -> memref<1xi32, #tpu.memory_space<vmem>>
        %dma_start3A_24 = arith.constant 0 : i32
        %dma_start3A_25 = arith.constant 0 : i32
        %dma_start3A_26 = tpu.memref_slice %arg3[%dma_start3A_24, %dma_start3A_25] : memref<768x50176xf32, #tpu.memory_space<hbm>> -> memref<768x50176xf32, #tpu.memory_space<hbm>>
        tpu.enqueue_indirect_dma source(%dma_start3A_26 : memref<768x50176xf32, #tpu.memory_space<hbm>>) target(%arg10 : memref<1x50176xf32, #tpu.memory_space<vmem>>) offsets(%dma_start3A_23 : memref<1xi32, #tpu.memory_space<vmem>>) semaphore(%arg19 : memref<!tpu.dma_semaphore, #tpu.memory_space<semaphore_mem>>)
        %dma_wait3A = arith.constant 0 : i32
        %dma_wait3A_27 = tpu.memref_slice %arg12[%dma_wait3A] : memref<8xi32, #tpu.memory_space<vmem>> -> memref<1xi32, #tpu.memory_space<vmem>>
        %dma_wait3A_28 = arith.constant 0 : i32
        %dma_wait3A_29 = arith.constant 0 : i32
        %dma_wait3A_30 = tpu.memref_slice %arg3[%dma_wait3A_28, %dma_wait3A_29] : memref<768x50176xf32, #tpu.memory_space<hbm>> -> memref<768x50176xf32, #tpu.memory_space<hbm>>
        tpu.wait_indirect_dma semaphore(%arg19 : memref<!tpu.dma_semaphore, #tpu.memory_space<semaphore_mem>>) src(%dma_wait3A_30 : memref<768x50176xf32, #tpu.memory_space<hbm>>) dst(%arg10 : memref<1x50176xf32, #tpu.memory_space<vmem>>)
        %dma_start3A_31 = arith.constant 0 : i32
        %dma_start3A_32 = tpu.memref_slice %arg13[%dma_start3A_31] : memref<8xi32, #tpu.memory_space<vmem>> -> memref<1xi32, #tpu.memory_space<vmem>>
        %dma_start3A_33 = arith.constant 0 : i32
        %dma_start3A_34 = arith.constant 0 : i32
        %dma_start3A_35 = tpu.memref_slice %arg3[%dma_start3A_33, %dma_start3A_34] : memref<768x50176xf32, #tpu.memory_space<hbm>> -> memref<768x50176xf32, #tpu.memory_space<hbm>>
        tpu.enqueue_indirect_dma source(%dma_start3A_35 : memref<768x50176xf32, #tpu.memory_space<hbm>>) target(%arg11 : memref<1x50176xf32, #tpu.memory_space<vmem>>) offsets(%dma_start3A_32 : memref<1xi32, #tpu.memory_space<vmem>>) semaphore(%arg19 : memref<!tpu.dma_semaphore, #tpu.memory_space<semaphore_mem>>)
        %dma_wait3A_36 = arith.constant 0 : i32
        %dma_wait3A_37 = tpu.memref_slice %arg13[%dma_wait3A_36] : memref<8xi32, #tpu.memory_space<vmem>> -> memref<1xi32, #tpu.memory_space<vmem>>
        %dma_wait3A_38 = arith.constant 0 : i32
        %dma_wait3A_39 = arith.constant 0 : i32
        %dma_wait3A_40 = tpu.memref_slice %arg3[%dma_wait3A_38, %dma_wait3A_39] : memref<768x50176xf32, #tpu.memory_space<hbm>> -> memref<768x50176xf32, #tpu.memory_space<hbm>>
        tpu.wait_indirect_dma semaphore(%arg19 : memref<!tpu.dma_semaphore, #tpu.memory_space<semaphore_mem>>) src(%dma_wait3A_40 : memref<768x50176xf32, #tpu.memory_space<hbm>>) dst(%arg11 : memref<1x50176xf32, #tpu.memory_space<vmem>>)
        %get3A_41 = arith.constant 0 : index
        %get3A_42 = tpu.vector_load %arg14[%get3A_41] {strides = array<i32>} : memref<16xf32, #tpu.memory_space<vmem>>, vector<16xf32>,
        %scan3A_43 = arith.constant 0 : i32
        %scan3A_44 = arith.constant 0 : i32
        %scan3A_45 = arith.constant 8 : i32
        %scan3A_46 = arith.addi %scan3A_44, %scan3A_45 : i32
        %scan3A_47 = arith.constant 1 : i32
        %scan3A_48 = scf.for %scan3A_50 = %scan3A_44 to %scan3A_46 step %scan3A_47 iter_args(%scan3A_51 = %scan3A_43) -> (i32)  : i32 {
          "tpu.region"() ({
            %run_scoped3A = tpu.sem_alloc : memref<!tpu.dma_semaphore, #tpu.memory_space<semaphore_mem>>
            %dma_start3A_57 = tpu.memref_slice %arg15[%scan3A_16, %scan3A_50] : memref<24x8xi32, #tpu.memory_space<vmem>> -> memref<1x1xi32, #tpu.memory_space<vmem>>
            %dma_start3A_58 = tpu.memref_squeeze %dma_start3A_57 : memref<1x1xi32, #tpu.memory_space<vmem>> -> memref<1xi32, #tpu.memory_space<vmem>>
            %dma_start3A_59 = arith.constant 0 : i32
            %dma_start3A_60 = arith.constant 0 : i32
            %dma_start3A_61 = tpu.memref_slice %arg2[%dma_start3A_59, %dma_start3A_60] : memref<6144x6272xf32, #tpu.memory_space<hbm>> -> memref<6144x6272xf32, #tpu.memory_space<hbm>>
            tpu.enqueue_indirect_dma source(%dma_start3A_61 : memref<6144x6272xf32, #tpu.memory_space<hbm>>) target(%arg17 : memref<1x6272xf32, #tpu.memory_space<vmem>>) offsets(%dma_start3A_58 : memref<1xi32, #tpu.memory_space<vmem>>) semaphore(%run_scoped3A : memref<!tpu.dma_semaphore, #tpu.memory_space<semaphore_mem>>)
            %dma_wait3A_62 = tpu.memref_slice %arg15[%scan3A_16, %scan3A_50] : memref<24x8xi32, #tpu.memory_space<vmem>> -> memref<1x1xi32, #tpu.memory_space<vmem>>
            %dma_wait3A_63 = tpu.memref_squeeze %dma_wait3A_62 : memref<1x1xi32, #tpu.memory_space<vmem>> -> memref<1xi32, #tpu.memory_space<vmem>>
            %dma_wait3A_64 = arith.constant 0 : i32
            %dma_wait3A_65 = arith.constant 0 : i32
            %dma_wait3A_66 = tpu.memref_slice %arg2[%dma_wait3A_64, %dma_wait3A_65] : memref<6144x6272xf32, #tpu.memory_space<hbm>> -> memref<6144x6272xf32, #tpu.memory_space<hbm>>
            tpu.wait_indirect_dma semaphore(%run_scoped3A : memref<!tpu.dma_semaphore, #tpu.memory_space<semaphore_mem>>) src(%dma_wait3A_66 : memref<6144x6272xf32, #tpu.memory_space<hbm>>) dst(%arg17 : memref<1x6272xf32, #tpu.memory_space<vmem>>)
            tpu.yield
          }) : () -> ()
          %parallel_loop3A = arith.constant 0 : i32
          %parallel_loop3A_52 = arith.constant 392 : i32
          %parallel_loop3A_53 = arith.constant 1 : i32
          scf.for %parallel_loop3A_57 = %parallel_loop3A to %parallel_loop3A_52 step %parallel_loop3A_53  : i32 {
            %parallel_loop3A_58 = arith.constant 16 : i32
            %parallel_loop3A_59 = arith.muli %parallel_loop3A_57, %parallel_loop3A_58 : i32
            %parallel_loop3A_60 = arith.constant 0 : i32
            %parallel_loop3A_61 = arith.index_cast %parallel_loop3A_60 : i32 to index
            %parallel_loop3A_62 = arith.index_cast %parallel_loop3A_59 : i32 to index
            %parallel_loop3A_63 = tpu.vector_load %arg17[%parallel_loop3A_61, %parallel_loop3A_62] {strides = array<i32>} : memref<1x6272xf32, #tpu.memory_space<vmem>>, vector<16xf32>,
            %parallel_loop3A_64 = arith.constant 0 : i32
            %parallel_loop3A_65 = vector.broadcast %parallel_loop3A_64 : i32 to vector<16xi32>
            %parallel_loop3A_66 = arith.constant 32768 : i32
            %parallel_loop3A_67 = vector.broadcast %parallel_loop3A_66 : i32 to vector<16xi32>
            %parallel_loop3A_68 = arith.addi %parallel_loop3A_65, %parallel_loop3A_67 : vector<16xi32>
            %parallel_loop3A_69 = arith.constant 50176 : i32
            %parallel_loop3A_70 = vector.broadcast %parallel_loop3A_69 : i32 to vector<16xi32>
            %parallel_loop3A_71 = arith.minsi %parallel_loop3A_68, %parallel_loop3A_70 : vector<16xi32>
            %parallel_loop3A_72 = arith.constant 1 : i32
            %parallel_loop3A_73 = vector.broadcast %parallel_loop3A_72 : i32 to vector<16xi32>
            %parallel_loop3A_74 = arith.subi %parallel_loop3A_71, %parallel_loop3A_73 : vector<16xi32>
            %parallel_loop3A_75 = tpu.vector_load_idx %arg10[%broadcast_in_dim3A_1, %parallel_loop3A_74] : memref<1x50176xf32, #tpu.memory_space<vmem>>[vector<16xi32>, vector<16xi32>], vector<16xf32>,
            %parallel_loop3A_76 = arith.cmpf olt, %parallel_loop3A_75, %parallel_loop3A_63 : vector<16xf32>
            %parallel_loop3A_77 = arith.select %parallel_loop3A_76, %parallel_loop3A_68, %parallel_loop3A_65 : vector<16xi1>, vector<16xi32>
            %parallel_loop3A_78 = arith.constant 16384 : i32
            %parallel_loop3A_79 = vector.broadcast %parallel_loop3A_78 : i32 to vector<16xi32>
            %parallel_loop3A_80 = arith.addi %parallel_loop3A_77, %parallel_loop3A_79 : vector<16xi32>
            %parallel_loop3A_81 = arith.constant 50176 : i32
            %parallel_loop3A_82 = vector.broadcast %parallel_loop3A_81 : i32 to vector<16xi32>
            %parallel_loop3A_83 = arith.minsi %parallel_loop3A_80, %parallel_loop3A_82 : vector<16xi32>
            %parallel_loop3A_84 = arith.constant 1 : i32
            %parallel_loop3A_85 = vector.broadcast %parallel_loop3A_84 : i32 to vector<16xi32>
            %parallel_loop3A_86 = arith.subi %parallel_loop3A_83, %parallel_loop3A_85 : vector<16xi32>
            %parallel_loop3A_87 = tpu.vector_load_idx %arg10[%broadcast_in_dim3A_1, %parallel_loop3A_86] : memref<1x50176xf32, #tpu.memory_space<vmem>>[vector<16xi32>, vector<16xi32>], vector<16xf32>,
            %parallel_loop3A_88 = arith.cmpf olt, %parallel_loop3A_87, %parallel_loop3A_63 : vector<16xf32>
            %parallel_loop3A_89 = arith.select %parallel_loop3A_88, %parallel_loop3A_80, %parallel_loop3A_77 : vector<16xi1>, vector<16xi32>
            %parallel_loop3A_90 = arith.constant 8192 : i32
            %parallel_loop3A_91 = vector.broadcast %parallel_loop3A_90 : i32 to vector<16xi32>
            %parallel_loop3A_92 = arith.addi %parallel_loop3A_89, %parallel_loop3A_91 : vector<16xi32>
            %parallel_loop3A_93 = arith.constant 50176 : i32
            %parallel_loop3A_94 = vector.broadcast %parallel_loop3A_93 : i32 to vector<16xi32>
            %parallel_loop3A_95 = arith.minsi %parallel_loop3A_92, %parallel_loop3A_94 : vector<16xi32>
            %parallel_loop3A_96 = arith.constant 1 : i32
            %parallel_loop3A_97 = vector.broadcast %parallel_loop3A_96 : i32 to vector<16xi32>
            %parallel_loop3A_98 = arith.subi %parallel_loop3A_95, %parallel_loop3A_97 : vector<16xi32>
            %parallel_loop3A_99 = tpu.vector_load_idx %arg10[%broadcast_in_dim3A_1, %parallel_loop3A_98] : memref<1x50176xf32, #tpu.memory_space<vmem>>[vector<16xi32>, vector<16xi32>], vector<16xf32>,
            %parallel_loop3A_100 = arith.cmpf olt, %parallel_loop3A_99, %parallel_loop3A_63 : vector<16xf32>
            %parallel_loop3A_101 = arith.select %parallel_loop3A_100, %parallel_loop3A_92, %parallel_loop3A_89 : vector<16xi1>, vector<16xi32>
            %parallel_loop3A_102 = arith.constant 4096 : i32
            %parallel_loop3A_103 = vector.broadcast %parallel_loop3A_102 : i32 to vector<16xi32>
            %parallel_loop3A_104 = arith.addi %parallel_loop3A_101, %parallel_loop3A_103 : vector<16xi32>
            %parallel_loop3A_105 = arith.constant 50176 : i32
            %parallel_loop3A_106 = vector.broadcast %parallel_loop3A_105 : i32 to vector<16xi32>
            %parallel_loop3A_107 = arith.minsi %parallel_loop3A_104, %parallel_loop3A_106 : vector<16xi32>
            %parallel_loop3A_108 = arith.constant 1 : i32
            %parallel_loop3A_109 = vector.broadcast %parallel_loop3A_108 : i32 to vector<16xi32>
            %parallel_loop3A_110 = arith.subi %parallel_loop3A_107, %parallel_loop3A_109 : vector<16xi32>
            %parallel_loop3A_111 = tpu.vector_load_idx %arg10[%broadcast_in_dim3A_1, %parallel_loop3A_110] : memref<1x50176xf32, #tpu.memory_space<vmem>>[vector<16xi32>, vector<16xi32>], vector<16xf32>,
            %parallel_loop3A_112 = arith.cmpf olt, %parallel_loop3A_111, %parallel_loop3A_63 : vector<16xf32>
            %parallel_loop3A_113 = arith.select %parallel_loop3A_112, %parallel_loop3A_104, %parallel_loop3A_101 : vector<16xi1>, vector<16xi32>
            %parallel_loop3A_114 = arith.constant 2048 : i32
            %parallel_loop3A_115 = vector.broadcast %parallel_loop3A_114 : i32 to vector<16xi32>
            %parallel_loop3A_116 = arith.addi %parallel_loop3A_113, %parallel_loop3A_115 : vector<16xi32>
            %parallel_loop3A_117 = arith.constant 50176 : i32
            %parallel_loop3A_118 = vector.broadcast %parallel_loop3A_117 : i32 to vector<16xi32>
            %parallel_loop3A_119 = arith.minsi %parallel_loop3A_116, %parallel_loop3A_118 : vector<16xi32>
            %parallel_loop3A_120 = arith.constant 1 : i32
            %parallel_loop3A_121 = vector.broadcast %parallel_loop3A_120 : i32 to vector<16xi32>
            %parallel_loop3A_122 = arith.subi %parallel_loop3A_119, %parallel_loop3A_121 : vector<16xi32>
            %parallel_loop3A_123 = tpu.vector_load_idx %arg10[%broadcast_in_dim3A_1, %parallel_loop3A_122] : memref<1x50176xf32, #tpu.memory_space<vmem>>[vector<16xi32>, vector<16xi32>], vector<16xf32>,
            %parallel_loop3A_124 = arith.cmpf olt, %parallel_loop3A_123, %parallel_loop3A_63 : vector<16xf32>
            %parallel_loop3A_125 = arith.select %parallel_loop3A_124, %parallel_loop3A_116, %parallel_loop3A_113 : vector<16xi1>, vector<16xi32>
            %parallel_loop3A_126 = arith.constant 1024 : i32
            %parallel_loop3A_127 = vector.broadcast %parallel_loop3A_126 : i32 to vector<16xi32>
            %parallel_loop3A_128 = arith.addi %parallel_loop3A_125, %parallel_loop3A_127 : vector<16xi32>
            %parallel_loop3A_129 = arith.constant 50176 : i32
            %parallel_loop3A_130 = vector.broadcast %parallel_loop3A_129 : i32 to vector<16xi32>
            %parallel_loop3A_131 = arith.minsi %parallel_loop3A_128, %parallel_loop3A_130 : vector<16xi32>
            %parallel_loop3A_132 = arith.constant 1 : i32
            %parallel_loop3A_133 = vector.broadcast %parallel_loop3A_132 : i32 to vector<16xi32>
            %parallel_loop3A_134 = arith.subi %parallel_loop3A_131, %parallel_loop3A_133 : vector<16xi32>
            %parallel_loop3A_135 = tpu.vector_load_idx %arg10[%broadcast_in_dim3A_1, %parallel_loop3A_134] : memref<1x50176xf32, #tpu.memory_space<vmem>>[vector<16xi32>, vector<16xi32>], vector<16xf32>,
            %parallel_loop3A_136 = arith.cmpf olt, %parallel_loop3A_135, %parallel_loop3A_63 : vector<16xf32>
            %parallel_loop3A_137 = arith.select %parallel_loop3A_136, %parallel_loop3A_128, %parallel_loop3A_125 : vector<16xi1>, vector<16xi32>
            %parallel_loop3A_138 = arith.constant 512 : i32
            %parallel_loop3A_139 = vector.broadcast %parallel_loop3A_138 : i32 to vector<16xi32>
            %parallel_loop3A_140 = arith.addi %parallel_loop3A_137, %parallel_loop3A_139 : vector<16xi32>
            %parallel_loop3A_141 = arith.constant 50176 : i32
            %parallel_loop3A_142 = vector.broadcast %parallel_loop3A_141 : i32 to vector<16xi32>
            %parallel_loop3A_143 = arith.minsi %parallel_loop3A_140, %parallel_loop3A_142 : vector<16xi32>
            %parallel_loop3A_144 = arith.constant 1 : i32
            %parallel_loop3A_145 = vector.broadcast %parallel_loop3A_144 : i32 to vector<16xi32>
            %parallel_loop3A_146 = arith.subi %parallel_loop3A_143, %parallel_loop3A_145 : vector<16xi32>
            %parallel_loop3A_147 = tpu.vector_load_idx %arg10[%broadcast_in_dim3A_1, %parallel_loop3A_146] : memref<1x50176xf32, #tpu.memory_space<vmem>>[vector<16xi32>, vector<16xi32>], vector<16xf32>,
            %parallel_loop3A_148 = arith.cmpf olt, %parallel_loop3A_147, %parallel_loop3A_63 : vector<16xf32>
            %parallel_loop3A_149 = arith.select %parallel_loop3A_148, %parallel_loop3A_140, %parallel_loop3A_137 : vector<16xi1>, vector<16xi32>
            %parallel_loop3A_150 = arith.constant 256 : i32
            %parallel_loop3A_151 = vector.broadcast %parallel_loop3A_150 : i32 to vector<16xi32>
            %parallel_loop3A_152 = arith.addi %parallel_loop3A_149, %parallel_loop3A_151 : vector<16xi32>
            %parallel_loop3A_153 = arith.constant 50176 : i32
            %parallel_loop3A_154 = vector.broadcast %parallel_loop3A_153 : i32 to vector<16xi32>
            %parallel_loop3A_155 = arith.minsi %parallel_loop3A_152, %parallel_loop3A_154 : vector<16xi32>
            %parallel_loop3A_156 = arith.constant 1 : i32
            %parallel_loop3A_157 = vector.broadcast %parallel_loop3A_156 : i32 to vector<16xi32>
            %parallel_loop3A_158 = arith.subi %parallel_loop3A_155, %parallel_loop3A_157 : vector<16xi32>
            %parallel_loop3A_159 = tpu.vector_load_idx %arg10[%broadcast_in_dim3A_1, %parallel_loop3A_158] : memref<1x50176xf32, #tpu.memory_space<vmem>>[vector<16xi32>, vector<16xi32>], vector<16xf32>,
            %parallel_loop3A_160 = arith.cmpf olt, %parallel_loop3A_159, %parallel_loop3A_63 : vector<16xf32>
            %parallel_loop3A_161 = arith.select %parallel_loop3A_160, %parallel_loop3A_152, %parallel_loop3A_149 : vector<16xi1>, vector<16xi32>
            %parallel_loop3A_162 = arith.constant 128 : i32
            %parallel_loop3A_163 = vector.broadcast %parallel_loop3A_162 : i32 to vector<16xi32>
            %parallel_loop3A_164 = arith.addi %parallel_loop3A_161, %parallel_loop3A_163 : vector<16xi32>
            %parallel_loop3A_165 = arith.constant 50176 : i32
            %parallel_loop3A_166 = vector.broadcast %parallel_loop3A_165 : i32 to vector<16xi32>
            %parallel_loop3A_167 = arith.minsi %parallel_loop3A_164, %parallel_loop3A_166 : vector<16xi32>
            %parallel_loop3A_168 = arith.constant 1 : i32
            %parallel_loop3A_169 = vector.broadcast %parallel_loop3A_168 : i32 to vector<16xi32>
            %parallel_loop3A_170 = arith.subi %parallel_loop3A_167, %parallel_loop3A_169 : vector<16xi32>
            %parallel_loop3A_171 = tpu.vector_load_idx %arg10[%broadcast_in_dim3A_1, %parallel_loop3A_170] : memref<1x50176xf32, #tpu.memory_space<vmem>>[vector<16xi32>, vector<16xi32>], vector<16xf32>,
            %parallel_loop3A_172 = arith.cmpf olt, %parallel_loop3A_171, %parallel_loop3A_63 : vector<16xf32>
            %parallel_loop3A_173 = arith.select %parallel_loop3A_172, %parallel_loop3A_164, %parallel_loop3A_161 : vector<16xi1>, vector<16xi32>
            %parallel_loop3A_174 = arith.constant 64 : i32
            %parallel_loop3A_175 = vector.broadcast %parallel_loop3A_174 : i32 to vector<16xi32>
            %parallel_loop3A_176 = arith.addi %parallel_loop3A_173, %parallel_loop3A_175 : vector<16xi32>
            %parallel_loop3A_177 = arith.constant 50176 : i32
            %parallel_loop3A_178 = vector.broadcast %parallel_loop3A_177 : i32 to vector<16xi32>
            %parallel_loop3A_179 = arith.minsi %parallel_loop3A_176, %parallel_loop3A_178 : vector<16xi32>
            %parallel_loop3A_180 = arith.constant 1 : i32
            %parallel_loop3A_181 = vector.broadcast %parallel_loop3A_180 : i32 to vector<16xi32>
            %parallel_loop3A_182 = arith.subi %parallel_loop3A_179, %parallel_loop3A_181 : vector<16xi32>
            %parallel_loop3A_183 = tpu.vector_load_idx %arg10[%broadcast_in_dim3A_1, %parallel_loop3A_182] : memref<1x50176xf32, #tpu.memory_space<vmem>>[vector<16xi32>, vector<16xi32>], vector<16xf32>,
            %parallel_loop3A_184 = arith.cmpf olt, %parallel_loop3A_183, %parallel_loop3A_63 : vector<16xf32>
            %parallel_loop3A_185 = arith.select %parallel_loop3A_184, %parallel_loop3A_176, %parallel_loop3A_173 : vector<16xi1>, vector<16xi32>
            %parallel_loop3A_186 = arith.constant 32 : i32
            %parallel_loop3A_187 = vector.broadcast %parallel_loop3A_186 : i32 to vector<16xi32>
            %parallel_loop3A_188 = arith.addi %parallel_loop3A_185, %parallel_loop3A_187 : vector<16xi32>
            %parallel_loop3A_189 = arith.constant 50176 : i32
            %parallel_loop3A_190 = vector.broadcast %parallel_loop3A_189 : i32 to vector<16xi32>
            %parallel_loop3A_191 = arith.minsi %parallel_loop3A_188, %parallel_loop3A_190 : vector<16xi32>
            %parallel_loop3A_192 = arith.constant 1 : i32
            %parallel_loop3A_193 = vector.broadcast %parallel_loop3A_192 : i32 to vector<16xi32>
            %parallel_loop3A_194 = arith.subi %parallel_loop3A_191, %parallel_loop3A_193 : vector<16xi32>
            %parallel_loop3A_195 = tpu.vector_load_idx %arg10[%broadcast_in_dim3A_1, %parallel_loop3A_194] : memref<1x50176xf32, #tpu.memory_space<vmem>>[vector<16xi32>, vector<16xi32>], vector<16xf32>,
            %parallel_loop3A_196 = arith.cmpf olt, %parallel_loop3A_195, %parallel_loop3A_63 : vector<16xf32>
            %parallel_loop3A_197 = arith.select %parallel_loop3A_196, %parallel_loop3A_188, %parallel_loop3A_185 : vector<16xi1>, vector<16xi32>
            %parallel_loop3A_198 = arith.constant 16 : i32
            %parallel_loop3A_199 = vector.broadcast %parallel_loop3A_198 : i32 to vector<16xi32>
            %parallel_loop3A_200 = arith.addi %parallel_loop3A_197, %parallel_loop3A_199 : vector<16xi32>
            %parallel_loop3A_201 = arith.constant 50176 : i32
            %parallel_loop3A_202 = vector.broadcast %parallel_loop3A_201 : i32 to vector<16xi32>
            %parallel_loop3A_203 = arith.minsi %parallel_loop3A_200, %parallel_loop3A_202 : vector<16xi32>
            %parallel_loop3A_204 = arith.constant 1 : i32
            %parallel_loop3A_205 = vector.broadcast %parallel_loop3A_204 : i32 to vector<16xi32>
            %parallel_loop3A_206 = arith.subi %parallel_loop3A_203, %parallel_loop3A_205 : vector<16xi32>
            %parallel_loop3A_207 = tpu.vector_load_idx %arg10[%broadcast_in_dim3A_1, %parallel_loop3A_206] : memref<1x50176xf32, #tpu.memory_space<vmem>>[vector<16xi32>, vector<16xi32>], vector<16xf32>,
            %parallel_loop3A_208 = arith.cmpf olt, %parallel_loop3A_207, %parallel_loop3A_63 : vector<16xf32>
            %parallel_loop3A_209 = arith.select %parallel_loop3A_208, %parallel_loop3A_200, %parallel_loop3A_197 : vector<16xi1>, vector<16xi32>
            %parallel_loop3A_210 = arith.constant 8 : i32
            %parallel_loop3A_211 = vector.broadcast %parallel_loop3A_210 : i32 to vector<16xi32>
            %parallel_loop3A_212 = arith.addi %parallel_loop3A_209, %parallel_loop3A_211 : vector<16xi32>
            %parallel_loop3A_213 = arith.constant 50176 : i32
            %parallel_loop3A_214 = vector.broadcast %parallel_loop3A_213 : i32 to vector<16xi32>
            %parallel_loop3A_215 = arith.minsi %parallel_loop3A_212, %parallel_loop3A_214 : vector<16xi32>
            %parallel_loop3A_216 = arith.constant 1 : i32
            %parallel_loop3A_217 = vector.broadcast %parallel_loop3A_216 : i32 to vector<16xi32>
            %parallel_loop3A_218 = arith.subi %parallel_loop3A_215, %parallel_loop3A_217 : vector<16xi32>
            %parallel_loop3A_219 = tpu.vector_load_idx %arg10[%broadcast_in_dim3A_1, %parallel_loop3A_218] : memref<1x50176xf32, #tpu.memory_space<vmem>>[vector<16xi32>, vector<16xi32>], vector<16xf32>,
            %parallel_loop3A_220 = arith.cmpf olt, %parallel_loop3A_219, %parallel_loop3A_63 : vector<16xf32>
            %parallel_loop3A_221 = arith.select %parallel_loop3A_220, %parallel_loop3A_212, %parallel_loop3A_209 : vector<16xi1>, vector<16xi32>
            %parallel_loop3A_222 = arith.constant 4 : i32
            %parallel_loop3A_223 = vector.broadcast %parallel_loop3A_222 : i32 to vector<16xi32>
            %parallel_loop3A_224 = arith.addi %parallel_loop3A_221, %parallel_loop3A_223 : vector<16xi32>
            %parallel_loop3A_225 = arith.constant 50176 : i32
            %parallel_loop3A_226 = vector.broadcast %parallel_loop3A_225 : i32 to vector<16xi32>
            %parallel_loop3A_227 = arith.minsi %parallel_loop3A_224, %parallel_loop3A_226 : vector<16xi32>
            %parallel_loop3A_228 = arith.constant 1 : i32
            %parallel_loop3A_229 = vector.broadcast %parallel_loop3A_228 : i32 to vector<16xi32>
            %parallel_loop3A_230 = arith.subi %parallel_loop3A_227, %parallel_loop3A_229 : vector<16xi32>
            %parallel_loop3A_231 = tpu.vector_load_idx %arg10[%broadcast_in_dim3A_1, %parallel_loop3A_230] : memref<1x50176xf32, #tpu.memory_space<vmem>>[vector<16xi32>, vector<16xi32>], vector<16xf32>,
            %parallel_loop3A_232 = arith.cmpf olt, %parallel_loop3A_231, %parallel_loop3A_63 : vector<16xf32>
            %parallel_loop3A_233 = arith.select %parallel_loop3A_232, %parallel_loop3A_224, %parallel_loop3A_221 : vector<16xi1>, vector<16xi32>
            %parallel_loop3A_234 = arith.constant 2 : i32
            %parallel_loop3A_235 = vector.broadcast %parallel_loop3A_234 : i32 to vector<16xi32>
            %parallel_loop3A_236 = arith.addi %parallel_loop3A_233, %parallel_loop3A_235 : vector<16xi32>
            %parallel_loop3A_237 = arith.constant 50176 : i32
            %parallel_loop3A_238 = vector.broadcast %parallel_loop3A_237 : i32 to vector<16xi32>
            %parallel_loop3A_239 = arith.minsi %parallel_loop3A_236, %parallel_loop3A_238 : vector<16xi32>
            %parallel_loop3A_240 = arith.constant 1 : i32
            %parallel_loop3A_241 = vector.broadcast %parallel_loop3A_240 : i32 to vector<16xi32>
            %parallel_loop3A_242 = arith.subi %parallel_loop3A_239, %parallel_loop3A_241 : vector<16xi32>
            %parallel_loop3A_243 = tpu.vector_load_idx %arg10[%broadcast_in_dim3A_1, %parallel_loop3A_242] : memref<1x50176xf32, #tpu.memory_space<vmem>>[vector<16xi32>, vector<16xi32>], vector<16xf32>,
            %parallel_loop3A_244 = arith.cmpf olt, %parallel_loop3A_243, %parallel_loop3A_63 : vector<16xf32>
            %parallel_loop3A_245 = arith.select %parallel_loop3A_244, %parallel_loop3A_236, %parallel_loop3A_233 : vector<16xi1>, vector<16xi32>
            %parallel_loop3A_246 = arith.constant 1 : i32
            %parallel_loop3A_247 = vector.broadcast %parallel_loop3A_246 : i32 to vector<16xi32>
            %parallel_loop3A_248 = arith.addi %parallel_loop3A_245, %parallel_loop3A_247 : vector<16xi32>
            %parallel_loop3A_249 = arith.constant 50176 : i32
            %parallel_loop3A_250 = vector.broadcast %parallel_loop3A_249 : i32 to vector<16xi32>
            %parallel_loop3A_251 = arith.minsi %parallel_loop3A_248, %parallel_loop3A_250 : vector<16xi32>
            %parallel_loop3A_252 = arith.constant 1 : i32
            %parallel_loop3A_253 = vector.broadcast %parallel_loop3A_252 : i32 to vector<16xi32>
            %parallel_loop3A_254 = arith.subi %parallel_loop3A_251, %parallel_loop3A_253 : vector<16xi32>
            %parallel_loop3A_255 = tpu.vector_load_idx %arg10[%broadcast_in_dim3A_1, %parallel_loop3A_254] : memref<1x50176xf32, #tpu.memory_space<vmem>>[vector<16xi32>, vector<16xi32>], vector<16xf32>,
            %parallel_loop3A_256 = arith.cmpf olt, %parallel_loop3A_255, %parallel_loop3A_63 : vector<16xf32>
            %parallel_loop3A_257 = arith.select %parallel_loop3A_256, %parallel_loop3A_248, %parallel_loop3A_245 : vector<16xi1>, vector<16xi32>
            %parallel_loop3A_258 = tpu.vector_load_idx %arg11[%broadcast_in_dim3A_1, %parallel_loop3A_257] : memref<1x50176xf32, #tpu.memory_space<vmem>>[vector<16xi32>, vector<16xi32>], vector<16xf32>,
            %parallel_loop3A_259 = arith.subf %parallel_loop3A_258, %parallel_loop3A_63 : vector<16xf32>
            %parallel_loop3A_260 = arith.mulf %get3A_42, %parallel_loop3A_259 : vector<16xf32>
            %parallel_loop3A_261 = arith.addf %parallel_loop3A_63, %parallel_loop3A_260 : vector<16xf32>
            %parallel_loop3A_262 = arith.constant 16 : i32
            %parallel_loop3A_263 = arith.muli %parallel_loop3A_57, %parallel_loop3A_262 : i32
            %parallel_loop3A_264 = arith.index_cast %parallel_loop3A_263 : i32 to index
            %parallel_loop3A_265 = tpu.vector_load %arg18[%parallel_loop3A_264] {strides = array<i32>} : memref<6272xf32, #tpu.memory_space<vmem>>, vector<16xf32>,
            tpu.vector_store %arg18[%parallel_loop3A_264], %parallel_loop3A_261 {strides = array<i32>} : memref<6272xf32, #tpu.memory_space<vmem>>, vector<16xf32>,
          } {sc.loop_unroll_factor = 4 : i64, sc.parallel_access}
          %mul3A_54 = arith.constant 6272 : i32
          %mul3A_55 = arith.muli %scan3A_50, %mul3A_54 : i32
          "tpu.region"() ({
            %run_scoped3A = tpu.sem_alloc : memref<!tpu.dma_semaphore, #tpu.memory_space<semaphore_mem>>
            %dma_start3A_57 = tpu.memref_slice %arg9[%add3A_20, %mul3A_55] : memref<768x50176xf32, #tpu.memory_space<hbm>> -> memref<1x6272xf32, #tpu.memory_space<hbm>>
            %dma_start3A_58 = tpu.memref_squeeze %dma_start3A_57 : memref<1x6272xf32, #tpu.memory_space<hbm>> -> memref<6272xf32, #tpu.memory_space<hbm>>
            %dma_start3A_59 = tpu.memref_slice %arg9[%add3A_20, %mul3A_55] : memref<768x50176xf32, #tpu.memory_space<hbm>> -> memref<1x6272xf32, #tpu.memory_space<hbm>>
            %dma_start3A_60 = tpu.memref_squeeze %dma_start3A_59 : memref<1x6272xf32, #tpu.memory_space<hbm>> -> memref<6272xf32, #tpu.memory_space<hbm>>
            tpu.enqueue_dma source(%arg18 : memref<6272xf32, #tpu.memory_space<vmem>>) target(%dma_start3A_60 : memref<6272xf32, #tpu.memory_space<hbm>>) target_semaphore(%run_scoped3A : memref<!tpu.dma_semaphore, #tpu.memory_space<semaphore_mem>>)
            %dma_wait3A_61 = tpu.memref_slice %arg9[%add3A_20, %mul3A_55] : memref<768x50176xf32, #tpu.memory_space<hbm>> -> memref<1x6272xf32, #tpu.memory_space<hbm>>
            %dma_wait3A_62 = tpu.memref_squeeze %dma_wait3A_61 : memref<1x6272xf32, #tpu.memory_space<hbm>> -> memref<6272xf32, #tpu.memory_space<hbm>>
            %dma_wait3A_63 = tpu.memref_slice %arg9[%add3A_20, %mul3A_55] : memref<768x50176xf32, #tpu.memory_space<hbm>> -> memref<1x6272xf32, #tpu.memory_space<hbm>>
            %dma_wait3A_64 = tpu.memref_squeeze %dma_wait3A_63 : memref<1x6272xf32, #tpu.memory_space<hbm>> -> memref<6272xf32, #tpu.memory_space<hbm>>
            tpu.wait_dma2 semaphore(%run_scoped3A : memref<!tpu.dma_semaphore, #tpu.memory_space<semaphore_mem>>) src(%arg18 : memref<6272xf32, #tpu.memory_space<vmem>>) dst(%dma_wait3A_64 : memref<6272xf32, #tpu.memory_space<hbm>>)
            tpu.yield
          }) : () -> ()
          %scan3A_56 = arith.constant 0 : i32
          scf.yield %scan3A_56 : i32
        }
        %scan3A_49 = arith.constant 8 : i32
      } else {
      }
      %scan3A_22 = arith.constant 0 : i32
      scf.yield %scan3A_22 : i32
    }
    %scan3A_15 = arith.constant 24 : i32
    return
  }
}

#map = affine_map<(d0, d1) -> (0, 0)>
#map1 = affine_map<(d0, d1) -> (0, 0, 0)>
#map2 = affine_map<(d0, d1) -> (0)>
module attributes {stable_mosaic.version = 14 : i64} {
  func.func @_sort_body(%arg0: i32, %arg1: i32, %arg2: memref<6144x6272xf32, #tpu.memory_space<hbm>>, %arg3: memref<32x24x8xi32, #tpu.memory_space<hbm>>, %arg4: memref<16xi32, #tpu.memory_space<hbm>>, %arg5: memref<768x50176xf32, #tpu.memory_space<hbm>>, %arg6: memref<50176xi32, #tpu.memory_space<vmem>>, %arg7: memref<50176xi32, #tpu.memory_space<vmem>>, %arg8: memref<4096xi32, #tpu.memory_space<vmem>>, %arg9: memref<1x6272xf32, #tpu.memory_space<vmem>>, %arg10: memref<24x8xi32, #tpu.memory_space<vmem>>, %arg11: memref<16xi32, #tpu.memory_space<vmem>>) attributes {dimension_semantics = [#tpu.dimension_semantics<core_parallel>, #tpu.dimension_semantics<subcore_parallel>], iteration_bounds = array<i64: 2, 16>, scalar_prefetch = 0 : i64, scratch_operands = 6 : i64, tpu.core_type = #tpu.core_type<sc_vector_subcore>, window_params = [{transform_indices = #map}, {transform_indices = #map1}, {transform_indices = #map2}, {transform_indices = #map}]} {
    %mul3A = arith.constant 2 : i32
    %mul3A_0 = arith.muli %arg1, %mul3A : i32
    %add3A = arith.addi %mul3A_0, %arg0 : i32
    %iota3A = tpu.iota {dimensions = array<i32: 0>} : vector<16xi32>
    %broadcast_in_dim3A = arith.constant 1 : i32
    %broadcast_in_dim3A_1 = vector.broadcast %broadcast_in_dim3A : i32 to vector<16xi32>
    %mul3A_2 = arith.constant 3136 : i32
    %mul3A_3 = vector.broadcast %mul3A_2 : i32 to vector<16xi32>
    %mul3A_4 = arith.muli %iota3A, %mul3A_3 : vector<16xi32>
    "tpu.region"() ({
      %run_scoped3A = tpu.sem_alloc : memref<!tpu.dma_semaphore, #tpu.memory_space<semaphore_mem>>
      %dma_start3A = arith.constant 0 : i32
      %dma_start3A_19 = arith.constant 0 : i32
      %dma_start3A_20 = tpu.memref_slice %arg3[%add3A, %dma_start3A, %dma_start3A_19] : memref<32x24x8xi32, #tpu.memory_space<hbm>> -> memref<1x24x8xi32, #tpu.memory_space<hbm>>
      %dma_start3A_21 = tpu.memref_squeeze %dma_start3A_20 : memref<1x24x8xi32, #tpu.memory_space<hbm>> -> memref<24x8xi32, #tpu.memory_space<hbm>>
      %dma_start3A_22 = arith.constant 0 : i32
      %dma_start3A_23 = arith.constant 0 : i32
      %dma_start3A_24 = tpu.memref_slice %arg3[%add3A, %dma_start3A_22, %dma_start3A_23] : memref<32x24x8xi32, #tpu.memory_space<hbm>> -> memref<1x24x8xi32, #tpu.memory_space<hbm>>
      %dma_start3A_25 = tpu.memref_squeeze %dma_start3A_24 : memref<1x24x8xi32, #tpu.memory_space<hbm>> -> memref<24x8xi32, #tpu.memory_space<hbm>>
      tpu.enqueue_dma source(%dma_start3A_25 : memref<24x8xi32, #tpu.memory_space<hbm>>) target(%arg10 : memref<24x8xi32, #tpu.memory_space<vmem>>) target_semaphore(%run_scoped3A : memref<!tpu.dma_semaphore, #tpu.memory_space<semaphore_mem>>)
      %dma_wait3A = arith.constant 0 : i32
      %dma_wait3A_26 = arith.constant 0 : i32
      %dma_wait3A_27 = tpu.memref_slice %arg3[%add3A, %dma_wait3A, %dma_wait3A_26] : memref<32x24x8xi32, #tpu.memory_space<hbm>> -> memref<1x24x8xi32, #tpu.memory_space<hbm>>
      %dma_wait3A_28 = tpu.memref_squeeze %dma_wait3A_27 : memref<1x24x8xi32, #tpu.memory_space<hbm>> -> memref<24x8xi32, #tpu.memory_space<hbm>>
      %dma_wait3A_29 = arith.constant 0 : i32
      %dma_wait3A_30 = arith.constant 0 : i32
      %dma_wait3A_31 = tpu.memref_slice %arg3[%add3A, %dma_wait3A_29, %dma_wait3A_30] : memref<32x24x8xi32, #tpu.memory_space<hbm>> -> memref<1x24x8xi32, #tpu.memory_space<hbm>>
      %dma_wait3A_32 = tpu.memref_squeeze %dma_wait3A_31 : memref<1x24x8xi32, #tpu.memory_space<hbm>> -> memref<24x8xi32, #tpu.memory_space<hbm>>
      tpu.wait_dma2 semaphore(%run_scoped3A : memref<!tpu.dma_semaphore, #tpu.memory_space<semaphore_mem>>) src(%dma_wait3A_32 : memref<24x8xi32, #tpu.memory_space<hbm>>) dst(%arg10 : memref<24x8xi32, #tpu.memory_space<vmem>>)
      tpu.yield
    }) : () -> ()
    "tpu.region"() ({
      %run_scoped3A = tpu.sem_alloc : memref<!tpu.dma_semaphore, #tpu.memory_space<semaphore_mem>>
      tpu.enqueue_dma source(%arg4 : memref<16xi32, #tpu.memory_space<hbm>>) target(%arg11 : memref<16xi32, #tpu.memory_space<vmem>>) target_semaphore(%run_scoped3A : memref<!tpu.dma_semaphore, #tpu.memory_space<semaphore_mem>>)
      tpu.wait_dma2 semaphore(%run_scoped3A : memref<!tpu.dma_semaphore, #tpu.memory_space<semaphore_mem>>) src(%arg4 : memref<16xi32, #tpu.memory_space<hbm>>) dst(%arg11 : memref<16xi32, #tpu.memory_space<vmem>>)
      tpu.yield
    }) : () -> ()
    %get3A = arith.constant 0 : index
    %get3A_5 = tpu.vector_load %arg11[%get3A] {strides = array<i32>} : memref<16xi32, #tpu.memory_space<vmem>>, vector<16xi32>,
    %reduce_max3A = arith.constant true
    %reduce_max3A_6 = vector.broadcast %reduce_max3A : i1 to vector<16xi1>
    %reduce_max3A_7 = arith.constant -2147483648 : i32
    %reduce_max3A_8 = vector.broadcast %reduce_max3A_7 : i32 to vector<16xi32>
    %reduce_max3A_9 = arith.xori %get3A_5, %reduce_max3A_8 : vector<16xi32>
    %reduce_max3A_10 = tpu.scan <max>, %reduce_max3A_9 masked %reduce_max3A_6 : vector<16xi32>, vector<16xi1> -> vector<16xi32>
    %reduce_max3A_11 = arith.xori %reduce_max3A_10, %reduce_max3A_8 : vector<16xi32>
    %reduce_max3A_12 = vector.extract %reduce_max3A_11[15] : i32 from vector<16xi32>
    %scan3A = arith.constant 0 : i32
    %scan3A_13 = arith.constant 0 : i32
    %scan3A_14 = arith.constant 24 : i32
    %scan3A_15 = arith.addi %scan3A_13, %scan3A_14 : i32
    %scan3A_16 = arith.constant 1 : i32
    %scan3A_17 = scf.for %scan3A_19 = %scan3A_13 to %scan3A_15 step %scan3A_16 iter_args(%scan3A_20 = %scan3A) -> (i32)  : i32 {
      %mul3A_21 = arith.constant 32 : i32
      %mul3A_22 = arith.muli %scan3A_19, %mul3A_21 : i32
      %add3A_23 = arith.addi %add3A, %mul3A_22 : i32
      %lt3A = arith.cmpi slt, %add3A_23, %reduce_max3A_12 : i32
      %convert_element_type3A = arith.extui %lt3A : i1 to i32
      %cond3A = arith.constant 0 : i32
      %cond3A_24 = arith.cmpi ne, %convert_element_type3A, %cond3A : i32
      scf.if %cond3A_24 {
        %scan3A_26 = arith.constant 0 : i32
        %scan3A_27 = arith.constant 0 : i32
        %scan3A_28 = arith.constant 8 : i32
        %scan3A_29 = arith.addi %scan3A_27, %scan3A_28 : i32
        %scan3A_30 = arith.constant 1 : i32
        %scan3A_31 = scf.for %scan3A_160 = %scan3A_27 to %scan3A_29 step %scan3A_30 iter_args(%scan3A_161 = %scan3A_26) -> (i32)  : i32 {
          "tpu.region"() ({
            %run_scoped3A = tpu.sem_alloc : memref<!tpu.dma_semaphore, #tpu.memory_space<semaphore_mem>>
            %dma_start3A = tpu.memref_slice %arg10[%scan3A_19, %scan3A_160] : memref<24x8xi32, #tpu.memory_space<vmem>> -> memref<1x1xi32, #tpu.memory_space<vmem>>
            %dma_start3A_165 = tpu.memref_squeeze %dma_start3A : memref<1x1xi32, #tpu.memory_space<vmem>> -> memref<1xi32, #tpu.memory_space<vmem>>
            %dma_start3A_166 = arith.constant 0 : i32
            %dma_start3A_167 = arith.constant 0 : i32
            %dma_start3A_168 = tpu.memref_slice %arg2[%dma_start3A_166, %dma_start3A_167] : memref<6144x6272xf32, #tpu.memory_space<hbm>> -> memref<6144x6272xf32, #tpu.memory_space<hbm>>
            tpu.enqueue_indirect_dma source(%dma_start3A_168 : memref<6144x6272xf32, #tpu.memory_space<hbm>>) target(%arg9 : memref<1x6272xf32, #tpu.memory_space<vmem>>) offsets(%dma_start3A_165 : memref<1xi32, #tpu.memory_space<vmem>>) semaphore(%run_scoped3A : memref<!tpu.dma_semaphore, #tpu.memory_space<semaphore_mem>>)
            %dma_wait3A = tpu.memref_slice %arg10[%scan3A_19, %scan3A_160] : memref<24x8xi32, #tpu.memory_space<vmem>> -> memref<1x1xi32, #tpu.memory_space<vmem>>
            %dma_wait3A_169 = tpu.memref_squeeze %dma_wait3A : memref<1x1xi32, #tpu.memory_space<vmem>> -> memref<1xi32, #tpu.memory_space<vmem>>
            %dma_wait3A_170 = arith.constant 0 : i32
            %dma_wait3A_171 = arith.constant 0 : i32
            %dma_wait3A_172 = tpu.memref_slice %arg2[%dma_wait3A_170, %dma_wait3A_171] : memref<6144x6272xf32, #tpu.memory_space<hbm>> -> memref<6144x6272xf32, #tpu.memory_space<hbm>>
            tpu.wait_indirect_dma semaphore(%run_scoped3A : memref<!tpu.dma_semaphore, #tpu.memory_space<semaphore_mem>>) src(%dma_wait3A_172 : memref<6144x6272xf32, #tpu.memory_space<hbm>>) dst(%arg9 : memref<1x6272xf32, #tpu.memory_space<vmem>>)
            tpu.yield
          }) : () -> ()
          %parallel_loop3A = arith.constant 0 : i32
          %parallel_loop3A_162 = arith.constant 392 : i32
          %parallel_loop3A_163 = arith.constant 1 : i32
          scf.for %parallel_loop3A_165 = %parallel_loop3A to %parallel_loop3A_162 step %parallel_loop3A_163  : i32 {
            %parallel_loop3A_166 = arith.constant 16 : i32
            %parallel_loop3A_167 = arith.muli %parallel_loop3A_165, %parallel_loop3A_166 : i32
            %parallel_loop3A_168 = arith.constant 0 : i32
            %parallel_loop3A_169 = arith.index_cast %parallel_loop3A_168 : i32 to index
            %parallel_loop3A_170 = arith.index_cast %parallel_loop3A_167 : i32 to index
            %parallel_loop3A_171 = tpu.vector_load %arg9[%parallel_loop3A_169, %parallel_loop3A_170] {strides = array<i32>} : memref<1x6272xf32, #tpu.memory_space<vmem>>, vector<16xf32>,
            %parallel_loop3A_172 = tpu.bitcast %parallel_loop3A_171 : vector<16xf32> -> vector<16xi32>
            %parallel_loop3A_173 = arith.constant 31 : i32
            %parallel_loop3A_174 = vector.broadcast %parallel_loop3A_173 : i32 to vector<16xi32>
            %parallel_loop3A_175 = arith.shrsi %parallel_loop3A_172, %parallel_loop3A_174 : vector<16xi32>
            %parallel_loop3A_176 = arith.constant -2147483648 : i32
            %parallel_loop3A_177 = vector.broadcast %parallel_loop3A_176 : i32 to vector<16xi32>
            %parallel_loop3A_178 = arith.ori %parallel_loop3A_175, %parallel_loop3A_177 : vector<16xi32>
            %parallel_loop3A_179 = arith.xori %parallel_loop3A_172, %parallel_loop3A_178 : vector<16xi32>
            %parallel_loop3A_180 = arith.constant 6272 : i32
            %parallel_loop3A_181 = arith.muli %scan3A_160, %parallel_loop3A_180 : i32
            %parallel_loop3A_182 = arith.constant 16 : i32
            %parallel_loop3A_183 = arith.muli %parallel_loop3A_165, %parallel_loop3A_182 : i32
            %parallel_loop3A_184 = arith.addi %parallel_loop3A_181, %parallel_loop3A_183 : i32
            %parallel_loop3A_185 = arith.index_cast %parallel_loop3A_184 : i32 to index
            %parallel_loop3A_186 = tpu.vector_load %arg6[%parallel_loop3A_185] {strides = array<i32>} : memref<50176xi32, #tpu.memory_space<vmem>>, vector<16xi32>,
            tpu.vector_store %arg6[%parallel_loop3A_185], %parallel_loop3A_179 {strides = array<i32>} : memref<50176xi32, #tpu.memory_space<vmem>>, vector<16xi32>,
          } {sc.loop_unroll_factor = 4 : i64, sc.parallel_access}
          %scan3A_164 = arith.constant 0 : i32
          scf.yield %scan3A_164 : i32
        }
        %scan3A_32 = arith.constant 8 : i32
        %scan3A_33 = arith.constant 0 : i32
        %scan3A_34 = arith.constant 0 : i32
        %scan3A_35 = arith.constant 256 : i32
        %scan3A_36 = arith.addi %scan3A_34, %scan3A_35 : i32
        %scan3A_37 = arith.constant 1 : i32
        %scan3A_38 = scf.for %scan3A_160 = %scan3A_34 to %scan3A_36 step %scan3A_37 iter_args(%scan3A_161 = %scan3A_33) -> (i32)  : i32 {
          %broadcast_in_dim3A_162 = arith.constant 0 : i32
          %broadcast_in_dim3A_163 = vector.broadcast %broadcast_in_dim3A_162 : i32 to vector<16xi32>
          %mul3A_164 = arith.constant 16 : i32
          %mul3A_165 = arith.muli %scan3A_160, %mul3A_164 : i32
          %swap3A = arith.index_cast %mul3A_165 : i32 to index
          %swap3A_166 = tpu.vector_load %arg8[%swap3A] {strides = array<i32>} : memref<4096xi32, #tpu.memory_space<vmem>>, vector<16xi32>,
          tpu.vector_store %arg8[%swap3A], %broadcast_in_dim3A_163 {strides = array<i32>} : memref<4096xi32, #tpu.memory_space<vmem>>, vector<16xi32>,
          %scan3A_167 = arith.constant 0 : i32
          scf.yield %scan3A_167 : i32
        }
        %scan3A_39 = arith.constant 256 : i32
        %scan3A_40 = arith.constant 0 : i32
        %scan3A_41 = arith.constant 0 : i32
        %scan3A_42 = arith.constant 0 : i32
        %scan3A_43 = arith.constant 784 : i32
        %scan3A_44 = arith.addi %scan3A_42, %scan3A_43 : i32
        %scan3A_45 = arith.constant 1 : i32
        %scan3A_46 = scf.for %scan3A_160 = %scan3A_42 to %scan3A_44 step %scan3A_45 iter_args(%scan3A_161 = %scan3A_41) -> (i32)  : i32 {
          %mul3A_162 = arith.constant 4 : i32
          %mul3A_163 = arith.muli %scan3A_160, %mul3A_162 : i32
          %add3A_164 = arith.constant 0 : i32
          %add3A_165 = arith.addi %mul3A_163, %add3A_164 : i32
          %add3A_166 = vector.broadcast %add3A_165 : i32 to vector<16xi32>
          %add3A_167 = arith.addi %mul3A_4, %add3A_166 : vector<16xi32>
          %gather3A = tpu.vector_load_idx %arg6[%add3A_167] : memref<50176xi32, #tpu.memory_space<vmem>>[vector<16xi32>], vector<16xi32>,
          %add3A_168 = arith.constant 1 : i32
          %add3A_169 = arith.addi %mul3A_163, %add3A_168 : i32
          %add3A_170 = vector.broadcast %add3A_169 : i32 to vector<16xi32>
          %add3A_171 = arith.addi %mul3A_4, %add3A_170 : vector<16xi32>
          %gather3A_172 = tpu.vector_load_idx %arg6[%add3A_171] : memref<50176xi32, #tpu.memory_space<vmem>>[vector<16xi32>], vector<16xi32>,
          %add3A_173 = arith.constant 2 : i32
          %add3A_174 = arith.addi %mul3A_163, %add3A_173 : i32
          %add3A_175 = vector.broadcast %add3A_174 : i32 to vector<16xi32>
          %add3A_176 = arith.addi %mul3A_4, %add3A_175 : vector<16xi32>
          %gather3A_177 = tpu.vector_load_idx %arg6[%add3A_176] : memref<50176xi32, #tpu.memory_space<vmem>>[vector<16xi32>], vector<16xi32>,
          %add3A_178 = arith.constant 3 : i32
          %add3A_179 = arith.addi %mul3A_163, %add3A_178 : i32
          %add3A_180 = vector.broadcast %add3A_179 : i32 to vector<16xi32>
          %add3A_181 = arith.addi %mul3A_4, %add3A_180 : vector<16xi32>
          %gather3A_182 = tpu.vector_load_idx %arg6[%add3A_181] : memref<50176xi32, #tpu.memory_space<vmem>>[vector<16xi32>], vector<16xi32>,
          %bitcast_convert_type3A = tpu.bitcast %gather3A : vector<16xi32> -> vector<16xi32>
          %shift_right_logical3A = vector.broadcast %scan3A_40 : i32 to vector<16xi32>
          %shift_right_logical3A_183 = arith.shrui %bitcast_convert_type3A, %shift_right_logical3A : vector<16xi32>
          %and3A = arith.constant 255 : i32
          %and3A_184 = vector.broadcast %and3A : i32 to vector<16xi32>
          %and3A_185 = arith.andi %shift_right_logical3A_183, %and3A_184 : vector<16xi32>
          %shift_left3A = arith.constant 4 : i32
          %shift_left3A_186 = vector.broadcast %shift_left3A : i32 to vector<16xi32>
          %shift_left3A_187 = arith.shli %and3A_185, %shift_left3A_186 : vector<16xi32>
          %add3A_188 = arith.addi %shift_left3A_187, %iota3A : vector<16xi32>
          %bitcast_convert_type3A_189 = tpu.bitcast %gather3A_172 : vector<16xi32> -> vector<16xi32>
          %shift_right_logical3A_190 = vector.broadcast %scan3A_40 : i32 to vector<16xi32>
          %shift_right_logical3A_191 = arith.shrui %bitcast_convert_type3A_189, %shift_right_logical3A_190 : vector<16xi32>
          %and3A_192 = arith.constant 255 : i32
          %and3A_193 = vector.broadcast %and3A_192 : i32 to vector<16xi32>
          %and3A_194 = arith.andi %shift_right_logical3A_191, %and3A_193 : vector<16xi32>
          %shift_left3A_195 = arith.constant 4 : i32
          %shift_left3A_196 = vector.broadcast %shift_left3A_195 : i32 to vector<16xi32>
          %shift_left3A_197 = arith.shli %and3A_194, %shift_left3A_196 : vector<16xi32>
          %add3A_198 = arith.addi %shift_left3A_197, %iota3A : vector<16xi32>
          %bitcast_convert_type3A_199 = tpu.bitcast %gather3A_177 : vector<16xi32> -> vector<16xi32>
          %shift_right_logical3A_200 = vector.broadcast %scan3A_40 : i32 to vector<16xi32>
          %shift_right_logical3A_201 = arith.shrui %bitcast_convert_type3A_199, %shift_right_logical3A_200 : vector<16xi32>
          %and3A_202 = arith.constant 255 : i32
          %and3A_203 = vector.broadcast %and3A_202 : i32 to vector<16xi32>
          %and3A_204 = arith.andi %shift_right_logical3A_201, %and3A_203 : vector<16xi32>
          %shift_left3A_205 = arith.constant 4 : i32
          %shift_left3A_206 = vector.broadcast %shift_left3A_205 : i32 to vector<16xi32>
          %shift_left3A_207 = arith.shli %and3A_204, %shift_left3A_206 : vector<16xi32>
          %add3A_208 = arith.addi %shift_left3A_207, %iota3A : vector<16xi32>
          %bitcast_convert_type3A_209 = tpu.bitcast %gather3A_182 : vector<16xi32> -> vector<16xi32>
          %shift_right_logical3A_210 = vector.broadcast %scan3A_40 : i32 to vector<16xi32>
          %shift_right_logical3A_211 = arith.shrui %bitcast_convert_type3A_209, %shift_right_logical3A_210 : vector<16xi32>
          %and3A_212 = arith.constant 255 : i32
          %and3A_213 = vector.broadcast %and3A_212 : i32 to vector<16xi32>
          %and3A_214 = arith.andi %shift_right_logical3A_211, %and3A_213 : vector<16xi32>
          %shift_left3A_215 = arith.constant 4 : i32
          %shift_left3A_216 = vector.broadcast %shift_left3A_215 : i32 to vector<16xi32>
          %shift_left3A_217 = arith.shli %and3A_214, %shift_left3A_216 : vector<16xi32>
          %add3A_218 = arith.addi %shift_left3A_217, %iota3A : vector<16xi32>
          tpu.vector_store_idx %arg8[%add3A_188], %broadcast_in_dim3A_1 {add = true} : memref<4096xi32, #tpu.memory_space<vmem>>[vector<16xi32>], vector<16xi32>,
          tpu.vector_store_idx %arg8[%add3A_198], %broadcast_in_dim3A_1 {add = true} : memref<4096xi32, #tpu.memory_space<vmem>>[vector<16xi32>], vector<16xi32>,
          tpu.vector_store_idx %arg8[%add3A_208], %broadcast_in_dim3A_1 {add = true} : memref<4096xi32, #tpu.memory_space<vmem>>[vector<16xi32>], vector<16xi32>,
          tpu.vector_store_idx %arg8[%add3A_218], %broadcast_in_dim3A_1 {add = true} : memref<4096xi32, #tpu.memory_space<vmem>>[vector<16xi32>], vector<16xi32>,
          %scan3A_219 = arith.constant 0 : i32
          scf.yield %scan3A_219 : i32
        }
        %scan3A_47 = arith.constant 784 : i32
        %scan3A_48 = arith.constant 0 : i32
        %scan3A_49 = arith.constant 0 : i32
        %scan3A_50 = arith.constant 256 : i32
        %scan3A_51 = arith.addi %scan3A_49, %scan3A_50 : i32
        %scan3A_52 = arith.constant 1 : i32
        %scan3A_53 = scf.for %scan3A_160 = %scan3A_49 to %scan3A_51 step %scan3A_52 iter_args(%scan3A_161 = %scan3A_48) -> (i32)  : i32 {
          %mul3A_162 = arith.constant 16 : i32
          %mul3A_163 = arith.muli %scan3A_160, %mul3A_162 : i32
          %get3A_164 = arith.index_cast %mul3A_163 : i32 to index
          %get3A_165 = tpu.vector_load %arg8[%get3A_164] {strides = array<i32>} : memref<4096xi32, #tpu.memory_space<vmem>>, vector<16xi32>,
          %broadcast_in_dim3A_166 = arith.constant true
          %broadcast_in_dim3A_167 = vector.broadcast %broadcast_in_dim3A_166 : i1 to vector<16xi1>
          %masked_cumsum3A = tpu.scan <sum>, %get3A_165 masked %broadcast_in_dim3A_167 : vector<16xi32>, vector<16xi1> -> vector<16xi32>
          %sub3A = arith.subi %masked_cumsum3A, %get3A_165 : vector<16xi32>
          %add3A_168 = vector.broadcast %scan3A_161 : i32 to vector<16xi32>
          %add3A_169 = arith.addi %sub3A, %add3A_168 : vector<16xi32>
          %mul3A_170 = arith.constant 16 : i32
          %mul3A_171 = arith.muli %scan3A_160, %mul3A_170 : i32
          %swap3A = arith.index_cast %mul3A_171 : i32 to index
          %swap3A_172 = tpu.vector_load %arg8[%swap3A] {strides = array<i32>} : memref<4096xi32, #tpu.memory_space<vmem>>, vector<16xi32>,
          tpu.vector_store %arg8[%swap3A], %add3A_169 {strides = array<i32>} : memref<4096xi32, #tpu.memory_space<vmem>>, vector<16xi32>,
          %reduce_sum3A = arith.constant true
          %reduce_sum3A_173 = vector.broadcast %reduce_sum3A : i1 to vector<16xi1>
          %reduce_sum3A_174 = tpu.scan <sum>, %get3A_165 masked %reduce_sum3A_173 : vector<16xi32>, vector<16xi1> -> vector<16xi32>
          %reduce_sum3A_175 = vector.extract %reduce_sum3A_174[15] : i32 from vector<16xi32>
          %add3A_176 = arith.addi %scan3A_161, %reduce_sum3A_175 : i32
          scf.yield %add3A_176 : i32
        }
        %scan3A_54 = arith.constant 256 : i32
        %scan3A_55 = arith.constant 0 : i32
        %scan3A_56 = arith.constant 0 : i32
        %scan3A_57 = arith.constant 0 : i32
        %scan3A_58 = arith.constant 784 : i32
        %scan3A_59 = arith.addi %scan3A_57, %scan3A_58 : i32
        %scan3A_60 = arith.constant 1 : i32
        %scan3A_61 = scf.for %scan3A_160 = %scan3A_57 to %scan3A_59 step %scan3A_60 iter_args(%scan3A_161 = %scan3A_56) -> (i32)  : i32 {
          %mul3A_162 = arith.constant 4 : i32
          %mul3A_163 = arith.muli %scan3A_160, %mul3A_162 : i32
          %add3A_164 = arith.constant 0 : i32
          %add3A_165 = arith.addi %mul3A_163, %add3A_164 : i32
          %add3A_166 = vector.broadcast %add3A_165 : i32 to vector<16xi32>
          %add3A_167 = arith.addi %mul3A_4, %add3A_166 : vector<16xi32>
          %gather3A = tpu.vector_load_idx %arg6[%add3A_167] : memref<50176xi32, #tpu.memory_space<vmem>>[vector<16xi32>], vector<16xi32>,
          %bitcast_convert_type3A = tpu.bitcast %gather3A : vector<16xi32> -> vector<16xi32>
          %shift_right_logical3A = vector.broadcast %scan3A_55 : i32 to vector<16xi32>
          %shift_right_logical3A_168 = arith.shrui %bitcast_convert_type3A, %shift_right_logical3A : vector<16xi32>
          %and3A = arith.constant 255 : i32
          %and3A_169 = vector.broadcast %and3A : i32 to vector<16xi32>
          %and3A_170 = arith.andi %shift_right_logical3A_168, %and3A_169 : vector<16xi32>
          %shift_left3A = arith.constant 4 : i32
          %shift_left3A_171 = vector.broadcast %shift_left3A : i32 to vector<16xi32>
          %shift_left3A_172 = arith.shli %and3A_170, %shift_left3A_171 : vector<16xi32>
          %add3A_173 = arith.addi %shift_left3A_172, %iota3A : vector<16xi32>
          %gather3A_174 = tpu.vector_load_idx %arg8[%add3A_173] : memref<4096xi32, #tpu.memory_space<vmem>>[vector<16xi32>], vector<16xi32>,
          tpu.vector_store_idx %arg7[%gather3A_174], %gather3A : memref<50176xi32, #tpu.memory_space<vmem>>[vector<16xi32>], vector<16xi32>,
          tpu.vector_store_idx %arg8[%add3A_173], %broadcast_in_dim3A_1 {add = true} : memref<4096xi32, #tpu.memory_space<vmem>>[vector<16xi32>], vector<16xi32>,
          %add3A_175 = arith.constant 1 : i32
          %add3A_176 = arith.addi %mul3A_163, %add3A_175 : i32
          %add3A_177 = vector.broadcast %add3A_176 : i32 to vector<16xi32>
          %add3A_178 = arith.addi %mul3A_4, %add3A_177 : vector<16xi32>
          %gather3A_179 = tpu.vector_load_idx %arg6[%add3A_178] : memref<50176xi32, #tpu.memory_space<vmem>>[vector<16xi32>], vector<16xi32>,
          %bitcast_convert_type3A_180 = tpu.bitcast %gather3A_179 : vector<16xi32> -> vector<16xi32>
          %shift_right_logical3A_181 = vector.broadcast %scan3A_55 : i32 to vector<16xi32>
          %shift_right_logical3A_182 = arith.shrui %bitcast_convert_type3A_180, %shift_right_logical3A_181 : vector<16xi32>
          %and3A_183 = arith.constant 255 : i32
          %and3A_184 = vector.broadcast %and3A_183 : i32 to vector<16xi32>
          %and3A_185 = arith.andi %shift_right_logical3A_182, %and3A_184 : vector<16xi32>
          %shift_left3A_186 = arith.constant 4 : i32
          %shift_left3A_187 = vector.broadcast %shift_left3A_186 : i32 to vector<16xi32>
          %shift_left3A_188 = arith.shli %and3A_185, %shift_left3A_187 : vector<16xi32>
          %add3A_189 = arith.addi %shift_left3A_188, %iota3A : vector<16xi32>
          %gather3A_190 = tpu.vector_load_idx %arg8[%add3A_189] : memref<4096xi32, #tpu.memory_space<vmem>>[vector<16xi32>], vector<16xi32>,
          tpu.vector_store_idx %arg7[%gather3A_190], %gather3A_179 : memref<50176xi32, #tpu.memory_space<vmem>>[vector<16xi32>], vector<16xi32>,
          tpu.vector_store_idx %arg8[%add3A_189], %broadcast_in_dim3A_1 {add = true} : memref<4096xi32, #tpu.memory_space<vmem>>[vector<16xi32>], vector<16xi32>,
          %add3A_191 = arith.constant 2 : i32
          %add3A_192 = arith.addi %mul3A_163, %add3A_191 : i32
          %add3A_193 = vector.broadcast %add3A_192 : i32 to vector<16xi32>
          %add3A_194 = arith.addi %mul3A_4, %add3A_193 : vector<16xi32>
          %gather3A_195 = tpu.vector_load_idx %arg6[%add3A_194] : memref<50176xi32, #tpu.memory_space<vmem>>[vector<16xi32>], vector<16xi32>,
          %bitcast_convert_type3A_196 = tpu.bitcast %gather3A_195 : vector<16xi32> -> vector<16xi32>
          %shift_right_logical3A_197 = vector.broadcast %scan3A_55 : i32 to vector<16xi32>
          %shift_right_logical3A_198 = arith.shrui %bitcast_convert_type3A_196, %shift_right_logical3A_197 : vector<16xi32>
          %and3A_199 = arith.constant 255 : i32
          %and3A_200 = vector.broadcast %and3A_199 : i32 to vector<16xi32>
          %and3A_201 = arith.andi %shift_right_logical3A_198, %and3A_200 : vector<16xi32>
          %shift_left3A_202 = arith.constant 4 : i32
          %shift_left3A_203 = vector.broadcast %shift_left3A_202 : i32 to vector<16xi32>
          %shift_left3A_204 = arith.shli %and3A_201, %shift_left3A_203 : vector<16xi32>
          %add3A_205 = arith.addi %shift_left3A_204, %iota3A : vector<16xi32>
          %gather3A_206 = tpu.vector_load_idx %arg8[%add3A_205] : memref<4096xi32, #tpu.memory_space<vmem>>[vector<16xi32>], vector<16xi32>,
          tpu.vector_store_idx %arg7[%gather3A_206], %gather3A_195 : memref<50176xi32, #tpu.memory_space<vmem>>[vector<16xi32>], vector<16xi32>,
          tpu.vector_store_idx %arg8[%add3A_205], %broadcast_in_dim3A_1 {add = true} : memref<4096xi32, #tpu.memory_space<vmem>>[vector<16xi32>], vector<16xi32>,
          %add3A_207 = arith.constant 3 : i32
          %add3A_208 = arith.addi %mul3A_163, %add3A_207 : i32
          %add3A_209 = vector.broadcast %add3A_208 : i32 to vector<16xi32>
          %add3A_210 = arith.addi %mul3A_4, %add3A_209 : vector<16xi32>
          %gather3A_211 = tpu.vector_load_idx %arg6[%add3A_210] : memref<50176xi32, #tpu.memory_space<vmem>>[vector<16xi32>], vector<16xi32>,
          %bitcast_convert_type3A_212 = tpu.bitcast %gather3A_211 : vector<16xi32> -> vector<16xi32>
          %shift_right_logical3A_213 = vector.broadcast %scan3A_55 : i32 to vector<16xi32>
          %shift_right_logical3A_214 = arith.shrui %bitcast_convert_type3A_212, %shift_right_logical3A_213 : vector<16xi32>
          %and3A_215 = arith.constant 255 : i32
          %and3A_216 = vector.broadcast %and3A_215 : i32 to vector<16xi32>
          %and3A_217 = arith.andi %shift_right_logical3A_214, %and3A_216 : vector<16xi32>
          %shift_left3A_218 = arith.constant 4 : i32
          %shift_left3A_219 = vector.broadcast %shift_left3A_218 : i32 to vector<16xi32>
          %shift_left3A_220 = arith.shli %and3A_217, %shift_left3A_219 : vector<16xi32>
          %add3A_221 = arith.addi %shift_left3A_220, %iota3A : vector<16xi32>
          %gather3A_222 = tpu.vector_load_idx %arg8[%add3A_221] : memref<4096xi32, #tpu.memory_space<vmem>>[vector<16xi32>], vector<16xi32>,
          tpu.vector_store_idx %arg7[%gather3A_222], %gather3A_211 : memref<50176xi32, #tpu.memory_space<vmem>>[vector<16xi32>], vector<16xi32>,
          tpu.vector_store_idx %arg8[%add3A_221], %broadcast_in_dim3A_1 {add = true} : memref<4096xi32, #tpu.memory_space<vmem>>[vector<16xi32>], vector<16xi32>,
          %scan3A_223 = arith.constant 0 : i32
          scf.yield %scan3A_223 : i32
        }
        %scan3A_62 = arith.constant 784 : i32
        %scan3A_63 = arith.constant 0 : i32
        %scan3A_64 = arith.constant 0 : i32
        %scan3A_65 = arith.constant 256 : i32
        %scan3A_66 = arith.addi %scan3A_64, %scan3A_65 : i32
        %scan3A_67 = arith.constant 1 : i32
        %scan3A_68 = scf.for %scan3A_160 = %scan3A_64 to %scan3A_66 step %scan3A_67 iter_args(%scan3A_161 = %scan3A_63) -> (i32)  : i32 {
          %broadcast_in_dim3A_162 = arith.constant 0 : i32
          %broadcast_in_dim3A_163 = vector.broadcast %broadcast_in_dim3A_162 : i32 to vector<16xi32>
          %mul3A_164 = arith.constant 16 : i32
          %mul3A_165 = arith.muli %scan3A_160, %mul3A_164 : i32
          %swap3A = arith.index_cast %mul3A_165 : i32 to index
          %swap3A_166 = tpu.vector_load %arg8[%swap3A] {strides = array<i32>} : memref<4096xi32, #tpu.memory_space<vmem>>, vector<16xi32>,
          tpu.vector_store %arg8[%swap3A], %broadcast_in_dim3A_163 {strides = array<i32>} : memref<4096xi32, #tpu.memory_space<vmem>>, vector<16xi32>,
          %scan3A_167 = arith.constant 0 : i32
          scf.yield %scan3A_167 : i32
        }
        %scan3A_69 = arith.constant 256 : i32
        %scan3A_70 = arith.constant 8 : i32
        %scan3A_71 = arith.constant 0 : i32
        %scan3A_72 = arith.constant 0 : i32
        %scan3A_73 = arith.constant 784 : i32
        %scan3A_74 = arith.addi %scan3A_72, %scan3A_73 : i32
        %scan3A_75 = arith.constant 1 : i32
        %scan3A_76 = scf.for %scan3A_160 = %scan3A_72 to %scan3A_74 step %scan3A_75 iter_args(%scan3A_161 = %scan3A_71) -> (i32)  : i32 {
          %mul3A_162 = arith.constant 4 : i32
          %mul3A_163 = arith.muli %scan3A_160, %mul3A_162 : i32
          %add3A_164 = arith.constant 0 : i32
          %add3A_165 = arith.addi %mul3A_163, %add3A_164 : i32
          %add3A_166 = vector.broadcast %add3A_165 : i32 to vector<16xi32>
          %add3A_167 = arith.addi %mul3A_4, %add3A_166 : vector<16xi32>
          %gather3A = tpu.vector_load_idx %arg7[%add3A_167] : memref<50176xi32, #tpu.memory_space<vmem>>[vector<16xi32>], vector<16xi32>,
          %add3A_168 = arith.constant 1 : i32
          %add3A_169 = arith.addi %mul3A_163, %add3A_168 : i32
          %add3A_170 = vector.broadcast %add3A_169 : i32 to vector<16xi32>
          %add3A_171 = arith.addi %mul3A_4, %add3A_170 : vector<16xi32>
          %gather3A_172 = tpu.vector_load_idx %arg7[%add3A_171] : memref<50176xi32, #tpu.memory_space<vmem>>[vector<16xi32>], vector<16xi32>,
          %add3A_173 = arith.constant 2 : i32
          %add3A_174 = arith.addi %mul3A_163, %add3A_173 : i32
          %add3A_175 = vector.broadcast %add3A_174 : i32 to vector<16xi32>
          %add3A_176 = arith.addi %mul3A_4, %add3A_175 : vector<16xi32>
          %gather3A_177 = tpu.vector_load_idx %arg7[%add3A_176] : memref<50176xi32, #tpu.memory_space<vmem>>[vector<16xi32>], vector<16xi32>,
          %add3A_178 = arith.constant 3 : i32
          %add3A_179 = arith.addi %mul3A_163, %add3A_178 : i32
          %add3A_180 = vector.broadcast %add3A_179 : i32 to vector<16xi32>
          %add3A_181 = arith.addi %mul3A_4, %add3A_180 : vector<16xi32>
          %gather3A_182 = tpu.vector_load_idx %arg7[%add3A_181] : memref<50176xi32, #tpu.memory_space<vmem>>[vector<16xi32>], vector<16xi32>,
          %bitcast_convert_type3A = tpu.bitcast %gather3A : vector<16xi32> -> vector<16xi32>
          %shift_right_logical3A = vector.broadcast %scan3A_70 : i32 to vector<16xi32>
          %shift_right_logical3A_183 = arith.shrui %bitcast_convert_type3A, %shift_right_logical3A : vector<16xi32>
          %and3A = arith.constant 255 : i32
          %and3A_184 = vector.broadcast %and3A : i32 to vector<16xi32>
          %and3A_185 = arith.andi %shift_right_logical3A_183, %and3A_184 : vector<16xi32>
          %shift_left3A = arith.constant 4 : i32
          %shift_left3A_186 = vector.broadcast %shift_left3A : i32 to vector<16xi32>
          %shift_left3A_187 = arith.shli %and3A_185, %shift_left3A_186 : vector<16xi32>
          %add3A_188 = arith.addi %shift_left3A_187, %iota3A : vector<16xi32>
          %bitcast_convert_type3A_189 = tpu.bitcast %gather3A_172 : vector<16xi32> -> vector<16xi32>
          %shift_right_logical3A_190 = vector.broadcast %scan3A_70 : i32 to vector<16xi32>
          %shift_right_logical3A_191 = arith.shrui %bitcast_convert_type3A_189, %shift_right_logical3A_190 : vector<16xi32>
          %and3A_192 = arith.constant 255 : i32
          %and3A_193 = vector.broadcast %and3A_192 : i32 to vector<16xi32>
          %and3A_194 = arith.andi %shift_right_logical3A_191, %and3A_193 : vector<16xi32>
          %shift_left3A_195 = arith.constant 4 : i32
          %shift_left3A_196 = vector.broadcast %shift_left3A_195 : i32 to vector<16xi32>
          %shift_left3A_197 = arith.shli %and3A_194, %shift_left3A_196 : vector<16xi32>
          %add3A_198 = arith.addi %shift_left3A_197, %iota3A : vector<16xi32>
          %bitcast_convert_type3A_199 = tpu.bitcast %gather3A_177 : vector<16xi32> -> vector<16xi32>
          %shift_right_logical3A_200 = vector.broadcast %scan3A_70 : i32 to vector<16xi32>
          %shift_right_logical3A_201 = arith.shrui %bitcast_convert_type3A_199, %shift_right_logical3A_200 : vector<16xi32>
          %and3A_202 = arith.constant 255 : i32
          %and3A_203 = vector.broadcast %and3A_202 : i32 to vector<16xi32>
          %and3A_204 = arith.andi %shift_right_logical3A_201, %and3A_203 : vector<16xi32>
          %shift_left3A_205 = arith.constant 4 : i32
          %shift_left3A_206 = vector.broadcast %shift_left3A_205 : i32 to vector<16xi32>
          %shift_left3A_207 = arith.shli %and3A_204, %shift_left3A_206 : vector<16xi32>
          %add3A_208 = arith.addi %shift_left3A_207, %iota3A : vector<16xi32>
          %bitcast_convert_type3A_209 = tpu.bitcast %gather3A_182 : vector<16xi32> -> vector<16xi32>
          %shift_right_logical3A_210 = vector.broadcast %scan3A_70 : i32 to vector<16xi32>
          %shift_right_logical3A_211 = arith.shrui %bitcast_convert_type3A_209, %shift_right_logical3A_210 : vector<16xi32>
          %and3A_212 = arith.constant 255 : i32
          %and3A_213 = vector.broadcast %and3A_212 : i32 to vector<16xi32>
          %and3A_214 = arith.andi %shift_right_logical3A_211, %and3A_213 : vector<16xi32>
          %shift_left3A_215 = arith.constant 4 : i32
          %shift_left3A_216 = vector.broadcast %shift_left3A_215 : i32 to vector<16xi32>
          %shift_left3A_217 = arith.shli %and3A_214, %shift_left3A_216 : vector<16xi32>
          %add3A_218 = arith.addi %shift_left3A_217, %iota3A : vector<16xi32>
          tpu.vector_store_idx %arg8[%add3A_188], %broadcast_in_dim3A_1 {add = true} : memref<4096xi32, #tpu.memory_space<vmem>>[vector<16xi32>], vector<16xi32>,
          tpu.vector_store_idx %arg8[%add3A_198], %broadcast_in_dim3A_1 {add = true} : memref<4096xi32, #tpu.memory_space<vmem>>[vector<16xi32>], vector<16xi32>,
          tpu.vector_store_idx %arg8[%add3A_208], %broadcast_in_dim3A_1 {add = true} : memref<4096xi32, #tpu.memory_space<vmem>>[vector<16xi32>], vector<16xi32>,
          tpu.vector_store_idx %arg8[%add3A_218], %broadcast_in_dim3A_1 {add = true} : memref<4096xi32, #tpu.memory_space<vmem>>[vector<16xi32>], vector<16xi32>,
          %scan3A_219 = arith.constant 0 : i32
          scf.yield %scan3A_219 : i32
        }
        %scan3A_77 = arith.constant 784 : i32
        %scan3A_78 = arith.constant 0 : i32
        %scan3A_79 = arith.constant 0 : i32
        %scan3A_80 = arith.constant 256 : i32
        %scan3A_81 = arith.addi %scan3A_79, %scan3A_80 : i32
        %scan3A_82 = arith.constant 1 : i32
        %scan3A_83 = scf.for %scan3A_160 = %scan3A_79 to %scan3A_81 step %scan3A_82 iter_args(%scan3A_161 = %scan3A_78) -> (i32)  : i32 {
          %mul3A_162 = arith.constant 16 : i32
          %mul3A_163 = arith.muli %scan3A_160, %mul3A_162 : i32
          %get3A_164 = arith.index_cast %mul3A_163 : i32 to index
          %get3A_165 = tpu.vector_load %arg8[%get3A_164] {strides = array<i32>} : memref<4096xi32, #tpu.memory_space<vmem>>, vector<16xi32>,
          %broadcast_in_dim3A_166 = arith.constant true
          %broadcast_in_dim3A_167 = vector.broadcast %broadcast_in_dim3A_166 : i1 to vector<16xi1>
          %masked_cumsum3A = tpu.scan <sum>, %get3A_165 masked %broadcast_in_dim3A_167 : vector<16xi32>, vector<16xi1> -> vector<16xi32>
          %sub3A = arith.subi %masked_cumsum3A, %get3A_165 : vector<16xi32>
          %add3A_168 = vector.broadcast %scan3A_161 : i32 to vector<16xi32>
          %add3A_169 = arith.addi %sub3A, %add3A_168 : vector<16xi32>
          %mul3A_170 = arith.constant 16 : i32
          %mul3A_171 = arith.muli %scan3A_160, %mul3A_170 : i32
          %swap3A = arith.index_cast %mul3A_171 : i32 to index
          %swap3A_172 = tpu.vector_load %arg8[%swap3A] {strides = array<i32>} : memref<4096xi32, #tpu.memory_space<vmem>>, vector<16xi32>,
          tpu.vector_store %arg8[%swap3A], %add3A_169 {strides = array<i32>} : memref<4096xi32, #tpu.memory_space<vmem>>, vector<16xi32>,
          %reduce_sum3A = arith.constant true
          %reduce_sum3A_173 = vector.broadcast %reduce_sum3A : i1 to vector<16xi1>
          %reduce_sum3A_174 = tpu.scan <sum>, %get3A_165 masked %reduce_sum3A_173 : vector<16xi32>, vector<16xi1> -> vector<16xi32>
          %reduce_sum3A_175 = vector.extract %reduce_sum3A_174[15] : i32 from vector<16xi32>
          %add3A_176 = arith.addi %scan3A_161, %reduce_sum3A_175 : i32
          scf.yield %add3A_176 : i32
        }
        %scan3A_84 = arith.constant 256 : i32
        %scan3A_85 = arith.constant 8 : i32
        %scan3A_86 = arith.constant 0 : i32
        %scan3A_87 = arith.constant 0 : i32
        %scan3A_88 = arith.constant 784 : i32
        %scan3A_89 = arith.addi %scan3A_87, %scan3A_88 : i32
        %scan3A_90 = arith.constant 1 : i32
        %scan3A_91 = scf.for %scan3A_160 = %scan3A_87 to %scan3A_89 step %scan3A_90 iter_args(%scan3A_161 = %scan3A_86) -> (i32)  : i32 {
          %mul3A_162 = arith.constant 4 : i32
          %mul3A_163 = arith.muli %scan3A_160, %mul3A_162 : i32
          %add3A_164 = arith.constant 0 : i32
          %add3A_165 = arith.addi %mul3A_163, %add3A_164 : i32
          %add3A_166 = vector.broadcast %add3A_165 : i32 to vector<16xi32>
          %add3A_167 = arith.addi %mul3A_4, %add3A_166 : vector<16xi32>
          %gather3A = tpu.vector_load_idx %arg7[%add3A_167] : memref<50176xi32, #tpu.memory_space<vmem>>[vector<16xi32>], vector<16xi32>,
          %bitcast_convert_type3A = tpu.bitcast %gather3A : vector<16xi32> -> vector<16xi32>
          %shift_right_logical3A = vector.broadcast %scan3A_85 : i32 to vector<16xi32>
          %shift_right_logical3A_168 = arith.shrui %bitcast_convert_type3A, %shift_right_logical3A : vector<16xi32>
          %and3A = arith.constant 255 : i32
          %and3A_169 = vector.broadcast %and3A : i32 to vector<16xi32>
          %and3A_170 = arith.andi %shift_right_logical3A_168, %and3A_169 : vector<16xi32>
          %shift_left3A = arith.constant 4 : i32
          %shift_left3A_171 = vector.broadcast %shift_left3A : i32 to vector<16xi32>
          %shift_left3A_172 = arith.shli %and3A_170, %shift_left3A_171 : vector<16xi32>
          %add3A_173 = arith.addi %shift_left3A_172, %iota3A : vector<16xi32>
          %gather3A_174 = tpu.vector_load_idx %arg8[%add3A_173] : memref<4096xi32, #tpu.memory_space<vmem>>[vector<16xi32>], vector<16xi32>,
          tpu.vector_store_idx %arg6[%gather3A_174], %gather3A : memref<50176xi32, #tpu.memory_space<vmem>>[vector<16xi32>], vector<16xi32>,
          tpu.vector_store_idx %arg8[%add3A_173], %broadcast_in_dim3A_1 {add = true} : memref<4096xi32, #tpu.memory_space<vmem>>[vector<16xi32>], vector<16xi32>,
          %add3A_175 = arith.constant 1 : i32
          %add3A_176 = arith.addi %mul3A_163, %add3A_175 : i32
          %add3A_177 = vector.broadcast %add3A_176 : i32 to vector<16xi32>
          %add3A_178 = arith.addi %mul3A_4, %add3A_177 : vector<16xi32>
          %gather3A_179 = tpu.vector_load_idx %arg7[%add3A_178] : memref<50176xi32, #tpu.memory_space<vmem>>[vector<16xi32>], vector<16xi32>,
          %bitcast_convert_type3A_180 = tpu.bitcast %gather3A_179 : vector<16xi32> -> vector<16xi32>
          %shift_right_logical3A_181 = vector.broadcast %scan3A_85 : i32 to vector<16xi32>
          %shift_right_logical3A_182 = arith.shrui %bitcast_convert_type3A_180, %shift_right_logical3A_181 : vector<16xi32>
          %and3A_183 = arith.constant 255 : i32
          %and3A_184 = vector.broadcast %and3A_183 : i32 to vector<16xi32>
          %and3A_185 = arith.andi %shift_right_logical3A_182, %and3A_184 : vector<16xi32>
          %shift_left3A_186 = arith.constant 4 : i32
          %shift_left3A_187 = vector.broadcast %shift_left3A_186 : i32 to vector<16xi32>
          %shift_left3A_188 = arith.shli %and3A_185, %shift_left3A_187 : vector<16xi32>
          %add3A_189 = arith.addi %shift_left3A_188, %iota3A : vector<16xi32>
          %gather3A_190 = tpu.vector_load_idx %arg8[%add3A_189] : memref<4096xi32, #tpu.memory_space<vmem>>[vector<16xi32>], vector<16xi32>,
          tpu.vector_store_idx %arg6[%gather3A_190], %gather3A_179 : memref<50176xi32, #tpu.memory_space<vmem>>[vector<16xi32>], vector<16xi32>,
          tpu.vector_store_idx %arg8[%add3A_189], %broadcast_in_dim3A_1 {add = true} : memref<4096xi32, #tpu.memory_space<vmem>>[vector<16xi32>], vector<16xi32>,
          %add3A_191 = arith.constant 2 : i32
          %add3A_192 = arith.addi %mul3A_163, %add3A_191 : i32
          %add3A_193 = vector.broadcast %add3A_192 : i32 to vector<16xi32>
          %add3A_194 = arith.addi %mul3A_4, %add3A_193 : vector<16xi32>
          %gather3A_195 = tpu.vector_load_idx %arg7[%add3A_194] : memref<50176xi32, #tpu.memory_space<vmem>>[vector<16xi32>], vector<16xi32>,
          %bitcast_convert_type3A_196 = tpu.bitcast %gather3A_195 : vector<16xi32> -> vector<16xi32>
          %shift_right_logical3A_197 = vector.broadcast %scan3A_85 : i32 to vector<16xi32>
          %shift_right_logical3A_198 = arith.shrui %bitcast_convert_type3A_196, %shift_right_logical3A_197 : vector<16xi32>
          %and3A_199 = arith.constant 255 : i32
          %and3A_200 = vector.broadcast %and3A_199 : i32 to vector<16xi32>
          %and3A_201 = arith.andi %shift_right_logical3A_198, %and3A_200 : vector<16xi32>
          %shift_left3A_202 = arith.constant 4 : i32
          %shift_left3A_203 = vector.broadcast %shift_left3A_202 : i32 to vector<16xi32>
          %shift_left3A_204 = arith.shli %and3A_201, %shift_left3A_203 : vector<16xi32>
          %add3A_205 = arith.addi %shift_left3A_204, %iota3A : vector<16xi32>
          %gather3A_206 = tpu.vector_load_idx %arg8[%add3A_205] : memref<4096xi32, #tpu.memory_space<vmem>>[vector<16xi32>], vector<16xi32>,
          tpu.vector_store_idx %arg6[%gather3A_206], %gather3A_195 : memref<50176xi32, #tpu.memory_space<vmem>>[vector<16xi32>], vector<16xi32>,
          tpu.vector_store_idx %arg8[%add3A_205], %broadcast_in_dim3A_1 {add = true} : memref<4096xi32, #tpu.memory_space<vmem>>[vector<16xi32>], vector<16xi32>,
          %add3A_207 = arith.constant 3 : i32
          %add3A_208 = arith.addi %mul3A_163, %add3A_207 : i32
          %add3A_209 = vector.broadcast %add3A_208 : i32 to vector<16xi32>
          %add3A_210 = arith.addi %mul3A_4, %add3A_209 : vector<16xi32>
          %gather3A_211 = tpu.vector_load_idx %arg7[%add3A_210] : memref<50176xi32, #tpu.memory_space<vmem>>[vector<16xi32>], vector<16xi32>,
          %bitcast_convert_type3A_212 = tpu.bitcast %gather3A_211 : vector<16xi32> -> vector<16xi32>
          %shift_right_logical3A_213 = vector.broadcast %scan3A_85 : i32 to vector<16xi32>
          %shift_right_logical3A_214 = arith.shrui %bitcast_convert_type3A_212, %shift_right_logical3A_213 : vector<16xi32>
          %and3A_215 = arith.constant 255 : i32
          %and3A_216 = vector.broadcast %and3A_215 : i32 to vector<16xi32>
          %and3A_217 = arith.andi %shift_right_logical3A_214, %and3A_216 : vector<16xi32>
          %shift_left3A_218 = arith.constant 4 : i32
          %shift_left3A_219 = vector.broadcast %shift_left3A_218 : i32 to vector<16xi32>
          %shift_left3A_220 = arith.shli %and3A_217, %shift_left3A_219 : vector<16xi32>
          %add3A_221 = arith.addi %shift_left3A_220, %iota3A : vector<16xi32>
          %gather3A_222 = tpu.vector_load_idx %arg8[%add3A_221] : memref<4096xi32, #tpu.memory_space<vmem>>[vector<16xi32>], vector<16xi32>,
          tpu.vector_store_idx %arg6[%gather3A_222], %gather3A_211 : memref<50176xi32, #tpu.memory_space<vmem>>[vector<16xi32>], vector<16xi32>,
          tpu.vector_store_idx %arg8[%add3A_221], %broadcast_in_dim3A_1 {add = true} : memref<4096xi32, #tpu.memory_space<vmem>>[vector<16xi32>], vector<16xi32>,
          %scan3A_223 = arith.constant 0 : i32
          scf.yield %scan3A_223 : i32
        }
        %scan3A_92 = arith.constant 784 : i32
        %scan3A_93 = arith.constant 0 : i32
        %scan3A_94 = arith.constant 0 : i32
        %scan3A_95 = arith.constant 256 : i32
        %scan3A_96 = arith.addi %scan3A_94, %scan3A_95 : i32
        %scan3A_97 = arith.constant 1 : i32
        %scan3A_98 = scf.for %scan3A_160 = %scan3A_94 to %scan3A_96 step %scan3A_97 iter_args(%scan3A_161 = %scan3A_93) -> (i32)  : i32 {
          %broadcast_in_dim3A_162 = arith.constant 0 : i32
          %broadcast_in_dim3A_163 = vector.broadcast %broadcast_in_dim3A_162 : i32 to vector<16xi32>
          %mul3A_164 = arith.constant 16 : i32
          %mul3A_165 = arith.muli %scan3A_160, %mul3A_164 : i32
          %swap3A = arith.index_cast %mul3A_165 : i32 to index
          %swap3A_166 = tpu.vector_load %arg8[%swap3A] {strides = array<i32>} : memref<4096xi32, #tpu.memory_space<vmem>>, vector<16xi32>,
          tpu.vector_store %arg8[%swap3A], %broadcast_in_dim3A_163 {strides = array<i32>} : memref<4096xi32, #tpu.memory_space<vmem>>, vector<16xi32>,
          %scan3A_167 = arith.constant 0 : i32
          scf.yield %scan3A_167 : i32
        }
        %scan3A_99 = arith.constant 256 : i32
        %scan3A_100 = arith.constant 16 : i32
        %scan3A_101 = arith.constant 0 : i32
        %scan3A_102 = arith.constant 0 : i32
        %scan3A_103 = arith.constant 784 : i32
        %scan3A_104 = arith.addi %scan3A_102, %scan3A_103 : i32
        %scan3A_105 = arith.constant 1 : i32
        %scan3A_106 = scf.for %scan3A_160 = %scan3A_102 to %scan3A_104 step %scan3A_105 iter_args(%scan3A_161 = %scan3A_101) -> (i32)  : i32 {
          %mul3A_162 = arith.constant 4 : i32
          %mul3A_163 = arith.muli %scan3A_160, %mul3A_162 : i32
          %add3A_164 = arith.constant 0 : i32
          %add3A_165 = arith.addi %mul3A_163, %add3A_164 : i32
          %add3A_166 = vector.broadcast %add3A_165 : i32 to vector<16xi32>
          %add3A_167 = arith.addi %mul3A_4, %add3A_166 : vector<16xi32>
          %gather3A = tpu.vector_load_idx %arg6[%add3A_167] : memref<50176xi32, #tpu.memory_space<vmem>>[vector<16xi32>], vector<16xi32>,
          %add3A_168 = arith.constant 1 : i32
          %add3A_169 = arith.addi %mul3A_163, %add3A_168 : i32
          %add3A_170 = vector.broadcast %add3A_169 : i32 to vector<16xi32>
          %add3A_171 = arith.addi %mul3A_4, %add3A_170 : vector<16xi32>
          %gather3A_172 = tpu.vector_load_idx %arg6[%add3A_171] : memref<50176xi32, #tpu.memory_space<vmem>>[vector<16xi32>], vector<16xi32>,
          %add3A_173 = arith.constant 2 : i32
          %add3A_174 = arith.addi %mul3A_163, %add3A_173 : i32
          %add3A_175 = vector.broadcast %add3A_174 : i32 to vector<16xi32>
          %add3A_176 = arith.addi %mul3A_4, %add3A_175 : vector<16xi32>
          %gather3A_177 = tpu.vector_load_idx %arg6[%add3A_176] : memref<50176xi32, #tpu.memory_space<vmem>>[vector<16xi32>], vector<16xi32>,
          %add3A_178 = arith.constant 3 : i32
          %add3A_179 = arith.addi %mul3A_163, %add3A_178 : i32
          %add3A_180 = vector.broadcast %add3A_179 : i32 to vector<16xi32>
          %add3A_181 = arith.addi %mul3A_4, %add3A_180 : vector<16xi32>
          %gather3A_182 = tpu.vector_load_idx %arg6[%add3A_181] : memref<50176xi32, #tpu.memory_space<vmem>>[vector<16xi32>], vector<16xi32>,
          %bitcast_convert_type3A = tpu.bitcast %gather3A : vector<16xi32> -> vector<16xi32>
          %shift_right_logical3A = vector.broadcast %scan3A_100 : i32 to vector<16xi32>
          %shift_right_logical3A_183 = arith.shrui %bitcast_convert_type3A, %shift_right_logical3A : vector<16xi32>
          %and3A = arith.constant 255 : i32
          %and3A_184 = vector.broadcast %and3A : i32 to vector<16xi32>
          %and3A_185 = arith.andi %shift_right_logical3A_183, %and3A_184 : vector<16xi32>
          %shift_left3A = arith.constant 4 : i32
          %shift_left3A_186 = vector.broadcast %shift_left3A : i32 to vector<16xi32>
          %shift_left3A_187 = arith.shli %and3A_185, %shift_left3A_186 : vector<16xi32>
          %add3A_188 = arith.addi %shift_left3A_187, %iota3A : vector<16xi32>
          %bitcast_convert_type3A_189 = tpu.bitcast %gather3A_172 : vector<16xi32> -> vector<16xi32>
          %shift_right_logical3A_190 = vector.broadcast %scan3A_100 : i32 to vector<16xi32>
          %shift_right_logical3A_191 = arith.shrui %bitcast_convert_type3A_189, %shift_right_logical3A_190 : vector<16xi32>
          %and3A_192 = arith.constant 255 : i32
          %and3A_193 = vector.broadcast %and3A_192 : i32 to vector<16xi32>
          %and3A_194 = arith.andi %shift_right_logical3A_191, %and3A_193 : vector<16xi32>
          %shift_left3A_195 = arith.constant 4 : i32
          %shift_left3A_196 = vector.broadcast %shift_left3A_195 : i32 to vector<16xi32>
          %shift_left3A_197 = arith.shli %and3A_194, %shift_left3A_196 : vector<16xi32>
          %add3A_198 = arith.addi %shift_left3A_197, %iota3A : vector<16xi32>
          %bitcast_convert_type3A_199 = tpu.bitcast %gather3A_177 : vector<16xi32> -> vector<16xi32>
          %shift_right_logical3A_200 = vector.broadcast %scan3A_100 : i32 to vector<16xi32>
          %shift_right_logical3A_201 = arith.shrui %bitcast_convert_type3A_199, %shift_right_logical3A_200 : vector<16xi32>
          %and3A_202 = arith.constant 255 : i32
          %and3A_203 = vector.broadcast %and3A_202 : i32 to vector<16xi32>
          %and3A_204 = arith.andi %shift_right_logical3A_201, %and3A_203 : vector<16xi32>
          %shift_left3A_205 = arith.constant 4 : i32
          %shift_left3A_206 = vector.broadcast %shift_left3A_205 : i32 to vector<16xi32>
          %shift_left3A_207 = arith.shli %and3A_204, %shift_left3A_206 : vector<16xi32>
          %add3A_208 = arith.addi %shift_left3A_207, %iota3A : vector<16xi32>
          %bitcast_convert_type3A_209 = tpu.bitcast %gather3A_182 : vector<16xi32> -> vector<16xi32>
          %shift_right_logical3A_210 = vector.broadcast %scan3A_100 : i32 to vector<16xi32>
          %shift_right_logical3A_211 = arith.shrui %bitcast_convert_type3A_209, %shift_right_logical3A_210 : vector<16xi32>
          %and3A_212 = arith.constant 255 : i32
          %and3A_213 = vector.broadcast %and3A_212 : i32 to vector<16xi32>
          %and3A_214 = arith.andi %shift_right_logical3A_211, %and3A_213 : vector<16xi32>
          %shift_left3A_215 = arith.constant 4 : i32
          %shift_left3A_216 = vector.broadcast %shift_left3A_215 : i32 to vector<16xi32>
          %shift_left3A_217 = arith.shli %and3A_214, %shift_left3A_216 : vector<16xi32>
          %add3A_218 = arith.addi %shift_left3A_217, %iota3A : vector<16xi32>
          tpu.vector_store_idx %arg8[%add3A_188], %broadcast_in_dim3A_1 {add = true} : memref<4096xi32, #tpu.memory_space<vmem>>[vector<16xi32>], vector<16xi32>,
          tpu.vector_store_idx %arg8[%add3A_198], %broadcast_in_dim3A_1 {add = true} : memref<4096xi32, #tpu.memory_space<vmem>>[vector<16xi32>], vector<16xi32>,
          tpu.vector_store_idx %arg8[%add3A_208], %broadcast_in_dim3A_1 {add = true} : memref<4096xi32, #tpu.memory_space<vmem>>[vector<16xi32>], vector<16xi32>,
          tpu.vector_store_idx %arg8[%add3A_218], %broadcast_in_dim3A_1 {add = true} : memref<4096xi32, #tpu.memory_space<vmem>>[vector<16xi32>], vector<16xi32>,
          %scan3A_219 = arith.constant 0 : i32
          scf.yield %scan3A_219 : i32
        }
        %scan3A_107 = arith.constant 784 : i32
        %scan3A_108 = arith.constant 0 : i32
        %scan3A_109 = arith.constant 0 : i32
        %scan3A_110 = arith.constant 256 : i32
        %scan3A_111 = arith.addi %scan3A_109, %scan3A_110 : i32
        %scan3A_112 = arith.constant 1 : i32
        %scan3A_113 = scf.for %scan3A_160 = %scan3A_109 to %scan3A_111 step %scan3A_112 iter_args(%scan3A_161 = %scan3A_108) -> (i32)  : i32 {
          %mul3A_162 = arith.constant 16 : i32
          %mul3A_163 = arith.muli %scan3A_160, %mul3A_162 : i32
          %get3A_164 = arith.index_cast %mul3A_163 : i32 to index
          %get3A_165 = tpu.vector_load %arg8[%get3A_164] {strides = array<i32>} : memref<4096xi32, #tpu.memory_space<vmem>>, vector<16xi32>,
          %broadcast_in_dim3A_166 = arith.constant true
          %broadcast_in_dim3A_167 = vector.broadcast %broadcast_in_dim3A_166 : i1 to vector<16xi1>
          %masked_cumsum3A = tpu.scan <sum>, %get3A_165 masked %broadcast_in_dim3A_167 : vector<16xi32>, vector<16xi1> -> vector<16xi32>
          %sub3A = arith.subi %masked_cumsum3A, %get3A_165 : vector<16xi32>
          %add3A_168 = vector.broadcast %scan3A_161 : i32 to vector<16xi32>
          %add3A_169 = arith.addi %sub3A, %add3A_168 : vector<16xi32>
          %mul3A_170 = arith.constant 16 : i32
          %mul3A_171 = arith.muli %scan3A_160, %mul3A_170 : i32
          %swap3A = arith.index_cast %mul3A_171 : i32 to index
          %swap3A_172 = tpu.vector_load %arg8[%swap3A] {strides = array<i32>} : memref<4096xi32, #tpu.memory_space<vmem>>, vector<16xi32>,
          tpu.vector_store %arg8[%swap3A], %add3A_169 {strides = array<i32>} : memref<4096xi32, #tpu.memory_space<vmem>>, vector<16xi32>,
          %reduce_sum3A = arith.constant true
          %reduce_sum3A_173 = vector.broadcast %reduce_sum3A : i1 to vector<16xi1>
          %reduce_sum3A_174 = tpu.scan <sum>, %get3A_165 masked %reduce_sum3A_173 : vector<16xi32>, vector<16xi1> -> vector<16xi32>
          %reduce_sum3A_175 = vector.extract %reduce_sum3A_174[15] : i32 from vector<16xi32>
          %add3A_176 = arith.addi %scan3A_161, %reduce_sum3A_175 : i32
          scf.yield %add3A_176 : i32
        }
        %scan3A_114 = arith.constant 256 : i32
        %scan3A_115 = arith.constant 16 : i32
        %scan3A_116 = arith.constant 0 : i32
        %scan3A_117 = arith.constant 0 : i32
        %scan3A_118 = arith.constant 784 : i32
        %scan3A_119 = arith.addi %scan3A_117, %scan3A_118 : i32
        %scan3A_120 = arith.constant 1 : i32
        %scan3A_121 = scf.for %scan3A_160 = %scan3A_117 to %scan3A_119 step %scan3A_120 iter_args(%scan3A_161 = %scan3A_116) -> (i32)  : i32 {
          %mul3A_162 = arith.constant 4 : i32
          %mul3A_163 = arith.muli %scan3A_160, %mul3A_162 : i32
          %add3A_164 = arith.constant 0 : i32
          %add3A_165 = arith.addi %mul3A_163, %add3A_164 : i32
          %add3A_166 = vector.broadcast %add3A_165 : i32 to vector<16xi32>
          %add3A_167 = arith.addi %mul3A_4, %add3A_166 : vector<16xi32>
          %gather3A = tpu.vector_load_idx %arg6[%add3A_167] : memref<50176xi32, #tpu.memory_space<vmem>>[vector<16xi32>], vector<16xi32>,
          %bitcast_convert_type3A = tpu.bitcast %gather3A : vector<16xi32> -> vector<16xi32>
          %shift_right_logical3A = vector.broadcast %scan3A_115 : i32 to vector<16xi32>
          %shift_right_logical3A_168 = arith.shrui %bitcast_convert_type3A, %shift_right_logical3A : vector<16xi32>
          %and3A = arith.constant 255 : i32
          %and3A_169 = vector.broadcast %and3A : i32 to vector<16xi32>
          %and3A_170 = arith.andi %shift_right_logical3A_168, %and3A_169 : vector<16xi32>
          %shift_left3A = arith.constant 4 : i32
          %shift_left3A_171 = vector.broadcast %shift_left3A : i32 to vector<16xi32>
          %shift_left3A_172 = arith.shli %and3A_170, %shift_left3A_171 : vector<16xi32>
          %add3A_173 = arith.addi %shift_left3A_172, %iota3A : vector<16xi32>
          %gather3A_174 = tpu.vector_load_idx %arg8[%add3A_173] : memref<4096xi32, #tpu.memory_space<vmem>>[vector<16xi32>], vector<16xi32>,
          tpu.vector_store_idx %arg7[%gather3A_174], %gather3A : memref<50176xi32, #tpu.memory_space<vmem>>[vector<16xi32>], vector<16xi32>,
          tpu.vector_store_idx %arg8[%add3A_173], %broadcast_in_dim3A_1 {add = true} : memref<4096xi32, #tpu.memory_space<vmem>>[vector<16xi32>], vector<16xi32>,
          %add3A_175 = arith.constant 1 : i32
          %add3A_176 = arith.addi %mul3A_163, %add3A_175 : i32
          %add3A_177 = vector.broadcast %add3A_176 : i32 to vector<16xi32>
          %add3A_178 = arith.addi %mul3A_4, %add3A_177 : vector<16xi32>
          %gather3A_179 = tpu.vector_load_idx %arg6[%add3A_178] : memref<50176xi32, #tpu.memory_space<vmem>>[vector<16xi32>], vector<16xi32>,
          %bitcast_convert_type3A_180 = tpu.bitcast %gather3A_179 : vector<16xi32> -> vector<16xi32>
          %shift_right_logical3A_181 = vector.broadcast %scan3A_115 : i32 to vector<16xi32>
          %shift_right_logical3A_182 = arith.shrui %bitcast_convert_type3A_180, %shift_right_logical3A_181 : vector<16xi32>
          %and3A_183 = arith.constant 255 : i32
          %and3A_184 = vector.broadcast %and3A_183 : i32 to vector<16xi32>
          %and3A_185 = arith.andi %shift_right_logical3A_182, %and3A_184 : vector<16xi32>
          %shift_left3A_186 = arith.constant 4 : i32
          %shift_left3A_187 = vector.broadcast %shift_left3A_186 : i32 to vector<16xi32>
          %shift_left3A_188 = arith.shli %and3A_185, %shift_left3A_187 : vector<16xi32>
          %add3A_189 = arith.addi %shift_left3A_188, %iota3A : vector<16xi32>
          %gather3A_190 = tpu.vector_load_idx %arg8[%add3A_189] : memref<4096xi32, #tpu.memory_space<vmem>>[vector<16xi32>], vector<16xi32>,
          tpu.vector_store_idx %arg7[%gather3A_190], %gather3A_179 : memref<50176xi32, #tpu.memory_space<vmem>>[vector<16xi32>], vector<16xi32>,
          tpu.vector_store_idx %arg8[%add3A_189], %broadcast_in_dim3A_1 {add = true} : memref<4096xi32, #tpu.memory_space<vmem>>[vector<16xi32>], vector<16xi32>,
          %add3A_191 = arith.constant 2 : i32
          %add3A_192 = arith.addi %mul3A_163, %add3A_191 : i32
          %add3A_193 = vector.broadcast %add3A_192 : i32 to vector<16xi32>
          %add3A_194 = arith.addi %mul3A_4, %add3A_193 : vector<16xi32>
          %gather3A_195 = tpu.vector_load_idx %arg6[%add3A_194] : memref<50176xi32, #tpu.memory_space<vmem>>[vector<16xi32>], vector<16xi32>,
          %bitcast_convert_type3A_196 = tpu.bitcast %gather3A_195 : vector<16xi32> -> vector<16xi32>
          %shift_right_logical3A_197 = vector.broadcast %scan3A_115 : i32 to vector<16xi32>
          %shift_right_logical3A_198 = arith.shrui %bitcast_convert_type3A_196, %shift_right_logical3A_197 : vector<16xi32>
          %and3A_199 = arith.constant 255 : i32
          %and3A_200 = vector.broadcast %and3A_199 : i32 to vector<16xi32>
          %and3A_201 = arith.andi %shift_right_logical3A_198, %and3A_200 : vector<16xi32>
          %shift_left3A_202 = arith.constant 4 : i32
          %shift_left3A_203 = vector.broadcast %shift_left3A_202 : i32 to vector<16xi32>
          %shift_left3A_204 = arith.shli %and3A_201, %shift_left3A_203 : vector<16xi32>
          %add3A_205 = arith.addi %shift_left3A_204, %iota3A : vector<16xi32>
          %gather3A_206 = tpu.vector_load_idx %arg8[%add3A_205] : memref<4096xi32, #tpu.memory_space<vmem>>[vector<16xi32>], vector<16xi32>,
          tpu.vector_store_idx %arg7[%gather3A_206], %gather3A_195 : memref<50176xi32, #tpu.memory_space<vmem>>[vector<16xi32>], vector<16xi32>,
          tpu.vector_store_idx %arg8[%add3A_205], %broadcast_in_dim3A_1 {add = true} : memref<4096xi32, #tpu.memory_space<vmem>>[vector<16xi32>], vector<16xi32>,
          %add3A_207 = arith.constant 3 : i32
          %add3A_208 = arith.addi %mul3A_163, %add3A_207 : i32
          %add3A_209 = vector.broadcast %add3A_208 : i32 to vector<16xi32>
          %add3A_210 = arith.addi %mul3A_4, %add3A_209 : vector<16xi32>
          %gather3A_211 = tpu.vector_load_idx %arg6[%add3A_210] : memref<50176xi32, #tpu.memory_space<vmem>>[vector<16xi32>], vector<16xi32>,
          %bitcast_convert_type3A_212 = tpu.bitcast %gather3A_211 : vector<16xi32> -> vector<16xi32>
          %shift_right_logical3A_213 = vector.broadcast %scan3A_115 : i32 to vector<16xi32>
          %shift_right_logical3A_214 = arith.shrui %bitcast_convert_type3A_212, %shift_right_logical3A_213 : vector<16xi32>
          %and3A_215 = arith.constant 255 : i32
          %and3A_216 = vector.broadcast %and3A_215 : i32 to vector<16xi32>
          %and3A_217 = arith.andi %shift_right_logical3A_214, %and3A_216 : vector<16xi32>
          %shift_left3A_218 = arith.constant 4 : i32
          %shift_left3A_219 = vector.broadcast %shift_left3A_218 : i32 to vector<16xi32>
          %shift_left3A_220 = arith.shli %and3A_217, %shift_left3A_219 : vector<16xi32>
          %add3A_221 = arith.addi %shift_left3A_220, %iota3A : vector<16xi32>
          %gather3A_222 = tpu.vector_load_idx %arg8[%add3A_221] : memref<4096xi32, #tpu.memory_space<vmem>>[vector<16xi32>], vector<16xi32>,
          tpu.vector_store_idx %arg7[%gather3A_222], %gather3A_211 : memref<50176xi32, #tpu.memory_space<vmem>>[vector<16xi32>], vector<16xi32>,
          tpu.vector_store_idx %arg8[%add3A_221], %broadcast_in_dim3A_1 {add = true} : memref<4096xi32, #tpu.memory_space<vmem>>[vector<16xi32>], vector<16xi32>,
          %scan3A_223 = arith.constant 0 : i32
          scf.yield %scan3A_223 : i32
        }
        %scan3A_122 = arith.constant 784 : i32
        %scan3A_123 = arith.constant 0 : i32
        %scan3A_124 = arith.constant 0 : i32
        %scan3A_125 = arith.constant 256 : i32
        %scan3A_126 = arith.addi %scan3A_124, %scan3A_125 : i32
        %scan3A_127 = arith.constant 1 : i32
        %scan3A_128 = scf.for %scan3A_160 = %scan3A_124 to %scan3A_126 step %scan3A_127 iter_args(%scan3A_161 = %scan3A_123) -> (i32)  : i32 {
          %broadcast_in_dim3A_162 = arith.constant 0 : i32
          %broadcast_in_dim3A_163 = vector.broadcast %broadcast_in_dim3A_162 : i32 to vector<16xi32>
          %mul3A_164 = arith.constant 16 : i32
          %mul3A_165 = arith.muli %scan3A_160, %mul3A_164 : i32
          %swap3A = arith.index_cast %mul3A_165 : i32 to index
          %swap3A_166 = tpu.vector_load %arg8[%swap3A] {strides = array<i32>} : memref<4096xi32, #tpu.memory_space<vmem>>, vector<16xi32>,
          tpu.vector_store %arg8[%swap3A], %broadcast_in_dim3A_163 {strides = array<i32>} : memref<4096xi32, #tpu.memory_space<vmem>>, vector<16xi32>,
          %scan3A_167 = arith.constant 0 : i32
          scf.yield %scan3A_167 : i32
        }
        %scan3A_129 = arith.constant 256 : i32
        %scan3A_130 = arith.constant 24 : i32
        %scan3A_131 = arith.constant 0 : i32
        %scan3A_132 = arith.constant 0 : i32
        %scan3A_133 = arith.constant 784 : i32
        %scan3A_134 = arith.addi %scan3A_132, %scan3A_133 : i32
        %scan3A_135 = arith.constant 1 : i32
        %scan3A_136 = scf.for %scan3A_160 = %scan3A_132 to %scan3A_134 step %scan3A_135 iter_args(%scan3A_161 = %scan3A_131) -> (i32)  : i32 {
          %mul3A_162 = arith.constant 4 : i32
          %mul3A_163 = arith.muli %scan3A_160, %mul3A_162 : i32
          %add3A_164 = arith.constant 0 : i32
          %add3A_165 = arith.addi %mul3A_163, %add3A_164 : i32
          %add3A_166 = vector.broadcast %add3A_165 : i32 to vector<16xi32>
          %add3A_167 = arith.addi %mul3A_4, %add3A_166 : vector<16xi32>
          %gather3A = tpu.vector_load_idx %arg7[%add3A_167] : memref<50176xi32, #tpu.memory_space<vmem>>[vector<16xi32>], vector<16xi32>,
          %add3A_168 = arith.constant 1 : i32
          %add3A_169 = arith.addi %mul3A_163, %add3A_168 : i32
          %add3A_170 = vector.broadcast %add3A_169 : i32 to vector<16xi32>
          %add3A_171 = arith.addi %mul3A_4, %add3A_170 : vector<16xi32>
          %gather3A_172 = tpu.vector_load_idx %arg7[%add3A_171] : memref<50176xi32, #tpu.memory_space<vmem>>[vector<16xi32>], vector<16xi32>,
          %add3A_173 = arith.constant 2 : i32
          %add3A_174 = arith.addi %mul3A_163, %add3A_173 : i32
          %add3A_175 = vector.broadcast %add3A_174 : i32 to vector<16xi32>
          %add3A_176 = arith.addi %mul3A_4, %add3A_175 : vector<16xi32>
          %gather3A_177 = tpu.vector_load_idx %arg7[%add3A_176] : memref<50176xi32, #tpu.memory_space<vmem>>[vector<16xi32>], vector<16xi32>,
          %add3A_178 = arith.constant 3 : i32
          %add3A_179 = arith.addi %mul3A_163, %add3A_178 : i32
          %add3A_180 = vector.broadcast %add3A_179 : i32 to vector<16xi32>
          %add3A_181 = arith.addi %mul3A_4, %add3A_180 : vector<16xi32>
          %gather3A_182 = tpu.vector_load_idx %arg7[%add3A_181] : memref<50176xi32, #tpu.memory_space<vmem>>[vector<16xi32>], vector<16xi32>,
          %bitcast_convert_type3A = tpu.bitcast %gather3A : vector<16xi32> -> vector<16xi32>
          %shift_right_logical3A = vector.broadcast %scan3A_130 : i32 to vector<16xi32>
          %shift_right_logical3A_183 = arith.shrui %bitcast_convert_type3A, %shift_right_logical3A : vector<16xi32>
          %and3A = arith.constant 255 : i32
          %and3A_184 = vector.broadcast %and3A : i32 to vector<16xi32>
          %and3A_185 = arith.andi %shift_right_logical3A_183, %and3A_184 : vector<16xi32>
          %shift_left3A = arith.constant 4 : i32
          %shift_left3A_186 = vector.broadcast %shift_left3A : i32 to vector<16xi32>
          %shift_left3A_187 = arith.shli %and3A_185, %shift_left3A_186 : vector<16xi32>
          %add3A_188 = arith.addi %shift_left3A_187, %iota3A : vector<16xi32>
          %bitcast_convert_type3A_189 = tpu.bitcast %gather3A_172 : vector<16xi32> -> vector<16xi32>
          %shift_right_logical3A_190 = vector.broadcast %scan3A_130 : i32 to vector<16xi32>
          %shift_right_logical3A_191 = arith.shrui %bitcast_convert_type3A_189, %shift_right_logical3A_190 : vector<16xi32>
          %and3A_192 = arith.constant 255 : i32
          %and3A_193 = vector.broadcast %and3A_192 : i32 to vector<16xi32>
          %and3A_194 = arith.andi %shift_right_logical3A_191, %and3A_193 : vector<16xi32>
          %shift_left3A_195 = arith.constant 4 : i32
          %shift_left3A_196 = vector.broadcast %shift_left3A_195 : i32 to vector<16xi32>
          %shift_left3A_197 = arith.shli %and3A_194, %shift_left3A_196 : vector<16xi32>
          %add3A_198 = arith.addi %shift_left3A_197, %iota3A : vector<16xi32>
          %bitcast_convert_type3A_199 = tpu.bitcast %gather3A_177 : vector<16xi32> -> vector<16xi32>
          %shift_right_logical3A_200 = vector.broadcast %scan3A_130 : i32 to vector<16xi32>
          %shift_right_logical3A_201 = arith.shrui %bitcast_convert_type3A_199, %shift_right_logical3A_200 : vector<16xi32>
          %and3A_202 = arith.constant 255 : i32
          %and3A_203 = vector.broadcast %and3A_202 : i32 to vector<16xi32>
          %and3A_204 = arith.andi %shift_right_logical3A_201, %and3A_203 : vector<16xi32>
          %shift_left3A_205 = arith.constant 4 : i32
          %shift_left3A_206 = vector.broadcast %shift_left3A_205 : i32 to vector<16xi32>
          %shift_left3A_207 = arith.shli %and3A_204, %shift_left3A_206 : vector<16xi32>
          %add3A_208 = arith.addi %shift_left3A_207, %iota3A : vector<16xi32>
          %bitcast_convert_type3A_209 = tpu.bitcast %gather3A_182 : vector<16xi32> -> vector<16xi32>
          %shift_right_logical3A_210 = vector.broadcast %scan3A_130 : i32 to vector<16xi32>
          %shift_right_logical3A_211 = arith.shrui %bitcast_convert_type3A_209, %shift_right_logical3A_210 : vector<16xi32>
          %and3A_212 = arith.constant 255 : i32
          %and3A_213 = vector.broadcast %and3A_212 : i32 to vector<16xi32>
          %and3A_214 = arith.andi %shift_right_logical3A_211, %and3A_213 : vector<16xi32>
          %shift_left3A_215 = arith.constant 4 : i32
          %shift_left3A_216 = vector.broadcast %shift_left3A_215 : i32 to vector<16xi32>
          %shift_left3A_217 = arith.shli %and3A_214, %shift_left3A_216 : vector<16xi32>
          %add3A_218 = arith.addi %shift_left3A_217, %iota3A : vector<16xi32>
          tpu.vector_store_idx %arg8[%add3A_188], %broadcast_in_dim3A_1 {add = true} : memref<4096xi32, #tpu.memory_space<vmem>>[vector<16xi32>], vector<16xi32>,
          tpu.vector_store_idx %arg8[%add3A_198], %broadcast_in_dim3A_1 {add = true} : memref<4096xi32, #tpu.memory_space<vmem>>[vector<16xi32>], vector<16xi32>,
          tpu.vector_store_idx %arg8[%add3A_208], %broadcast_in_dim3A_1 {add = true} : memref<4096xi32, #tpu.memory_space<vmem>>[vector<16xi32>], vector<16xi32>,
          tpu.vector_store_idx %arg8[%add3A_218], %broadcast_in_dim3A_1 {add = true} : memref<4096xi32, #tpu.memory_space<vmem>>[vector<16xi32>], vector<16xi32>,
          %scan3A_219 = arith.constant 0 : i32
          scf.yield %scan3A_219 : i32
        }
        %scan3A_137 = arith.constant 784 : i32
        %scan3A_138 = arith.constant 0 : i32
        %scan3A_139 = arith.constant 0 : i32
        %scan3A_140 = arith.constant 256 : i32
        %scan3A_141 = arith.addi %scan3A_139, %scan3A_140 : i32
        %scan3A_142 = arith.constant 1 : i32
        %scan3A_143 = scf.for %scan3A_160 = %scan3A_139 to %scan3A_141 step %scan3A_142 iter_args(%scan3A_161 = %scan3A_138) -> (i32)  : i32 {
          %mul3A_162 = arith.constant 16 : i32
          %mul3A_163 = arith.muli %scan3A_160, %mul3A_162 : i32
          %get3A_164 = arith.index_cast %mul3A_163 : i32 to index
          %get3A_165 = tpu.vector_load %arg8[%get3A_164] {strides = array<i32>} : memref<4096xi32, #tpu.memory_space<vmem>>, vector<16xi32>,
          %broadcast_in_dim3A_166 = arith.constant true
          %broadcast_in_dim3A_167 = vector.broadcast %broadcast_in_dim3A_166 : i1 to vector<16xi1>
          %masked_cumsum3A = tpu.scan <sum>, %get3A_165 masked %broadcast_in_dim3A_167 : vector<16xi32>, vector<16xi1> -> vector<16xi32>
          %sub3A = arith.subi %masked_cumsum3A, %get3A_165 : vector<16xi32>
          %add3A_168 = vector.broadcast %scan3A_161 : i32 to vector<16xi32>
          %add3A_169 = arith.addi %sub3A, %add3A_168 : vector<16xi32>
          %mul3A_170 = arith.constant 16 : i32
          %mul3A_171 = arith.muli %scan3A_160, %mul3A_170 : i32
          %swap3A = arith.index_cast %mul3A_171 : i32 to index
          %swap3A_172 = tpu.vector_load %arg8[%swap3A] {strides = array<i32>} : memref<4096xi32, #tpu.memory_space<vmem>>, vector<16xi32>,
          tpu.vector_store %arg8[%swap3A], %add3A_169 {strides = array<i32>} : memref<4096xi32, #tpu.memory_space<vmem>>, vector<16xi32>,
          %reduce_sum3A = arith.constant true
          %reduce_sum3A_173 = vector.broadcast %reduce_sum3A : i1 to vector<16xi1>
          %reduce_sum3A_174 = tpu.scan <sum>, %get3A_165 masked %reduce_sum3A_173 : vector<16xi32>, vector<16xi1> -> vector<16xi32>
          %reduce_sum3A_175 = vector.extract %reduce_sum3A_174[15] : i32 from vector<16xi32>
          %add3A_176 = arith.addi %scan3A_161, %reduce_sum3A_175 : i32
          scf.yield %add3A_176 : i32
        }
        %scan3A_144 = arith.constant 256 : i32
        %scan3A_145 = arith.constant 24 : i32
        %scan3A_146 = arith.constant 0 : i32
        %scan3A_147 = arith.constant 0 : i32
        %scan3A_148 = arith.constant 784 : i32
        %scan3A_149 = arith.addi %scan3A_147, %scan3A_148 : i32
        %scan3A_150 = arith.constant 1 : i32
        %scan3A_151 = scf.for %scan3A_160 = %scan3A_147 to %scan3A_149 step %scan3A_150 iter_args(%scan3A_161 = %scan3A_146) -> (i32)  : i32 {
          %mul3A_162 = arith.constant 4 : i32
          %mul3A_163 = arith.muli %scan3A_160, %mul3A_162 : i32
          %add3A_164 = arith.constant 0 : i32
          %add3A_165 = arith.addi %mul3A_163, %add3A_164 : i32
          %add3A_166 = vector.broadcast %add3A_165 : i32 to vector<16xi32>
          %add3A_167 = arith.addi %mul3A_4, %add3A_166 : vector<16xi32>
          %gather3A = tpu.vector_load_idx %arg7[%add3A_167] : memref<50176xi32, #tpu.memory_space<vmem>>[vector<16xi32>], vector<16xi32>,
          %bitcast_convert_type3A = tpu.bitcast %gather3A : vector<16xi32> -> vector<16xi32>
          %shift_right_logical3A = vector.broadcast %scan3A_145 : i32 to vector<16xi32>
          %shift_right_logical3A_168 = arith.shrui %bitcast_convert_type3A, %shift_right_logical3A : vector<16xi32>
          %and3A = arith.constant 255 : i32
          %and3A_169 = vector.broadcast %and3A : i32 to vector<16xi32>
          %and3A_170 = arith.andi %shift_right_logical3A_168, %and3A_169 : vector<16xi32>
          %shift_left3A = arith.constant 4 : i32
          %shift_left3A_171 = vector.broadcast %shift_left3A : i32 to vector<16xi32>
          %shift_left3A_172 = arith.shli %and3A_170, %shift_left3A_171 : vector<16xi32>
          %add3A_173 = arith.addi %shift_left3A_172, %iota3A : vector<16xi32>
          %gather3A_174 = tpu.vector_load_idx %arg8[%add3A_173] : memref<4096xi32, #tpu.memory_space<vmem>>[vector<16xi32>], vector<16xi32>,
          tpu.vector_store_idx %arg6[%gather3A_174], %gather3A : memref<50176xi32, #tpu.memory_space<vmem>>[vector<16xi32>], vector<16xi32>,
          tpu.vector_store_idx %arg8[%add3A_173], %broadcast_in_dim3A_1 {add = true} : memref<4096xi32, #tpu.memory_space<vmem>>[vector<16xi32>], vector<16xi32>,
          %add3A_175 = arith.constant 1 : i32
          %add3A_176 = arith.addi %mul3A_163, %add3A_175 : i32
          %add3A_177 = vector.broadcast %add3A_176 : i32 to vector<16xi32>
          %add3A_178 = arith.addi %mul3A_4, %add3A_177 : vector<16xi32>
          %gather3A_179 = tpu.vector_load_idx %arg7[%add3A_178] : memref<50176xi32, #tpu.memory_space<vmem>>[vector<16xi32>], vector<16xi32>,
          %bitcast_convert_type3A_180 = tpu.bitcast %gather3A_179 : vector<16xi32> -> vector<16xi32>
          %shift_right_logical3A_181 = vector.broadcast %scan3A_145 : i32 to vector<16xi32>
          %shift_right_logical3A_182 = arith.shrui %bitcast_convert_type3A_180, %shift_right_logical3A_181 : vector<16xi32>
          %and3A_183 = arith.constant 255 : i32
          %and3A_184 = vector.broadcast %and3A_183 : i32 to vector<16xi32>
          %and3A_185 = arith.andi %shift_right_logical3A_182, %and3A_184 : vector<16xi32>
          %shift_left3A_186 = arith.constant 4 : i32
          %shift_left3A_187 = vector.broadcast %shift_left3A_186 : i32 to vector<16xi32>
          %shift_left3A_188 = arith.shli %and3A_185, %shift_left3A_187 : vector<16xi32>
          %add3A_189 = arith.addi %shift_left3A_188, %iota3A : vector<16xi32>
          %gather3A_190 = tpu.vector_load_idx %arg8[%add3A_189] : memref<4096xi32, #tpu.memory_space<vmem>>[vector<16xi32>], vector<16xi32>,
          tpu.vector_store_idx %arg6[%gather3A_190], %gather3A_179 : memref<50176xi32, #tpu.memory_space<vmem>>[vector<16xi32>], vector<16xi32>,
          tpu.vector_store_idx %arg8[%add3A_189], %broadcast_in_dim3A_1 {add = true} : memref<4096xi32, #tpu.memory_space<vmem>>[vector<16xi32>], vector<16xi32>,
          %add3A_191 = arith.constant 2 : i32
          %add3A_192 = arith.addi %mul3A_163, %add3A_191 : i32
          %add3A_193 = vector.broadcast %add3A_192 : i32 to vector<16xi32>
          %add3A_194 = arith.addi %mul3A_4, %add3A_193 : vector<16xi32>
          %gather3A_195 = tpu.vector_load_idx %arg7[%add3A_194] : memref<50176xi32, #tpu.memory_space<vmem>>[vector<16xi32>], vector<16xi32>,
          %bitcast_convert_type3A_196 = tpu.bitcast %gather3A_195 : vector<16xi32> -> vector<16xi32>
          %shift_right_logical3A_197 = vector.broadcast %scan3A_145 : i32 to vector<16xi32>
          %shift_right_logical3A_198 = arith.shrui %bitcast_convert_type3A_196, %shift_right_logical3A_197 : vector<16xi32>
          %and3A_199 = arith.constant 255 : i32
          %and3A_200 = vector.broadcast %and3A_199 : i32 to vector<16xi32>
          %and3A_201 = arith.andi %shift_right_logical3A_198, %and3A_200 : vector<16xi32>
          %shift_left3A_202 = arith.constant 4 : i32
          %shift_left3A_203 = vector.broadcast %shift_left3A_202 : i32 to vector<16xi32>
          %shift_left3A_204 = arith.shli %and3A_201, %shift_left3A_203 : vector<16xi32>
          %add3A_205 = arith.addi %shift_left3A_204, %iota3A : vector<16xi32>
          %gather3A_206 = tpu.vector_load_idx %arg8[%add3A_205] : memref<4096xi32, #tpu.memory_space<vmem>>[vector<16xi32>], vector<16xi32>,
          tpu.vector_store_idx %arg6[%gather3A_206], %gather3A_195 : memref<50176xi32, #tpu.memory_space<vmem>>[vector<16xi32>], vector<16xi32>,
          tpu.vector_store_idx %arg8[%add3A_205], %broadcast_in_dim3A_1 {add = true} : memref<4096xi32, #tpu.memory_space<vmem>>[vector<16xi32>], vector<16xi32>,
          %add3A_207 = arith.constant 3 : i32
          %add3A_208 = arith.addi %mul3A_163, %add3A_207 : i32
          %add3A_209 = vector.broadcast %add3A_208 : i32 to vector<16xi32>
          %add3A_210 = arith.addi %mul3A_4, %add3A_209 : vector<16xi32>
          %gather3A_211 = tpu.vector_load_idx %arg7[%add3A_210] : memref<50176xi32, #tpu.memory_space<vmem>>[vector<16xi32>], vector<16xi32>,
          %bitcast_convert_type3A_212 = tpu.bitcast %gather3A_211 : vector<16xi32> -> vector<16xi32>
          %shift_right_logical3A_213 = vector.broadcast %scan3A_145 : i32 to vector<16xi32>
          %shift_right_logical3A_214 = arith.shrui %bitcast_convert_type3A_212, %shift_right_logical3A_213 : vector<16xi32>
          %and3A_215 = arith.constant 255 : i32
          %and3A_216 = vector.broadcast %and3A_215 : i32 to vector<16xi32>
          %and3A_217 = arith.andi %shift_right_logical3A_214, %and3A_216 : vector<16xi32>
          %shift_left3A_218 = arith.constant 4 : i32
          %shift_left3A_219 = vector.broadcast %shift_left3A_218 : i32 to vector<16xi32>
          %shift_left3A_220 = arith.shli %and3A_217, %shift_left3A_219 : vector<16xi32>
          %add3A_221 = arith.addi %shift_left3A_220, %iota3A : vector<16xi32>
          %gather3A_222 = tpu.vector_load_idx %arg8[%add3A_221] : memref<4096xi32, #tpu.memory_space<vmem>>[vector<16xi32>], vector<16xi32>,
          tpu.vector_store_idx %arg6[%gather3A_222], %gather3A_211 : memref<50176xi32, #tpu.memory_space<vmem>>[vector<16xi32>], vector<16xi32>,
          tpu.vector_store_idx %arg8[%add3A_221], %broadcast_in_dim3A_1 {add = true} : memref<4096xi32, #tpu.memory_space<vmem>>[vector<16xi32>], vector<16xi32>,
          %scan3A_223 = arith.constant 0 : i32
          scf.yield %scan3A_223 : i32
        }
        %scan3A_152 = arith.constant 784 : i32
        %scan3A_153 = arith.constant 0 : i32
        %scan3A_154 = arith.constant 0 : i32
        %scan3A_155 = arith.constant 8 : i32
        %scan3A_156 = arith.addi %scan3A_154, %scan3A_155 : i32
        %scan3A_157 = arith.constant 1 : i32
        %scan3A_158 = scf.for %scan3A_160 = %scan3A_154 to %scan3A_156 step %scan3A_157 iter_args(%scan3A_161 = %scan3A_153) -> (i32)  : i32 {
          %parallel_loop3A = arith.constant 0 : i32
          %parallel_loop3A_162 = arith.constant 392 : i32
          %parallel_loop3A_163 = arith.constant 1 : i32
          scf.for %parallel_loop3A_167 = %parallel_loop3A to %parallel_loop3A_162 step %parallel_loop3A_163  : i32 {
            %parallel_loop3A_168 = arith.constant 6272 : i32
            %parallel_loop3A_169 = arith.muli %scan3A_160, %parallel_loop3A_168 : i32
            %parallel_loop3A_170 = arith.constant 16 : i32
            %parallel_loop3A_171 = arith.muli %parallel_loop3A_167, %parallel_loop3A_170 : i32
            %parallel_loop3A_172 = arith.addi %parallel_loop3A_169, %parallel_loop3A_171 : i32
            %parallel_loop3A_173 = arith.index_cast %parallel_loop3A_172 : i32 to index
            %parallel_loop3A_174 = tpu.vector_load %arg6[%parallel_loop3A_173] {strides = array<i32>} : memref<50176xi32, #tpu.memory_space<vmem>>, vector<16xi32>,
            %parallel_loop3A_175 = arith.constant 31 : i32
            %parallel_loop3A_176 = vector.broadcast %parallel_loop3A_175 : i32 to vector<16xi32>
            %parallel_loop3A_177 = arith.shrsi %parallel_loop3A_174, %parallel_loop3A_176 : vector<16xi32>
            %parallel_loop3A_178 = arith.constant dense<-1> : vector<16xi32>
            %parallel_loop3A_179 = arith.xori %parallel_loop3A_177, %parallel_loop3A_178 : vector<16xi32>
            %parallel_loop3A_180 = arith.constant -2147483648 : i32
            %parallel_loop3A_181 = vector.broadcast %parallel_loop3A_180 : i32 to vector<16xi32>
            %parallel_loop3A_182 = arith.ori %parallel_loop3A_179, %parallel_loop3A_181 : vector<16xi32>
            %parallel_loop3A_183 = arith.xori %parallel_loop3A_174, %parallel_loop3A_182 : vector<16xi32>
            %parallel_loop3A_184 = tpu.bitcast %parallel_loop3A_183 : vector<16xi32> -> vector<16xf32>
            %parallel_loop3A_185 = arith.constant 16 : i32
            %parallel_loop3A_186 = arith.muli %parallel_loop3A_167, %parallel_loop3A_185 : i32
            %parallel_loop3A_187 = arith.constant 0 : i32
            %parallel_loop3A_188 = arith.index_cast %parallel_loop3A_187 : i32 to index
            %parallel_loop3A_189 = arith.index_cast %parallel_loop3A_186 : i32 to index
            %parallel_loop3A_190 = tpu.vector_load %arg9[%parallel_loop3A_188, %parallel_loop3A_189] {strides = array<i32>} : memref<1x6272xf32, #tpu.memory_space<vmem>>, vector<16xf32>,
            tpu.vector_store %arg9[%parallel_loop3A_188, %parallel_loop3A_189], %parallel_loop3A_184 {strides = array<i32>} : memref<1x6272xf32, #tpu.memory_space<vmem>>, vector<16xf32>,
          } {sc.loop_unroll_factor = 4 : i64, sc.parallel_access}
          %mul3A_164 = arith.constant 6272 : i32
          %mul3A_165 = arith.muli %scan3A_160, %mul3A_164 : i32
          "tpu.region"() ({
            %run_scoped3A = tpu.sem_alloc : memref<!tpu.dma_semaphore, #tpu.memory_space<semaphore_mem>>
            %dma_start3A = tpu.memref_slice %arg5[%add3A_23, %mul3A_165] : memref<768x50176xf32, #tpu.memory_space<hbm>> -> memref<1x6272xf32, #tpu.memory_space<hbm>>
            %dma_start3A_167 = tpu.memref_slice %arg5[%add3A_23, %mul3A_165] : memref<768x50176xf32, #tpu.memory_space<hbm>> -> memref<1x6272xf32, #tpu.memory_space<hbm>>
            tpu.enqueue_dma source(%arg9 : memref<1x6272xf32, #tpu.memory_space<vmem>>) target(%dma_start3A_167 : memref<1x6272xf32, #tpu.memory_space<hbm>>) target_semaphore(%run_scoped3A : memref<!tpu.dma_semaphore, #tpu.memory_space<semaphore_mem>>)
            %dma_wait3A = tpu.memref_slice %arg5[%add3A_23, %mul3A_165] : memref<768x50176xf32, #tpu.memory_space<hbm>> -> memref<1x6272xf32, #tpu.memory_space<hbm>>
            %dma_wait3A_168 = tpu.memref_slice %arg5[%add3A_23, %mul3A_165] : memref<768x50176xf32, #tpu.memory_space<hbm>> -> memref<1x6272xf32, #tpu.memory_space<hbm>>
            tpu.wait_dma2 semaphore(%run_scoped3A : memref<!tpu.dma_semaphore, #tpu.memory_space<semaphore_mem>>) src(%arg9 : memref<1x6272xf32, #tpu.memory_space<vmem>>) dst(%dma_wait3A_168 : memref<1x6272xf32, #tpu.memory_space<hbm>>)
            tpu.yield
          }) : () -> ()
          %scan3A_166 = arith.constant 0 : i32
          scf.yield %scan3A_166 : i32
        }
        %scan3A_159 = arith.constant 8 : i32
      } else {
      }
      %scan3A_25 = arith.constant 0 : i32
      scf.yield %scan3A_25 : i32
    }
    %scan3A_18 = arith.constant 24 : i32
    return
  }
}

#map = affine_map<(d0, d1) -> (0, 0)>
#map1 = affine_map<(d0, d1) -> (0, 0, 0)>
module attributes {stable_mosaic.version = 14 : i64} {
  func.func @_distribute_body(%arg0: i32, %arg1: i32, %arg2: memref<768x50176xf32, #tpu.memory_space<hbm>>, %arg3: memref<768x50176xf32, #tpu.memory_space<hbm>>, %arg4: memref<768x16xf32, #tpu.memory_space<hbm>>, %arg5: memref<768x8x1xi32, #tpu.memory_space<hbm>>, %arg6: memref<768x50176xf32, #tpu.memory_space<hbm>>, %arg7: memref<16xf32, #tpu.memory_space<vmem>>, %arg8: memref<8x1xi32, #tpu.memory_space<vmem>>, %arg9: memref<1x50176xf32, #tpu.memory_space<vmem>>, %arg10: memref<50176xf32, #tpu.memory_space<vmem>>, %arg11: memref<!tpu.dma_semaphore, #tpu.memory_space<semaphore_mem>>) attributes {dimension_semantics = [#tpu.dimension_semantics<core_parallel>, #tpu.dimension_semantics<subcore_parallel>], iteration_bounds = array<i64: 2, 16>, scalar_prefetch = 0 : i64, scratch_operands = 5 : i64, tpu.core_type = #tpu.core_type<sc_vector_subcore>, window_params = [{transform_indices = #map}, {transform_indices = #map}, {transform_indices = #map}, {transform_indices = #map1}, {transform_indices = #map}]} {
    %mul3A = arith.constant 2 : i32
    %mul3A_0 = arith.muli %arg1, %mul3A : i32
    %add3A = arith.addi %mul3A_0, %arg0 : i32
    %scan3A = arith.constant 0 : i32
    %scan3A_1 = arith.constant 0 : i32
    %scan3A_2 = arith.constant 24 : i32
    %scan3A_3 = arith.addi %scan3A_1, %scan3A_2 : i32
    %scan3A_4 = arith.constant 1 : i32
    %scan3A_5 = scf.for %scan3A_7 = %scan3A_1 to %scan3A_3 step %scan3A_4 iter_args(%scan3A_8 = %scan3A) -> (i32)  : i32 {
      %mul3A_9 = arith.constant 24 : i32
      %mul3A_10 = arith.muli %add3A, %mul3A_9 : i32
      %add3A_11 = arith.addi %mul3A_10, %scan3A_7 : i32
      "tpu.region"() ({
        %run_scoped3A = tpu.sem_alloc : memref<!tpu.dma_semaphore, #tpu.memory_space<semaphore_mem>>
        %dma_start3A = arith.constant 0 : i32
        %dma_start3A_23 = tpu.memref_slice %arg4[%add3A_11, %dma_start3A] : memref<768x16xf32, #tpu.memory_space<hbm>> -> memref<1x16xf32, #tpu.memory_space<hbm>>
        %dma_start3A_24 = tpu.memref_squeeze %dma_start3A_23 : memref<1x16xf32, #tpu.memory_space<hbm>> -> memref<16xf32, #tpu.memory_space<hbm>>
        %dma_start3A_25 = arith.constant 0 : i32
        %dma_start3A_26 = tpu.memref_slice %arg4[%add3A_11, %dma_start3A_25] : memref<768x16xf32, #tpu.memory_space<hbm>> -> memref<1x16xf32, #tpu.memory_space<hbm>>
        %dma_start3A_27 = tpu.memref_squeeze %dma_start3A_26 : memref<1x16xf32, #tpu.memory_space<hbm>> -> memref<16xf32, #tpu.memory_space<hbm>>
        tpu.enqueue_dma source(%dma_start3A_27 : memref<16xf32, #tpu.memory_space<hbm>>) target(%arg7 : memref<16xf32, #tpu.memory_space<vmem>>) target_semaphore(%run_scoped3A : memref<!tpu.dma_semaphore, #tpu.memory_space<semaphore_mem>>)
        %dma_wait3A = arith.constant 0 : i32
        %dma_wait3A_28 = tpu.memref_slice %arg4[%add3A_11, %dma_wait3A] : memref<768x16xf32, #tpu.memory_space<hbm>> -> memref<1x16xf32, #tpu.memory_space<hbm>>
        %dma_wait3A_29 = tpu.memref_squeeze %dma_wait3A_28 : memref<1x16xf32, #tpu.memory_space<hbm>> -> memref<16xf32, #tpu.memory_space<hbm>>
        %dma_wait3A_30 = arith.constant 0 : i32
        %dma_wait3A_31 = tpu.memref_slice %arg4[%add3A_11, %dma_wait3A_30] : memref<768x16xf32, #tpu.memory_space<hbm>> -> memref<1x16xf32, #tpu.memory_space<hbm>>
        %dma_wait3A_32 = tpu.memref_squeeze %dma_wait3A_31 : memref<1x16xf32, #tpu.memory_space<hbm>> -> memref<16xf32, #tpu.memory_space<hbm>>
        tpu.wait_dma2 semaphore(%run_scoped3A : memref<!tpu.dma_semaphore, #tpu.memory_space<semaphore_mem>>) src(%dma_wait3A_32 : memref<16xf32, #tpu.memory_space<hbm>>) dst(%arg7 : memref<16xf32, #tpu.memory_space<vmem>>)
        tpu.yield
      }) : () -> ()
      %get3A = arith.constant 0 : index
      %get3A_12 = tpu.vector_load %arg7[%get3A] {strides = array<i32>} : memref<16xf32, #tpu.memory_space<vmem>>, vector<16xf32>,
      %ne3A = arith.constant 0.000000e+00 : f32
      %ne3A_13 = vector.broadcast %ne3A : f32 to vector<16xf32>
      %ne3A_14 = arith.cmpf one, %get3A_12, %ne3A_13 : vector<16xf32>
      %jit3A = arith.constant 1 : i32
      %jit3A_15 = arith.constant 0 : i32
      %broadcast_in_dim3A = vector.broadcast %jit3A : i32 to vector<16xi32>
      %broadcast_in_dim3A_16 = vector.broadcast %jit3A_15 : i32 to vector<16xi32>
      %select_n3A = arith.select %ne3A_14, %broadcast_in_dim3A, %broadcast_in_dim3A_16 : vector<16xi1>, vector<16xi32>
      %reduce_sum3A = arith.constant true
      %reduce_sum3A_17 = vector.broadcast %reduce_sum3A : i1 to vector<16xi1>
      %reduce_sum3A_18 = tpu.scan <sum>, %select_n3A masked %reduce_sum3A_17 : vector<16xi32>, vector<16xi1> -> vector<16xi32>
      %reduce_sum3A_19 = vector.extract %reduce_sum3A_18[15] : i32 from vector<16xi32>
      %gt3A = arith.constant 0 : i32
      %gt3A_20 = arith.cmpi sgt, %reduce_sum3A_19, %gt3A : i32
      %convert_element_type3A = arith.extui %gt3A_20 : i1 to i32
      %cond3A = arith.constant 0 : i32
      %cond3A_21 = arith.cmpi ne, %convert_element_type3A, %cond3A : i32
      scf.if %cond3A_21 {
        "tpu.region"() ({
          %run_scoped3A = tpu.sem_alloc : memref<!tpu.dma_semaphore, #tpu.memory_space<semaphore_mem>>
          %dma_start3A_35 = arith.constant 0 : i32
          %dma_start3A_36 = arith.constant 0 : i32
          %dma_start3A_37 = tpu.memref_slice %arg5[%add3A_11, %dma_start3A_35, %dma_start3A_36] : memref<768x8x1xi32, #tpu.memory_space<hbm>> -> memref<1x8x1xi32, #tpu.memory_space<hbm>>
          %dma_start3A_38 = tpu.memref_squeeze %dma_start3A_37 : memref<1x8x1xi32, #tpu.memory_space<hbm>> -> memref<8x1xi32, #tpu.memory_space<hbm>>
          %dma_start3A_39 = arith.constant 0 : i32
          %dma_start3A_40 = arith.constant 0 : i32
          %dma_start3A_41 = tpu.memref_slice %arg5[%add3A_11, %dma_start3A_39, %dma_start3A_40] : memref<768x8x1xi32, #tpu.memory_space<hbm>> -> memref<1x8x1xi32, #tpu.memory_space<hbm>>
          %dma_start3A_42 = tpu.memref_squeeze %dma_start3A_41 : memref<1x8x1xi32, #tpu.memory_space<hbm>> -> memref<8x1xi32, #tpu.memory_space<hbm>>
          tpu.enqueue_dma source(%dma_start3A_42 : memref<8x1xi32, #tpu.memory_space<hbm>>) target(%arg8 : memref<8x1xi32, #tpu.memory_space<vmem>>) target_semaphore(%run_scoped3A : memref<!tpu.dma_semaphore, #tpu.memory_space<semaphore_mem>>)
          %dma_wait3A_43 = arith.constant 0 : i32
          %dma_wait3A_44 = arith.constant 0 : i32
          %dma_wait3A_45 = tpu.memref_slice %arg5[%add3A_11, %dma_wait3A_43, %dma_wait3A_44] : memref<768x8x1xi32, #tpu.memory_space<hbm>> -> memref<1x8x1xi32, #tpu.memory_space<hbm>>
          %dma_wait3A_46 = tpu.memref_squeeze %dma_wait3A_45 : memref<1x8x1xi32, #tpu.memory_space<hbm>> -> memref<8x1xi32, #tpu.memory_space<hbm>>
          %dma_wait3A_47 = arith.constant 0 : i32
          %dma_wait3A_48 = arith.constant 0 : i32
          %dma_wait3A_49 = tpu.memref_slice %arg5[%add3A_11, %dma_wait3A_47, %dma_wait3A_48] : memref<768x8x1xi32, #tpu.memory_space<hbm>> -> memref<1x8x1xi32, #tpu.memory_space<hbm>>
          %dma_wait3A_50 = tpu.memref_squeeze %dma_wait3A_49 : memref<1x8x1xi32, #tpu.memory_space<hbm>> -> memref<8x1xi32, #tpu.memory_space<hbm>>
          tpu.wait_dma2 semaphore(%run_scoped3A : memref<!tpu.dma_semaphore, #tpu.memory_space<semaphore_mem>>) src(%dma_wait3A_50 : memref<8x1xi32, #tpu.memory_space<hbm>>) dst(%arg8 : memref<8x1xi32, #tpu.memory_space<vmem>>)
          tpu.yield
        }) : () -> ()
        %dma_start3A = arith.constant 0 : i32
        %dma_start3A_23 = arith.constant 0 : i32
        %dma_start3A_24 = tpu.memref_slice %arg8[%dma_start3A, %dma_start3A_23] : memref<8x1xi32, #tpu.memory_space<vmem>> -> memref<1x1xi32, #tpu.memory_space<vmem>>
        %dma_start3A_25 = tpu.memref_squeeze %dma_start3A_24 : memref<1x1xi32, #tpu.memory_space<vmem>> -> memref<1xi32, #tpu.memory_space<vmem>>
        %dma_start3A_26 = arith.constant 0 : i32
        %dma_start3A_27 = arith.constant 0 : i32
        %dma_start3A_28 = tpu.memref_slice %arg3[%dma_start3A_26, %dma_start3A_27] : memref<768x50176xf32, #tpu.memory_space<hbm>> -> memref<768x50176xf32, #tpu.memory_space<hbm>>
        tpu.enqueue_indirect_dma source(%dma_start3A_28 : memref<768x50176xf32, #tpu.memory_space<hbm>>) target(%arg9 : memref<1x50176xf32, #tpu.memory_space<vmem>>) offsets(%dma_start3A_25 : memref<1xi32, #tpu.memory_space<vmem>>) semaphore(%arg11 : memref<!tpu.dma_semaphore, #tpu.memory_space<semaphore_mem>>)
        %dma_wait3A = arith.constant 0 : i32
        %dma_wait3A_29 = arith.constant 0 : i32
        %dma_wait3A_30 = tpu.memref_slice %arg8[%dma_wait3A, %dma_wait3A_29] : memref<8x1xi32, #tpu.memory_space<vmem>> -> memref<1x1xi32, #tpu.memory_space<vmem>>
        %dma_wait3A_31 = tpu.memref_squeeze %dma_wait3A_30 : memref<1x1xi32, #tpu.memory_space<vmem>> -> memref<1xi32, #tpu.memory_space<vmem>>
        %dma_wait3A_32 = arith.constant 0 : i32
        %dma_wait3A_33 = arith.constant 0 : i32
        %dma_wait3A_34 = tpu.memref_slice %arg3[%dma_wait3A_32, %dma_wait3A_33] : memref<768x50176xf32, #tpu.memory_space<hbm>> -> memref<768x50176xf32, #tpu.memory_space<hbm>>
        tpu.wait_indirect_dma semaphore(%arg11 : memref<!tpu.dma_semaphore, #tpu.memory_space<semaphore_mem>>) src(%dma_wait3A_34 : memref<768x50176xf32, #tpu.memory_space<hbm>>) dst(%arg9 : memref<1x50176xf32, #tpu.memory_space<vmem>>)
        "tpu.region"() ({
          %run_scoped3A = tpu.sem_alloc : memref<!tpu.dma_semaphore, #tpu.memory_space<semaphore_mem>>
          %dma_start3A_35 = arith.constant 0 : i32
          %dma_start3A_36 = tpu.memref_slice %arg6[%add3A_11, %dma_start3A_35] : memref<768x50176xf32, #tpu.memory_space<hbm>> -> memref<1x50176xf32, #tpu.memory_space<hbm>>
          %dma_start3A_37 = arith.constant 0 : i32
          %dma_start3A_38 = tpu.memref_slice %arg6[%add3A_11, %dma_start3A_37] : memref<768x50176xf32, #tpu.memory_space<hbm>> -> memref<1x50176xf32, #tpu.memory_space<hbm>>
          tpu.enqueue_dma source(%arg9 : memref<1x50176xf32, #tpu.memory_space<vmem>>) target(%dma_start3A_38 : memref<1x50176xf32, #tpu.memory_space<hbm>>) target_semaphore(%run_scoped3A : memref<!tpu.dma_semaphore, #tpu.memory_space<semaphore_mem>>)
          %dma_wait3A_39 = arith.constant 0 : i32
          %dma_wait3A_40 = tpu.memref_slice %arg6[%add3A_11, %dma_wait3A_39] : memref<768x50176xf32, #tpu.memory_space<hbm>> -> memref<1x50176xf32, #tpu.memory_space<hbm>>
          %dma_wait3A_41 = arith.constant 0 : i32
          %dma_wait3A_42 = tpu.memref_slice %arg6[%add3A_11, %dma_wait3A_41] : memref<768x50176xf32, #tpu.memory_space<hbm>> -> memref<1x50176xf32, #tpu.memory_space<hbm>>
          tpu.wait_dma2 semaphore(%run_scoped3A : memref<!tpu.dma_semaphore, #tpu.memory_space<semaphore_mem>>) src(%arg9 : memref<1x50176xf32, #tpu.memory_space<vmem>>) dst(%dma_wait3A_42 : memref<1x50176xf32, #tpu.memory_space<hbm>>)
          tpu.yield
        }) : () -> ()
      } else {
        "tpu.region"() ({
          %run_scoped3A = tpu.sem_alloc : memref<!tpu.dma_semaphore, #tpu.memory_space<semaphore_mem>>
          %dma_start3A = arith.constant 0 : i32
          %dma_start3A_23 = tpu.memref_slice %arg2[%add3A_11, %dma_start3A] : memref<768x50176xf32, #tpu.memory_space<hbm>> -> memref<1x50176xf32, #tpu.memory_space<hbm>>
          %dma_start3A_24 = tpu.memref_squeeze %dma_start3A_23 : memref<1x50176xf32, #tpu.memory_space<hbm>> -> memref<50176xf32, #tpu.memory_space<hbm>>
          %dma_start3A_25 = arith.constant 0 : i32
          %dma_start3A_26 = tpu.memref_slice %arg2[%add3A_11, %dma_start3A_25] : memref<768x50176xf32, #tpu.memory_space<hbm>> -> memref<1x50176xf32, #tpu.memory_space<hbm>>
          %dma_start3A_27 = tpu.memref_squeeze %dma_start3A_26 : memref<1x50176xf32, #tpu.memory_space<hbm>> -> memref<50176xf32, #tpu.memory_space<hbm>>
          tpu.enqueue_dma source(%dma_start3A_27 : memref<50176xf32, #tpu.memory_space<hbm>>) target(%arg10 : memref<50176xf32, #tpu.memory_space<vmem>>) target_semaphore(%run_scoped3A : memref<!tpu.dma_semaphore, #tpu.memory_space<semaphore_mem>>)
          %dma_wait3A = arith.constant 0 : i32
          %dma_wait3A_28 = tpu.memref_slice %arg2[%add3A_11, %dma_wait3A] : memref<768x50176xf32, #tpu.memory_space<hbm>> -> memref<1x50176xf32, #tpu.memory_space<hbm>>
          %dma_wait3A_29 = tpu.memref_squeeze %dma_wait3A_28 : memref<1x50176xf32, #tpu.memory_space<hbm>> -> memref<50176xf32, #tpu.memory_space<hbm>>
          %dma_wait3A_30 = arith.constant 0 : i32
          %dma_wait3A_31 = tpu.memref_slice %arg2[%add3A_11, %dma_wait3A_30] : memref<768x50176xf32, #tpu.memory_space<hbm>> -> memref<1x50176xf32, #tpu.memory_space<hbm>>
          %dma_wait3A_32 = tpu.memref_squeeze %dma_wait3A_31 : memref<1x50176xf32, #tpu.memory_space<hbm>> -> memref<50176xf32, #tpu.memory_space<hbm>>
          tpu.wait_dma2 semaphore(%run_scoped3A : memref<!tpu.dma_semaphore, #tpu.memory_space<semaphore_mem>>) src(%dma_wait3A_32 : memref<50176xf32, #tpu.memory_space<hbm>>) dst(%arg10 : memref<50176xf32, #tpu.memory_space<vmem>>)
          tpu.yield
        }) : () -> ()
        "tpu.region"() ({
          %run_scoped3A = tpu.sem_alloc : memref<!tpu.dma_semaphore, #tpu.memory_space<semaphore_mem>>
          %dma_start3A = arith.constant 0 : i32
          %dma_start3A_23 = tpu.memref_slice %arg6[%add3A_11, %dma_start3A] : memref<768x50176xf32, #tpu.memory_space<hbm>> -> memref<1x50176xf32, #tpu.memory_space<hbm>>
          %dma_start3A_24 = tpu.memref_squeeze %dma_start3A_23 : memref<1x50176xf32, #tpu.memory_space<hbm>> -> memref<50176xf32, #tpu.memory_space<hbm>>
          %dma_start3A_25 = arith.constant 0 : i32
          %dma_start3A_26 = tpu.memref_slice %arg6[%add3A_11, %dma_start3A_25] : memref<768x50176xf32, #tpu.memory_space<hbm>> -> memref<1x50176xf32, #tpu.memory_space<hbm>>
          %dma_start3A_27 = tpu.memref_squeeze %dma_start3A_26 : memref<1x50176xf32, #tpu.memory_space<hbm>> -> memref<50176xf32, #tpu.memory_space<hbm>>
          tpu.enqueue_dma source(%arg10 : memref<50176xf32, #tpu.memory_space<vmem>>) target(%dma_start3A_27 : memref<50176xf32, #tpu.memory_space<hbm>>) target_semaphore(%run_scoped3A : memref<!tpu.dma_semaphore, #tpu.memory_space<semaphore_mem>>)
          %dma_wait3A = arith.constant 0 : i32
          %dma_wait3A_28 = tpu.memref_slice %arg6[%add3A_11, %dma_wait3A] : memref<768x50176xf32, #tpu.memory_space<hbm>> -> memref<1x50176xf32, #tpu.memory_space<hbm>>
          %dma_wait3A_29 = tpu.memref_squeeze %dma_wait3A_28 : memref<1x50176xf32, #tpu.memory_space<hbm>> -> memref<50176xf32, #tpu.memory_space<hbm>>
          %dma_wait3A_30 = arith.constant 0 : i32
          %dma_wait3A_31 = tpu.memref_slice %arg6[%add3A_11, %dma_wait3A_30] : memref<768x50176xf32, #tpu.memory_space<hbm>> -> memref<1x50176xf32, #tpu.memory_space<hbm>>
          %dma_wait3A_32 = tpu.memref_squeeze %dma_wait3A_31 : memref<1x50176xf32, #tpu.memory_space<hbm>> -> memref<50176xf32, #tpu.memory_space<hbm>>
          tpu.wait_dma2 semaphore(%run_scoped3A : memref<!tpu.dma_semaphore, #tpu.memory_space<semaphore_mem>>) src(%arg10 : memref<50176xf32, #tpu.memory_space<vmem>>) dst(%dma_wait3A_32 : memref<50176xf32, #tpu.memory_space<hbm>>)
          tpu.yield
        }) : () -> ()
      }
      %scan3A_22 = arith.constant 0 : i32
      scf.yield %scan3A_22 : i32
    }
    %scan3A_6 = arith.constant 24 : i32
    return
  }
}

</mosaic_0001>

<sc_bundles>
// kernel: kernel.11.cloned.1.call-start
scs
__scs_entry_jumppad:
0x0: {  	(pc) =	sbr.rel $0x88, $3  }
0x1: {  	(tag) =	ssettag $0x0;
	lr =	simm.s32 $0x1  }
0x2: {  	[smem:$0x3F9F] =	sst lr;
	_ =	strace $0xD0000000  }
0x3: {  	_ = 	snop  }
0x4: {  	_ = 	snop  }
0x5: {  	_ = 	snop  }
0x6: {  	_ = 	snop  }
0x7: {  	_ = 	snop  }
__scs_overlays_trampoline_lowered:
0x8: {  	[smem:$0x3FAE] =	sst s0  }
0x9: {  	[smem:$0x3FAF] =	sst s1  }
0xa: {  	[smem:$0x3FB0] =	sst s2  }
0xb: {  	[smem:$0x3FB1] =	sst s3  }
0xc: {  	[smem:$0x3FB2] =	sst s4  }
0xd: {  	[smem:$0x3FB3] =	sst s5  }
0xe: {  	[smem:$0x3FB4] =	sst s6  }
0xf: {  	[smem:$0x3FB5] =	sst s7  }
0x10: {  	[smem:$0x3FB6] =	sst s8  }
0x11: {  	[smem:$0x3FB7] =	sst s9;
	s0 =	simm.s32 @!p0 $0x0  }
0x12: {  	s1 =	sld [smem:$0x3F9D];
	s0 =	simm.s32 @p0 $0x1  }
0x13: {  	[smem:$0x3FB8] =	sst s0;
	s0 =	simm.s32 @!p1 $0x0  }
0x14: {  	s2 =	sld [smem:$0x3F9C];
	s0 =	simm.s32 @p1 $0x1  }
0x15: {  	[smem:$0x3FB9] =	sst s0;
	s0 =	simm.s32 @!p2 $0x0  }
0x16: {  	s3 =	sld [smem:$0x3FDB];
	s0 =	simm.s32 @p2 $0x1  }
0x17: {  	s4 =	simm.s32 $0x1BF5;
	[smem:$0x3FBB] =	sst s0  }
0x18: {  	s0 =	sld [smem:$0x3F9E];
	_ =	swait.ge [sflag:s4], $0x0  }
0x19: {  	s7 =	sld [smem:$0x3F9F]  }
0x1a: {  	s8 =	sadd.s32 $0xFFFFE003, lr  }
0x1b: {  	s9 =	sadd.s32 $0xFFFFFEF7, lr;
	s5 =	simm.s32 $0xFFFFFFFF;
	p2 =	slt.u32 s8, $0xFFFFF086  }
0x1c: {  	p1 =	slt.u32 s9, $0xF7A;
	s5 =	simm.s32 @!p2 $0x0  }
0x1d: {  	s5 =	simm.s32 @p1 $0x1;
	p0 =	seq.s32 s7, s2  }
0x1e: {  	s7 =	smul.u32 @!p0 $0xF7A, s2;
	p2 =	seq.s32 @!p0 s5, $0x0  }
0x1f: {  	s9 =	smul.u32 $0xF7A, s1;
	s8 =	simm.s32 @!p0 $0x1BF5;
	p2 =	por !p2, p0  }
0x20: {  	[sflag:s8] =	ssyncset.s32 @!p0 $0xFFFFF086;
	s6 =	sadd.s32 @!p0 s3, s7;
	s7 =	simm.s32 @!p0 $0x108  }
0x21: {  	s3 =	sadd.s32 s3, s9;
	s6 =	sadd.s32 @!p0 $0x88, s6;
	s7 =	simm.s32 @p2 $0x1082  }
0x22: {  	[simem:s7], [sflag:s8] =	dma.local @!p0 [hbm:s6], $0xF7A  }
0x23: {  	s9 =	sor.u32 $0xD0000000, s2;
	s6 =	simm.s32 $0x108;
	_ =	swait.ge @!p0 [sflag:s8], $0x0  }
0x24: {  	s3 =	sadd.s32 $0x88, s3;
	s6 =	simm.s32 @!p1 $0x1082;
	[sflag:s4] =	ssyncset.s32 $0xFFFFF086  }
0x25: {  	[simem:s6], [sflag:s4] =	dma.local [hbm:s3], $0xF7A  }
0x26: {  	[smem:$0x3F9F] =	sst s1;
	(tag) =	ssettag s2;
	_ =	strace s9  }
0x27: {  	s1 =	sld [smem:$0x3FAF]  }
0x28: {  	s2 =	sld [smem:$0x3FB0]  }
0x29: {  	s4 =	sld [smem:$0x3FB2]  }
0x2a: {  	p0 =	seq.s32 s5, $0x0;
	s5 =	sld [smem:$0x3FB3]  }
0x2b: {  	s6 =	sld [smem:$0x3FB4]  }
0x2c: {  	s7 =	sld [smem:$0x3FB5]  }
0x2d: {  	s3 =	simm.s32 $0x108;
	s8 =	sld [smem:$0x3FB6]  }
0x2e: {  	s3 =	simm.s32 @!p0 $0x1082;
	s9 =	sld [smem:$0x3FB7]  }
0x2f: {  	lr =	sadd.s32 s0, s3;
	s0 =	sld [smem:$0x3FAE]  }
0x30: {  	s3 =	sld [smem:$0x3FB1]  }
0x31: {  	[smem:$0x3FBA] =	sst s10  }
0x32: {  	s10 =	sld [smem:$0x3FB8];
	_ =	sdelay $0x3  }
0x33: {  	p0 =	seq.s32 s10, $0x1;
	s10 =	sld [smem:$0x3FBA];
	_ =	sdelay $0x3  }
0x34: {  	[smem:$0x3FBA] =	sst s10  }
0x35: {  	s10 =	sld [smem:$0x3FB9];
	_ =	sdelay $0x3  }
0x36: {  	p1 =	seq.s32 s10, $0x1;
	s10 =	sld [smem:$0x3FBA];
	_ =	sdelay $0x3  }
0x37: {  	[smem:$0x3FBA] =	sst s10  }
0x38: {  	s10 =	sld [smem:$0x3FBB]  }
0x39: {  	_ = 	snop;
	(pc) =	sbr.ind lr, $3  }
0x3a: {  	_ = 	snop  }
0x3b: {  	_ = 	snop  }
0x3c: {  	p2 =	seq.s32 s10, $0x1;
	s10 =	sld [smem:$0x3FBA]  }
0x3d: {  	_ =	shalt  }
0x3e: {  	_ =	shalt  }
0x3f: {  	_ =	shalt  }
0x40: {  	_ =	shalt  }
0x41: {  	_ =	shalt  }
0x42: {  	_ =	shalt  }
0x43: {  	_ =	shalt  }
0x44: {  	_ =	shalt  }
0x45: {  	_ =	shalt  }
0x46: {  	_ =	shalt  }
0x47: {  	_ =	shalt  }
0x48: {  	_ =	shalt  }
0x49: {  	_ =	shalt  }
0x4a: {  	_ =	shalt  }
0x4b: {  	_ =	shalt  }
0x4c: {  	_ =	shalt  }
0x4d: {  	_ =	shalt  }
0x4e: {  	_ =	shalt  }
0x4f: {  	_ =	shalt  }
0x50: {  	_ =	shalt  }
0x51: {  	_ =	shalt  }
0x52: {  	_ =	shalt  }
0x53: {  	_ =	shalt  }
0x54: {  	_ =	shalt  }
0x55: {  	_ =	shalt  }
0x56: {  	_ =	shalt  }
0x57: {  	_ =	shalt  }
0x58: {  	_ =	shalt  }
0x59: {  	_ =	shalt  }
0x5a: {  	_ =	shalt  }
0x5b: {  	_ =	shalt  }
0x5c: {  	_ =	shalt  }
0x5d: {  	_ =	shalt  }
0x5e: {  	_ =	shalt  }
0x5f: {  	_ =	shalt  }
0x60: {  	_ =	shalt  }
0x61: {  	_ =	shalt  }
0x62: {  	_ =	shalt  }
0x63: {  	_ =	shalt  }
0x64: {  	_ =	shalt  }
0x65: {  	_ =	shalt  }
0x66: {  	_ =	shalt  }
0x67: {  	_ =	shalt  }
0x68: {  	_ =	shalt  }
0x69: {  	_ =	shalt  }
0x6a: {  	_ =	shalt  }
0x6b: {  	_ =	shalt  }
0x6c: {  	_ =	shalt  }
0x6d: {  	_ =	shalt  }
0x6e: {  	_ =	shalt  }
0x6f: {  	_ =	shalt  }
0x70: {  	_ =	shalt  }
0x71: {  	_ =	shalt  }
0x72: {  	_ =	shalt  }
0x73: {  	_ =	shalt  }
0x74: {  	_ =	shalt  }
0x75: {  	_ =	shalt  }
0x76: {  	_ =	shalt  }
0x77: {  	_ =	shalt  }
0x78: {  	_ =	shalt  }
0x79: {  	_ =	shalt  }
0x7a: {  	_ =	shalt  }
0x7b: {  	_ =	shalt  }
0x7c: {  	_ =	shalt  }
0x7d: {  	_ =	shalt  }
0x7e: {  	_ =	shalt  }
0x7f: {  	_ =	shalt  }
0x80: {  	_ =	shalt  }
0x81: {  	_ =	shalt  }
0x82: {  	_ =	shalt  }
0x83: {  	_ =	shalt  }
0x84: {  	_ =	shalt  }
0x85: {  	_ =	shalt  }
0x86: {  	_ =	shalt  }
0x87: {  	_ =	shalt  }
.Lfunc_end0:
.L_simem_size_0:
called_computation.2_lowered:
.L_overlay_start_0:
0x88: {  	s2 =	sld [smem:$0x3FD9]  }
0x89: {  	s3 =	sld [smem:$0x3FFE];
	_ =	sdelay $0x1  }
0x8a: {  	s1 =	srdreg.scid  }
0x8b: {  	s0 =	sand.u32 $0x1, s1  }
0x8c: {  	s17 =	sshll.u32 s0, $0xA;
	s2 =	sadd.s32 s3, s2  }
0x8d: {  	s2 =	sadd.s32 s2, s17  }
0x8e: {  	[smem:$0x3FC6] =	sst s2  }
0x8f: {  	_ = 	snop  }
0x90: {  	s2 =	sld [smem:$0x3FD0];
	(tm) =	ssettm $0x1  }
0x91: {  	s18 =	sld [smem:$0x3FFB];
	_ =	sdelay $0x3  }
0x92: {  	_ =	strace s18  }
0x93: {  	s3 =	sld [smem:$0x3FFC];
	_ =	sdelay $0x3  }
0x94: {  	_ =	strace s3  }
0x95: {  	s3 =	sld [smem:$0x3FFD];
	_ =	sdelay $0x3  }
0x96: {  	_ =	strace s3  }
0x97: {  	_ =	strace $0x8FFFFFFF  }
0x98: {  	s19 =	sld [smem:$0x3FDB];
	_ =	sdelay $0x1  }
0x99: {  	s4 =	simm.s32 $_scs_section_size  }
0x9a: {  	s5 =	simm.s32 $_size__tile_overlayer_lowered;
	s6 =	simm.s32 $_tile_overlayer_lowered  }
0x9b: {  	s22 =	simm.s32 $0x1BFF;
	s21 =	sshll.u32 s6, $0x1;
	s3 =	sadd.s32 s4, s19  }
0x9c: {  	s7 =	simm.s32 $0x0;
	s20 =	sshll.u32 s5, $0x1;
	s5 =	sadd.s32 s21, s3  }
0x9d: {  	[timem:s7], [sflag:s22] =	dma.local [hbm:s5], s20  }
0x9e: {  	_ =	swait.ge [sflag:s22], s20  }
0x9f: {  	s4 =	ssub.s32 $0x0, s20;
	[sflag:s22] =	ssyncset.done $0x0  }
0xa0: {  	[sflag:s22] =	ssyncadd.s32 s4;
	_ =	sdelay $0x1  }
0xa1: {  	s23 =	simm.s32 $0x1B8B  }
0xa2: {  	_ =	swait.ge [sflag:s23], $0x1  }
0xa3: {  	[sflag:s23] =	ssyncset.done $0x0  }
0xa4: {  	s25 =	simm.s32 $0x1B8E;
	s24 =	sld [smem:$0x3FFE];
	[sflag:s23] =	ssyncadd.s32 $0xFFFFFFFF  }
0xa5: {  	s26 =	simm.s32 $execute0_lowered;
	[smem:$0x3FD2] =	sst s25  }
0xa6: {  	s5 =	sshll.u32 s26, $0x1;
	_ =	strace $0x8000004C;
	[dreg:$0x1] =	wrdreg $0xFFFFFFFF  }
0xa7: {  	s28 =	simm.s32 $_size_execute0_lowered;
	s3 =	sadd.s32 s3, s5;
	[dreg:$0x0] =	wrdreg $0x0  }
0xa8: {  	s5 =	sshll.u32 s28, $0x1;
	[dreg:$0x2] =	wrdreg s3  }
0xa9: {  	[dreg:$0x3] =	wrdreg s5  }
0xaa: {  	[dreg:$0x4] =	wrdreg $0xC0  }
0xab: {  	_ =	task [dreg:s7], $0x5FFFF  }
0xac: {  	[dreg:$0x1] =	wrdreg $0xFFFFFFFF  }
0xad: {  	[dreg:$0x0] =	wrdreg $0x60  }
0xae: {  	[dreg:$0x2] =	wrdreg s2  }
0xaf: {  	[dreg:$0x3] =	wrdreg s24  }
0xb0: {  	[dreg:$0x4] =	wrdreg $0x9  }
0xb1: {  	_ =	task.clear_ibuf [dreg:s7], $0x5FFFF;
	_ =	strace $0x9000004C  }
0xb2: {  	s29 =	simm.s32 $0x9;
	_ =	strace $0x8000004E  }
0xb3: {  	_ =	swait.ge [sflag:s29], $0x1  }
0xb4: {  	[sflag:s29] =	ssyncadd.s32 $0xFFFFFFFF  }
0xb5: {  	_ =	strace $0x9000004E  }
0xb6: {  	_ =	sfence  }
0xb7: {  	s30 =	sld [smem:$0x0];
	_ =	sdelay $0x2  }
0xb8: {  	s31 =	sshll.u32 s1, $0xD;
	s1 =	sshrl.u32 s1, $0x2  }
0xb9: {  	s3 =	sand.u32 $0x4000, s31;
	s1 =	sadd.s32 s1, s30  }
0xba: {  	s0 =	sor.u32 s3, s0;
	s1 =	sshll.u32 s1, $0x11  }
0xbb: {  	s0 =	sor.u32 s1, s0  }
0xbc: {  	s0 =	sadd.s32 $0x8F2B, s0  }
0xbd: {  	[sflag:s0] =	ssyncadd.remote.s32 $0x1  }
0xbe: {  	_ =	sfence.sel $0xFFFF  }
0xbf: {  	[dreg:$0x0] =	wrdreg $0xFFFFFFFF;
	(pc) =	sbr.abs _section_cstart, $3  }
0xc0: {  	[dreg:$0x1] =	wrdreg $0xFFFFFFFF  }
0xc1: {  	_ =	task.clear_ibuf [dreg:s7], $0x2FFFF;
	_ =	strace $0x9FFFFFFF  }
0xc2: {  	(tm) =	ssettm $0x7FFFFFFF  }
0xc3: {  	_ =	shalt  }
tec
execute0_lowered:
.L_overlay_start_1:
0x0: {  	(tag) =	ssettag $0x1  }
0x1: {  	s1 =	rddreg [dreg:$0x1];
	s2 =	simm.s32 $0x0;
	s0 =	srdreg.scid  }
0x2: {  	s8 =	stileid.u32;
	[smem:$0x7FF] =	sst s2;
	s3 =	sadd.s32 $0x940000, s1  }
0x3: {  	s0 =	sand.u32 $0x1, s0;
	s5 =	sadd.s32 $0x937000, s1;
	s7 =	sadd.s32 $0x940800, s1  }
0x4: {  	s6 =	sadd.s32 $0x18000, s1;
	s24 =	sadd.s32 $0x941000, s1;
	s25 =	sadd.s32 $0x941800, s1  }
0x5: {  	s26 =	sadd.s32 $0x942000, s1;
	s9 =	sadd.s32 $0x943800, s1;
	s10 =	sadd.s32 $0x943000, s1  }
0x6: {  	s11 =	sadd.s32 $0x944000, s1;
	s15 =	sadd.s32 $0x944800, s1;
	s16 =	sadd.s32 $0x945000, s1  }
0x7: {  	s17 =	sadd.s32 $0x945800, s1;
	_ =	strace $0x8000004D;
	[dreg:$0x3] =	wrdreg s3  }
0x8: {  	s12 =	smul.u32 $0x1800, s8;
	s18 =	sadd.s32 $0x946000, s1;
	[dreg:$0x4] =	wrdreg s7  }
0x9: {  	s19 =	sadd.s32 $0x946800, s1;
	s20 =	sadd.s32 $0x947000, s1;
	[dreg:$0x5] =	wrdreg s24  }
0xa: {  	s22 =	sadd.s32 $0x947800, s1;
	s14 =	smul.u32 $0x30, s8;
	[dreg:$0x6] =	wrdreg s25  }
0xb: {  	s28 =	sadd.s32 $0x949800, s1;
	s29 =	sadd.s32 $0x94A800, s1;
	[dreg:$0x7] =	wrdreg s26  }
0xc: {  	s30 =	sadd.s32 $0x94A000, s1;
	s31 =	sadd.s32 $0x94B000, s1;
	[dreg:$0x9] =	wrdreg s9  }
0xd: {  	s8 =	simm.s32 $0x400;
	s23 =	ssub.s32 $0x2, s0;
	[dreg:$0xa] =	wrdreg s10  }
0xe: {  	s7 =	sadd.s32 $0x942800, s1;
	[dreg:$0xd] =	wrdreg s11;
	s13 =	smul.u32 $0xC00, s0  }
0xf: {  	s0 =	smul.u32 $0x18, s0;
	s24 =	sadd.s32 $0x948800, s1;
	s25 =	sadd.s32 $0x949000, s1  }
0x10: {  	s10 =	simm.s32 $0x0;
	s4 =	sshrl.u32 s23, $0x1;
	[dreg:$0x8] =	wrdreg s7  }
.Ltmp0:
0x11: {  	s7 =	simm.s32 $0x1;
	s3 =	ssub.s32 s23, s4;
	(pc) =	sbr.rel .LBB2_1-.Ltmp0, $4  }
0x12: {  	s4 =	sadd.s32 s12, s1;
	s23 =	sadd.s32 $0x948000, s1;
	s0 =	sadd.s32 s0, s14  }
0x13: {  	s21 =	sadd.s32 s13, s4;
	[dreg:$0xb] =	wrdreg s0;
	s0 =	sadd.s32 $0x94B800, s1  }
0x14: {  	v0 =	vimm.s32 $0x0;
	v1 =	vlaneseq.u32;
	s4 =	sadd.s32 $0x94C000, s1;
	s26 =	smax.u32 s3, $0x1;
	s1 =	simm.s32 $0x80  }
0x15: {  	vm0 =	vmmov $0xffff;
	vm1 =	vmmov $0xff;
	v1 =	vmul.u32 $0x8, v1;
	s3 =	simm.s32 $0x480;
	[dreg:$0xc] =	wrdreg s26;
	s26 =	simm.s32 $0x4  }
.LBB2_6:
0x16: {  	s10 =	rddreg [dreg:$0xe]  }
0x17: {  	s9 =	rddreg [dreg:$0xc];
	s10 =	sadd.s32 $0x1, s10  }
0x18: {  	p0 =	sne.s32 s10, s9  }
.Ltmp1:
0x19: {  	_ = 	snop;
	(pc) =	sbr.rel @!p0 .LBB2_7-.Ltmp1, $1  }
0x1a: {  	_ =	sdelay $0x3  }
.LBB2_1:
.Ltmp2:
0x1b: {  	(pc) =	sbr.rel .LBB2_2-.Ltmp2, $3  }
0x1c: {  	_ =	sdelay $0x1  }
0x1d: {  	[dreg:$0xe] =	wrdreg s10  }
0x1e: {  	s9 =	rddreg [dreg:$0xb];
	s10 =	simm.s32 $0x0  }
.LBB2_4:
0x1f: {  	s12 =	smul.u32 $0x62000, s12;
	_ =	sdelay $0x1  }
0x20: {  	s11 =	sor.u32 s11, s12  }
0x21: {  	s14 =	rddreg [dreg:$0x0];
	s11 =	sshrl.u32 s11, $0x3  }
0x22: {  	s13 =	simm.s32 $0xC880;
	s12 =	sadd.s32 s14, s11  }
0x23: {  	[tilespmem:s13], [sflag:$0x4] =	stream.strided.gather [hbm4b:s12+s1], $0xC400, s8, s1, $0x38;
	[tilespmem:$0x18C80] =	vst v63  }
0x24: {  	_ =	swait.ge [sflag:s26], $0xC400  }
0x25: {  	[sflag:s26] =	ssyncset.done $0x0  }
0x26: {  	s11 =	sadd.s32 s6, s11;
	[sflag:s26] =	ssyncadd.s32 $0xFFFF3C00  }
0x27: {  	[hbm4b:s11+s1] =	stream.strided.scatter [tilespmem:s13], [sflag:$0x3], $0xC400, s8, s1, $0x38;
	[tilespmem:$0x18C80] =	vst v63  }
0x28: {  	s11 =	simm.s32 $0x3  }
.LBB2_5:
0x29: {  	s10 =	sadd.s32 $0x80, s10  }
0x2a: {  	p0 =	sne.s32 s10, $0xC00  }
.Ltmp3:
0x2b: {  	_ = 	snop;
	(pc) =	sbr.rel @!p0 .LBB2_6-.Ltmp3, $4  }
0x2c: {  	_ = 	snop  }
0x2d: {  	_ =	swait.ge [sflag:s11], $0xC400  }
0x2e: {  	[sflag:s11] =	ssyncset.done $0x0  }
0x2f: {  	s9 =	sadd.s32 $0x1, s9;
	[sflag:s11] =	ssyncadd.s32 $0xFFFF3C00  }
.LBB2_2:
0x30: {  	s12 =	sshrl.u32 s9, $0x3  }
0x31: {  	s11 =	sand.u32 $0x380, s10;
	s13 =	sshll.u32 s12, $0xA  }
0x32: {  	s13 =	sor.u32 s11, s13  }
0x33: {  	s13 =	sshrl.u32 s13, $0x3  }
0x34: {  	s13 =	sadd.s32 s5, s13  }
0x35: {  	[tilespmem:s2], [sflag:$0x4] =	stream.linear.gather [hbm4b:s13+s2], $0x80, $0x38;
	[tilespmem:$0x18C80] =	vst v63  }
0x36: {  	_ =	swait.ge [sflag:s26], $0x80  }
0x37: {  	[sflag:s26] =	ssyncset.done $0x0  }
0x38: {  	[sflag:s26] =	ssyncadd.s32 $0xFFFFFF80  }
0x39: {  	v2 =	vld [tilespmem:$0x0];
	_ =	sdelay $0x4  }
0x3a: {  	vm2 =	vlt.f32 v2, $0.0e+00;
	vm3 =	vgt.f32 v2, $0.0e+00  }
0x3b: {  	vm2 =	vmor vm3, vm2  }
0x3c: {  	v2 =	vsel vm2, $0x1, v0  }
0x3d: {  	(xrf0) =	vadd.scan.msk.s32 $0xffff, v2;
	_ =	sdelay $0x5  }
0x3e: {  	v2, _, _ =	vpop (xrf0)  }
0x3f: {  	(v2sf) =	vpush v2, $0xF;
	_ =	sdelay $0xe  }
0x40: {  	s14 =	spop (v2sf)  }
0x41: {  	p0 =	slt.s32 s14, $0x1  }
.Ltmp4:
0x42: {  	_ = 	snop;
	(pc) =	sbr.rel @p0 .LBB2_4-.Ltmp4, $1  }
0x43: {  	_ =	sdelay $0x3  }
0x44: {  	s13 =	sadd.s32 s10, s21  }
0x45: {  	[tilespmem:s1], [sflag:$0x4] =	stream.linear.gather [hbm4b:s13+s2], $0x400, $0x38;
	[tilespmem:$0x18C80] =	vst v63  }
0x46: {  	_ =	swait.ge [sflag:s26], $0x400  }
0x47: {  	[sflag:s26] =	ssyncset.done $0x0  }
0x48: {  	[sflag:s26] =	ssyncadd.s32 $0xFFFFFC00  }
0x49: {  	v2 =	vld.msk [tilespmem:$0x80], $0x1;
	_ =	sdelay $0x4  }
0x4a: {  	v3 =	vshrl.u32 v2, $0x3  }
0x4b: {  	v3 =	vmul.u32 $0xC40, v3  }
0x4c: {  	v2 =	vand.u32 $0x7, v2  }
0x4d: {  	v2 =	vor.u32 v2, v3  }
0x4e: {  	v2 =	vperm.xlane v2, v0;
	_ =	sdelay $0x1  }
0x4f: {  	v2 =	vadd.s32 v1, v2;
	_ =	sdelay $0x3  }
0x50: {  	s14 =	rddreg [dreg:$0x3]  }
0x51: {  	[tilespmem:s3], [sflag:$0x1] =	stream.indirect_vreg.gather [hbm4b:s14+s2], $0x80, v2, vm0, $0xb8;
	[tilespmem:$0x18C80] =	vst v63  }
0x52: {  	s13 =	rddreg [dreg:$0x4];
	s14 =	simm.s32 $0xC80  }
0x53: {  	[tilespmem:s14], [sflag:$0x1] =	stream.indirect_vreg.gather [hbm4b:s13+s2], $0x80, v2, vm0, $0xb8;
	[tilespmem:$0x18C80] =	vst v63  }
0x54: {  	s13 =	rddreg [dreg:$0x5];
	s14 =	simm.s32 $0x1480  }
0x55: {  	[tilespmem:s14], [sflag:$0x1] =	stream.indirect_vreg.gather [hbm4b:s13+s2], $0x80, v2, vm0, $0xb8;
	[tilespmem:$0x18C80] =	vst v63  }
0x56: {  	s13 =	rddreg [dreg:$0x6];
	s14 =	simm.s32 $0x1C80  }
0x57: {  	[tilespmem:s14], [sflag:$0x1] =	stream.indirect_vreg.gather [hbm4b:s13+s2], $0x80, v2, vm0, $0xb8;
	[tilespmem:$0x18C80] =	vst v63  }
0x58: {  	s13 =	rddreg [dreg:$0x7];
	s14 =	simm.s32 $0x2480  }
0x59: {  	[tilespmem:s14], [sflag:$0x1] =	stream.indirect_vreg.gather [hbm4b:s13+s2], $0x80, v2, vm0, $0xb8;
	[tilespmem:$0x18C80] =	vst v63  }
0x5a: {  	s13 =	rddreg [dreg:$0x8];
	s14 =	simm.s32 $0x2C80  }
0x5b: {  	[tilespmem:s14], [sflag:$0x1] =	stream.indirect_vreg.gather [hbm4b:s13+s2], $0x80, v2, vm0, $0xb8;
	[tilespmem:$0x18C80] =	vst v63  }
0x5c: {  	s13 =	rddreg [dreg:$0xa];
	s14 =	simm.s32 $0x3480  }
0x5d: {  	[tilespmem:s14], [sflag:$0x1] =	stream.indirect_vreg.gather [hbm4b:s13+s2], $0x80, v2, vm0, $0xb8;
	[tilespmem:$0x18C80] =	vst v63  }
0x5e: {  	s13 =	rddreg [dreg:$0x9];
	s14 =	simm.s32 $0x3C80  }
0x5f: {  	[tilespmem:s14], [sflag:$0x1] =	stream.indirect_vreg.gather [hbm4b:s13+s2], $0x80, v2, vm0, $0xb8;
	[tilespmem:$0x18C80] =	vst v63  }
0x60: {  	s13 =	rddreg [dreg:$0xd];
	s14 =	simm.s32 $0x4480  }
0x61: {  	[tilespmem:s14], [sflag:$0x1] =	stream.indirect_vreg.gather [hbm4b:s13+s2], $0x80, v2, vm0, $0xb8;
	[tilespmem:$0x18C80] =	vst v63  }
0x62: {  	s14 =	simm.s32 $0x4C80  }
0x63: {  	[tilespmem:s14], [sflag:$0x1] =	stream.indirect_vreg.gather [hbm4b:s15+s2], $0x80, v2, vm0, $0xb8;
	[tilespmem:$0x18C80] =	vst v63  }
0x64: {  	s14 =	simm.s32 $0x5480  }
0x65: {  	[tilespmem:s14], [sflag:$0x1] =	stream.indirect_vreg.gather [hbm4b:s16+s2], $0x80, v2, vm0, $0xb8;
	[tilespmem:$0x18C80] =	vst v63  }
0x66: {  	s14 =	simm.s32 $0x5C80  }
0x67: {  	[tilespmem:s14], [sflag:$0x1] =	stream.indirect_vreg.gather [hbm4b:s17+s2], $0x80, v2, vm0, $0xb8;
	[tilespmem:$0x18C80] =	vst v63  }
0x68: {  	s14 =	simm.s32 $0x6480  }
0x69: {  	[tilespmem:s14], [sflag:$0x1] =	stream.indirect_vreg.gather [hbm4b:s18+s2], $0x80, v2, vm0, $0xb8;
	[tilespmem:$0x18C80] =	vst v63  }
0x6a: {  	s14 =	simm.s32 $0x6C80  }
0x6b: {  	[tilespmem:s14], [sflag:$0x1] =	stream.indirect_vreg.gather [hbm4b:s19+s2], $0x80, v2, vm0, $0xb8;
	[tilespmem:$0x18C80] =	vst v63  }
0x6c: {  	s14 =	simm.s32 $0x7480  }
0x6d: {  	[tilespmem:s14], [sflag:$0x1] =	stream.indirect_vreg.gather [hbm4b:s20+s2], $0x80, v2, vm0, $0xb8;
	[tilespmem:$0x18C80] =	vst v63  }
0x6e: {  	s14 =	simm.s32 $0x7C80  }
0x6f: {  	[tilespmem:s14], [sflag:$0x1] =	stream.indirect_vreg.gather [hbm4b:s22+s2], $0x80, v2, vm0, $0xb8;
	[tilespmem:$0x18C80] =	vst v63  }
0x70: {  	s14 =	simm.s32 $0x8480  }
0x71: {  	[tilespmem:s14], [sflag:$0x1] =	stream.indirect_vreg.gather [hbm4b:s23+s2], $0x80, v2, vm0, $0xb8;
	[tilespmem:$0x18C80] =	vst v63  }
0x72: {  	s14 =	simm.s32 $0x8C80  }
0x73: {  	[tilespmem:s14], [sflag:$0x1] =	stream.indirect_vreg.gather [hbm4b:s24+s2], $0x80, v2, vm0, $0xb8;
	[tilespmem:$0x18C80] =	vst v63  }
0x74: {  	s14 =	simm.s32 $0x9480  }
0x75: {  	[tilespmem:s14], [sflag:$0x1] =	stream.indirect_vreg.gather [hbm4b:s25+s2], $0x80, v2, vm0, $0xb8;
	[tilespmem:$0x18C80] =	vst v63  }
0x76: {  	s14 =	simm.s32 $0x9C80  }
0x77: {  	[tilespmem:s14], [sflag:$0x1] =	stream.indirect_vreg.gather [hbm4b:s28+s2], $0x80, v2, vm0, $0xb8;
	[tilespmem:$0x18C80] =	vst v63  }
0x78: {  	s14 =	simm.s32 $0xA480  }
0x79: {  	[tilespmem:s14], [sflag:$0x1] =	stream.indirect_vreg.gather [hbm4b:s30+s2], $0x80, v2, vm0, $0xb8;
	[tilespmem:$0x18C80] =	vst v63  }
0x7a: {  	s14 =	simm.s32 $0xAC80  }
0x7b: {  	[tilespmem:s14], [sflag:$0x1] =	stream.indirect_vreg.gather [hbm4b:s29+s2], $0x80, v2, vm0, $0xb8;
	[tilespmem:$0x18C80] =	vst v63  }
0x7c: {  	s14 =	simm.s32 $0xB480  }
0x7d: {  	[tilespmem:s14], [sflag:$0x1] =	stream.indirect_vreg.gather [hbm4b:s31+s2], $0x80, v2, vm0, $0xb8;
	[tilespmem:$0x18C80] =	vst v63  }
0x7e: {  	s14 =	simm.s32 $0xBC80  }
0x7f: {  	[tilespmem:s14], [sflag:$0x1] =	stream.indirect_vreg.gather [hbm4b:s0+s2], $0x80, v2, vm0, $0xb8;
	[tilespmem:$0x18C80] =	vst v63  }
0x80: {  	s12 =	smul.u32 $0x62000, s12;
	s14 =	simm.s32 $0xC480  }
0x81: {  	[tilespmem:s14], [sflag:$0x1] =	stream.indirect_vreg.gather [hbm4b:s4+s2], $0x80, v2, vm1, $0xb8;
	[tilespmem:$0x18C80] =	vst v63  }
.Ltmp5:
0x82: {  	s11 =	sor.u32 s11, s12;
	_ =	swait.ge [sflag:s7], $0xC400;
	(pc) =	sbr.rel .LBB2_5-.Ltmp5, $4  }
0x83: {  	s11 =	sshrl.u32 s11, $0x3;
	[sflag:s7] =	ssyncset.done $0x0  }
0x84: {  	s11 =	sadd.s32 s6, s11;
	[sflag:s7] =	ssyncadd.s32 $0xFFFF3C00  }
0x85: {  	[hbm4b:s11+s1] =	stream.strided.scatter [tilespmem:s3], [sflag:$0x2], $0xC400, s8, s1, $0x38;
	[tilespmem:$0x18C80] =	vst v63  }
0x86: {  	s11 =	simm.s32 $0x2  }
.LBB2_7:
0x87: {  	_ =	sfence.sel $0x180000  }
0x88: {  	[bflag:$0x0] =	sbarrier.arrive $0xFFFF  }
0x89: {  	_ =	strace $0x9000004D  }
0x8a: {  	s0 =	stileid.u32;
	[bflag:$0x2] =	sbarrier.arrive $0xFFFF  }
0x8b: {  	p0 =	sne.s32 s0, $0x0;
	s0 =	rddreg [dreg:$0x2]  }
0x8c: {  	s0 =	sadd.s32 @!p0 $0x100000, s0  }
0x8d: {  	[sflag:s0] =	ssyncadd.tile.s32 @!p0 $0x1;
	_ =	shalt  }
.Lfunc_end2:
_tile_overlayer_lowered:
.L_overlay_start_2:
0x8e: {  	(tag) =	ssettag $0x2  }
0x8f: {  	s0 =	rddreg [dreg:$0x0];
	s2 =	stileid.u32  }
0x90: {  	s1 =	rddreg [dreg:$0x1];
	p0 =	sne.s32 s2, $0x0  }
0x91: {  	s3 =	rddreg [dreg:$0x2];
	[bflag:$0x3] =	sbarrier.arrive $0xFFFF;
	s2 =	simm.s32 @!p0 $0x1C02  }
0x92: {  	[timem:s3], [sflag:s2] =	dma.local @!p0 [hbm:s0], s1  }
0x93: {  	s0 =	simm.s32 @!p0 $0x2  }
0x94: {  	_ =	swait.ge @!p0 [sflag:s0], s1  }
0x95: {  	s1 =	ssub.s32 @!p0 $0x0, s1;
	[sflag:s0] =	ssyncset.done @!p0 $0x0  }
0x96: {  	[sflag:s0] =	ssyncadd.s32 @!p0 s1  }
0x97: {  	[bflag:$0x3] =	sbarrier.arrive $0xFFFF  }
0x98: {  	_ =	shalt  }

// kernel: kernel.5.cloned.1.call-start
scs
__scs_entry_jumppad:
0x0: {  	(pc) =	sbr.rel $0x88, $3  }
0x1: {  	(tag) =	ssettag $0x0;
	lr =	simm.s32 $0x1  }
0x2: {  	[smem:$0x3F9F] =	sst lr;
	_ =	strace $0xD0000000  }
0x3: {  	_ = 	snop  }
0x4: {  	_ = 	snop  }
0x5: {  	_ = 	snop  }
0x6: {  	_ = 	snop  }
0x7: {  	_ = 	snop  }
__scs_overlays_trampoline_lowered:
0x8: {  	[smem:$0x3FAE] =	sst s0  }
0x9: {  	[smem:$0x3FAF] =	sst s1  }
0xa: {  	[smem:$0x3FB0] =	sst s2  }
0xb: {  	[smem:$0x3FB1] =	sst s3  }
0xc: {  	[smem:$0x3FB2] =	sst s4  }
0xd: {  	[smem:$0x3FB3] =	sst s5  }
0xe: {  	[smem:$0x3FB4] =	sst s6  }
0xf: {  	[smem:$0x3FB5] =	sst s7  }
0x10: {  	[smem:$0x3FB6] =	sst s8  }
0x11: {  	[smem:$0x3FB7] =	sst s9;
	s0 =	simm.s32 @!p0 $0x0  }
0x12: {  	s1 =	sld [smem:$0x3F9D];
	s0 =	simm.s32 @p0 $0x1  }
0x13: {  	[smem:$0x3FB8] =	sst s0;
	s0 =	simm.s32 @!p1 $0x0  }
0x14: {  	s2 =	sld [smem:$0x3F9C];
	s0 =	simm.s32 @p1 $0x1  }
0x15: {  	[smem:$0x3FB9] =	sst s0;
	s0 =	simm.s32 @!p2 $0x0  }
0x16: {  	s3 =	sld [smem:$0x3FDB];
	s0 =	simm.s32 @p2 $0x1  }
0x17: {  	s4 =	simm.s32 $0x1BF5;
	[smem:$0x3FBB] =	sst s0  }
0x18: {  	s0 =	sld [smem:$0x3F9E];
	_ =	swait.ge [sflag:s4], $0x0  }
0x19: {  	s7 =	sld [smem:$0x3F9F]  }
0x1a: {  	s8 =	sadd.s32 $0xFFFFE003, lr  }
0x1b: {  	s9 =	sadd.s32 $0xFFFFFEF7, lr;
	s5 =	simm.s32 $0xFFFFFFFF;
	p2 =	slt.u32 s8, $0xFFFFF086  }
0x1c: {  	p1 =	slt.u32 s9, $0xF7A;
	s5 =	simm.s32 @!p2 $0x0  }
0x1d: {  	s5 =	simm.s32 @p1 $0x1;
	p0 =	seq.s32 s7, s2  }
0x1e: {  	s7 =	smul.u32 @!p0 $0xF7A, s2;
	p2 =	seq.s32 @!p0 s5, $0x0  }
0x1f: {  	s9 =	smul.u32 $0xF7A, s1;
	s8 =	simm.s32 @!p0 $0x1BF5;
	p2 =	por !p2, p0  }
0x20: {  	[sflag:s8] =	ssyncset.s32 @!p0 $0xFFFFF086;
	s6 =	sadd.s32 @!p0 s3, s7;
	s7 =	simm.s32 @!p0 $0x108  }
0x21: {  	s3 =	sadd.s32 s3, s9;
	s6 =	sadd.s32 @!p0 $0x88, s6;
	s7 =	simm.s32 @p2 $0x1082  }
0x22: {  	[simem:s7], [sflag:s8] =	dma.local @!p0 [hbm:s6], $0xF7A  }
0x23: {  	s9 =	sor.u32 $0xD0000000, s2;
	s6 =	simm.s32 $0x108;
	_ =	swait.ge @!p0 [sflag:s8], $0x0  }
0x24: {  	s3 =	sadd.s32 $0x88, s3;
	s6 =	simm.s32 @!p1 $0x1082;
	[sflag:s4] =	ssyncset.s32 $0xFFFFF086  }
0x25: {  	[simem:s6], [sflag:s4] =	dma.local [hbm:s3], $0xF7A  }
0x26: {  	[smem:$0x3F9F] =	sst s1;
	(tag) =	ssettag s2;
	_ =	strace s9  }
0x27: {  	s1 =	sld [smem:$0x3FAF]  }
0x28: {  	s2 =	sld [smem:$0x3FB0]  }
0x29: {  	s4 =	sld [smem:$0x3FB2]  }
0x2a: {  	p0 =	seq.s32 s5, $0x0;
	s5 =	sld [smem:$0x3FB3]  }
0x2b: {  	s6 =	sld [smem:$0x3FB4]  }
0x2c: {  	s7 =	sld [smem:$0x3FB5]  }
0x2d: {  	s3 =	simm.s32 $0x108;
	s8 =	sld [smem:$0x3FB6]  }
0x2e: {  	s3 =	simm.s32 @!p0 $0x1082;
	s9 =	sld [smem:$0x3FB7]  }
0x2f: {  	lr =	sadd.s32 s0, s3;
	s0 =	sld [smem:$0x3FAE]  }
0x30: {  	s3 =	sld [smem:$0x3FB1]  }
0x31: {  	[smem:$0x3FBA] =	sst s10  }
0x32: {  	s10 =	sld [smem:$0x3FB8];
	_ =	sdelay $0x3  }
0x33: {  	p0 =	seq.s32 s10, $0x1;
	s10 =	sld [smem:$0x3FBA];
	_ =	sdelay $0x3  }
0x34: {  	[smem:$0x3FBA] =	sst s10  }
0x35: {  	s10 =	sld [smem:$0x3FB9];
	_ =	sdelay $0x3  }
0x36: {  	p1 =	seq.s32 s10, $0x1;
	s10 =	sld [smem:$0x3FBA];
	_ =	sdelay $0x3  }
0x37: {  	[smem:$0x3FBA] =	sst s10  }
0x38: {  	s10 =	sld [smem:$0x3FBB]  }
0x39: {  	_ = 	snop;
	(pc) =	sbr.ind lr, $3  }
0x3a: {  	_ = 	snop  }
0x3b: {  	_ = 	snop  }
0x3c: {  	p2 =	seq.s32 s10, $0x1;
	s10 =	sld [smem:$0x3FBA]  }
0x3d: {  	_ =	shalt  }
0x3e: {  	_ =	shalt  }
0x3f: {  	_ =	shalt  }
0x40: {  	_ =	shalt  }
0x41: {  	_ =	shalt  }
0x42: {  	_ =	shalt  }
0x43: {  	_ =	shalt  }
0x44: {  	_ =	shalt  }
0x45: {  	_ =	shalt  }
0x46: {  	_ =	shalt  }
0x47: {  	_ =	shalt  }
0x48: {  	_ =	shalt  }
0x49: {  	_ =	shalt  }
0x4a: {  	_ =	shalt  }
0x4b: {  	_ =	shalt  }
0x4c: {  	_ =	shalt  }
0x4d: {  	_ =	shalt  }
0x4e: {  	_ =	shalt  }
0x4f: {  	_ =	shalt  }
0x50: {  	_ =	shalt  }
0x51: {  	_ =	shalt  }
0x52: {  	_ =	shalt  }
0x53: {  	_ =	shalt  }
0x54: {  	_ =	shalt  }
0x55: {  	_ =	shalt  }
0x56: {  	_ =	shalt  }
0x57: {  	_ =	shalt  }
0x58: {  	_ =	shalt  }
0x59: {  	_ =	shalt  }
0x5a: {  	_ =	shalt  }
0x5b: {  	_ =	shalt  }
0x5c: {  	_ =	shalt  }
0x5d: {  	_ =	shalt  }
0x5e: {  	_ =	shalt  }
0x5f: {  	_ =	shalt  }
0x60: {  	_ =	shalt  }
0x61: {  	_ =	shalt  }
0x62: {  	_ =	shalt  }
0x63: {  	_ =	shalt  }
0x64: {  	_ =	shalt  }
0x65: {  	_ =	shalt  }
0x66: {  	_ =	shalt  }
0x67: {  	_ =	shalt  }
0x68: {  	_ =	shalt  }
0x69: {  	_ =	shalt  }
0x6a: {  	_ =	shalt  }
0x6b: {  	_ =	shalt  }
0x6c: {  	_ =	shalt  }
0x6d: {  	_ =	shalt  }
0x6e: {  	_ =	shalt  }
0x6f: {  	_ =	shalt  }
0x70: {  	_ =	shalt  }
0x71: {  	_ =	shalt  }
0x72: {  	_ =	shalt  }
0x73: {  	_ =	shalt  }
0x74: {  	_ =	shalt  }
0x75: {  	_ =	shalt  }
0x76: {  	_ =	shalt  }
0x77: {  	_ =	shalt  }
0x78: {  	_ =	shalt  }
0x79: {  	_ =	shalt  }
0x7a: {  	_ =	shalt  }
0x7b: {  	_ =	shalt  }
0x7c: {  	_ =	shalt  }
0x7d: {  	_ =	shalt  }
0x7e: {  	_ =	shalt  }
0x7f: {  	_ =	shalt  }
0x80: {  	_ =	shalt  }
0x81: {  	_ =	shalt  }
0x82: {  	_ =	shalt  }
0x83: {  	_ =	shalt  }
0x84: {  	_ =	shalt  }
0x85: {  	_ =	shalt  }
0x86: {  	_ =	shalt  }
0x87: {  	_ =	shalt  }
.Lfunc_end0:
.L_simem_size_0:
called_computation_lowered:
.L_overlay_start_0:
0x88: {  	s2 =	sld [smem:$0x3FD9]  }
0x89: {  	s3 =	sld [smem:$0x3FFE];
	_ =	sdelay $0x1  }
0x8a: {  	s1 =	srdreg.scid  }
0x8b: {  	s0 =	sand.u32 $0x1, s1  }
0x8c: {  	s17 =	sshll.u32 s0, $0xA;
	s2 =	sadd.s32 s3, s2  }
0x8d: {  	s2 =	sadd.s32 s2, s17  }
0x8e: {  	[smem:$0x3FC6] =	sst s2  }
0x8f: {  	_ = 	snop  }
0x90: {  	s2 =	sld [smem:$0x3FD0];
	(tm) =	ssettm $0x1  }
0x91: {  	s18 =	sld [smem:$0x3FFB];
	_ =	sdelay $0x3  }
0x92: {  	_ =	strace s18  }
0x93: {  	s3 =	sld [smem:$0x3FFC];
	_ =	sdelay $0x3  }
0x94: {  	_ =	strace s3  }
0x95: {  	s3 =	sld [smem:$0x3FFD];
	_ =	sdelay $0x3  }
0x96: {  	_ =	strace s3  }
0x97: {  	_ =	strace $0x8FFFFFFF  }
0x98: {  	s19 =	sld [smem:$0x3FDB];
	_ =	sdelay $0x1  }
0x99: {  	s4 =	simm.s32 $_scs_section_size  }
0x9a: {  	s5 =	simm.s32 $_size__tile_overlayer_lowered;
	s6 =	simm.s32 $_tile_overlayer_lowered  }
0x9b: {  	s22 =	simm.s32 $0x1BFF;
	s21 =	sshll.u32 s6, $0x1;
	s3 =	sadd.s32 s4, s19  }
0x9c: {  	s7 =	simm.s32 $0x0;
	s20 =	sshll.u32 s5, $0x1;
	s5 =	sadd.s32 s21, s3  }
0x9d: {  	[timem:s7], [sflag:s22] =	dma.local [hbm:s5], s20  }
0x9e: {  	_ =	swait.ge [sflag:s22], s20  }
0x9f: {  	s4 =	ssub.s32 $0x0, s20;
	[sflag:s22] =	ssyncset.done $0x0  }
0xa0: {  	[sflag:s22] =	ssyncadd.s32 s4;
	_ =	sdelay $0x1  }
0xa1: {  	s23 =	simm.s32 $0x1B8B  }
0xa2: {  	_ =	swait.ge [sflag:s23], $0x1  }
0xa3: {  	[sflag:s23] =	ssyncset.done $0x0  }
0xa4: {  	s25 =	simm.s32 $0x1B8E;
	s24 =	sld [smem:$0x3FFE];
	[sflag:s23] =	ssyncadd.s32 $0xFFFFFFFF  }
0xa5: {  	s26 =	simm.s32 $execute0_lowered;
	[smem:$0x3FD2] =	sst s25  }
0xa6: {  	s5 =	sshll.u32 s26, $0x1;
	_ =	strace $0x80000046;
	[dreg:$0x1] =	wrdreg $0xFFFFFFFF  }
0xa7: {  	s28 =	simm.s32 $_size_execute0_lowered;
	s3 =	sadd.s32 s3, s5;
	[dreg:$0x0] =	wrdreg $0x0  }
0xa8: {  	s5 =	sshll.u32 s28, $0x1;
	[dreg:$0x2] =	wrdreg s3  }
0xa9: {  	[dreg:$0x3] =	wrdreg s5  }
0xaa: {  	[dreg:$0x4] =	wrdreg $0xC0  }
0xab: {  	_ =	task [dreg:s7], $0x5FFFF  }
0xac: {  	[dreg:$0x1] =	wrdreg $0xFFFFFFFF  }
0xad: {  	[dreg:$0x0] =	wrdreg $0x60  }
0xae: {  	[dreg:$0x2] =	wrdreg s24  }
0xaf: {  	[dreg:$0x3] =	wrdreg s2  }
0xb0: {  	[dreg:$0x4] =	wrdreg $0x9  }
0xb1: {  	_ =	task.clear_ibuf [dreg:s7], $0x5FFFF;
	_ =	strace $0x90000046  }
0xb2: {  	s29 =	simm.s32 $0x9;
	_ =	strace $0x80000048  }
0xb3: {  	_ =	swait.ge [sflag:s29], $0x1  }
0xb4: {  	[sflag:s29] =	ssyncadd.s32 $0xFFFFFFFF  }
0xb5: {  	_ =	strace $0x90000048  }
0xb6: {  	_ =	sfence  }
0xb7: {  	s30 =	sld [smem:$0x0];
	_ =	sdelay $0x2  }
0xb8: {  	s31 =	sshll.u32 s1, $0xD;
	s1 =	sshrl.u32 s1, $0x2  }
0xb9: {  	s3 =	sand.u32 $0x4000, s31;
	s1 =	sadd.s32 s1, s30  }
0xba: {  	s0 =	sor.u32 s3, s0;
	s1 =	sshll.u32 s1, $0x11  }
0xbb: {  	s0 =	sor.u32 s1, s0  }
0xbc: {  	s0 =	sadd.s32 $0x8F2B, s0  }
0xbd: {  	[sflag:s0] =	ssyncadd.remote.s32 $0x1  }
0xbe: {  	_ =	sfence.sel $0xFFFF  }
0xbf: {  	[dreg:$0x0] =	wrdreg $0xFFFFFFFF;
	(pc) =	sbr.abs _section_cstart, $3  }
0xc0: {  	[dreg:$0x1] =	wrdreg $0xFFFFFFFF  }
0xc1: {  	_ =	task.clear_ibuf [dreg:s7], $0x2FFFF;
	_ =	strace $0x9FFFFFFF  }
0xc2: {  	(tm) =	ssettm $0x7FFFFFFF  }
0xc3: {  	_ =	shalt  }
tec
execute0_lowered:
.L_overlay_start_1:
0x0: {  	(tag) =	ssettag $0x1  }
0x1: {  	s0 =	rddreg [dreg:$0x0]  }
0x2: {  	s1 =	rddreg [dreg:$0x1];
	s3 =	srdreg.scid  }
0x3: {  	s5 =	stileid.u32;
	s2 =	simm.s32 $0x0;
	s14 =	simm.s32 $0x1  }
0x4: {  	s16 =	simm.s32 $0x19800;
	s17 =	simm.s32 $0x1A000;
	s18 =	simm.s32 $0x1A800  }
0x5: {  	s19 =	simm.s32 $0x1B000;
	s20 =	simm.s32 $0x18800;
	s21 =	simm.s32 $0xC400  }
0x6: {  	s22 =	simm.s32 $0x80;
	s23 =	simm.s32 $0x400;
	s4 =	sand.u32 $0x1, s3  }
0x7: {  	s26 =	sshll.u32 s5, $0x1;
	[smem:$0x7FF] =	sst s2;
	s6 =	sadd.s32 $0x498E00, s0  }
0x8: {  	s9 =	sadd.s32 $0x1E00, s0;
	s10 =	sadd.s32 $0x2600, s0;
	s3 =	sor.u32 s4, s26  }
0x9: {  	_ =	strace $0x80000047;
	s28 =	ssub.s32 $0x2, s4;
	s7 =	smul.u32 $0x180, s3  }
.Ltmp0:
0xa: {  	s4 =	sadd.s32 $0xE00, s0;
	s29 =	sshll.u32 s3, $0x7;
	(pc) =	sbr.rel .LBB2_1-.Ltmp0, $4  }
0xb: {  	[dreg:$0x3] =	wrdreg s6;
	s8 =	sshrl.u32 s28, $0x1;
	s30 =	sand.u32 $0x380, s29  }
0xc: {  	vm0 =	vmmov $0x1;
	v0 =	vlaneseq.u32;
	s5 =	ssub.s32 s28, s8;
	s1 =	sadd.s32 s1, s7;
	[dreg:$0x5] =	wrdreg s30  }
0xd: {  	v1 =	vimm.s32 $0x0;
	vm1 =	vmmov $0xffff;
	v4 =	vimm.s32 $0x1;
	s6 =	sadd.s32 $0x499000, s0;
	s31 =	smax.u32 s5, $0x1;
	[dreg:$0x4] =	wrdreg s1  }
0xe: {  	v5 =	vimm.s32 $0x80000000;
	v2 =	vmul.u32 $0x8, v0;
	v3 =	vmul.u32 $0xC40, v0;
	s8 =	sadd.s32 $0x1600, s0;
	[dreg:$0x6] =	wrdreg s31;
	s1 =	simm.s32 $0x0  }
.LBB2_45:
0xf: {  	s1 =	rddreg [dreg:$0x7]  }
0x10: {  	s0 =	rddreg [dreg:$0x6];
	s1 =	sadd.s32 $0x1, s1  }
0x11: {  	p0 =	sne.s32 s1, s0  }
.Ltmp1:
0x12: {  	_ = 	snop;
	(pc) =	sbr.rel @!p0 .LBB2_46-.Ltmp1, $1  }
0x13: {  	_ =	sdelay $0x3  }
.LBB2_1:
0x14: {  	[dreg:$0x7] =	wrdreg s1  }
0x15: {  	s0 =	rddreg [dreg:$0x4];
	s28 =	simm.s32 $0x1B080  }
0x16: {  	[tilespmem:s28], [sflag:$0x1] =	stream.linear.gather [hbm4b:s0+s2], $0xC00, $0x38;
	[tilespmem:$0x1BD00] =	vst v63  }
0x17: {  	_ =	swait.ge [sflag:s14], $0xC00  }
0x18: {  	[sflag:s14] =	ssyncset.done $0x0  }
0x19: {  	s30 =	simm.s32 $0x1BC80;
	s29 =	rddreg [dreg:$0x3];
	[sflag:s14] =	ssyncadd.s32 $0xFFFFF400  }
0x1a: {  	[tilespmem:s30], [sflag:$0x1] =	stream.linear.gather [hbm4b:s29+s2], $0x80, $0x38;
	[tilespmem:$0x1BD00] =	vst v63  }
0x1b: {  	_ =	swait.ge [sflag:s14], $0x80  }
0x1c: {  	[sflag:s14] =	ssyncset.done $0x0  }
0x1d: {  	[sflag:s14] =	ssyncadd.s32 $0xFFFFFF80  }
0x1e: {  	v6 =	vld [tilespmem:$0x1BC80];
	_ =	sdelay $0x4  }
0x1f: {  	v6 =	vxor.u32 $0x80000000, v6  }
0x20: {  	(xrf0) =	vmax.scan.msk.u32 $0xffff, v6;
	_ =	sdelay $0x5  }
0x21: {  	v6, _, _ =	vpop (xrf0)  }
0x22: {  	(v2sf) =	vpush v6, $0xF;
	_ =	sdelay $0xb  }
.Ltmp2:
0x23: {  	_ = 	snop;
	(pc) =	sbr.rel .LBB2_2-.Ltmp2, $3  }
0x24: {  	_ =	sdelay $0x1  }
0x25: {  	s31 =	spop (v2sf)  }
0x26: {  	s26 =	simm.s32 $0x0;
	s25 =	sxor.u32 $0x80000000, s31  }
.LBB2_44:
0x27: {  	s26 =	sadd.s32 $0x1, s26  }
0x28: {  	p0 =	sne.s32 s26, $0x18  }
.Ltmp3:
0x29: {  	_ = 	snop;
	(pc) =	sbr.rel @!p0 .LBB2_45-.Ltmp3, $1  }
0x2a: {  	_ =	sdelay $0x3  }
.LBB2_2:
0x2b: {  	s0 =	sshll.u32 s26, $0x5  }
0x2c: {  	s28 =	sor.u32 s3, s0  }
0x2d: {  	p0 =	sge.s32 s28, s25  }
.Ltmp4:
0x2e: {  	_ = 	snop;
	(pc) =	sbr.rel @p0 .LBB2_44-.Ltmp4, $1  }
0x2f: {  	_ =	sdelay $0x3  }
0x30: {  	s0 =	sshll.u32 s26, $0x7  }
0x31: {  	s0 =	sand.u32 $0x3FFFFF80, s0  }
0x32: {  	s0 =	sadd.s32 $0x1B080, s0  }
0x33: {  	s29 =	simm.s32 $0x0;
	s30 =	simm.s32 $0x0;
	s31 =	simm.s32 $0x0;
	v6 =	vmov s0  }
.LBB2_4:
0x34: {  	_ =	sdelay $0x3  }
0x35: {  	v7 =	vld.idx.msk [tilespmem:v6+s31+$0x0 ss:$0x1], $0x1;
	_ =	sdelay $0x4  }
0x36: {  	v8 =	vshrl.u32 v7, $0x3  }
0x37: {  	v8 =	vmul.u32 $0x188, v8  }
0x38: {  	v7 =	vand.u32 $0x7, v7  }
0x39: {  	v7 =	vor.u32 v7, v8  }
0x3a: {  	v7 =	vperm.xlane v7, v1;
	_ =	sdelay $0x1  }
0x3b: {  	v7 =	vadd.s32 v2, v7;
	_ =	sdelay $0x4  }
0x3c: {  	[tilespmem:s16], [sflag:$0x1] =	stream.indirect_vreg.gather [hbm4b:s4+s29], $0x80, v7, vm1, $0xb8;
	[tilespmem:$0x1BD00] =	vst v63  }
0x3d: {  	_ = 	snop  }
0x3e: {  	[tilespmem:s17], [sflag:$0x1] =	stream.indirect_vreg.gather [hbm4b:s8+s29], $0x80, v7, vm1, $0xb8;
	[tilespmem:$0x1BD00] =	vst v63  }
0x3f: {  	_ = 	snop  }
0x40: {  	[tilespmem:s18], [sflag:$0x1] =	stream.indirect_vreg.gather [hbm4b:s9+s29], $0x80, v7, vm1, $0xb8;
	[tilespmem:$0x1BD00] =	vst v63  }
0x41: {  	_ = 	snop  }
0x42: {  	[tilespmem:s19], [sflag:$0x1] =	stream.indirect_vreg.gather [hbm4b:s10+s29], $0x80, v7, vm0, $0xb8;
	[tilespmem:$0x1BD00] =	vst v63  }
0x43: {  	_ =	swait.ge [sflag:s14], $0x1880  }
0x44: {  	[sflag:s14] =	ssyncset.done $0x0  }
0x45: {  	s0 =	simm.s32 $0x19820;
	[sflag:s14] =	ssyncadd.s32 $0xFFFFE780  }
0x46: {  	v11 =	vld [tilespmem:s0+$0xFFFFFFE0]  }
0x47: {  	v14 =	vld [tilespmem:s0+$0x10]  }
0x48: {  	v10 =	vld [tilespmem:s0+$0x0]  }
0x49: {  	v13 =	vld [tilespmem:s0+$0xFFFFFFF0];
	_ =	sdelay $0x2  }
0x4a: {  	s1 =	simm.s32 $0x4;
	s13 =	simm.s32 $0x19860;
	s7 =	sand.u32 $0x40, s29  }
0x4b: {  	s12 =	simm.s32 $0x20;
	s5 =	simm.s32 $0x30;
	s15 =	sadd.s32 $0x0, s30;
	v7 =	vld [tilespmem:s13+$0xFFFFFFE0];
	v8 =	vshra.s32 v14, $0x1F;
	v12 =	vshra.s32 v10, $0x1F;
	v16 =	vshra.s32 v11, $0x1F  }
0x4c: {  	s24 =	simm.s32 $0x10;
	s11 =	sand.u32 $0x70, s5;
	s5 =	sand.u32 $0x1FF80, s15;
	v9 =	vld [tilespmem:s13+$0x10];
	v17 =	vshra.s32 v13, $0x1F;
	v15 =	vor.u32 $0x80000000, v8;
	v12 =	vor.u32 $0x80000000, v12  }
0x4d: {  	s24 =	sand.u32 $0x50, s24;
	s12 =	sand.u32 $0x60, s12;
	s15 =	sor.u32 s7, s5;
	v8 =	vld [tilespmem:s13+$0x0];
	v16 =	vor.u32 $0x80000000, v16;
	v17 =	vor.u32 $0x80000000, v17;
	v12 =	vxor.u32 v10, v12  }
0x4e: {  	s7 =	sor.u32 s24, s5;
	s24 =	sor.u32 s11, s5;
	s0 =	simm.s32 $0x40;
	v10 =	vld [tilespmem:s13+$0xFFFFFFF0];
	v11 =	vxor.u32 v11, v16;
	v13 =	vxor.u32 v13, v17;
	v14 =	vxor.u32 v14, v15  }
.LBB2_5:
0x4f: {  	s1 =	sadd.s32 $0x4, s1;
	s13 =	sadd.s32 $0x40, s13  }
0x50: {  	s5 =	sor.u32 s12, s5;
	[tilespmem:s24+$0x0] =	vst v14;
	v14 =	vmov v7;
	s11 =	smov.u32 s0;
	p0 =	slt.u32 s1, $0x184  }
.Ltmp5:
0x51: {  	s0 =	sadd.s32 $0x40, s0;
	v7 =	vld [tilespmem:s13+$0xFFFFFFE0];
	v15 =	vshra.s32 v9, $0x1F;
	[tilespmem:s7+$0x0] =	vst v13;
	v16 =	vmov v9;
	(pc) =	sbr.rel @p0 .LBB2_5-.Ltmp5, $4  }
0x52: {  	s7 =	sand.u32 $0x40, s11;
	s12 =	sadd.s32 $0x20, s11;
	s24 =	sadd.s32 $0x30, s11;
	v9 =	vld [tilespmem:s13+$0x10];
	v13 =	vshra.s32 v8, $0x1F;
	v15 =	vor.u32 $0x80000000, v15;
	[tilespmem:s5+$0x0] =	vst v12;
	v12 =	vmov v8  }
0x53: {  	v17 =	vshra.s32 v14, $0x1F;
	s5 =	sadd.s32 s11, s30;
	s11 =	sadd.s32 $0x10, s11;
	s24 =	sand.u32 $0x70, s24;
	v8 =	vld [tilespmem:s13+$0x0];
	v18 =	vshra.s32 v10, $0x1F;
	v13 =	vor.u32 $0x80000000, v13;
	[tilespmem:s15+$0x0] =	vst v11;
	v19 =	vmovc v10  }
0x54: {  	s12 =	sand.u32 $0x60, s12;
	v11 =	vor.u32 $0x80000000, v17;
	s5 =	sand.u32 $0x1FF80, s5;
	s11 =	sand.u32 $0x50, s11;
	v10 =	vld [tilespmem:s13+$0xFFFFFFF0];
	v17 =	vor.u32 $0x80000000, v18;
	v12 =	vxor.u32 v12, v13  }
0x55: {  	v11 =	vxor.u32 v14, v11;
	s15 =	sor.u32 s7, s5;
	s7 =	sor.u32 s11, s5;
	v14 =	vxor.u32 v16, v15;
	s24 =	sor.u32 s24, s5;
	v13 =	vxor.u32 v19, v17  }
0x56: {  	[tilespmem:s24+$0x0] =	vst v14;
	s1 =	sor.u32 s12, s5;
	s11 =	sadd.s32 $0x30, s0;
	s12 =	sadd.s32 s0, s30  }
0x57: {  	s13 =	sadd.s32 $0x10, s0;
	[tilespmem:s15+$0x0] =	vst v11;
	v60 =	vshra.s32 v7, $0x1F;
	s15 =	sand.u32 $0x40, s0;
	s31 =	sadd.s32 $0x1, s31  }
0x58: {  	[tilespmem:s7+$0x0] =	vst v13;
	v54 =	vshra.s32 v9, $0x1F;
	s5 =	sand.u32 $0x70, s11;
	s7 =	sand.u32 $0x1FF80, s12;
	v63 =	vor.u32 $0x80000000, v60;
	p0 =	sne.s32 s31, $0x8  }
.Ltmp6:
0x59: {  	[tilespmem:s1+$0x0] =	vst v12;
	s11 =	sadd.s32 $0x20, s0;
	v55 =	vor.u32 $0x80000000, v54;
	v57 =	vshra.s32 v8, $0x1F;
	v7 =	vxor.u32 v7, v63;
	s0 =	sor.u32 s15, s7;
	(pc) =	sbr.rel @p0 .LBB2_4-.Ltmp6, $4  }
0x5a: {  	s5 =	sor.u32 s5, s7;
	s11 =	sand.u32 $0x60, s11;
	v56 =	vshra.s32 v10, $0x1F;
	v59 =	vxor.u32 v9, v55;
	v61 =	vor.u32 $0x80000000, v57;
	[tilespmem:s0+$0x0] =	vst v7  }
0x5b: {  	s1 =	sand.u32 $0x50, s13;
	s24 =	sor.u32 s11, s7;
	v58 =	vor.u32 $0x80000000, v56;
	[tilespmem:s5+$0x0] =	vst v59;
	v8 =	vxor.u32 v8, v61  }
0x5c: {  	s1 =	sor.u32 s1, s7;
	v62 =	vxor.u32 v10, v58;
	[tilespmem:s24+$0x0] =	vst v8  }
0x5d: {  	s30 =	sadd.s32 $0x1880, s30;
	[tilespmem:s1+$0x0] =	vst v62  }
0x5e: {  	s0 =	simm.s32 $0x0  }
.LBB2_8:
0x5f: {  	p0 =	sne.s32 s0, $0x3FC0  }
.Ltmp7:
0x60: {  	_ = 	snop;
	(pc) =	sbr.rel @p0 .LBB2_8-.Ltmp7, $3  }
0x61: {  	_ =	sdelay $0x1  }
0x62: {  	s1 =	sshra.s32 s0, $0x2  }
0x63: {  	s0 =	sadd.s32 $0x40, s0;
	[tilespmem:s1+$0x18800] =	vst v1  }
0x64: {  	s0 =	simm.s32 $0x0  }
0x65: {  	v6 =	vadd.s32 s0, v3  }
0x66: {  	s13 =	simm.s32 $0x1  }
0x67: {  	s15 =	simm.s32 $0x2;
	v7 =	vadd.s32 s13, v3  }
0x68: {  	s24 =	simm.s32 $0x3;
	v8 =	vadd.s32 s15, v3  }
0x69: {  	s29 =	simm.s32 $0x0;
	v9 =	vadd.s32 s24, v3  }
0x6a: {  	v6 =	vld.idx.msk [tilespmem:v6+s29+$0x0], $0xffff;
	_ =	sdelay $0x1  }
0x6b: {  	v7 =	vld.idx.msk [tilespmem:v7+s29+$0x0], $0xffff  }
0x6c: {  	v8 =	vld.idx.msk [tilespmem:v8+s29+$0x0], $0xffff  }
0x6d: {  	v9 =	vld.idx.msk [tilespmem:v9+s29+$0x0], $0xffff  }
0x6e: {  	v6 =	vshll.u32 v6, $0x4  }
0x6f: {  	v6 =	vor.u32 v0, v6  }
0x70: {  	v7 =	vshll.u32 v7, $0x4;
	v6 =	vand.u32 $0xFFF, v6  }
0x71: {  	v8 =	vshll.u32 v8, $0x4;
	v7 =	vor.u32 v0, v7  }
0x72: {  	v8 =	vor.u32 v0, v8;
	v10 =	vand.u32 $0xFFF, v7;
	v7 =	vshll.u32 v9, $0x4  }
0x73: {  	v11 =	vand.u32 $0xFFF, v8;
	v8 =	vor.u32 v0, v7  }
0x74: {  	s30 =	simm.s32 $0x4;
	v9 =	vand.u32 $0xFFF, v8  }
0x75: {  	s1 =	simm.s32 $0x5;
	[tilespmem:v6+s20+$0x0] =	vst.idx.add.s32.msk $0xffff, v4;
	v6 =	vadd.s32 s30, v3  }
0x76: {  	s31 =	simm.s32 $0x6;
	v7 =	vadd.s32 s1, v3  }
0x77: {  	s5 =	simm.s32 $0x7;
	v8 =	vadd.s32 s31, v3;
	[tilespmem:v10+s20+$0x0] =	vst.idx.add.s32.msk $0xffff, v4  }
0x78: {  	s0 =	simm.s32 $0xB;
	s1 =	simm.s32 $0x0;
	v10 =	vadd.s32 s5, v3;
	[tilespmem:v11+s20+$0x0] =	vst.idx.add.s32.msk $0xffff, v4  }
.LBB2_10:
0x79: {  	p0 =	sne.s32 s0, $0xC3F;
	[tilespmem:v9+s20+$0x0] =	vst.idx.add.s32.msk $0xffff, v4;
	s5 =	smov.u32 s0;
	s0 =	sadd.s32 $0x4, s0  }
0x7a: {  	v6 =	vld.idx.msk [tilespmem:v6+s1+$0x0], $0xffff  }
0x7b: {  	v7 =	vld.idx.msk [tilespmem:v7+s1+$0x0], $0xffff  }
0x7c: {  	v8 =	vld.idx.msk [tilespmem:v8+s1+$0x0], $0xffff  }
0x7d: {  	v9 =	vld.idx.msk [tilespmem:v10+s1+$0x0], $0xffff;
	s1 =	smov.u32 s29;
	_ =	sdelay $0x2  }
0x7e: {  	v6 =	vshll.u32 v6, $0x4  }
0x7f: {  	v6 =	vor.u32 v0, v6;
	v7 =	vshll.u32 v7, $0x4  }
0x80: {  	v7 =	vor.u32 v0, v7;
	v8 =	vshll.u32 v8, $0x4;
	v10 =	vand.u32 $0xFFF, v6  }
0x81: {  	v6 =	vor.u32 v0, v8;
	v8 =	vshll.u32 v9, $0x4;
	v11 =	vand.u32 $0xFFF, v7  }
0x82: {  	v7 =	vor.u32 v0, v8;
	v12 =	vand.u32 $0xFFF, v6  }
.Ltmp8:
0x83: {  	s7 =	sadd.s32 $0xFFFFFFFD, s5;
	v9 =	vand.u32 $0xFFF, v7;
	(pc) =	sbr.rel @p0 .LBB2_10-.Ltmp8, $4  }
0x84: {  	v6 =	vadd.s32 s7, v3;
	s7 =	sadd.s32 $0xFFFFFFFE, s5  }
0x85: {  	v7 =	vadd.s32 s7, v3;
	s7 =	sadd.s32 $0xFFFFFFFF, s5;
	[tilespmem:v10+s20+$0x0] =	vst.idx.add.s32.msk $0xffff, v4  }
0x86: {  	v8 =	vadd.s32 s7, v3;
	[tilespmem:v11+s20+$0x0] =	vst.idx.add.s32.msk $0xffff, v4  }
0x87: {  	v10 =	vadd.s32 s5, v3;
	[tilespmem:v12+s20+$0x0] =	vst.idx.add.s32.msk $0xffff, v4  }
0x88: {  	_ =	sdelay $0x3  }
0x89: {  	[tilespmem:v9+s20+$0x0] =	vst.idx.add.s32.msk $0xffff, v4  }
0x8a: {  	v6 =	vld.idx.msk [tilespmem:v6+s1+$0x0], $0xffff  }
0x8b: {  	v7 =	vld.idx.msk [tilespmem:v7+s1+$0x0], $0xffff  }
0x8c: {  	v8 =	vld.idx.msk [tilespmem:v8+s1+$0x0], $0xffff  }
0x8d: {  	v9 =	vld.idx.msk [tilespmem:v10+s1+$0x0], $0xffff;
	_ =	sdelay $0x1  }
0x8e: {  	v6 =	vshll.u32 v6, $0x4  }
0x8f: {  	v7 =	vshll.u32 v7, $0x4;
	v6 =	vor.u32 v0, v6  }
0x90: {  	v8 =	vshll.u32 v8, $0x4;
	v7 =	vor.u32 v0, v7;
	v6 =	vand.u32 $0xFFF, v6  }
0x91: {  	v9 =	vshll.u32 v9, $0x4;
	v8 =	vor.u32 v0, v8;
	v7 =	vand.u32 $0xFFF, v7  }
0x92: {  	v9 =	vor.u32 v0, v9;
	v8 =	vand.u32 $0xFFF, v8  }
0x93: {  	v9 =	vand.u32 $0xFFF, v9;
	_ =	sdelay $0x1  }
0x94: {  	[tilespmem:v6+s20+$0x0] =	vst.idx.add.s32.msk $0xffff, v4  }
0x95: {  	[tilespmem:v7+s20+$0x0] =	vst.idx.add.s32.msk $0xffff, v4  }
0x96: {  	[tilespmem:v8+s20+$0x0] =	vst.idx.add.s32.msk $0xffff, v4  }
0x97: {  	s5 =	simm.s32 $0x0;
	[tilespmem:v9+s20+$0x0] =	vst.idx.add.s32.msk $0xffff, v4  }
0x98: {  	v6 =	vld [tilespmem:s5+$0x18800];
	_ =	sdelay $0x4  }
0x99: {  	(xrf0) =	vadd.scan.msk.s32 $0xffff, v6;
	_ =	sdelay $0x5  }
0x9a: {  	v7, _, _ =	vpop (xrf0)  }
0x9b: {  	(v2sf) =	vpush v7, $0xF  }
0x9c: {  	v6 =	vsub.s32 s29, v6  }
0x9d: {  	v6 =	vadd.s32 v7, v6  }
0x9e: {  	s0 =	simm.s32 $0x10;
	s1 =	simm.s32 $0x80;
	[tilespmem:s5+$0x18800] =	vst v6  }
.LBB2_12:
0x9f: {  	p0 =	sne.s32 s1, $0x3FC0;
	v6 =	vld [tilespmem:s0+$0x18800];
	_ =	sdelay $0x4  }
0xa0: {  	(xrf0) =	vadd.scan.msk.s32 $0xffff, v6;
	_ =	sdelay $0x5  }
.Ltmp9:
0xa1: {  	v7, _, _ =	vpop (xrf0);
	s5 =	spop (v2sf);
	(pc) =	sbr.rel @p0 .LBB2_12-.Ltmp9, $4  }
0xa2: {  	(v2sf) =	vpush v7, $0xF;
	s29 =	sadd.s32 s29, s5  }
0xa3: {  	v6 =	vsub.s32 s29, v6  }
0xa4: {  	v6 =	vadd.s32 v7, v6  }
0xa5: {  	[tilespmem:s0+$0x18800] =	vst v6;
	s0 =	sshra.s32 s1, $0x2;
	s1 =	sadd.s32 $0x40, s1  }
0xa6: {  	v6 =	vld [tilespmem:s0+$0x18800];
	_ =	sdelay $0x4  }
0xa7: {  	(xrf0) =	vadd.scan.msk.s32 $0xffff, v6;
	_ =	sdelay $0x5  }
0xa8: {  	v7, _, _ =	vpop (xrf0)  }
0xa9: {  	(v2sf) =	vpush v7, $0xF;
	_ =	sdelay $0xa  }
0xaa: {  	s1 =	spop (v2sf)  }
0xab: {  	s1 =	sadd.s32 s29, s1  }
0xac: {  	v6 =	vsub.s32 s1, v6  }
0xad: {  	v6 =	vadd.s32 v7, v6  }
0xae: {  	s1 =	simm.s32 $0x3;
	[tilespmem:s0+$0x18800] =	vst v6;
	s31 =	spop (v2sf)  }
.LBB2_14:
0xaf: {  	s0 =	sadd.s32 $0xFFFFFFFD, s1  }
0xb0: {  	v6 =	vadd.s32 s0, v3;
	_ =	sdelay $0x3  }
0xb1: {  	s0 =	simm.s32 $0x0  }
0xb2: {  	v6 =	vld.idx.msk [tilespmem:v6+s0+$0x0], $0xffff;
	_ =	sdelay $0x4  }
0xb3: {  	v7 =	vshll.u32 v6, $0x4  }
0xb4: {  	v7 =	vor.u32 v0, v7  }
0xb5: {  	v7 =	vand.u32 $0xFFF, v7;
	_ =	sdelay $0x4  }
0xb6: {  	v8 =	vld.idx.msk [tilespmem:v7+s20+$0x0], $0xffff;
	_ =	sdelay $0x3  }
0xb7: {  	s5 =	sadd.s32 $0xFFFFFFFE, s1  }
0xb8: {  	v9 =	vadd.s32 s5, v3;
	_ =	sdelay $0x2  }
0xb9: {  	[tilespmem:v8+s21+$0x0] =	vst.idx.msk $0xffff, v6  }
0xba: {  	[tilespmem:v7+s20+$0x0] =	vst.idx.add.s32.msk $0xffff, v4  }
0xbb: {  	v6 =	vld.idx.msk [tilespmem:v9+s0+$0x0], $0xffff;
	_ =	sdelay $0x4  }
0xbc: {  	v7 =	vshll.u32 v6, $0x4  }
0xbd: {  	v7 =	vor.u32 v0, v7  }
0xbe: {  	v7 =	vand.u32 $0xFFF, v7;
	_ =	sdelay $0x4  }
0xbf: {  	v8 =	vld.idx.msk [tilespmem:v7+s20+$0x0], $0xffff;
	_ =	sdelay $0x3  }
0xc0: {  	s31 =	sadd.s32 $0xFFFFFFFF, s1  }
0xc1: {  	v62 =	vadd.s32 s31, v3;
	_ =	sdelay $0x2  }
0xc2: {  	[tilespmem:v8+s21+$0x0] =	vst.idx.msk $0xffff, v6  }
0xc3: {  	[tilespmem:v7+s20+$0x0] =	vst.idx.add.s32.msk $0xffff, v4  }
0xc4: {  	v6 =	vld.idx.msk [tilespmem:v62+s0+$0x0], $0xffff;
	_ =	sdelay $0x4  }
0xc5: {  	v7 =	vshll.u32 v6, $0x4  }
0xc6: {  	v7 =	vor.u32 v0, v7  }
0xc7: {  	v7 =	vand.u32 $0xFFF, v7;
	_ =	sdelay $0x4  }
0xc8: {  	v8 =	vld.idx.msk [tilespmem:v7+s20+$0x0], $0xffff;
	_ =	sdelay $0x4  }
0xc9: {  	v63 =	vadd.s32 s1, v3;
	_ =	sdelay $0x2  }
0xca: {  	[tilespmem:v8+s21+$0x0] =	vst.idx.msk $0xffff, v6  }
0xcb: {  	[tilespmem:v7+s20+$0x0] =	vst.idx.add.s32.msk $0xffff, v4  }
0xcc: {  	v6 =	vld.idx.msk [tilespmem:v63+s0+$0x0], $0xffff;
	_ =	sdelay $0x4  }
0xcd: {  	v7 =	vshll.u32 v6, $0x4  }
0xce: {  	v7 =	vor.u32 v0, v7  }
0xcf: {  	v7 =	vand.u32 $0xFFF, v7;
	_ =	sdelay $0x4  }
0xd0: {  	v8 =	vld.idx.msk [tilespmem:v7+s20+$0x0], $0xffff;
	_ =	sdelay $0x3  }
0xd1: {  	p0 =	sne.s32 s1, $0xC3F  }
.Ltmp10:
0xd2: {  	_ = 	snop;
	(pc) =	sbr.rel @p0 .LBB2_14-.Ltmp10, $3  }
0xd3: {  	_ =	sdelay $0x1  }
0xd4: {  	[tilespmem:v8+s21+$0x0] =	vst.idx.msk $0xffff, v6  }
0xd5: {  	s1 =	sadd.s32 $0x4, s1;
	[tilespmem:v7+s20+$0x0] =	vst.idx.add.s32.msk $0xffff, v4  }
.LBB2_15:
0xd6: {  	p0 =	sne.s32 s0, $0x3FC0  }
.Ltmp11:
0xd7: {  	_ = 	snop;
	(pc) =	sbr.rel @p0 .LBB2_15-.Ltmp11, $3  }
0xd8: {  	_ =	sdelay $0x1  }
0xd9: {  	s1 =	sshra.s32 s0, $0x2  }
0xda: {  	s0 =	sadd.s32 $0x40, s0;
	[tilespmem:s1+$0x18800] =	vst v1  }
0xdb: {  	s0 =	simm.s32 $0x3  }
.LBB2_17:
0xdc: {  	s1 =	sadd.s32 $0xFFFFFFFD, s0  }
0xdd: {  	s30 =	sadd.s32 $0xFFFFFFFE, s0;
	v6 =	vadd.s32 s1, v3  }
0xde: {  	s31 =	sadd.s32 $0xFFFFFFFF, s0;
	v7 =	vadd.s32 s30, v3  }
0xdf: {  	v8 =	vadd.s32 s31, v3  }
0xe0: {  	v9 =	vadd.s32 s0, v3;
	_ =	sdelay $0x1  }
0xe1: {  	v6 =	vld.idx.msk [tilespmem:v6+s21+$0x0], $0xffff  }
0xe2: {  	v7 =	vld.idx.msk [tilespmem:v7+s21+$0x0], $0xffff  }
0xe3: {  	v8 =	vld.idx.msk [tilespmem:v8+s21+$0x0], $0xffff  }
0xe4: {  	v9 =	vld.idx.msk [tilespmem:v9+s21+$0x0], $0xffff;
	_ =	sdelay $0x1  }
0xe5: {  	v6 =	vshrl.u32 v6, $0x4  }
0xe6: {  	v7 =	vshrl.u32 v7, $0x4;
	v6 =	vand.u32 $0xFF0, v6  }
0xe7: {  	v8 =	vshrl.u32 v8, $0x4;
	v7 =	vand.u32 $0xFF0, v7;
	v6 =	vor.u32 v0, v6  }
0xe8: {  	v9 =	vshrl.u32 v9, $0x4;
	v8 =	vand.u32 $0xFF0, v8;
	v7 =	vor.u32 v0, v7  }
0xe9: {  	v9 =	vand.u32 $0xFF0, v9;
	v8 =	vor.u32 v0, v8  }
0xea: {  	p0 =	sne.s32 s0, $0xC3F;
	v9 =	vor.u32 v0, v9  }
.Ltmp12:
0xeb: {  	_ = 	snop;
	(pc) =	sbr.rel @p0 .LBB2_17-.Ltmp12, $4  }
0xec: {  	[tilespmem:v6+s20+$0x0] =	vst.idx.add.s32.msk $0xffff, v4  }
0xed: {  	[tilespmem:v7+s20+$0x0] =	vst.idx.add.s32.msk $0xffff, v4  }
0xee: {  	[tilespmem:v8+s20+$0x0] =	vst.idx.add.s32.msk $0xffff, v4  }
0xef: {  	s0 =	sadd.s32 $0x4, s0;
	[tilespmem:v9+s20+$0x0] =	vst.idx.add.s32.msk $0xffff, v4  }
0xf0: {  	s7 =	simm.s32 $0x0  }
0xf1: {  	v6 =	vld [tilespmem:s7+$0x18800];
	_ =	sdelay $0x4  }
0xf2: {  	(xrf0) =	vadd.scan.msk.s32 $0xffff, v6;
	_ =	sdelay $0x5  }
0xf3: {  	v7, _, _ =	vpop (xrf0)  }
0xf4: {  	s0 =	simm.s32 $0x0;
	(v2sf) =	vpush v7, $0xF  }
0xf5: {  	v6 =	vsub.s32 s0, v6  }
0xf6: {  	v6 =	vadd.s32 v7, v6  }
0xf7: {  	s1 =	simm.s32 $0x10;
	s5 =	simm.s32 $0x80;
	[tilespmem:s7+$0x18800] =	vst v6  }
.LBB2_19:
0xf8: {  	p0 =	sne.s32 s5, $0x3FC0;
	v6 =	vld [tilespmem:s1+$0x18800];
	_ =	sdelay $0x4  }
0xf9: {  	(xrf0) =	vadd.scan.msk.s32 $0xffff, v6;
	_ =	sdelay $0x5  }
.Ltmp13:
0xfa: {  	v7, _, _ =	vpop (xrf0);
	s7 =	spop (v2sf);
	(pc) =	sbr.rel @p0 .LBB2_19-.Ltmp13, $4  }
0xfb: {  	(v2sf) =	vpush v7, $0xF;
	s0 =	sadd.s32 s0, s7  }
0xfc: {  	v6 =	vsub.s32 s0, v6  }
0xfd: {  	v6 =	vadd.s32 v7, v6  }
0xfe: {  	[tilespmem:s1+$0x18800] =	vst v6;
	s1 =	sshra.s32 s5, $0x2;
	s5 =	sadd.s32 $0x40, s5  }
0xff: {  	v6 =	vld [tilespmem:s1+$0x18800];
	_ =	sdelay $0x4  }
0x100: {  	(xrf0) =	vadd.scan.msk.s32 $0xffff, v6;
	_ =	sdelay $0x5  }
0x101: {  	v7, _, _ =	vpop (xrf0)  }
0x102: {  	(v2sf) =	vpush v7, $0xF;
	_ =	sdelay $0xa  }
0x103: {  	s5 =	spop (v2sf)  }
0x104: {  	s0 =	sadd.s32 s0, s5  }
0x105: {  	v6 =	vsub.s32 s0, v6  }
0x106: {  	v6 =	vadd.s32 v7, v6  }
0x107: {  	s0 =	simm.s32 $0x3;
	[tilespmem:s1+$0x18800] =	vst v6;
	s31 =	spop (v2sf)  }
.LBB2_21:
0x108: {  	s1 =	sadd.s32 $0xFFFFFFFD, s0  }
0x109: {  	v6 =	vadd.s32 s1, v3;
	_ =	sdelay $0x4  }
0x10a: {  	v6 =	vld.idx.msk [tilespmem:v6+s21+$0x0], $0xffff;
	_ =	sdelay $0x4  }
0x10b: {  	v7 =	vshrl.u32 v6, $0x4  }
0x10c: {  	v7 =	vand.u32 $0xFF0, v7  }
0x10d: {  	v7 =	vor.u32 v0, v7;
	_ =	sdelay $0x4  }
0x10e: {  	v8 =	vld.idx.msk [tilespmem:v7+s20+$0x0], $0xffff;
	_ =	sdelay $0x3  }
0x10f: {  	s31 =	sadd.s32 $0xFFFFFFFE, s0  }
0x110: {  	v9 =	vadd.s32 s31, v3;
	_ =	sdelay $0x1  }
0x111: {  	s1 =	simm.s32 $0x0  }
0x112: {  	[tilespmem:v8+s1+$0x0] =	vst.idx.msk $0xffff, v6  }
0x113: {  	[tilespmem:v7+s20+$0x0] =	vst.idx.add.s32.msk $0xffff, v4  }
0x114: {  	v6 =	vld.idx.msk [tilespmem:v9+s21+$0x0], $0xffff;
	_ =	sdelay $0x4  }
0x115: {  	v7 =	vshrl.u32 v6, $0x4  }
0x116: {  	v7 =	vand.u32 $0xFF0, v7  }
0x117: {  	v7 =	vor.u32 v0, v7;
	_ =	sdelay $0x4  }
0x118: {  	v8 =	vld.idx.msk [tilespmem:v7+s20+$0x0], $0xffff;
	_ =	sdelay $0x3  }
0x119: {  	s5 =	sadd.s32 $0xFFFFFFFF, s0  }
0x11a: {  	v62 =	vadd.s32 s5, v3;
	_ =	sdelay $0x2  }
0x11b: {  	[tilespmem:v8+s1+$0x0] =	vst.idx.msk $0xffff, v6  }
0x11c: {  	[tilespmem:v7+s20+$0x0] =	vst.idx.add.s32.msk $0xffff, v4  }
0x11d: {  	v6 =	vld.idx.msk [tilespmem:v62+s21+$0x0], $0xffff;
	_ =	sdelay $0x4  }
0x11e: {  	v7 =	vshrl.u32 v6, $0x4  }
0x11f: {  	v7 =	vand.u32 $0xFF0, v7  }
0x120: {  	v7 =	vor.u32 v0, v7;
	_ =	sdelay $0x4  }
0x121: {  	v8 =	vld.idx.msk [tilespmem:v7+s20+$0x0], $0xffff;
	_ =	sdelay $0x4  }
0x122: {  	v63 =	vadd.s32 s0, v3;
	_ =	sdelay $0x2  }
0x123: {  	[tilespmem:v8+s1+$0x0] =	vst.idx.msk $0xffff, v6  }
0x124: {  	[tilespmem:v7+s20+$0x0] =	vst.idx.add.s32.msk $0xffff, v4  }
0x125: {  	v6 =	vld.idx.msk [tilespmem:v63+s21+$0x0], $0xffff;
	_ =	sdelay $0x4  }
0x126: {  	v7 =	vshrl.u32 v6, $0x4  }
0x127: {  	v7 =	vand.u32 $0xFF0, v7  }
0x128: {  	v7 =	vor.u32 v0, v7;
	_ =	sdelay $0x4  }
0x129: {  	v8 =	vld.idx.msk [tilespmem:v7+s20+$0x0], $0xffff;
	_ =	sdelay $0x3  }
0x12a: {  	p0 =	sne.s32 s0, $0xC3F  }
.Ltmp14:
0x12b: {  	_ = 	snop;
	(pc) =	sbr.rel @p0 .LBB2_21-.Ltmp14, $3  }
0x12c: {  	_ =	sdelay $0x1  }
0x12d: {  	[tilespmem:v8+s1+$0x0] =	vst.idx.msk $0xffff, v6  }
0x12e: {  	s0 =	sadd.s32 $0x4, s0;
	[tilespmem:v7+s20+$0x0] =	vst.idx.add.s32.msk $0xffff, v4  }
.LBB2_22:
0x12f: {  	p0 =	sne.s32 s1, $0x3FC0  }
.Ltmp15:
0x130: {  	_ = 	snop;
	(pc) =	sbr.rel @p0 .LBB2_22-.Ltmp15, $3  }
0x131: {  	_ =	sdelay $0x1  }
0x132: {  	s0 =	sshra.s32 s1, $0x2  }
0x133: {  	s1 =	sadd.s32 $0x40, s1;
	[tilespmem:s0+$0x18800] =	vst v1  }
0x134: {  	s0 =	simm.s32 $0x0  }
0x135: {  	s13 =	simm.s32 $0x1;
	v6 =	vadd.s32 s0, v3  }
0x136: {  	s15 =	simm.s32 $0x2;
	v7 =	vadd.s32 s13, v3  }
0x137: {  	v8 =	vadd.s32 s15, v3  }
0x138: {  	s24 =	simm.s32 $0x3  }
0x139: {  	s29 =	simm.s32 $0x0;
	v9 =	vadd.s32 s24, v3  }
0x13a: {  	v6 =	vld.idx.msk [tilespmem:v6+s29+$0x0], $0xffff  }
0x13b: {  	v7 =	vld.idx.msk [tilespmem:v7+s29+$0x0], $0xffff  }
0x13c: {  	v8 =	vld.idx.msk [tilespmem:v8+s29+$0x0], $0xffff;
	_ =	sdelay $0x1  }
0x13d: {  	v9 =	vld.idx.msk [tilespmem:v9+s29+$0x0], $0xffff  }
0x13e: {  	v6 =	vshrl.u32 v6, $0xC  }
0x13f: {  	v7 =	vshrl.u32 v7, $0xC;
	v6 =	vand.u32 $0xFF0, v6  }
0x140: {  	v8 =	vshrl.u32 v8, $0xC;
	v7 =	vand.u32 $0xFF0, v7;
	v6 =	vor.u32 v0, v6  }
0x141: {  	v10 =	vor.u32 v0, v7;
	v7 =	vand.u32 $0xFF0, v8  }
0x142: {  	v11 =	vor.u32 v0, v7;
	v7 =	vshrl.u32 v9, $0xC  }
0x143: {  	v8 =	vand.u32 $0xFF0, v7  }
0x144: {  	s30 =	simm.s32 $0x4;
	v9 =	vor.u32 v0, v8  }
0x145: {  	s1 =	simm.s32 $0x5;
	[tilespmem:v6+s20+$0x0] =	vst.idx.add.s32.msk $0xffff, v4;
	v6 =	vadd.s32 s30, v3  }
0x146: {  	s31 =	simm.s32 $0x6;
	v7 =	vadd.s32 s1, v3  }
0x147: {  	s5 =	simm.s32 $0x7;
	v8 =	vadd.s32 s31, v3;
	[tilespmem:v10+s20+$0x0] =	vst.idx.add.s32.msk $0xffff, v4  }
0x148: {  	s0 =	simm.s32 $0xB;
	s1 =	simm.s32 $0x0;
	v10 =	vadd.s32 s5, v3;
	[tilespmem:v11+s20+$0x0] =	vst.idx.add.s32.msk $0xffff, v4  }
.LBB2_24:
0x149: {  	p0 =	sne.s32 s0, $0xC3F;
	[tilespmem:v9+s20+$0x0] =	vst.idx.add.s32.msk $0xffff, v4;
	s5 =	smov.u32 s0;
	s0 =	sadd.s32 $0x4, s0  }
0x14a: {  	v6 =	vld.idx.msk [tilespmem:v6+s1+$0x0], $0xffff  }
0x14b: {  	v7 =	vld.idx.msk [tilespmem:v7+s1+$0x0], $0xffff  }
0x14c: {  	v8 =	vld.idx.msk [tilespmem:v8+s1+$0x0], $0xffff  }
0x14d: {  	v9 =	vld.idx.msk [tilespmem:v10+s1+$0x0], $0xffff;
	s1 =	smov.u32 s29;
	_ =	sdelay $0x2  }
0x14e: {  	v6 =	vshrl.u32 v6, $0xC  }
0x14f: {  	v7 =	vshrl.u32 v7, $0xC;
	v6 =	vand.u32 $0xFF0, v6  }
0x150: {  	v8 =	vshrl.u32 v8, $0xC;
	v10 =	vor.u32 v0, v6;
	v6 =	vand.u32 $0xFF0, v7  }
0x151: {  	v7 =	vshrl.u32 v9, $0xC;
	v11 =	vor.u32 v0, v6;
	v6 =	vand.u32 $0xFF0, v8  }
0x152: {  	v12 =	vor.u32 v0, v6;
	v6 =	vand.u32 $0xFF0, v7  }
.Ltmp16:
0x153: {  	s7 =	sadd.s32 $0xFFFFFFFD, s5;
	v9 =	vor.u32 v0, v6;
	(pc) =	sbr.rel @p0 .LBB2_24-.Ltmp16, $4  }
0x154: {  	v6 =	vadd.s32 s7, v3;
	s7 =	sadd.s32 $0xFFFFFFFE, s5  }
0x155: {  	v7 =	vadd.s32 s7, v3;
	s7 =	sadd.s32 $0xFFFFFFFF, s5;
	[tilespmem:v10+s20+$0x0] =	vst.idx.add.s32.msk $0xffff, v4  }
0x156: {  	v8 =	vadd.s32 s7, v3;
	[tilespmem:v11+s20+$0x0] =	vst.idx.add.s32.msk $0xffff, v4  }
0x157: {  	v10 =	vadd.s32 s5, v3;
	[tilespmem:v12+s20+$0x0] =	vst.idx.add.s32.msk $0xffff, v4  }
0x158: {  	_ =	sdelay $0x3  }
0x159: {  	[tilespmem:v9+s20+$0x0] =	vst.idx.add.s32.msk $0xffff, v4  }
0x15a: {  	v6 =	vld.idx.msk [tilespmem:v6+s1+$0x0], $0xffff  }
0x15b: {  	v7 =	vld.idx.msk [tilespmem:v7+s1+$0x0], $0xffff  }
0x15c: {  	v8 =	vld.idx.msk [tilespmem:v8+s1+$0x0], $0xffff  }
0x15d: {  	v9 =	vld.idx.msk [tilespmem:v10+s1+$0x0], $0xffff;
	_ =	sdelay $0x1  }
0x15e: {  	v6 =	vshrl.u32 v6, $0xC  }
0x15f: {  	v7 =	vshrl.u32 v7, $0xC;
	v6 =	vand.u32 $0xFF0, v6  }
0x160: {  	v8 =	vshrl.u32 v8, $0xC;
	v7 =	vand.u32 $0xFF0, v7;
	v6 =	vor.u32 v0, v6  }
0x161: {  	v9 =	vshrl.u32 v9, $0xC;
	v8 =	vand.u32 $0xFF0, v8;
	v7 =	vor.u32 v0, v7  }
0x162: {  	v9 =	vand.u32 $0xFF0, v9;
	v8 =	vor.u32 v0, v8  }
0x163: {  	v9 =	vor.u32 v0, v9;
	_ =	sdelay $0x1  }
0x164: {  	[tilespmem:v6+s20+$0x0] =	vst.idx.add.s32.msk $0xffff, v4  }
0x165: {  	[tilespmem:v7+s20+$0x0] =	vst.idx.add.s32.msk $0xffff, v4  }
0x166: {  	[tilespmem:v8+s20+$0x0] =	vst.idx.add.s32.msk $0xffff, v4  }
0x167: {  	s5 =	simm.s32 $0x0;
	[tilespmem:v9+s20+$0x0] =	vst.idx.add.s32.msk $0xffff, v4  }
0x168: {  	v6 =	vld [tilespmem:s5+$0x18800];
	_ =	sdelay $0x4  }
0x169: {  	(xrf0) =	vadd.scan.msk.s32 $0xffff, v6;
	_ =	sdelay $0x5  }
0x16a: {  	v7, _, _ =	vpop (xrf0)  }
0x16b: {  	(v2sf) =	vpush v7, $0xF  }
0x16c: {  	v6 =	vsub.s32 s29, v6  }
0x16d: {  	v6 =	vadd.s32 v7, v6  }
0x16e: {  	s0 =	simm.s32 $0x10;
	s1 =	simm.s32 $0x80;
	[tilespmem:s5+$0x18800] =	vst v6  }
.LBB2_26:
0x16f: {  	p0 =	sne.s32 s1, $0x3FC0;
	v6 =	vld [tilespmem:s0+$0x18800];
	_ =	sdelay $0x4  }
0x170: {  	(xrf0) =	vadd.scan.msk.s32 $0xffff, v6;
	_ =	sdelay $0x5  }
.Ltmp17:
0x171: {  	v7, _, _ =	vpop (xrf0);
	s5 =	spop (v2sf);
	(pc) =	sbr.rel @p0 .LBB2_26-.Ltmp17, $4  }
0x172: {  	(v2sf) =	vpush v7, $0xF;
	s29 =	sadd.s32 s29, s5  }
0x173: {  	v6 =	vsub.s32 s29, v6  }
0x174: {  	v6 =	vadd.s32 v7, v6  }
0x175: {  	[tilespmem:s0+$0x18800] =	vst v6;
	s0 =	sshra.s32 s1, $0x2;
	s1 =	sadd.s32 $0x40, s1  }
0x176: {  	v6 =	vld [tilespmem:s0+$0x18800];
	_ =	sdelay $0x4  }
0x177: {  	(xrf0) =	vadd.scan.msk.s32 $0xffff, v6;
	_ =	sdelay $0x5  }
0x178: {  	v7, _, _ =	vpop (xrf0)  }
0x179: {  	(v2sf) =	vpush v7, $0xF;
	_ =	sdelay $0xa  }
0x17a: {  	s1 =	spop (v2sf)  }
0x17b: {  	s1 =	sadd.s32 s29, s1  }
0x17c: {  	v6 =	vsub.s32 s1, v6  }
0x17d: {  	v6 =	vadd.s32 v7, v6  }
0x17e: {  	s1 =	simm.s32 $0x3;
	[tilespmem:s0+$0x18800] =	vst v6;
	s31 =	spop (v2sf)  }
.LBB2_28:
0x17f: {  	s0 =	sadd.s32 $0xFFFFFFFD, s1  }
0x180: {  	v6 =	vadd.s32 s0, v3;
	_ =	sdelay $0x3  }
0x181: {  	s0 =	simm.s32 $0x0  }
0x182: {  	v6 =	vld.idx.msk [tilespmem:v6+s0+$0x0], $0xffff;
	_ =	sdelay $0x4  }
0x183: {  	v7 =	vshrl.u32 v6, $0xC  }
0x184: {  	v7 =	vand.u32 $0xFF0, v7  }
0x185: {  	v7 =	vor.u32 v0, v7;
	_ =	sdelay $0x4  }
0x186: {  	v8 =	vld.idx.msk [tilespmem:v7+s20+$0x0], $0xffff;
	_ =	sdelay $0x3  }
0x187: {  	s5 =	sadd.s32 $0xFFFFFFFE, s1  }
0x188: {  	v9 =	vadd.s32 s5, v3;
	_ =	sdelay $0x2  }
0x189: {  	[tilespmem:v8+s21+$0x0] =	vst.idx.msk $0xffff, v6  }
0x18a: {  	[tilespmem:v7+s20+$0x0] =	vst.idx.add.s32.msk $0xffff, v4  }
0x18b: {  	v6 =	vld.idx.msk [tilespmem:v9+s0+$0x0], $0xffff;
	_ =	sdelay $0x4  }
0x18c: {  	v7 =	vshrl.u32 v6, $0xC  }
0x18d: {  	v7 =	vand.u32 $0xFF0, v7  }
0x18e: {  	v7 =	vor.u32 v0, v7;
	_ =	sdelay $0x4  }
0x18f: {  	v8 =	vld.idx.msk [tilespmem:v7+s20+$0x0], $0xffff;
	_ =	sdelay $0x3  }
0x190: {  	s31 =	sadd.s32 $0xFFFFFFFF, s1  }
0x191: {  	v62 =	vadd.s32 s31, v3;
	_ =	sdelay $0x2  }
0x192: {  	[tilespmem:v8+s21+$0x0] =	vst.idx.msk $0xffff, v6  }
0x193: {  	[tilespmem:v7+s20+$0x0] =	vst.idx.add.s32.msk $0xffff, v4  }
0x194: {  	v6 =	vld.idx.msk [tilespmem:v62+s0+$0x0], $0xffff;
	_ =	sdelay $0x4  }
0x195: {  	v7 =	vshrl.u32 v6, $0xC  }
0x196: {  	v7 =	vand.u32 $0xFF0, v7  }
0x197: {  	v7 =	vor.u32 v0, v7;
	_ =	sdelay $0x4  }
0x198: {  	v8 =	vld.idx.msk [tilespmem:v7+s20+$0x0], $0xffff;
	_ =	sdelay $0x4  }
0x199: {  	v63 =	vadd.s32 s1, v3;
	_ =	sdelay $0x2  }
0x19a: {  	[tilespmem:v8+s21+$0x0] =	vst.idx.msk $0xffff, v6  }
0x19b: {  	[tilespmem:v7+s20+$0x0] =	vst.idx.add.s32.msk $0xffff, v4  }
0x19c: {  	v6 =	vld.idx.msk [tilespmem:v63+s0+$0x0], $0xffff;
	_ =	sdelay $0x4  }
0x19d: {  	v7 =	vshrl.u32 v6, $0xC  }
0x19e: {  	v7 =	vand.u32 $0xFF0, v7  }
0x19f: {  	v7 =	vor.u32 v0, v7;
	_ =	sdelay $0x4  }
0x1a0: {  	v8 =	vld.idx.msk [tilespmem:v7+s20+$0x0], $0xffff;
	_ =	sdelay $0x3  }
0x1a1: {  	p0 =	sne.s32 s1, $0xC3F  }
.Ltmp18:
0x1a2: {  	_ = 	snop;
	(pc) =	sbr.rel @p0 .LBB2_28-.Ltmp18, $3  }
0x1a3: {  	_ =	sdelay $0x1  }
0x1a4: {  	[tilespmem:v8+s21+$0x0] =	vst.idx.msk $0xffff, v6  }
0x1a5: {  	s1 =	sadd.s32 $0x4, s1;
	[tilespmem:v7+s20+$0x0] =	vst.idx.add.s32.msk $0xffff, v4  }
.LBB2_29:
0x1a6: {  	p0 =	sne.s32 s0, $0x3FC0  }
.Ltmp19:
0x1a7: {  	_ = 	snop;
	(pc) =	sbr.rel @p0 .LBB2_29-.Ltmp19, $3  }
0x1a8: {  	_ =	sdelay $0x1  }
0x1a9: {  	s1 =	sshra.s32 s0, $0x2  }
0x1aa: {  	s0 =	sadd.s32 $0x40, s0;
	[tilespmem:s1+$0x18800] =	vst v1  }
0x1ab: {  	s0 =	simm.s32 $0x3  }
.LBB2_31:
0x1ac: {  	s1 =	sadd.s32 $0xFFFFFFFD, s0  }
0x1ad: {  	s30 =	sadd.s32 $0xFFFFFFFE, s0;
	v6 =	vadd.s32 s1, v3  }
0x1ae: {  	s31 =	sadd.s32 $0xFFFFFFFF, s0;
	v7 =	vadd.s32 s30, v3  }
0x1af: {  	v8 =	vadd.s32 s31, v3  }
0x1b0: {  	v9 =	vadd.s32 s0, v3;
	_ =	sdelay $0x1  }
0x1b1: {  	v6 =	vld.idx.msk [tilespmem:v6+s21+$0x0], $0xffff  }
0x1b2: {  	v7 =	vld.idx.msk [tilespmem:v7+s21+$0x0], $0xffff  }
0x1b3: {  	v8 =	vld.idx.msk [tilespmem:v8+s21+$0x0], $0xffff  }
0x1b4: {  	v9 =	vld.idx.msk [tilespmem:v9+s21+$0x0], $0xffff;
	_ =	sdelay $0x1  }
0x1b5: {  	v6 =	vshrl.u32 v6, $0x14  }
0x1b6: {  	v7 =	vshrl.u32 v7, $0x14;
	v6 =	vand.u32 $0xFF0, v6  }
0x1b7: {  	v8 =	vshrl.u32 v8, $0x14;
	v7 =	vand.u32 $0xFF0, v7;
	v6 =	vor.u32 v0, v6  }
0x1b8: {  	v9 =	vshrl.u32 v9, $0x14;
	v8 =	vand.u32 $0xFF0, v8;
	v7 =	vor.u32 v0, v7  }
0x1b9: {  	v9 =	vand.u32 $0xFF0, v9;
	v8 =	vor.u32 v0, v8  }
0x1ba: {  	p0 =	sne.s32 s0, $0xC3F;
	v9 =	vor.u32 v0, v9  }
.Ltmp20:
0x1bb: {  	_ = 	snop;
	(pc) =	sbr.rel @p0 .LBB2_31-.Ltmp20, $4  }
0x1bc: {  	[tilespmem:v6+s20+$0x0] =	vst.idx.add.s32.msk $0xffff, v4  }
0x1bd: {  	[tilespmem:v7+s20+$0x0] =	vst.idx.add.s32.msk $0xffff, v4  }
0x1be: {  	[tilespmem:v8+s20+$0x0] =	vst.idx.add.s32.msk $0xffff, v4  }
0x1bf: {  	s0 =	sadd.s32 $0x4, s0;
	[tilespmem:v9+s20+$0x0] =	vst.idx.add.s32.msk $0xffff, v4  }
0x1c0: {  	p1 =	por $0x0, $0x0  }
.Ltmp21:
0x1c1: {  	_ = 	snop;
	(pc) =	sbr.rel @p1 .LBB2_33-.Ltmp21, $2  }
0x1c2: {  	_ =	sdelay $0x2  }
0x1c3: {  	s0 =	simm.s32 $0x0;
	s5 =	simm.s32 $0x0;
	p0 =	por $0x0, $0x0  }
0x1c4: {  	v6 =	vld [tilespmem:s5+$0x18800];
	_ =	sdelay $0x4  }
0x1c5: {  	(xrf0) =	vadd.scan.msk.s32 $0xffff, v6;
	_ =	sdelay $0x4  }
0x1c6: {  	p1 =	por $0x0, $0x0  }
.Ltmp22:
0x1c7: {  	v7, _, _ =	vpop (xrf0);
	(pc) =	sbr.rel @p1 .LBB2_35-.Ltmp22, $4  }
0x1c8: {  	(v2sf) =	vpush v7, $0xF  }
0x1c9: {  	v6 =	vsub.s32 s0, v6  }
0x1ca: {  	s13 =	simm.s32 $0x10;
	v6 =	vadd.s32 v7, v6  }
0x1cb: {  	s15 =	simm.s32 $0x80;
	p0 =	por $0x1, $0x1;
	s1 =	simm.s32 $0x0;
	[tilespmem:s5+$0x18800] =	vst v6  }
.LBB2_36:
0x1cc: {  	p1 =	seq.s32 s15, $0x3FC0;
	v6 =	vld [tilespmem:s13+$0x18800];
	_ =	sdelay $0x4  }
0x1cd: {  	(xrf0) =	vadd.scan.msk.s32 $0xffff, v6;
	_ =	sdelay $0x5  }
.Ltmp23:
0x1ce: {  	v7, _, _ =	vpop (xrf0);
	s5 =	spop (v2sf);
	(pc) =	sbr.rel @!p1 .LBB2_36-.Ltmp23, $4  }
0x1cf: {  	(v2sf) =	vpush v7, $0xF;
	s1 =	sadd.s32 s1, s5  }
0x1d0: {  	v6 =	vsub.s32 s1, v6  }
0x1d1: {  	v6 =	vadd.s32 v7, v6  }
0x1d2: {  	[tilespmem:s13+$0x18800] =	vst v6;
	s13 =	sshra.s32 s15, $0x2;
	s15 =	sadd.s32 $0x40, s15  }
0x1d3: {  	s5 =	smov.u32 s13  }
.LBB2_38:
0x1d4: {  	v6 =	vld [tilespmem:s5+$0x18800];
	_ =	sdelay $0x4  }
0x1d5: {  	(xrf0) =	vadd.scan.msk.s32 $0xffff, v6;
	_ =	sdelay $0x5  }
0x1d6: {  	v7, _, _ =	vpop (xrf0)  }
0x1d7: {  	(v2sf) =	vpush v7, $0xF;
	_ =	sdelay $0x9  }
0x1d8: {  	s7 =	spop @p0 (v2sf)  }
0x1d9: {  	s1 =	sadd.s32 @p0 s1, s7  }
0x1da: {  	s0 =	smov.u32 @p0 s1  }
0x1db: {  	v6 =	vsub.s32 s0, v6  }
0x1dc: {  	v6 =	vadd.s32 v7, v6  }
0x1dd: {  	s0 =	simm.s32 $0x3;
	[tilespmem:s5+$0x18800] =	vst v6;
	s31 =	spop (v2sf)  }
.LBB2_39:
0x1de: {  	s1 =	sadd.s32 $0xFFFFFFFD, s0  }
0x1df: {  	v6 =	vadd.s32 s1, v3;
	_ =	sdelay $0x4  }
0x1e0: {  	v6 =	vld.idx.msk [tilespmem:v6+s21+$0x0], $0xffff;
	_ =	sdelay $0x4  }
0x1e1: {  	v7 =	vshrl.u32 v6, $0x14  }
0x1e2: {  	v7 =	vand.u32 $0xFF0, v7  }
0x1e3: {  	v7 =	vor.u32 v0, v7;
	_ =	sdelay $0x4  }
0x1e4: {  	v8 =	vld.idx.msk [tilespmem:v7+s20+$0x0], $0xffff;
	_ =	sdelay $0x3  }
0x1e5: {  	s30 =	sadd.s32 $0xFFFFFFFE, s0  }
0x1e6: {  	v9 =	vadd.s32 s30, v3;
	_ =	sdelay $0x2  }
0x1e7: {  	[tilespmem:v8+s2+$0x0] =	vst.idx.msk $0xffff, v6  }
0x1e8: {  	[tilespmem:v7+s20+$0x0] =	vst.idx.add.s32.msk $0xffff, v4  }
0x1e9: {  	v6 =	vld.idx.msk [tilespmem:v9+s21+$0x0], $0xffff;
	_ =	sdelay $0x4  }
0x1ea: {  	v7 =	vshrl.u32 v6, $0x14  }
0x1eb: {  	v7 =	vand.u32 $0xFF0, v7  }
0x1ec: {  	v7 =	vor.u32 v0, v7;
	_ =	sdelay $0x4  }
0x1ed: {  	v8 =	vld.idx.msk [tilespmem:v7+s20+$0x0], $0xffff;
	_ =	sdelay $0x3  }
0x1ee: {  	s31 =	sadd.s32 $0xFFFFFFFF, s0  }
0x1ef: {  	v62 =	vadd.s32 s31, v3;
	_ =	sdelay $0x2  }
0x1f0: {  	[tilespmem:v8+s2+$0x0] =	vst.idx.msk $0xffff, v6  }
0x1f1: {  	[tilespmem:v7+s20+$0x0] =	vst.idx.add.s32.msk $0xffff, v4  }
0x1f2: {  	v6 =	vld.idx.msk [tilespmem:v62+s21+$0x0], $0xffff;
	_ =	sdelay $0x4  }
0x1f3: {  	v7 =	vshrl.u32 v6, $0x14  }
0x1f4: {  	v7 =	vand.u32 $0xFF0, v7  }
0x1f5: {  	v7 =	vor.u32 v0, v7;
	_ =	sdelay $0x4  }
0x1f6: {  	v8 =	vld.idx.msk [tilespmem:v7+s20+$0x0], $0xffff;
	_ =	sdelay $0x4  }
0x1f7: {  	v63 =	vadd.s32 s0, v3;
	_ =	sdelay $0x2  }
0x1f8: {  	[tilespmem:v8+s2+$0x0] =	vst.idx.msk $0xffff, v6  }
0x1f9: {  	[tilespmem:v7+s20+$0x0] =	vst.idx.add.s32.msk $0xffff, v4  }
0x1fa: {  	v6 =	vld.idx.msk [tilespmem:v63+s21+$0x0], $0xffff;
	_ =	sdelay $0x4  }
0x1fb: {  	v7 =	vshrl.u32 v6, $0x14  }
0x1fc: {  	v7 =	vand.u32 $0xFF0, v7  }
0x1fd: {  	v7 =	vor.u32 v0, v7;
	_ =	sdelay $0x4  }
0x1fe: {  	v8 =	vld.idx.msk [tilespmem:v7+s20+$0x0], $0xffff;
	_ =	sdelay $0x3  }
0x1ff: {  	p0 =	seq.s32 s0, $0xC3F  }
.Ltmp24:
0x200: {  	_ = 	snop;
	(pc) =	sbr.rel @!p0 .LBB2_39-.Ltmp24, $3  }
0x201: {  	_ =	sdelay $0x1  }
0x202: {  	[tilespmem:v8+s2+$0x0] =	vst.idx.msk $0xffff, v6  }
0x203: {  	s0 =	sadd.s32 $0x4, s0;
	[tilespmem:v7+s20+$0x0] =	vst.idx.add.s32.msk $0xffff, v4  }
0x204: {  	s0 =	sshrl.u32 s28, $0x3  }
0x205: {  	s0 =	smul.u32 $0x62000, s0  }
0x206: {  	s1 =	rddreg [dreg:$0x5];
	s29 =	simm.s32 $0x0  }
0x207: {  	s30 =	simm.s32 $0x0;
	s31 =	simm.s32 $0x0;
	s28 =	sor.u32 s1, s0  }
.LBB2_41:
0x208: {  	s0 =	sadd.s32 $0x0, s30;
	s1 =	simm.s32 $0x30  }
0x209: {  	s5 =	simm.s32 $0x10;
	s0 =	sand.u32 $0x1FF80, s0;
	s1 =	sand.u32 $0x70, s1  }
0x20a: {  	s5 =	sand.u32 $0x50, s5;
	s1 =	sor.u32 s1, s0  }
0x20b: {  	s7 =	simm.s32 $0x20;
	s13 =	sand.u32 $0x40, s29;
	s5 =	sor.u32 s5, s0;
	v8 =	vld [tilespmem:s1+$0x0]  }
0x20c: {  	s7 =	sand.u32 $0x60, s7;
	s1 =	sor.u32 s13, s0;
	v9 =	vld [tilespmem:s5+$0x0]  }
0x20d: {  	s0 =	sor.u32 s7, s0;
	v10 =	vld [tilespmem:s1+$0x0]  }
0x20e: {  	v6 =	vld [tilespmem:s0+$0x0]  }
0x20f: {  	s15 =	sadd.s32 $0x40, s30;
	s24 =	simm.s32 $0x70;
	s12 =	simm.s32 $0x50  }
0x210: {  	s11 =	simm.s32 $0x40;
	s7 =	sand.u32 $0x1FF80, s15;
	s5 =	sand.u32 $0x70, s24;
	vm2 =	vgt.s32 v8, $0xFFFFFFFF  }
0x211: {  	s13 =	sand.u32 $0x40, s11;
	s1 =	sor.u32 s5, s7;
	s5 =	sand.u32 $0x50, s12;
	v11 =	vsel vm2, $0xFFFFFFFF, v5;
	vm2 =	vgt.s32 v9, $0xFFFFFFFF  }
0x212: {  	s0 =	simm.s32 $0x19820;
	s12 =	simm.s32 $0x60;
	v7 =	vld [tilespmem:s1+$0x0];
	s5 =	sor.u32 s5, s7;
	vm3 =	vgt.s32 v10, $0xFFFFFFFF;
	v8 =	vxor.u32 v8, v11;
	v11 =	vsel vm2, $0xFFFFFFFF, v5  }
0x213: {  	s24 =	sor.u32 s13, s7;
	s15 =	sand.u32 $0x60, s12;
	v12 =	vsel vm3, $0xFFFFFFFF, v5;
	vm2 =	vgt.s32 v6, $0xFFFFFFFF;
	[tilespmem:s0+$0x10] =	vst v8;
	v8 =	vld [tilespmem:s5+$0x0];
	v11 =	vxor.u32 v9, v11  }
0x214: {  	s13 =	simm.s32 $0x80;
	s1 =	simm.s32 $0x4;
	s5 =	sor.u32 s15, s7;
	v9 =	vld [tilespmem:s24+$0x0];
	v10 =	vxor.u32 v10, v12;
	[tilespmem:s0+$0xFFFFFFF0] =	vst v11;
	v11 =	vsel vm2, $0xFFFFFFFF, v5  }
.LBB2_42:
0x215: {  	s7 =	sadd.s32 s13, s30  }
0x216: {  	s11 =	sadd.s32 $0x30, s13;
	s1 =	sadd.s32 $0x4, s1;
	[tilespmem:s0+$0xFFFFFFE0] =	vst v10;
	v10 =	vxor.u32 v6, v11;
	v6 =	vld [tilespmem:s5+$0x0];
	s12 =	sadd.s32 $0x20, s13  }
0x217: {  	s7 =	sand.u32 $0x1FF80, s7;
	s5 =	sand.u32 $0x70, s11;
	p0 =	slt.u32 s1, $0x184;
	vm2 =	vgt.s32 v7, $0xFFFFFFFF;
	[tilespmem:s0+$0x0] =	vst v10  }
.Ltmp25:
0x218: {  	s11 =	sadd.s32 $0x10, s13;
	s5 =	sor.u32 s5, s7;
	v10 =	vsel vm2, $0xFFFFFFFF, v5;
	(pc) =	sbr.rel @p0 .LBB2_42-.Ltmp25, $4  }
0x219: {  	s12 =	sand.u32 $0x60, s12;
	s0 =	sadd.s32 $0x40, s0;
	s11 =	sand.u32 $0x50, s11;
	vm2 =	vgt.s32 v8, $0xFFFFFFFF;
	v10 =	vxor.u32 v7, v10;
	v7 =	vld [tilespmem:s5+$0x0]  }
0x21a: {  	s15 =	sand.u32 $0x40, s13;
	s11 =	sor.u32 s11, s7;
	s5 =	sor.u32 s12, s7;
	vm3 =	vgt.s32 v9, $0xFFFFFFFF;
	v11 =	vsel vm2, $0xFFFFFFFF, v5;
	[tilespmem:s0+$0x10] =	vst v10  }
0x21b: {  	s7 =	sor.u32 s15, s7;
	v10 =	vsel vm3, $0xFFFFFFFF, v5;
	v11 =	vxor.u32 v8, v11;
	v8 =	vld [tilespmem:s11+$0x0];
	vm2 =	vgt.s32 v6, $0xFFFFFFFF  }
0x21c: {  	s13 =	sadd.s32 $0x40, s13;
	v10 =	vxor.u32 v9, v10;
	v9 =	vld [tilespmem:s7+$0x0];
	[tilespmem:s0+$0xFFFFFFF0] =	vst v11;
	v11 =	vsel vm2, $0xFFFFFFFF, v5  }
0x21d: {  	v12 =	vld [tilespmem:s5+$0x0];
	_ =	sdelay $0x1  }
0x21e: {  	vm2 =	vgt.s32 v7, $0xFFFFFFFF  }
0x21f: {  	[tilespmem:s0+$0xFFFFFFE0] =	vst v10;
	v6 =	vxor.u32 v6, v11;
	v63 =	vsel vm2, $0xFFFFFFFF, v5;
	vm2 =	vgt.s32 v8, $0xFFFFFFFF  }
0x220: {  	s15 =	sadd.s32 $0x40, s0;
	s1 =	smul.u32 $0xC400, s31;
	[tilespmem:s0+$0x0] =	vst v6;
	v6 =	vxor.u32 v7, v63;
	vm3 =	vgt.s32 v9, $0xFFFFFFFF;
	v7 =	vsel vm2, $0xFFFFFFFF, v5  }
0x221: {  	[tilespmem:s15+$0x10] =	vst v6;
	v6 =	vsel vm3, $0xFFFFFFFF, v5;
	v7 =	vxor.u32 v8, v7;
	vm2 =	vgt.s32 v12, $0xFFFFFFFF  }
0x222: {  	s1 =	sadd.s32 s28, s1;
	v6 =	vxor.u32 v9, v6;
	[tilespmem:s15+$0xFFFFFFF0] =	vst v7;
	v7 =	vsel vm2, $0xFFFFFFFF, v5  }
0x223: {  	s31 =	sadd.s32 $0x1, s31;
	s1 =	sshrl.u32 s1, $0x3;
	[tilespmem:s15+$0xFFFFFFE0] =	vst v6;
	v6 =	vxor.u32 v12, v7  }
0x224: {  	p0 =	sne.s32 s31, $0x8;
	s24 =	sadd.s32 s6, s1;
	[tilespmem:s15+$0x0] =	vst v6  }
0x225: {  	[hbm4b:s24+s22] =	stream.strided.scatter [tilespmem:s16], [sflag:$0x1], $0x1880, s23, s22, $0x38;
	[tilespmem:$0x1BD00] =	vst v63  }
.Ltmp26:
0x226: {  	_ = 	snop;
	(pc) =	sbr.rel @p0 .LBB2_41-.Ltmp26, $4  }
.Ltmp27:
0x227: {  	_ = 	snop;
	(pc) =	sbr.rel @!p0 .LBB2_44-.Ltmp27, $4  }
0x228: {  	_ =	swait.ge [sflag:s14], $0x1880  }
0x229: {  	[sflag:s14] =	ssyncset.done $0x0  }
0x22a: {  	s30 =	sadd.s32 $0x1880, s30;
	[sflag:s14] =	ssyncadd.s32 $0xFFFFE780  }
0x22b: {  	_ = 	snop  }
.LBB2_33:
.Ltmp28:
0x22c: {  	(pc) =	sbr.rel .LBB2_38-.Ltmp28, $2  }
0x22d: {  	_ =	sdelay $0x2  }
0x22e: {  	s1 =	simm.s32 $0x0  }
.LBB2_35:
.Ltmp29:
0x22f: {  	(pc) =	sbr.rel .LBB2_38-.Ltmp29, $2  }
0x230: {  	_ =	sdelay $0x2  }
0x231: {  	s5 =	simm.s32 $0x10;
	s1 =	simm.s32 $0x0  }
.LBB2_46:
0x232: {  	_ =	sfence.sel $0x180000  }
0x233: {  	[bflag:$0x0] =	sbarrier.arrive $0xFFFF  }
0x234: {  	_ =	strace $0x90000047  }
0x235: {  	s0 =	stileid.u32;
	[bflag:$0x2] =	sbarrier.arrive $0xFFFF  }
0x236: {  	p0 =	sne.s32 s0, $0x0;
	s0 =	rddreg [dreg:$0x2]  }
0x237: {  	s0 =	sadd.s32 @!p0 $0x100000, s0  }
0x238: {  	[sflag:s0] =	ssyncadd.tile.s32 @!p0 $0x1;
	_ =	shalt  }
.Lfunc_end2:
_tile_overlayer_lowered:
.L_overlay_start_2:
0x239: {  	(tag) =	ssettag $0x2  }
0x23a: {  	s0 =	rddreg [dreg:$0x0];
	s2 =	stileid.u32  }
0x23b: {  	s1 =	rddreg [dreg:$0x1];
	p0 =	sne.s32 s2, $0x0  }
0x23c: {  	s3 =	rddreg [dreg:$0x2];
	[bflag:$0x3] =	sbarrier.arrive $0xFFFF;
	s2 =	simm.s32 @!p0 $0x1C01  }
0x23d: {  	[timem:s3], [sflag:s2] =	dma.local @!p0 [hbm:s0], s1  }
0x23e: {  	s0 =	simm.s32 @!p0 $0x1  }
0x23f: {  	_ =	swait.ge @!p0 [sflag:s0], s1  }
0x240: {  	s1 =	ssub.s32 @!p0 $0x0, s1;
	[sflag:s0] =	ssyncset.done @!p0 $0x0  }
0x241: {  	[sflag:s0] =	ssyncadd.s32 @!p0 s1  }
0x242: {  	[bflag:$0x3] =	sbarrier.arrive $0xFFFF  }
0x243: {  	_ =	shalt  }

// kernel: kernel.8.cloned.1.call-start
scs
__scs_entry_jumppad:
0x0: {  	(pc) =	sbr.rel $0x88, $3  }
0x1: {  	(tag) =	ssettag $0x0;
	lr =	simm.s32 $0x1  }
0x2: {  	[smem:$0x3F9F] =	sst lr;
	_ =	strace $0xD0000000  }
0x3: {  	_ = 	snop  }
0x4: {  	_ = 	snop  }
0x5: {  	_ = 	snop  }
0x6: {  	_ = 	snop  }
0x7: {  	_ = 	snop  }
__scs_overlays_trampoline_lowered:
0x8: {  	[smem:$0x3FAE] =	sst s0  }
0x9: {  	[smem:$0x3FAF] =	sst s1  }
0xa: {  	[smem:$0x3FB0] =	sst s2  }
0xb: {  	[smem:$0x3FB1] =	sst s3  }
0xc: {  	[smem:$0x3FB2] =	sst s4  }
0xd: {  	[smem:$0x3FB3] =	sst s5  }
0xe: {  	[smem:$0x3FB4] =	sst s6  }
0xf: {  	[smem:$0x3FB5] =	sst s7  }
0x10: {  	[smem:$0x3FB6] =	sst s8  }
0x11: {  	[smem:$0x3FB7] =	sst s9;
	s0 =	simm.s32 @!p0 $0x0  }
0x12: {  	s1 =	sld [smem:$0x3F9D];
	s0 =	simm.s32 @p0 $0x1  }
0x13: {  	[smem:$0x3FB8] =	sst s0;
	s0 =	simm.s32 @!p1 $0x0  }
0x14: {  	s2 =	sld [smem:$0x3F9C];
	s0 =	simm.s32 @p1 $0x1  }
0x15: {  	[smem:$0x3FB9] =	sst s0;
	s0 =	simm.s32 @!p2 $0x0  }
0x16: {  	s3 =	sld [smem:$0x3FDB];
	s0 =	simm.s32 @p2 $0x1  }
0x17: {  	s4 =	simm.s32 $0x1BF5;
	[smem:$0x3FBB] =	sst s0  }
0x18: {  	s0 =	sld [smem:$0x3F9E];
	_ =	swait.ge [sflag:s4], $0x0  }
0x19: {  	s7 =	sld [smem:$0x3F9F]  }
0x1a: {  	s8 =	sadd.s32 $0xFFFFE003, lr  }
0x1b: {  	s9 =	sadd.s32 $0xFFFFFEF7, lr;
	s5 =	simm.s32 $0xFFFFFFFF;
	p2 =	slt.u32 s8, $0xFFFFF086  }
0x1c: {  	p1 =	slt.u32 s9, $0xF7A;
	s5 =	simm.s32 @!p2 $0x0  }
0x1d: {  	s5 =	simm.s32 @p1 $0x1;
	p0 =	seq.s32 s7, s2  }
0x1e: {  	s7 =	smul.u32 @!p0 $0xF7A, s2;
	p2 =	seq.s32 @!p0 s5, $0x0  }
0x1f: {  	s9 =	smul.u32 $0xF7A, s1;
	s8 =	simm.s32 @!p0 $0x1BF5;
	p2 =	por !p2, p0  }
0x20: {  	[sflag:s8] =	ssyncset.s32 @!p0 $0xFFFFF086;
	s6 =	sadd.s32 @!p0 s3, s7;
	s7 =	simm.s32 @!p0 $0x108  }
0x21: {  	s3 =	sadd.s32 s3, s9;
	s6 =	sadd.s32 @!p0 $0x88, s6;
	s7 =	simm.s32 @p2 $0x1082  }
0x22: {  	[simem:s7], [sflag:s8] =	dma.local @!p0 [hbm:s6], $0xF7A  }
0x23: {  	s9 =	sor.u32 $0xD0000000, s2;
	s6 =	simm.s32 $0x108;
	_ =	swait.ge @!p0 [sflag:s8], $0x0  }
0x24: {  	s3 =	sadd.s32 $0x88, s3;
	s6 =	simm.s32 @!p1 $0x1082;
	[sflag:s4] =	ssyncset.s32 $0xFFFFF086  }
0x25: {  	[simem:s6], [sflag:s4] =	dma.local [hbm:s3], $0xF7A  }
0x26: {  	[smem:$0x3F9F] =	sst s1;
	(tag) =	ssettag s2;
	_ =	strace s9  }
0x27: {  	s1 =	sld [smem:$0x3FAF]  }
0x28: {  	s2 =	sld [smem:$0x3FB0]  }
0x29: {  	s4 =	sld [smem:$0x3FB2]  }
0x2a: {  	p0 =	seq.s32 s5, $0x0;
	s5 =	sld [smem:$0x3FB3]  }
0x2b: {  	s6 =	sld [smem:$0x3FB4]  }
0x2c: {  	s7 =	sld [smem:$0x3FB5]  }
0x2d: {  	s3 =	simm.s32 $0x108;
	s8 =	sld [smem:$0x3FB6]  }
0x2e: {  	s3 =	simm.s32 @!p0 $0x1082;
	s9 =	sld [smem:$0x3FB7]  }
0x2f: {  	lr =	sadd.s32 s0, s3;
	s0 =	sld [smem:$0x3FAE]  }
0x30: {  	s3 =	sld [smem:$0x3FB1]  }
0x31: {  	[smem:$0x3FBA] =	sst s10  }
0x32: {  	s10 =	sld [smem:$0x3FB8];
	_ =	sdelay $0x3  }
0x33: {  	p0 =	seq.s32 s10, $0x1;
	s10 =	sld [smem:$0x3FBA];
	_ =	sdelay $0x3  }
0x34: {  	[smem:$0x3FBA] =	sst s10  }
0x35: {  	s10 =	sld [smem:$0x3FB9];
	_ =	sdelay $0x3  }
0x36: {  	p1 =	seq.s32 s10, $0x1;
	s10 =	sld [smem:$0x3FBA];
	_ =	sdelay $0x3  }
0x37: {  	[smem:$0x3FBA] =	sst s10  }
0x38: {  	s10 =	sld [smem:$0x3FBB]  }
0x39: {  	_ = 	snop;
	(pc) =	sbr.ind lr, $3  }
0x3a: {  	_ = 	snop  }
0x3b: {  	_ = 	snop  }
0x3c: {  	p2 =	seq.s32 s10, $0x1;
	s10 =	sld [smem:$0x3FBA]  }
0x3d: {  	_ =	shalt  }
0x3e: {  	_ =	shalt  }
0x3f: {  	_ =	shalt  }
0x40: {  	_ =	shalt  }
0x41: {  	_ =	shalt  }
0x42: {  	_ =	shalt  }
0x43: {  	_ =	shalt  }
0x44: {  	_ =	shalt  }
0x45: {  	_ =	shalt  }
0x46: {  	_ =	shalt  }
0x47: {  	_ =	shalt  }
0x48: {  	_ =	shalt  }
0x49: {  	_ =	shalt  }
0x4a: {  	_ =	shalt  }
0x4b: {  	_ =	shalt  }
0x4c: {  	_ =	shalt  }
0x4d: {  	_ =	shalt  }
0x4e: {  	_ =	shalt  }
0x4f: {  	_ =	shalt  }
0x50: {  	_ =	shalt  }
0x51: {  	_ =	shalt  }
0x52: {  	_ =	shalt  }
0x53: {  	_ =	shalt  }
0x54: {  	_ =	shalt  }
0x55: {  	_ =	shalt  }
0x56: {  	_ =	shalt  }
0x57: {  	_ =	shalt  }
0x58: {  	_ =	shalt  }
0x59: {  	_ =	shalt  }
0x5a: {  	_ =	shalt  }
0x5b: {  	_ =	shalt  }
0x5c: {  	_ =	shalt  }
0x5d: {  	_ =	shalt  }
0x5e: {  	_ =	shalt  }
0x5f: {  	_ =	shalt  }
0x60: {  	_ =	shalt  }
0x61: {  	_ =	shalt  }
0x62: {  	_ =	shalt  }
0x63: {  	_ =	shalt  }
0x64: {  	_ =	shalt  }
0x65: {  	_ =	shalt  }
0x66: {  	_ =	shalt  }
0x67: {  	_ =	shalt  }
0x68: {  	_ =	shalt  }
0x69: {  	_ =	shalt  }
0x6a: {  	_ =	shalt  }
0x6b: {  	_ =	shalt  }
0x6c: {  	_ =	shalt  }
0x6d: {  	_ =	shalt  }
0x6e: {  	_ =	shalt  }
0x6f: {  	_ =	shalt  }
0x70: {  	_ =	shalt  }
0x71: {  	_ =	shalt  }
0x72: {  	_ =	shalt  }
0x73: {  	_ =	shalt  }
0x74: {  	_ =	shalt  }
0x75: {  	_ =	shalt  }
0x76: {  	_ =	shalt  }
0x77: {  	_ =	shalt  }
0x78: {  	_ =	shalt  }
0x79: {  	_ =	shalt  }
0x7a: {  	_ =	shalt  }
0x7b: {  	_ =	shalt  }
0x7c: {  	_ =	shalt  }
0x7d: {  	_ =	shalt  }
0x7e: {  	_ =	shalt  }
0x7f: {  	_ =	shalt  }
0x80: {  	_ =	shalt  }
0x81: {  	_ =	shalt  }
0x82: {  	_ =	shalt  }
0x83: {  	_ =	shalt  }
0x84: {  	_ =	shalt  }
0x85: {  	_ =	shalt  }
0x86: {  	_ =	shalt  }
0x87: {  	_ =	shalt  }
.Lfunc_end0:
.L_simem_size_0:
called_computation.1_lowered:
.L_overlay_start_0:
0x88: {  	s2 =	sld [smem:$0x3FD9]  }
0x89: {  	s3 =	sld [smem:$0x3FFE];
	_ =	sdelay $0x1  }
0x8a: {  	s1 =	srdreg.scid  }
0x8b: {  	s0 =	sand.u32 $0x1, s1  }
0x8c: {  	s16 =	sshll.u32 s0, $0xA;
	s2 =	sadd.s32 s3, s2  }
0x8d: {  	s2 =	sadd.s32 s2, s16  }
0x8e: {  	[smem:$0x3FC6] =	sst s2  }
0x8f: {  	_ = 	snop  }
0x90: {  	(tm) =	ssettm $0x1  }
0x91: {  	s17 =	sld [smem:$0x3FFB];
	_ =	sdelay $0x3  }
0x92: {  	_ =	strace s17  }
0x93: {  	s2 =	sld [smem:$0x3FFC];
	_ =	sdelay $0x3  }
0x94: {  	_ =	strace s2  }
0x95: {  	s2 =	sld [smem:$0x3FFD];
	_ =	sdelay $0x3  }
0x96: {  	_ =	strace s2  }
0x97: {  	_ =	strace $0x8FFFFFFF  }
0x98: {  	s18 =	sld [smem:$0x3FDB];
	_ =	sdelay $0x1  }
0x99: {  	s19 =	simm.s32 $_scs_section_size  }
0x9a: {  	s4 =	simm.s32 $_size__tile_overlayer_lowered;
	s5 =	simm.s32 $_tile_overlayer_lowered  }
0x9b: {  	s22 =	simm.s32 $0x1BFF;
	s21 =	sshll.u32 s5, $0x1;
	s2 =	sadd.s32 s19, s18  }
0x9c: {  	s6 =	simm.s32 $0x0;
	s20 =	sshll.u32 s4, $0x1;
	s4 =	sadd.s32 s21, s2  }
0x9d: {  	[timem:s6], [sflag:s22] =	dma.local [hbm:s4], s20  }
0x9e: {  	_ =	swait.ge [sflag:s22], s20  }
0x9f: {  	s3 =	ssub.s32 $0x0, s20;
	[sflag:s22] =	ssyncset.done $0x0  }
0xa0: {  	[sflag:s22] =	ssyncadd.s32 s3;
	_ =	sdelay $0x1  }
0xa1: {  	s23 =	simm.s32 $0x1B8B  }
0xa2: {  	_ =	swait.ge [sflag:s23], $0x1  }
0xa3: {  	[sflag:s23] =	ssyncset.done $0x0  }
0xa4: {  	s25 =	simm.s32 $0x1B8E;
	s24 =	sld [smem:$0x3FFE];
	[sflag:s23] =	ssyncadd.s32 $0xFFFFFFFF  }
0xa5: {  	s26 =	simm.s32 $execute0_lowered;
	[smem:$0x3FD2] =	sst s25  }
0xa6: {  	s4 =	sshll.u32 s26, $0x1;
	_ =	strace $0x80000049;
	[dreg:$0x1] =	wrdreg $0xFFFFFFFF  }
0xa7: {  	s28 =	simm.s32 $_size_execute0_lowered;
	s2 =	sadd.s32 s2, s4;
	[dreg:$0x0] =	wrdreg $0x0  }
0xa8: {  	s4 =	sshll.u32 s28, $0x1;
	[dreg:$0x2] =	wrdreg s2  }
0xa9: {  	[dreg:$0x3] =	wrdreg s4  }
0xaa: {  	[dreg:$0x4] =	wrdreg $0xC0  }
0xab: {  	_ =	task [dreg:s6], $0x5FFFF  }
0xac: {  	[dreg:$0x1] =	wrdreg $0xFFFFFFFF  }
0xad: {  	[dreg:$0x0] =	wrdreg $0x60  }
0xae: {  	[dreg:$0x2] =	wrdreg s24  }
0xaf: {  	[dreg:$0x3] =	wrdreg $0x9  }
0xb0: {  	_ =	task.clear_ibuf [dreg:s6], $0x4FFFF;
	_ =	strace $0x90000049  }
0xb1: {  	s29 =	simm.s32 $0x9;
	_ =	strace $0x8000004B  }
0xb2: {  	_ =	swait.ge [sflag:s29], $0x1  }
0xb3: {  	[sflag:s29] =	ssyncadd.s32 $0xFFFFFFFF  }
0xb4: {  	_ =	strace $0x9000004B  }
0xb5: {  	_ =	sfence  }
0xb6: {  	s30 =	sld [smem:$0x0];
	_ =	sdelay $0x2  }
0xb7: {  	s31 =	sshll.u32 s1, $0xD;
	s1 =	sshrl.u32 s1, $0x2  }
0xb8: {  	s3 =	sand.u32 $0x4000, s31;
	s1 =	sadd.s32 s1, s30  }
0xb9: {  	s0 =	sor.u32 s3, s0;
	s1 =	sshll.u32 s1, $0x11  }
0xba: {  	s0 =	sor.u32 s1, s0  }
0xbb: {  	s0 =	sadd.s32 $0x8F2B, s0  }
0xbc: {  	[sflag:s0] =	ssyncadd.remote.s32 $0x1  }
0xbd: {  	_ =	sfence.sel $0xFFFF  }
0xbe: {  	[dreg:$0x0] =	wrdreg $0xFFFFFFFF;
	(pc) =	sbr.abs _section_cstart, $3  }
0xbf: {  	[dreg:$0x1] =	wrdreg $0xFFFFFFFF  }
0xc0: {  	_ =	task.clear_ibuf [dreg:s6], $0x2FFFF;
	_ =	strace $0x9FFFFFFF  }
0xc1: {  	(tm) =	ssettm $0x7FFFFFFF  }
tec
execute0_lowered:
.L_overlay_start_1:
0x0: {  	(tag) =	ssettag $0x1  }
0x1: {  	s5 =	rddreg [dreg:$0x0];
	s2 =	simm.s32 $0x0  }
0x2: {  	[smem:$0x7FF] =	sst s2;
	s6 =	sadd.s32 $0x499000, s5  }
0x3: {  	s22 =	sadd.s32 $0x93A000, s5;
	_ =	strace $0x8000004A;
	[dreg:$0x3] =	wrdreg s6  }
0x4: {  	s23 =	sadd.s32 $0x934000, s5;
	[dreg:$0x4] =	wrdreg s22  }
0x5: {  	s24 =	sadd.s32 $0x931000, s5;
	[dreg:$0x5] =	wrdreg s23  }
0x6: {  	s25 =	sadd.s32 $0x498E00, s5;
	[dreg:$0x6] =	wrdreg s24  }
0x7: {  	s28 =	sadd.s32 $0x499800, s5;
	[dreg:$0x7] =	wrdreg s25  }
0x8: {  	s29 =	sadd.s32 $0x49A000, s5;
	[dreg:$0xa] =	wrdreg s28  }
0x9: {  	s30 =	sadd.s32 $0x49A800, s5;
	[dreg:$0xb] =	wrdreg s29  }
0xa: {  	s31 =	sadd.s32 $0x49B800, s5;
	[dreg:$0xc] =	wrdreg s30  }
0xb: {  	s7 =	sadd.s32 $0x49C000, s5;
	[dreg:$0xd] =	wrdreg s31  }
0xc: {  	s8 =	sadd.s32 $0x49C800, s5;
	[dreg:$0xf] =	wrdreg s7  }
0xd: {  	s9 =	sadd.s32 $0x49D000, s5;
	[dreg:$0x10] =	wrdreg s8  }
0xe: {  	s10 =	sadd.s32 $0x49D800, s5;
	[dreg:$0x11] =	wrdreg s9  }
0xf: {  	s11 =	sadd.s32 $0x49E000, s5;
	[dreg:$0x12] =	wrdreg s10  }
0x10: {  	s13 =	sadd.s32 $0x49E800, s5;
	[dreg:$0x13] =	wrdreg s11  }
0x11: {  	s14 =	sadd.s32 $0x49F800, s5;
	[dreg:$0x14] =	wrdreg s13  }
0x12: {  	s15 =	sadd.s32 $0x49F000, s5;
	[dreg:$0x15] =	wrdreg s14  }
0x13: {  	s16 =	sadd.s32 $0x4A0000, s5;
	[dreg:$0x16] =	wrdreg s15  }
0x14: {  	s17 =	sadd.s32 $0x4A0800, s5;
	[dreg:$0x17] =	wrdreg s16  }
0x15: {  	s0 =	srdreg.scid;
	s18 =	sadd.s32 $0x4A1000, s5;
	[dreg:$0x18] =	wrdreg s17  }
0x16: {  	s1 =	stileid.u32;
	s19 =	sadd.s32 $0x4A1800, s5;
	[dreg:$0x19] =	wrdreg s18  }
0x17: {  	s0 =	sand.u32 $0x1, s0;
	s20 =	sadd.s32 $0x4A2000, s5;
	[dreg:$0x1a] =	wrdreg s19  }
0x18: {  	s1 =	sshll.u32 s1, $0x1;
	s21 =	sadd.s32 $0x4A2800, s5;
	[dreg:$0x1b] =	wrdreg s20  }
0x19: {  	s3 =	sor.u32 s0, s1;
	[dreg:$0x1c] =	wrdreg s21  }
0x1a: {  	s22 =	sadd.s32 $0x4A3800, s5;
	[dreg:$0x2] =	wrdreg s3  }
0x1b: {  	s23 =	sadd.s32 $0x4A3000, s5;
	[dreg:$0x1d] =	wrdreg s22  }
0x1c: {  	s24 =	sadd.s32 $0x4A4000, s5;
	[dreg:$0x1e] =	wrdreg s23  }
0x1d: {  	s25 =	sadd.s32 $0x4A4800, s5;
	[dreg:$0x1f] =	wrdreg s24  }
0x1e: {  	s28 =	sadd.s32 $0x1600, s5;
	[smem:$0x7F7] =	sst s25  }
0x1f: {  	s6 =	sadd.s32 $0x940000, s5;
	s29 =	sadd.s32 $0x1E00, s5;
	[smem:$0x7FA] =	sst s28  }
0x20: {  	s0 =	ssub.s32 $0x2, s0;
	s30 =	sadd.s32 $0x2600, s5;
	[smem:$0x7FB] =	sst s29  }
0x21: {  	s1 =	smul.u32 $0x180, s3;
	s26 =	sshll.u32 s3, $0x7;
	[smem:$0x7FC] =	sst s30  }
0x22: {  	s3 =	sadd.s32 $0x49B000, s5;
	s12 =	sshrl.u32 s0, $0x1;
	[smem:$0x7FD] =	sst s6  }
0x23: {  	[dreg:$0xe] =	wrdreg s3;
	s12 =	ssub.s32 s0, s12  }
.Ltmp0:
0x24: {  	v2 =	vimm.s32 $0x7FFF;
	s1 =	sadd.s32 s1, s5;
	s31 =	smax.u32 s12, $0x1;
	(pc) =	sbr.rel .LBB2_1-.Ltmp0, $4  }
0x25: {  	s1 =	sadd.s32 $0x93D000, s1;
	[smem:$0x7F9] =	sst s31  }
0x26: {  	s4 =	sadd.s32 $0xE00, s5;
	[dreg:$0x8] =	wrdreg s1;
	s1 =	sand.u32 $0x380, s26  }
0x27: {  	v1 =	vlaneseq.u32;
	v0 =	vimm.s32 $0x0;
	vm0 =	vmmov $0xffff;
	s14 =	simm.s32 $0xC400;
	s26 =	sadd.s32 $0x4A5000, s5;
	[dreg:$0x9] =	wrdreg s1  }
0x28: {  	vm1 =	vmmov $0xff;
	vm2 =	vmmov $0x1;
	v1 =	vmul.u32 $0x8, v1;
	s7 =	simm.s32 $0x0;
	s12 =	simm.s32 $0x2;
	[smem:$0x7F8] =	sst s26  }
.LBB2_8:
0x29: {  	s7 =	sld [smem:$0x7F5]  }
0x2a: {  	s5 =	sld [smem:$0x7F9];
	_ =	sdelay $0x1  }
0x2b: {  	s7 =	sadd.s32 $0x1, s7  }
0x2c: {  	p0 =	sne.s32 s7, s5  }
.Ltmp1:
0x2d: {  	_ = 	snop;
	(pc) =	sbr.rel @!p0 .LBB2_9-.Ltmp1, $1  }
0x2e: {  	_ =	sdelay $0x3  }
.LBB2_1:
0x2f: {  	[smem:$0x7F5] =	sst s7  }
0x30: {  	s22 =	rddreg [dreg:$0x8];
	s5 =	simm.s32 $0x18980  }
0x31: {  	[tilespmem:s5], [sflag:$0x2] =	stream.linear.gather [hbm4b:s22+s2], $0xC00, $0x38;
	[tilespmem:$0x1C700] =	vst v63  }
0x32: {  	_ =	swait.ge [sflag:s12], $0xC00  }
0x33: {  	[sflag:s12] =	ssyncset.done $0x0  }
0x34: {  	s30 =	simm.s32 $0x19580;
	s29 =	rddreg [dreg:$0x7];
	[sflag:s12] =	ssyncadd.s32 $0xFFFFF400  }
0x35: {  	[tilespmem:s30], [sflag:$0x2] =	stream.linear.gather [hbm4b:s29+s2], $0x80, $0x38;
	[tilespmem:$0x1C700] =	vst v63  }
0x36: {  	_ =	swait.ge [sflag:s12], $0x80  }
0x37: {  	[sflag:s12] =	ssyncset.done $0x0  }
0x38: {  	[sflag:s12] =	ssyncadd.s32 $0xFFFFFF80  }
0x39: {  	v3 =	vld [tilespmem:$0x19580];
	_ =	sdelay $0x4  }
0x3a: {  	v3 =	vxor.u32 $0x80000000, v3  }
0x3b: {  	(xrf0) =	vmax.scan.msk.u32 $0xffff, v3;
	_ =	sdelay $0x5  }
0x3c: {  	v3, _, _ =	vpop (xrf0)  }
0x3d: {  	(v2sf) =	vpush v3, $0xF;
	_ =	sdelay $0xc  }
.Ltmp2:
0x3e: {  	_ = 	snop;
	(pc) =	sbr.rel .LBB2_2-.Ltmp2, $4  }
0x3f: {  	_ = 	snop  }
0x40: {  	s31 =	spop (v2sf)  }
0x41: {  	s15 =	sxor.u32 $0x80000000, s31  }
0x42: {  	s16 =	simm.s32 $0x0;
	[smem:$0x7F6] =	sst s15  }
.LBB2_7:
0x43: {  	s16 =	sadd.s32 $0x1, s16  }
0x44: {  	p0 =	sne.s32 s16, $0x18  }
.Ltmp3:
0x45: {  	_ = 	snop;
	(pc) =	sbr.rel @!p0 .LBB2_8-.Ltmp3, $1  }
0x46: {  	_ =	sdelay $0x3  }
.LBB2_2:
0x47: {  	s24 =	sshll.u32 s16, $0x5;
	s25 =	rddreg [dreg:$0x2]  }
0x48: {  	s24 =	sor.u32 s25, s24  }
0x49: {  	p0 =	sge.s32 s24, s15  }
.Ltmp4:
0x4a: {  	_ = 	snop;
	(pc) =	sbr.rel @p0 .LBB2_7-.Ltmp4, $1  }
0x4b: {  	_ =	sdelay $0x3  }
0x4c: {  	s5 =	sshrl.u32 s24, $0x3  }
0x4d: {  	s20 =	rddreg [dreg:$0x9];
	s24 =	sshll.u32 s5, $0xA  }
0x4e: {  	s24 =	sor.u32 s20, s24  }
0x4f: {  	s21 =	rddreg [dreg:$0x4];
	s22 =	simm.s32 $0x18900;
	s26 =	sshrl.u32 s24, $0x3  }
0x50: {  	[smem:$0x7F4] =	sst s5;
	s24 =	simm.s32 $0x0;
	s28 =	sadd.s32 s21, s26  }
0x51: {  	[tilespmem:s22], [sflag:$0x2] =	stream.linear.gather [hbm4b:s28+s24], $0x80, $0x38;
	[tilespmem:$0x1C700] =	vst v63  }
0x52: {  	_ =	swait.ge [sflag:s12], $0x80  }
0x53: {  	[sflag:s12] =	ssyncset.done $0x0;
	s23 =	rddreg [dreg:$0x5]  }
0x54: {  	s25 =	simm.s32 $0x18800;
	[sflag:s12] =	ssyncadd.s32 $0xFFFFFF80;
	s28 =	sadd.s32 s23, s26  }
0x55: {  	[tilespmem:s25], [sflag:$0x2] =	stream.linear.gather [hbm4b:s28+s24], $0x80, $0x38;
	[tilespmem:$0x1C700] =	vst v63  }
0x56: {  	_ =	swait.ge [sflag:s12], $0x80  }
0x57: {  	[sflag:s12] =	ssyncset.done $0x0;
	s29 =	rddreg [dreg:$0x6]  }
0x58: {  	s30 =	simm.s32 $0x18880;
	[sflag:s12] =	ssyncadd.s32 $0xFFFFFF80;
	s26 =	sadd.s32 s29, s26  }
0x59: {  	[tilespmem:s30], [sflag:$0x2] =	stream.linear.gather [hbm4b:s26+s24], $0x80, $0x38;
	[tilespmem:$0x1C700] =	vst v63  }
0x5a: {  	_ =	swait.ge [sflag:s12], $0x80  }
0x5b: {  	[sflag:s12] =	ssyncset.done $0x0  }
0x5c: {  	[sflag:s12] =	ssyncadd.s32 $0xFFFFFF80  }
0x5d: {  	v3 =	vld.msk [tilespmem:$0x18800], $0x1;
	_ =	sdelay $0x4  }
0x5e: {  	v4 =	vshrl.u32 v3, $0x3  }
0x5f: {  	v4 =	vmul.u32 $0xC40, v4  }
0x60: {  	v3 =	vand.u32 $0x7, v3  }
0x61: {  	v3 =	vor.u32 v3, v4  }
0x62: {  	v3 =	vperm.xlane v3, v0;
	_ =	sdelay $0x1  }
0x63: {  	v3 =	vadd.s32 v1, v3;
	_ =	sdelay $0x2  }
0x64: {  	s26 =	rddreg [dreg:$0x3]  }
0x65: {  	s28 =	rddreg [dreg:$0xa]  }
0x66: {  	[tilespmem:s24], [sflag:$0x1] =	stream.indirect_vreg.gather [hbm4b:s26+s24], $0x80, v3, vm0, $0xb8;
	[tilespmem:$0x1C700] =	vst v63  }
0x67: {  	s31 =	simm.s32 $0x800;
	s30 =	rddreg [dreg:$0xb]  }
0x68: {  	[tilespmem:s31], [sflag:$0x1] =	stream.indirect_vreg.gather [hbm4b:s28+s24], $0x80, v3, vm0, $0xb8;
	[tilespmem:$0x1C700] =	vst v63  }
0x69: {  	s0 =	simm.s32 $0x1000;
	s9 =	rddreg [dreg:$0xf]  }
0x6a: {  	[tilespmem:s0], [sflag:$0x1] =	stream.indirect_vreg.gather [hbm4b:s30+s24], $0x80, v3, vm0, $0xb8;
	[tilespmem:$0x1C700] =	vst v63  }
0x6b: {  	s1 =	simm.s32 $0x1800;
	s31 =	rddreg [dreg:$0xc]  }
0x6c: {  	[tilespmem:s1], [sflag:$0x1] =	stream.indirect_vreg.gather [hbm4b:s31+s24], $0x80, v3, vm0, $0xb8;
	[tilespmem:$0x1C700] =	vst v63  }
0x6d: {  	s3 =	simm.s32 $0x2000;
	s1 =	rddreg [dreg:$0xe]  }
0x6e: {  	[tilespmem:s3], [sflag:$0x1] =	stream.indirect_vreg.gather [hbm4b:s1+s24], $0x80, v3, vm0, $0xb8;
	[tilespmem:$0x1C700] =	vst v63  }
0x6f: {  	s6 =	simm.s32 $0x2800;
	s0 =	rddreg [dreg:$0xd]  }
0x70: {  	[tilespmem:s6], [sflag:$0x1] =	stream.indirect_vreg.gather [hbm4b:s0+s24], $0x80, v3, vm0, $0xb8;
	[tilespmem:$0x1C700] =	vst v63  }
0x71: {  	s7 =	simm.s32 $0x3000;
	s11 =	rddreg [dreg:$0x10]  }
0x72: {  	[tilespmem:s7], [sflag:$0x1] =	stream.indirect_vreg.gather [hbm4b:s9+s24], $0x80, v3, vm0, $0xb8;
	[tilespmem:$0x1C700] =	vst v63  }
0x73: {  	s8 =	simm.s32 $0x3800;
	s22 =	rddreg [dreg:$0x13]  }
0x74: {  	[tilespmem:s8], [sflag:$0x1] =	stream.indirect_vreg.gather [hbm4b:s11+s24], $0x80, v3, vm0, $0xb8;
	[tilespmem:$0x1C700] =	vst v63  }
0x75: {  	s10 =	simm.s32 $0x4000;
	s6 =	rddreg [dreg:$0x11]  }
0x76: {  	[tilespmem:s10], [sflag:$0x1] =	stream.indirect_vreg.gather [hbm4b:s6+s24], $0x80, v3, vm0, $0xb8;
	[tilespmem:$0x1C700] =	vst v63  }
0x77: {  	s13 =	simm.s32 $0x4800;
	s7 =	rddreg [dreg:$0x12]  }
0x78: {  	[tilespmem:s13], [sflag:$0x1] =	stream.indirect_vreg.gather [hbm4b:s7+s24], $0x80, v3, vm0, $0xb8;
	[tilespmem:$0x1C700] =	vst v63  }
0x79: {  	s15 =	simm.s32 $0x5000;
	[smem:$0x7F3] =	sst s16  }
0x7a: {  	[tilespmem:s15], [sflag:$0x1] =	stream.indirect_vreg.gather [hbm4b:s22+s24], $0x80, v3, vm0, $0xb8;
	[tilespmem:$0x1C700] =	vst v63  }
0x7b: {  	s17 =	simm.s32 $0x5800;
	s13 =	rddreg [dreg:$0x14]  }
0x7c: {  	[tilespmem:s17], [sflag:$0x1] =	stream.indirect_vreg.gather [hbm4b:s13+s24], $0x80, v3, vm0, $0xb8;
	[tilespmem:$0x1C700] =	vst v63  }
0x7d: {  	s18 =	simm.s32 $0x6000;
	s16 =	rddreg [dreg:$0x16]  }
0x7e: {  	[tilespmem:s18], [sflag:$0x1] =	stream.indirect_vreg.gather [hbm4b:s16+s24], $0x80, v3, vm0, $0xb8;
	[tilespmem:$0x1C700] =	vst v63  }
0x7f: {  	s19 =	simm.s32 $0x6800;
	s15 =	rddreg [dreg:$0x15]  }
0x80: {  	[tilespmem:s19], [sflag:$0x1] =	stream.indirect_vreg.gather [hbm4b:s15+s24], $0x80, v3, vm0, $0xb8;
	[tilespmem:$0x1C700] =	vst v63  }
0x81: {  	s20 =	simm.s32 $0x7000;
	s17 =	rddreg [dreg:$0x17]  }
0x82: {  	[tilespmem:s20], [sflag:$0x1] =	stream.indirect_vreg.gather [hbm4b:s17+s24], $0x80, v3, vm0, $0xb8;
	[tilespmem:$0x1C700] =	vst v63  }
0x83: {  	s21 =	simm.s32 $0x7800;
	s18 =	rddreg [dreg:$0x18]  }
0x84: {  	[tilespmem:s21], [sflag:$0x1] =	stream.indirect_vreg.gather [hbm4b:s18+s24], $0x80, v3, vm0, $0xb8;
	[tilespmem:$0x1C700] =	vst v63  }
0x85: {  	s23 =	simm.s32 $0x8000;
	s19 =	rddreg [dreg:$0x19]  }
0x86: {  	[tilespmem:s23], [sflag:$0x1] =	stream.indirect_vreg.gather [hbm4b:s19+s24], $0x80, v3, vm0, $0xb8;
	[tilespmem:$0x1C700] =	vst v63  }
0x87: {  	s25 =	simm.s32 $0x8800;
	s20 =	rddreg [dreg:$0x1a]  }
0x88: {  	[tilespmem:s25], [sflag:$0x1] =	stream.indirect_vreg.gather [hbm4b:s20+s24], $0x80, v3, vm0, $0xb8;
	[tilespmem:$0x1C700] =	vst v63  }
0x89: {  	s29 =	simm.s32 $0x9000;
	s21 =	rddreg [dreg:$0x1b]  }
0x8a: {  	[tilespmem:s29], [sflag:$0x1] =	stream.indirect_vreg.gather [hbm4b:s21+s24], $0x80, v3, vm0, $0xb8;
	[tilespmem:$0x1C700] =	vst v63  }
0x8b: {  	s3 =	simm.s32 $0x9800;
	s23 =	rddreg [dreg:$0x1c]  }
0x8c: {  	[tilespmem:s3], [sflag:$0x1] =	stream.indirect_vreg.gather [hbm4b:s23+s24], $0x80, v3, vm0, $0xb8;
	[tilespmem:$0x1C700] =	vst v63  }
0x8d: {  	s8 =	simm.s32 $0xA000;
	s3 =	rddreg [dreg:$0x1e]  }
0x8e: {  	[tilespmem:s8], [sflag:$0x1] =	stream.indirect_vreg.gather [hbm4b:s3+s24], $0x80, v3, vm0, $0xb8;
	[tilespmem:$0x1C700] =	vst v63  }
0x8f: {  	s10 =	simm.s32 $0xA800;
	s25 =	smov.u32 s4;
	s4 =	rddreg [dreg:$0x1d]  }
0x90: {  	[tilespmem:s10], [sflag:$0x1] =	stream.indirect_vreg.gather [hbm4b:s4+s24], $0x80, v3, vm0, $0xb8;
	[tilespmem:$0x1C700] =	vst v63  }
0x91: {  	s5 =	rddreg [dreg:$0x1f];
	s8 =	simm.s32 $0xB000  }
0x92: {  	[tilespmem:s8], [sflag:$0x1] =	stream.indirect_vreg.gather [hbm4b:s5+s24], $0x80, v3, vm0, $0xb8;
	[tilespmem:$0x1C700] =	vst v63  }
0x93: {  	s8 =	sld [smem:$0x7F7];
	_ =	sdelay $0x1  }
0x94: {  	s10 =	simm.s32 $0xB800  }
0x95: {  	[tilespmem:s10], [sflag:$0x1] =	stream.indirect_vreg.gather [hbm4b:s8+s24], $0x80, v3, vm0, $0xb8;
	[tilespmem:$0x1C700] =	vst v63  }
0x96: {  	s10 =	sld [smem:$0x7F8];
	_ =	sdelay $0x1  }
0x97: {  	s29 =	simm.s32 $0xC000  }
0x98: {  	[tilespmem:s29], [sflag:$0x1] =	stream.indirect_vreg.gather [hbm4b:s10+s24], $0x80, v3, vm1, $0xb8;
	[tilespmem:$0x1C700] =	vst v63  }
0x99: {  	s29 =	simm.s32 $0x1  }
0x9a: {  	_ =	swait.ge [sflag:s29], $0xC400  }
0x9b: {  	[sflag:s29] =	ssyncset.done $0x0  }
0x9c: {  	[sflag:s29] =	ssyncadd.s32 $0xFFFF3C00  }
0x9d: {  	v3 =	vld.msk [tilespmem:$0x18880], $0x1;
	_ =	sdelay $0x4  }
0x9e: {  	v4 =	vshrl.u32 v3, $0x3  }
0x9f: {  	v4 =	vmul.u32 $0xC40, v4  }
0xa0: {  	v3 =	vand.u32 $0x7, v3  }
0xa1: {  	v3 =	vor.u32 v3, v4  }
0xa2: {  	v3 =	vperm.xlane v3, v0;
	_ =	sdelay $0x1  }
0xa3: {  	v3 =	vadd.s32 v1, v3;
	_ =	sdelay $0x4  }
0xa4: {  	[tilespmem:s14], [sflag:$0x1] =	stream.indirect_vreg.gather [hbm4b:s26+s24], $0x80, v3, vm0, $0xb8;
	[tilespmem:$0x1C700] =	vst v63  }
0xa5: {  	s26 =	simm.s32 $0xCC00  }
0xa6: {  	[tilespmem:s26], [sflag:$0x1] =	stream.indirect_vreg.gather [hbm4b:s28+s24], $0x80, v3, vm0, $0xb8;
	[tilespmem:$0x1C700] =	vst v63  }
0xa7: {  	s28 =	simm.s32 $0xD400  }
0xa8: {  	[tilespmem:s28], [sflag:$0x1] =	stream.indirect_vreg.gather [hbm4b:s30+s24], $0x80, v3, vm0, $0xb8;
	[tilespmem:$0x1C700] =	vst v63  }
0xa9: {  	s28 =	simm.s32 $0xDC00  }
0xaa: {  	[tilespmem:s28], [sflag:$0x1] =	stream.indirect_vreg.gather [hbm4b:s31+s24], $0x80, v3, vm0, $0xb8;
	[tilespmem:$0x1C700] =	vst v63  }
0xab: {  	s30 =	simm.s32 $0xE400  }
0xac: {  	[tilespmem:s30], [sflag:$0x1] =	stream.indirect_vreg.gather [hbm4b:s1+s24], $0x80, v3, vm0, $0xb8;
	[tilespmem:$0x1C700] =	vst v63  }
0xad: {  	s31 =	simm.s32 $0xEC00  }
0xae: {  	[tilespmem:s31], [sflag:$0x1] =	stream.indirect_vreg.gather [hbm4b:s0+s24], $0x80, v3, vm0, $0xb8;
	[tilespmem:$0x1C700] =	vst v63  }
0xaf: {  	s28 =	simm.s32 $0xF400  }
0xb0: {  	[tilespmem:s28], [sflag:$0x1] =	stream.indirect_vreg.gather [hbm4b:s9+s24], $0x80, v3, vm0, $0xb8;
	[tilespmem:$0x1C700] =	vst v63  }
0xb1: {  	s30 =	simm.s32 $0xFC00  }
0xb2: {  	[tilespmem:s30], [sflag:$0x1] =	stream.indirect_vreg.gather [hbm4b:s11+s24], $0x80, v3, vm0, $0xb8;
	[tilespmem:$0x1C700] =	vst v63  }
0xb3: {  	s31 =	simm.s32 $0x10400  }
0xb4: {  	[tilespmem:s31], [sflag:$0x1] =	stream.indirect_vreg.gather [hbm4b:s6+s24], $0x80, v3, vm0, $0xb8;
	[tilespmem:$0x1C700] =	vst v63  }
0xb5: {  	s26 =	simm.s32 $0x10C00  }
0xb6: {  	[tilespmem:s26], [sflag:$0x1] =	stream.indirect_vreg.gather [hbm4b:s7+s24], $0x80, v3, vm0, $0xb8;
	[tilespmem:$0x1C700] =	vst v63  }
0xb7: {  	s28 =	simm.s32 $0x11400  }
0xb8: {  	[tilespmem:s28], [sflag:$0x1] =	stream.indirect_vreg.gather [hbm4b:s22+s24], $0x80, v3, vm0, $0xb8;
	[tilespmem:$0x1C700] =	vst v63  }
0xb9: {  	s30 =	simm.s32 $0x11C00  }
0xba: {  	[tilespmem:s30], [sflag:$0x1] =	stream.indirect_vreg.gather [hbm4b:s13+s24], $0x80, v3, vm0, $0xb8;
	[tilespmem:$0x1C700] =	vst v63  }
0xbb: {  	s31 =	simm.s32 $0x12400  }
0xbc: {  	[tilespmem:s31], [sflag:$0x1] =	stream.indirect_vreg.gather [hbm4b:s16+s24], $0x80, v3, vm0, $0xb8;
	[tilespmem:$0x1C700] =	vst v63  }
0xbd: {  	s22 =	simm.s32 $0x12C00  }
0xbe: {  	[tilespmem:s22], [sflag:$0x1] =	stream.indirect_vreg.gather [hbm4b:s15+s24], $0x80, v3, vm0, $0xb8;
	[tilespmem:$0x1C700] =	vst v63  }
0xbf: {  	s26 =	simm.s32 $0x13400  }
0xc0: {  	[tilespmem:s26], [sflag:$0x1] =	stream.indirect_vreg.gather [hbm4b:s17+s24], $0x80, v3, vm0, $0xb8;
	[tilespmem:$0x1C700] =	vst v63  }
0xc1: {  	s28 =	simm.s32 $0x13C00  }
0xc2: {  	[tilespmem:s28], [sflag:$0x1] =	stream.indirect_vreg.gather [hbm4b:s18+s24], $0x80, v3, vm0, $0xb8;
	[tilespmem:$0x1C700] =	vst v63  }
0xc3: {  	s30 =	simm.s32 $0x14400  }
0xc4: {  	[tilespmem:s30], [sflag:$0x1] =	stream.indirect_vreg.gather [hbm4b:s19+s24], $0x80, v3, vm0, $0xb8;
	[tilespmem:$0x1C700] =	vst v63  }
0xc5: {  	s31 =	simm.s32 $0x14C00  }
0xc6: {  	[tilespmem:s31], [sflag:$0x1] =	stream.indirect_vreg.gather [hbm4b:s20+s24], $0x80, v3, vm0, $0xb8;
	[tilespmem:$0x1C700] =	vst v63  }
0xc7: {  	s17 =	simm.s32 $0x15400  }
0xc8: {  	[tilespmem:s17], [sflag:$0x1] =	stream.indirect_vreg.gather [hbm4b:s21+s24], $0x80, v3, vm0, $0xb8;
	[tilespmem:$0x1C700] =	vst v63  }
0xc9: {  	s18 =	simm.s32 $0x15C00  }
0xca: {  	[tilespmem:s18], [sflag:$0x1] =	stream.indirect_vreg.gather [hbm4b:s23+s24], $0x80, v3, vm0, $0xb8;
	[tilespmem:$0x1C700] =	vst v63  }
0xcb: {  	s1 =	sld [smem:$0x7FB];
	s19 =	simm.s32 $0x16400  }
0xcc: {  	[tilespmem:s19], [sflag:$0x1] =	stream.indirect_vreg.gather [hbm4b:s3+s24], $0x80, v3, vm0, $0xb8;
	[tilespmem:$0x1C700] =	vst v63  }
0xcd: {  	s0 =	sld [smem:$0x7FA];
	s20 =	simm.s32 $0x16C00  }
0xce: {  	[tilespmem:s20], [sflag:$0x1] =	stream.indirect_vreg.gather [hbm4b:s4+s24], $0x80, v3, vm0, $0xb8;
	[tilespmem:$0x1C700] =	vst v63  }
0xcf: {  	s6 =	sld [smem:$0x7FD];
	s21 =	simm.s32 $0x17400  }
0xd0: {  	[tilespmem:s21], [sflag:$0x1] =	stream.indirect_vreg.gather [hbm4b:s5+s24], $0x80, v3, vm0, $0xb8;
	[tilespmem:$0x1C700] =	vst v63  }
0xd1: {  	s16 =	sld [smem:$0x7F3];
	s22 =	simm.s32 $0x17C00  }
0xd2: {  	[tilespmem:s22], [sflag:$0x1] =	stream.indirect_vreg.gather [hbm4b:s8+s24], $0x80, v3, vm0, $0xb8;
	[tilespmem:$0x1C700] =	vst v63  }
0xd3: {  	s15 =	sld [smem:$0x7F6];
	s23 =	simm.s32 $0x18400  }
0xd4: {  	[tilespmem:s23], [sflag:$0x1] =	stream.indirect_vreg.gather [hbm4b:s10+s24], $0x80, v3, vm1, $0xb8;
	[tilespmem:$0x1C700] =	vst v63  }
0xd5: {  	s3 =	sld [smem:$0x7FC];
	_ =	swait.ge [sflag:s29], $0xC400  }
0xd6: {  	s9 =	simm.s32 $0x1A600;
	s28 =	sld [smem:$0x7F4]  }
0xd7: {  	s11 =	simm.s32 $0x400;
	s4 =	smov.u32 s25;
	s25 =	sshll.u32 s16, $0x7  }
0xd8: {  	s7 =	simm.s32 $0x19600;
	s13 =	simm.s32 $0x1AE80;
	s26 =	sand.u32 $0x3FFFFF80, s25  }
0xd9: {  	s5 =	simm.s32 $0x1AE00;
	[sflag:s29] =	ssyncset.done $0x0;
	s30 =	smul.u32 $0x62000, s28  }
0xda: {  	s26 =	sadd.s32 $0x18980, s26;
	s31 =	rddreg [dreg:$0x9];
	[sflag:s29] =	ssyncadd.s32 $0xFFFF3C00  }
0xdb: {  	s8 =	simm.s32 $0x19E00;
	s10 =	simm.s32 $0x80;
	v3 =	vmov s26;
	v4 =	vld [tilespmem:$0x18900];
	s25 =	sor.u32 s31, s30  }
.LBB2_4:
0xdc: {  	_ =	sdelay $0x3  }
0xdd: {  	v5 =	vld.idx.msk [tilespmem:v3+s24+$0x0 ss:$0x1], $0x1;
	_ =	sdelay $0x4  }
0xde: {  	v6 =	vshrl.u32 v5, $0x3  }
0xdf: {  	v6 =	vmul.u32 $0x188, v6  }
0xe0: {  	v5 =	vand.u32 $0x7, v5  }
0xe1: {  	v5 =	vor.u32 v5, v6  }
0xe2: {  	v5 =	vperm.xlane v5, v0;
	_ =	sdelay $0x1  }
0xe3: {  	v5 =	vadd.s32 v1, v5;
	_ =	sdelay $0x4  }
0xe4: {  	[tilespmem:s7], [sflag:$0x2] =	stream.indirect_vreg.gather [hbm4b:s4+s2], $0x80, v5, vm0, $0xb8;
	[tilespmem:$0x1C700] =	vst v63  }
0xe5: {  	_ = 	snop  }
0xe6: {  	[tilespmem:s8], [sflag:$0x2] =	stream.indirect_vreg.gather [hbm4b:s0+s2], $0x80, v5, vm0, $0xb8;
	[tilespmem:$0x1C700] =	vst v63  }
0xe7: {  	_ = 	snop  }
0xe8: {  	[tilespmem:s9], [sflag:$0x2] =	stream.indirect_vreg.gather [hbm4b:s1+s2], $0x80, v5, vm0, $0xb8;
	[tilespmem:$0x1C700] =	vst v63  }
0xe9: {  	_ = 	snop  }
0xea: {  	[tilespmem:s5], [sflag:$0x2] =	stream.indirect_vreg.gather [hbm4b:s3+s2], $0x80, v5, vm2, $0xb8;
	[tilespmem:$0x1C700] =	vst v63  }
0xeb: {  	_ =	swait.ge [sflag:s12], $0x1880  }
0xec: {  	[sflag:s12] =	ssyncset.done $0x0  }
0xed: {  	[sflag:s12] =	ssyncadd.s32 $0xFFFFE780  }
0xee: {  	s26 =	simm.s32 $0x19620;
	v8 =	vld.idx.msk [tilespmem:v2+s2+$0x0], $0xffff  }
0xef: {  	v16 =	vld [tilespmem:s26+$0x10];
	_ =	sdelay $0x4  }
0xf0: {  	vm3 =	vlt.f32 v8, v16  }
0xf1: {  	v9 =	vsel vm3, $0x8000, v0  }
0xf2: {  	v10 =	vor.u32 $0x3FFF, v9  }
0xf3: {  	v5 =	vld [tilespmem:s26+$0xFFFFFFF0]  }
0xf4: {  	v6 =	vld [tilespmem:s26+$0xFFFFFFE0];
	_ =	sdelay $0x1  }
0xf5: {  	v7 =	vld [tilespmem:s26+$0x0]  }
0xf6: {  	v10 =	vld.idx.msk [tilespmem:v10+s2+$0x0], $0xffff;
	_ =	sdelay $0x1  }
0xf7: {  	vm4 =	vlt.f32 v8, v6;
	vm3 =	vlt.f32 v8, v5  }
0xf8: {  	v12 =	vsel vm4, $0x8000, v0;
	v11 =	vsel vm3, $0x8000, v0  }
0xf9: {  	vm3 =	vlt.f32 v8, v7;
	v13 =	vor.u32 $0x3FFF, v12;
	v15 =	vor.u32 $0x4000, v9  }
0xfa: {  	v8 =	vor.u32 $0x3FFF, v11;
	v14 =	vsel vm3, $0x8000, v0;
	vm3 =	vlt.f32 v10, v16  }
0xfb: {  	v10 =	vor.u32 $0x3FFF, v14;
	v9 =	vsel vm3, v15, v9  }
0xfc: {  	v15 =	vor.u32 $0x2000, v9  }
0xfd: {  	v17 =	vmin.u32 v15, $0xC400  }
0xfe: {  	v13 =	vld.idx.msk [tilespmem:v13+s2+$0x0], $0xffff;
	v17 =	vadd.s32 $0xFFFFFFFF, v17  }
0xff: {  	v8 =	vld.idx.msk [tilespmem:v8+s2+$0x0], $0xffff  }
0x100: {  	v10 =	vld.idx.msk [tilespmem:v10+s2+$0x0], $0xffff;
	_ =	sdelay $0x2  }
0x101: {  	v19 =	vor.u32 $0x4000, v12;
	v18 =	vor.u32 $0x4000, v11;
	vm3 =	vlt.f32 v13, v6;
	v13 =	vld.idx.msk [tilespmem:v17+s2+$0x0], $0xffff  }
0x102: {  	vm4 =	vlt.f32 v8, v5;
	v8 =	vsel vm3, v19, v12;
	v17 =	vor.u32 $0x4000, v14  }
0x103: {  	vm3 =	vlt.f32 v10, v7;
	v10 =	vsel vm4, v18, v11;
	v11 =	vor.u32 $0x2000, v8  }
0x104: {  	v12 =	vor.u32 $0x2000, v10;
	v14 =	vsel vm3, v17, v14;
	v17 =	vmin.u32 v11, $0xC400  }
0x105: {  	v18 =	vmin.u32 v12, $0xC400;
	v19 =	vor.u32 $0x2000, v14;
	v17 =	vadd.s32 $0xFFFFFFFF, v17  }
0x106: {  	v18 =	vadd.s32 $0xFFFFFFFF, v18;
	v20 =	vmin.u32 v19, $0xC400;
	vm3 =	vlt.f32 v13, v16  }
0x107: {  	v13 =	vadd.s32 $0xFFFFFFFF, v20;
	v9 =	vsel vm3, v15, v9  }
0x108: {  	v15 =	vor.u32 $0x1000, v9  }
0x109: {  	v20 =	vmin.u32 v15, $0xC400  }
0x10a: {  	v17 =	vld.idx.msk [tilespmem:v17+s2+$0x0], $0xffff;
	v20 =	vadd.s32 $0xFFFFFFFF, v20  }
0x10b: {  	v18 =	vld.idx.msk [tilespmem:v18+s2+$0x0], $0xffff  }
0x10c: {  	v13 =	vld.idx.msk [tilespmem:v13+s2+$0x0], $0xffff;
	_ =	sdelay $0x2  }
0x10d: {  	vm3 =	vlt.f32 v17, v6;
	v17 =	vld.idx.msk [tilespmem:v20+s2+$0x0], $0xffff  }
0x10e: {  	v8 =	vsel vm3, v11, v8;
	vm3 =	vlt.f32 v18, v5  }
0x10f: {  	v11 =	vor.u32 $0x1000, v8;
	v10 =	vsel vm3, v12, v10;
	vm3 =	vlt.f32 v13, v7  }
0x110: {  	v12 =	vmin.u32 v11, $0xC400;
	v13 =	vor.u32 $0x1000, v10;
	v14 =	vsel vm3, v19, v14  }
0x111: {  	v12 =	vadd.s32 $0xFFFFFFFF, v12;
	v18 =	vmin.u32 v13, $0xC400;
	v19 =	vor.u32 $0x1000, v14  }
0x112: {  	v18 =	vadd.s32 $0xFFFFFFFF, v18;
	v20 =	vmin.u32 v19, $0xC400;
	vm3 =	vlt.f32 v17, v16  }
0x113: {  	v17 =	vadd.s32 $0xFFFFFFFF, v20;
	v9 =	vsel vm3, v15, v9  }
0x114: {  	v15 =	vadd.s32 $0x800, v9  }
0x115: {  	v20 =	vmin.u32 v15, $0xC400  }
0x116: {  	v12 =	vld.idx.msk [tilespmem:v12+s2+$0x0], $0xffff;
	v20 =	vadd.s32 $0xFFFFFFFF, v20  }
0x117: {  	v18 =	vld.idx.msk [tilespmem:v18+s2+$0x0], $0xffff  }
0x118: {  	v17 =	vld.idx.msk [tilespmem:v17+s2+$0x0], $0xffff;
	_ =	sdelay $0x2  }
0x119: {  	vm3 =	vlt.f32 v12, v6;
	v12 =	vld.idx.msk [tilespmem:v20+s2+$0x0], $0xffff  }
0x11a: {  	v8 =	vsel vm3, v11, v8;
	vm3 =	vlt.f32 v18, v5  }
0x11b: {  	v11 =	vadd.s32 $0x800, v8;
	v10 =	vsel vm3, v13, v10;
	vm3 =	vlt.f32 v17, v7  }
0x11c: {  	v13 =	vmin.u32 v11, $0xC400;
	v17 =	vadd.s32 $0x800, v10;
	v14 =	vsel vm3, v19, v14  }
0x11d: {  	v13 =	vadd.s32 $0xFFFFFFFF, v13;
	v18 =	vmin.u32 v17, $0xC400;
	v19 =	vadd.s32 $0x800, v14  }
0x11e: {  	v18 =	vadd.s32 $0xFFFFFFFF, v18;
	v20 =	vmin.u32 v19, $0xC400;
	vm3 =	vlt.f32 v12, v16  }
0x11f: {  	v12 =	vadd.s32 $0xFFFFFFFF, v20;
	v9 =	vsel vm3, v15, v9  }
0x120: {  	v15 =	vadd.s32 $0x400, v9  }
0x121: {  	v20 =	vmin.u32 v15, $0xC400  }
0x122: {  	v13 =	vld.idx.msk [tilespmem:v13+s2+$0x0], $0xffff;
	v20 =	vadd.s32 $0xFFFFFFFF, v20  }
0x123: {  	v18 =	vld.idx.msk [tilespmem:v18+s2+$0x0], $0xffff  }
0x124: {  	v12 =	vld.idx.msk [tilespmem:v12+s2+$0x0], $0xffff;
	_ =	sdelay $0x2  }
0x125: {  	vm3 =	vlt.f32 v13, v6;
	v13 =	vld.idx.msk [tilespmem:v20+s2+$0x0], $0xffff  }
0x126: {  	v8 =	vsel vm3, v11, v8;
	vm3 =	vlt.f32 v18, v5  }
0x127: {  	v11 =	vadd.s32 $0x400, v8;
	v10 =	vsel vm3, v17, v10;
	vm3 =	vlt.f32 v12, v7  }
0x128: {  	v12 =	vmin.u32 v11, $0xC400;
	v17 =	vadd.s32 $0x400, v10;
	v14 =	vsel vm3, v19, v14  }
0x129: {  	v12 =	vadd.s32 $0xFFFFFFFF, v12;
	v18 =	vmin.u32 v17, $0xC400;
	v19 =	vadd.s32 $0x400, v14  }
0x12a: {  	v18 =	vadd.s32 $0xFFFFFFFF, v18;
	v20 =	vmin.u32 v19, $0xC400;
	vm3 =	vlt.f32 v13, v16  }
0x12b: {  	v13 =	vadd.s32 $0xFFFFFFFF, v20;
	v9 =	vsel vm3, v15, v9  }
0x12c: {  	v15 =	vadd.s32 $0x200, v9  }
0x12d: {  	v20 =	vmin.u32 v15, $0xC400  }
0x12e: {  	v12 =	vld.idx.msk [tilespmem:v12+s2+$0x0], $0xffff;
	v20 =	vadd.s32 $0xFFFFFFFF, v20  }
0x12f: {  	v18 =	vld.idx.msk [tilespmem:v18+s2+$0x0], $0xffff  }
0x130: {  	v13 =	vld.idx.msk [tilespmem:v13+s2+$0x0], $0xffff;
	_ =	sdelay $0x2  }
0x131: {  	vm3 =	vlt.f32 v12, v6;
	v12 =	vld.idx.msk [tilespmem:v20+s2+$0x0], $0xffff  }
0x132: {  	v8 =	vsel vm3, v11, v8;
	vm3 =	vlt.f32 v18, v5  }
0x133: {  	v11 =	vadd.s32 $0x200, v8;
	v10 =	vsel vm3, v17, v10;
	vm3 =	vlt.f32 v13, v7  }
0x134: {  	v13 =	vmin.u32 v11, $0xC400;
	v17 =	vadd.s32 $0x200, v10;
	v14 =	vsel vm3, v19, v14  }
0x135: {  	v13 =	vadd.s32 $0xFFFFFFFF, v13;
	v18 =	vmin.u32 v17, $0xC400;
	v19 =	vadd.s32 $0x200, v14  }
0x136: {  	v18 =	vadd.s32 $0xFFFFFFFF, v18;
	v20 =	vmin.u32 v19, $0xC400;
	vm3 =	vlt.f32 v12, v16  }
0x137: {  	v12 =	vadd.s32 $0xFFFFFFFF, v20;
	v15 =	vsel vm3, v15, v9  }
0x138: {  	v20 =	vadd.s32 $0x100, v15  }
0x139: {  	v9 =	vmin.u32 v20, $0xC400  }
0x13a: {  	v13 =	vld.idx.msk [tilespmem:v13+s2+$0x0], $0xffff;
	v9 =	vadd.s32 $0xFFFFFFFF, v9  }
0x13b: {  	v18 =	vld.idx.msk [tilespmem:v18+s2+$0x0], $0xffff  }
0x13c: {  	v12 =	vld.idx.msk [tilespmem:v12+s2+$0x0], $0xffff;
	_ =	sdelay $0x2  }
0x13d: {  	vm3 =	vlt.f32 v13, v6;
	v13 =	vld.idx.msk [tilespmem:v9+s2+$0x0], $0xffff  }
0x13e: {  	s31 =	simm.s32 $0x19660;
	v21 =	vsel vm3, v11, v8;
	vm3 =	vlt.f32 v18, v5  }
0x13f: {  	v9 =	vld [tilespmem:s31+$0x10];
	v18 =	vadd.s32 $0x100, v21;
	v17 =	vsel vm3, v17, v10;
	vm3 =	vlt.f32 v12, v7  }
0x140: {  	v12 =	vld.idx.msk [tilespmem:v2+s2+$0x0], $0xffff;
	v8 =	vmin.u32 v18, $0xC400;
	v22 =	vadd.s32 $0x100, v17;
	v14 =	vsel vm3, v19, v14  }
0x141: {  	v19 =	vadd.s32 $0xFFFFFFFF, v8;
	v8 =	vmin.u32 v22, $0xC400;
	v23 =	vadd.s32 $0x100, v14  }
0x142: {  	v24 =	vadd.s32 $0xFFFFFFFF, v8;
	v10 =	vmin.u32 v23, $0xC400;
	v8 =	vld [tilespmem:s31+$0xFFFFFFF0];
	vm3 =	vlt.f32 v13, v16  }
0x143: {  	v13 =	vadd.s32 $0xFFFFFFFF, v10;
	v10 =	vld [tilespmem:s31+$0xFFFFFFE0];
	v15 =	vsel vm3, v20, v15  }
0x144: {  	v20 =	vadd.s32 $0x80, v15  }
0x145: {  	v11 =	vld [tilespmem:s31+$0x0];
	vm3 =	vlt.f32 v12, v9;
	v25 =	vmin.u32 v20, $0xC400  }
0x146: {  	v26 =	vsel vm3, $0x8000, v0;
	v19 =	vld.idx.msk [tilespmem:v19+s2+$0x0], $0xffff;
	v25 =	vadd.s32 $0xFFFFFFFF, v25  }
0x147: {  	v27 =	vor.u32 $0x3FFF, v26;
	v24 =	vld.idx.msk [tilespmem:v24+s2+$0x0], $0xffff  }
0x148: {  	vm3 =	vlt.f32 v12, v8;
	v13 =	vld.idx.msk [tilespmem:v13+s2+$0x0], $0xffff;
	vm4 =	vlt.f32 v12, v10  }
0x149: {  	v28 =	vsel vm3, $0x8000, v0;
	v29 =	vsel vm4, $0x8000, v0  }
0x14a: {  	vm3 =	vlt.f32 v12, v11;
	v12 =	vor.u32 $0x3FFF, v28;
	v30 =	vor.u32 $0x3FFF, v29  }
0x14b: {  	v31 =	vsel vm3, $0x8000, v0;
	v32 =	vor.u32 $0x4000, v28;
	vm3 =	vlt.f32 v19, v6;
	v19 =	vld.idx.msk [tilespmem:v25+s2+$0x0], $0xffff  }
0x14c: {  	v25 =	vor.u32 $0x3FFF, v31;
	vm4 =	vlt.f32 v24, v5;
	v24 =	vld.idx.msk [tilespmem:v27+s2+$0x0], $0xffff;
	v18 =	vsel vm3, v18, v21  }
0x14d: {  	v17 =	vsel vm4, v22, v17;
	vm3 =	vlt.f32 v13, v7;
	v13 =	vadd.s32 $0x80, v18  }
0x14e: {  	v21 =	vadd.s32 $0x80, v17;
	v14 =	vsel vm3, v23, v14;
	v22 =	vmin.u32 v13, $0xC400  }
0x14f: {  	v23 =	vmin.u32 v21, $0xC400;
	v27 =	vadd.s32 $0x80, v14;
	v30 =	vld.idx.msk [tilespmem:v30+s2+$0x0], $0xffff;
	v22 =	vadd.s32 $0xFFFFFFFF, v22  }
0x150: {  	v12 =	vld.idx.msk [tilespmem:v12+s2+$0x0], $0xffff;
	v23 =	vadd.s32 $0xFFFFFFFF, v23;
	v33 =	vmin.u32 v27, $0xC400;
	vm3 =	vlt.f32 v19, v16  }
0x151: {  	v19 =	vor.u32 $0x4000, v26;
	vm4 =	vlt.f32 v24, v9;
	v15 =	vsel vm3, v20, v15  }
0x152: {  	v24 =	vadd.s32 $0xFFFFFFFF, v33;
	v20 =	vld.idx.msk [tilespmem:v25+s2+$0x0], $0xffff;
	v19 =	vsel vm4, v19, v26;
	v25 =	vadd.s32 $0x40, v15  }
0x153: {  	v26 =	vor.u32 $0x4000, v29;
	v43 =	vor.u32 $0x2000, v19;
	v34 =	vmin.u32 v25, $0xC400  }
0x154: {  	v22 =	vld.idx.msk [tilespmem:v22+s2+$0x0], $0xffff;
	vm3 =	vlt.f32 v30, v10;
	v30 =	vmin.u32 v43, $0xC400;
	v34 =	vadd.s32 $0xFFFFFFFF, v34  }
0x155: {  	vm4 =	vlt.f32 v12, v8;
	v12 =	vld.idx.msk [tilespmem:v23+s2+$0x0], $0xffff;
	v23 =	vsel vm3, v26, v29;
	v26 =	vadd.s32 $0xFFFFFFFF, v30  }
0x156: {  	v28 =	vsel vm4, v32, v28;
	v29 =	vor.u32 $0x4000, v31;
	v30 =	vor.u32 $0x2000, v23  }
0x157: {  	v24 =	vld.idx.msk [tilespmem:v24+s2+$0x0], $0xffff;
	vm3 =	vlt.f32 v20, v11;
	v20 =	vor.u32 $0x2000, v28;
	v44 =	vmin.u32 v30, $0xC400  }
0x158: {  	v29 =	vsel vm3, v29, v31;
	v31 =	vmin.u32 v20, $0xC400;
	v32 =	vadd.s32 $0xFFFFFFFF, v44  }
0x159: {  	v35 =	vor.u32 $0x2000, v29;
	v31 =	vadd.s32 $0xFFFFFFFF, v31;
	vm3 =	vlt.f32 v22, v6;
	v22 =	vld.idx.msk [tilespmem:v34+s2+$0x0], $0xffff  }
0x15a: {  	v45 =	vmin.u32 v35, $0xC400;
	v26 =	vld.idx.msk [tilespmem:v26+s2+$0x0], $0xffff;
	v13 =	vsel vm3, v13, v18;
	vm3 =	vlt.f32 v12, v5  }
0x15b: {  	v12 =	vadd.s32 $0xFFFFFFFF, v45;
	v18 =	vadd.s32 $0x40, v13;
	v17 =	vsel vm3, v21, v17  }
0x15c: {  	vm3 =	vlt.f32 v24, v7;
	v21 =	vmin.u32 v18, $0xC400;
	v46 =	vadd.s32 $0x40, v17  }
0x15d: {  	v14 =	vsel vm3, v27, v14;
	v24 =	vld.idx.msk [tilespmem:v32+s2+$0x0], $0xffff;
	v47 =	vmin.u32 v46, $0xC400;
	v21 =	vadd.s32 $0xFFFFFFFF, v21  }
0x15e: {  	v48 =	vadd.s32 $0x40, v14;
	v27 =	vld.idx.msk [tilespmem:v31+s2+$0x0], $0xffff;
	v31 =	vadd.s32 $0xFFFFFFFF, v47;
	vm3 =	vlt.f32 v22, v16  }
0x15f: {  	v22 =	vmin.u32 v48, $0xC400;
	vm4 =	vlt.f32 v26, v9;
	v15 =	vsel vm3, v25, v15  }
0x160: {  	v12 =	vld.idx.msk [tilespmem:v12+s2+$0x0], $0xffff;
	v22 =	vadd.s32 $0xFFFFFFFF, v22;
	v19 =	vsel vm4, v43, v19;
	v25 =	vadd.s32 $0x20, v15  }
0x161: {  	v26 =	vor.u32 $0x1000, v19;
	v49 =	vmin.u32 v25, $0xC400  }
0x162: {  	vm3 =	vlt.f32 v24, v10;
	v24 =	vmin.u32 v26, $0xC400;
	v21 =	vld.idx.msk [tilespmem:v21+s2+$0x0], $0xffff;
	v33 =	vadd.s32 $0xFFFFFFFF, v49  }
0x163: {  	v23 =	vsel vm3, v30, v23;
	vm3 =	vlt.f32 v27, v8;
	v24 =	vadd.s32 $0xFFFFFFFF, v24;
	v27 =	vld.idx.msk [tilespmem:v31+s2+$0x0], $0xffff  }
0x164: {  	v30 =	vor.u32 $0x1000, v23;
	v20 =	vsel vm3, v20, v28  }
0x165: {  	vm3 =	vlt.f32 v12, v11;
	v12 =	vld.idx.msk [tilespmem:v22+s2+$0x0], $0xffff;
	v22 =	vmin.u32 v30, $0xC400;
	v28 =	vor.u32 $0x1000, v20  }
0x166: {  	v29 =	vsel vm3, v35, v29;
	v22 =	vadd.s32 $0xFFFFFFFF, v22;
	v31 =	vmin.u32 v28, $0xC400  }
0x167: {  	v35 =	vor.u32 $0x1000, v29;
	v31 =	vadd.s32 $0xFFFFFFFF, v31;
	vm3 =	vlt.f32 v21, v6;
	v33 =	vld.idx.msk [tilespmem:v33+s2+$0x0], $0xffff  }
0x168: {  	v21 =	vmin.u32 v35, $0xC400;
	v24 =	vld.idx.msk [tilespmem:v24+s2+$0x0], $0xffff;
	v13 =	vsel vm3, v18, v13;
	vm3 =	vlt.f32 v27, v5  }
0x169: {  	v18 =	vadd.s32 $0xFFFFFFFF, v21;
	v21 =	vadd.s32 $0x20, v13;
	v17 =	vsel vm3, v46, v17  }
0x16a: {  	vm3 =	vlt.f32 v12, v7;
	v12 =	vmin.u32 v21, $0xC400;
	v27 =	vadd.s32 $0x20, v17  }
0x16b: {  	v22 =	vld.idx.msk [tilespmem:v22+s2+$0x0], $0xffff;
	v14 =	vsel vm3, v48, v14;
	v12 =	vadd.s32 $0xFFFFFFFF, v12;
	v50 =	vmin.u32 v27, $0xC400  }
0x16c: {  	v31 =	vld.idx.msk [tilespmem:v31+s2+$0x0], $0xffff;
	v51 =	vadd.s32 $0x20, v14;
	v32 =	vadd.s32 $0xFFFFFFFF, v50;
	vm3 =	vlt.f32 v33, v16  }
0x16d: {  	v52 =	vmin.u32 v51, $0xC400;
	vm4 =	vlt.f32 v24, v9;
	v15 =	vsel vm3, v25, v15  }
0x16e: {  	v18 =	vld.idx.msk [tilespmem:v18+s2+$0x0], $0xffff;
	v24 =	vadd.s32 $0xFFFFFFFF, v52;
	v19 =	vsel vm4, v26, v19;
	v25 =	vadd.s32 $0x10, v15  }
0x16f: {  	v26 =	vadd.s32 $0x800, v19;
	v53 =	vmin.u32 v25, $0xC400  }
0x170: {  	vm3 =	vlt.f32 v22, v10;
	v22 =	vmin.u32 v26, $0xC400;
	v12 =	vld.idx.msk [tilespmem:v12+s2+$0x0], $0xffff;
	v33 =	vadd.s32 $0xFFFFFFFF, v53  }
0x171: {  	v23 =	vsel vm3, v30, v23;
	vm3 =	vlt.f32 v31, v8;
	v22 =	vadd.s32 $0xFFFFFFFF, v22;
	v30 =	vld.idx.msk [tilespmem:v32+s2+$0x0], $0xffff  }
0x172: {  	v31 =	vadd.s32 $0x800, v23;
	v20 =	vsel vm3, v28, v20  }
0x173: {  	vm3 =	vlt.f32 v18, v11;
	v18 =	vld.idx.msk [tilespmem:v24+s2+$0x0], $0xffff;
	v24 =	vmin.u32 v31, $0xC400;
	v28 =	vadd.s32 $0x800, v20  }
0x174: {  	v29 =	vsel vm3, v35, v29;
	v24 =	vadd.s32 $0xFFFFFFFF, v24;
	v54 =	vmin.u32 v28, $0xC400  }
0x175: {  	v35 =	vadd.s32 $0x800, v29;
	v32 =	vadd.s32 $0xFFFFFFFF, v54;
	vm3 =	vlt.f32 v12, v6;
	v33 =	vld.idx.msk [tilespmem:v33+s2+$0x0], $0xffff  }
0x176: {  	v12 =	vmin.u32 v35, $0xC400;
	v22 =	vld.idx.msk [tilespmem:v22+s2+$0x0], $0xffff;
	v13 =	vsel vm3, v21, v13;
	vm3 =	vlt.f32 v30, v5  }
0x177: {  	v12 =	vadd.s32 $0xFFFFFFFF, v12;
	v21 =	vadd.s32 $0x10, v13;
	v17 =	vsel vm3, v27, v17  }
0x178: {  	vm3 =	vlt.f32 v18, v7;
	v18 =	vmin.u32 v21, $0xC400;
	v27 =	vadd.s32 $0x10, v17  }
0x179: {  	v24 =	vld.idx.msk [tilespmem:v24+s2+$0x0], $0xffff;
	v14 =	vsel vm3, v51, v14;
	v18 =	vadd.s32 $0xFFFFFFFF, v18;
	v30 =	vmin.u32 v27, $0xC400  }
0x17a: {  	v32 =	vld.idx.msk [tilespmem:v32+s2+$0x0], $0xffff;
	v34 =	vadd.s32 $0x10, v14;
	v30 =	vadd.s32 $0xFFFFFFFF, v30;
	vm3 =	vlt.f32 v33, v16  }
0x17b: {  	v55 =	vmin.u32 v34, $0xC400;
	vm4 =	vlt.f32 v22, v9;
	v15 =	vsel vm3, v25, v15  }
0x17c: {  	v12 =	vld.idx.msk [tilespmem:v12+s2+$0x0], $0xffff;
	v22 =	vadd.s32 $0xFFFFFFFF, v55;
	v19 =	vsel vm4, v26, v19;
	v25 =	vadd.s32 $0x8, v15  }
0x17d: {  	v26 =	vadd.s32 $0x400, v19;
	v56 =	vmin.u32 v25, $0xC400  }
0x17e: {  	vm3 =	vlt.f32 v24, v10;
	v24 =	vmin.u32 v26, $0xC400;
	v18 =	vld.idx.msk [tilespmem:v18+s2+$0x0], $0xffff;
	v33 =	vadd.s32 $0xFFFFFFFF, v56  }
0x17f: {  	v23 =	vsel vm3, v31, v23;
	vm3 =	vlt.f32 v32, v8;
	v24 =	vadd.s32 $0xFFFFFFFF, v24;
	v30 =	vld.idx.msk [tilespmem:v30+s2+$0x0], $0xffff  }
0x180: {  	v31 =	vadd.s32 $0x400, v23;
	v20 =	vsel vm3, v28, v20  }
0x181: {  	vm3 =	vlt.f32 v12, v11;
	v12 =	vld.idx.msk [tilespmem:v22+s2+$0x0], $0xffff;
	v22 =	vmin.u32 v31, $0xC400;
	v28 =	vadd.s32 $0x400, v20  }
0x182: {  	v29 =	vsel vm3, v35, v29;
	v22 =	vadd.s32 $0xFFFFFFFF, v22;
	v57 =	vmin.u32 v28, $0xC400  }
0x183: {  	v35 =	vadd.s32 $0x400, v29;
	v32 =	vadd.s32 $0xFFFFFFFF, v57;
	vm3 =	vlt.f32 v18, v6;
	v33 =	vld.idx.msk [tilespmem:v33+s2+$0x0], $0xffff  }
0x184: {  	v18 =	vmin.u32 v35, $0xC400;
	v24 =	vld.idx.msk [tilespmem:v24+s2+$0x0], $0xffff;
	v13 =	vsel vm3, v21, v13;
	vm3 =	vlt.f32 v30, v5  }
0x185: {  	v18 =	vadd.s32 $0xFFFFFFFF, v18;
	v21 =	vadd.s32 $0x8, v13;
	v17 =	vsel vm3, v27, v17  }
0x186: {  	vm3 =	vlt.f32 v12, v7;
	v12 =	vmin.u32 v21, $0xC400;
	v27 =	vadd.s32 $0x8, v17  }
0x187: {  	v22 =	vld.idx.msk [tilespmem:v22+s2+$0x0], $0xffff;
	v14 =	vsel vm3, v34, v14;
	v12 =	vadd.s32 $0xFFFFFFFF, v12;
	v30 =	vmin.u32 v27, $0xC400  }
0x188: {  	v32 =	vld.idx.msk [tilespmem:v32+s2+$0x0], $0xffff;
	v34 =	vadd.s32 $0x8, v14;
	v30 =	vadd.s32 $0xFFFFFFFF, v30;
	vm3 =	vlt.f32 v33, v16  }
0x189: {  	v58 =	vmin.u32 v34, $0xC400;
	vm4 =	vlt.f32 v24, v9;
	v15 =	vsel vm3, v25, v15  }
0x18a: {  	v18 =	vld.idx.msk [tilespmem:v18+s2+$0x0], $0xffff;
	v24 =	vadd.s32 $0xFFFFFFFF, v58;
	v19 =	vsel vm4, v26, v19;
	v25 =	vadd.s32 $0x4, v15  }
0x18b: {  	v26 =	vadd.s32 $0x200, v19;
	v59 =	vmin.u32 v25, $0xC400  }
0x18c: {  	vm3 =	vlt.f32 v22, v10;
	v22 =	vmin.u32 v26, $0xC400;
	v12 =	vld.idx.msk [tilespmem:v12+s2+$0x0], $0xffff;
	v33 =	vadd.s32 $0xFFFFFFFF, v59  }
0x18d: {  	v23 =	vsel vm3, v31, v23;
	vm3 =	vlt.f32 v32, v8;
	v22 =	vadd.s32 $0xFFFFFFFF, v22;
	v30 =	vld.idx.msk [tilespmem:v30+s2+$0x0], $0xffff  }
0x18e: {  	v31 =	vadd.s32 $0x200, v23;
	v20 =	vsel vm3, v28, v20  }
0x18f: {  	vm3 =	vlt.f32 v18, v11;
	v18 =	vld.idx.msk [tilespmem:v24+s2+$0x0], $0xffff;
	v24 =	vmin.u32 v31, $0xC400;
	v28 =	vadd.s32 $0x200, v20  }
0x190: {  	v29 =	vsel vm3, v35, v29;
	v24 =	vadd.s32 $0xFFFFFFFF, v24;
	v60 =	vmin.u32 v28, $0xC400  }
0x191: {  	v35 =	vadd.s32 $0x200, v29;
	v32 =	vadd.s32 $0xFFFFFFFF, v60;
	vm3 =	vlt.f32 v12, v6;
	v33 =	vld.idx.msk [tilespmem:v33+s2+$0x0], $0xffff  }
0x192: {  	v12 =	vmin.u32 v35, $0xC400;
	v22 =	vld.idx.msk [tilespmem:v22+s2+$0x0], $0xffff;
	v13 =	vsel vm3, v21, v13;
	vm3 =	vlt.f32 v30, v5  }
0x193: {  	v12 =	vadd.s32 $0xFFFFFFFF, v12;
	v21 =	vadd.s32 $0x4, v13;
	v17 =	vsel vm3, v27, v17  }
0x194: {  	vm3 =	vlt.f32 v18, v7;
	v18 =	vmin.u32 v21, $0xC400;
	v27 =	vadd.s32 $0x4, v17  }
0x195: {  	v24 =	vld.idx.msk [tilespmem:v24+s2+$0x0], $0xffff;
	v14 =	vsel vm3, v34, v14;
	v18 =	vadd.s32 $0xFFFFFFFF, v18;
	v30 =	vmin.u32 v27, $0xC400  }
0x196: {  	v34 =	vadd.s32 $0x4, v14;
	v30 =	vadd.s32 $0xFFFFFFFF, v30;
	vm3 =	vlt.f32 v33, v16  }
0x197: {  	v32 =	vld.idx.msk [tilespmem:v32+s2+$0x0], $0xffff;
	v61 =	vmin.u32 v34, $0xC400;
	vm4 =	vlt.f32 v22, v9;
	v22 =	vsel vm3, v25, v15  }
0x198: {  	v12 =	vld.idx.msk [tilespmem:v12+s2+$0x0], $0xffff;
	v15 =	vadd.s32 $0xFFFFFFFF, v61;
	v19 =	vsel vm4, v26, v19;
	v25 =	vadd.s32 $0x2, v22  }
0x199: {  	v26 =	vadd.s32 $0x100, v19;
	v62 =	vmin.u32 v25, $0xC400  }
0x19a: {  	vm3 =	vlt.f32 v24, v10;
	v24 =	vmin.u32 v26, $0xC400;
	v18 =	vld.idx.msk [tilespmem:v18+s2+$0x0], $0xffff;
	v33 =	vadd.s32 $0xFFFFFFFF, v62  }
0x19b: {  	v23 =	vsel vm3, v31, v23;
	v24 =	vadd.s32 $0xFFFFFFFF, v24  }
0x19c: {  	vm3 =	vlt.f32 v32, v8;
	v30 =	vld.idx.msk [tilespmem:v30+s2+$0x0], $0xffff;
	v31 =	vadd.s32 $0x100, v23  }
0x19d: {  	v28 =	vsel vm3, v28, v20;
	vm3 =	vlt.f32 v12, v11;
	v12 =	vld.idx.msk [tilespmem:v15+s2+$0x0], $0xffff;
	v15 =	vmin.u32 v31, $0xC400  }
0x19e: {  	v63 =	vadd.s32 $0x100, v28;
	v29 =	vsel vm3, v35, v29;
	v53 =	vadd.s32 $0xFFFFFFFF, v15  }
0x19f: {  	v15 =	vmin.u32 v63, $0xC400;
	v36 =	vadd.s32 $0x100, v29;
	vm3 =	vlt.f32 v18, v6;
	v33 =	vld.idx.msk [tilespmem:v33+s2+$0x0], $0xffff  }
0x1a0: {  	s26 =	simm.s32 $0x196A0;
	v18 =	vadd.s32 $0xFFFFFFFF, v15;
	v15 =	vmin.u32 v36, $0xC400;
	v24 =	vld.idx.msk [tilespmem:v24+s2+$0x0], $0xffff;
	v21 =	vsel vm3, v21, v13  }
0x1a1: {  	vm3 =	vlt.f32 v30, v5;
	v13 =	vld [tilespmem:s26+$0x10];
	v37 =	vadd.s32 $0xFFFFFFFF, v15;
	v30 =	vadd.s32 $0x2, v21  }
0x1a2: {  	v17 =	vsel vm3, v27, v17;
	v27 =	vld.idx.msk [tilespmem:v2+s2+$0x0], $0xffff;
	vm3 =	vlt.f32 v12, v7;
	v12 =	vmin.u32 v30, $0xC400  }
0x1a3: {  	v15 =	vld [tilespmem:s26+$0xFFFFFFF0];
	v38 =	vadd.s32 $0x2, v17;
	v20 =	vsel vm3, v34, v14;
	v54 =	vadd.s32 $0xFFFFFFFF, v12  }
0x1a4: {  	v12 =	vmin.u32 v38, $0xC400;
	v14 =	vld [tilespmem:s26+$0xFFFFFFE0];
	v39 =	vadd.s32 $0x2, v20;
	vm3 =	vlt.f32 v33, v16  }
0x1a5: {  	v55 =	vadd.s32 $0xFFFFFFFF, v12;
	v12 =	vld [tilespmem:s26+$0x0];
	vm4 =	vlt.f32 v24, v9;
	v22 =	vsel vm3, v25, v22  }
0x1a6: {  	v24 =	vmin.u32 v39, $0xC400;
	v19 =	vsel vm4, v26, v19;
	v25 =	vadd.s32 $0x1, v22  }
0x1a7: {  	vm3 =	vlt.f32 v27, v13;
	v56 =	vadd.s32 $0x80, v19;
	v40 =	vmin.u32 v25, $0xC400  }
0x1a8: {  	v18 =	vld.idx.msk [tilespmem:v18+s2+$0x0], $0xffff;
	vm4 =	vlt.f32 v27, v15;
	v41 =	vmin.u32 v56, $0xC400;
	v40 =	vadd.s32 $0xFFFFFFFF, v40  }
0x1a9: {  	v26 =	vld.idx.msk [tilespmem:v53+s2+$0x0], $0xffff;
	v42 =	vsel vm3, $0x8000, v0;
	v43 =	vsel vm4, $0x8000, v0;
	v41 =	vadd.s32 $0xFFFFFFFF, v41  }
0x1aa: {  	v37 =	vld.idx.msk [tilespmem:v37+s2+$0x0], $0xffff;
	vm4 =	vlt.f32 v27, v14;
	vm3 =	vlt.f32 v27, v12;
	v27 =	vor.u32 $0x3FFF, v43  }
0x1ab: {  	v24 =	vadd.s32 $0xFFFFFFFF, v24;
	v44 =	vor.u32 $0x3FFF, v42;
	v34 =	vld.idx.msk [tilespmem:v54+s2+$0x0], $0xffff;
	v46 =	vsel vm4, $0x8000, v0  }
0x1ac: {  	v47 =	vor.u32 $0x4000, v43;
	v33 =	vld.idx.msk [tilespmem:v55+s2+$0x0], $0xffff;
	v45 =	vsel vm3, $0x8000, v0;
	v50 =	vor.u32 $0x3FFF, v46  }
0x1ad: {  	vm4 =	vlt.f32 v18, v8;
	v49 =	vor.u32 $0x4000, v46;
	v48 =	vor.u32 $0x3FFF, v45;
	v40 =	vld.idx.msk [tilespmem:v40+s2+$0x0], $0xffff  }
0x1ae: {  	v28 =	vsel vm4, v63, v28;
	v51 =	vor.u32 $0x4000, v45;
	vm3 =	vlt.f32 v26, v10;
	v18 =	vld.idx.msk [tilespmem:v41+s2+$0x0], $0xffff  }
0x1af: {  	vm5 =	vlt.f32 v37, v11;
	v32 =	vadd.s32 $0x80, v28;
	v23 =	vsel vm3, v31, v23;
	v27 =	vld.idx.msk [tilespmem:v27+s2+$0x0], $0xffff  }
0x1b0: {  	v29 =	vsel vm5, v36, v29;
	v59 =	vmin.u32 v32, $0xC400;
	v26 =	vld.idx.msk [tilespmem:v44+s2+$0x0], $0xffff;
	v31 =	vadd.s32 $0x80, v23  }
0x1b1: {  	v36 =	vadd.s32 $0x80, v29;
	v44 =	vadd.s32 $0xFFFFFFFF, v59;
	vm4 =	vlt.f32 v34, v6;
	v50 =	vld.idx.msk [tilespmem:v50+s2+$0x0], $0xffff  }
0x1b2: {  	v58 =	vmin.u32 v31, $0xC400;
	v60 =	vmin.u32 v36, $0xC400;
	vm3 =	vlt.f32 v33, v5;
	v57 =	vld.idx.msk [tilespmem:v48+s2+$0x0], $0xffff  }
0x1b3: {  	v41 =	vadd.s32 $0xFFFFFFFF, v58;
	v48 =	vadd.s32 $0xFFFFFFFF, v60;
	vm5 =	vlt.f32 v40, v16  }
0x1b4: {  	vm6 =	vlt.f32 v18, v9;
	vm14 =	vlt.f32 v27, v15;
	v18 =	vsel vm5, v25, v22  }
0x1b5: {  	v22 =	vor.u32 $0x4000, v42;
	vm5 =	vlt.f32 v26, v13;
	v25 =	vsel vm6, v56, v19  }
0x1b6: {  	vm7 =	vlt.f32 v50, v14;
	v40 =	vsel vm14, v47, v43;
	v22 =	vsel vm5, v22, v42  }
0x1b7: {  	v19 =	vld.idx.msk [tilespmem:v24+s2+$0x0], $0xffff;
	v24 =	vadd.s32 $0x40, v25;
	vm5 =	vlt.f32 v57, v12;
	v37 =	vsel vm7, v49, v46  }
0x1b8: {  	v27 =	vld.idx.msk [tilespmem:v41+s2+$0x0], $0xffff;
	v53 =	vor.u32 $0x2000, v40;
	v26 =	vor.u32 $0x2000, v22;
	v61 =	vmin.u32 v24, $0xC400  }
0x1b9: {  	v63 =	vld.idx.msk [tilespmem:v44+s2+$0x0], $0xffff;
	v52 =	vor.u32 $0x2000, v37;
	v62 =	vmin.u32 v26, $0xC400;
	v33 =	vadd.s32 $0xFFFFFFFF, v61  }
0x1ba: {  	v55 =	vld.idx.msk [tilespmem:v48+s2+$0x0], $0xffff;
	v54 =	vsel vm5, v51, v45;
	v57 =	vmin.u32 v53, $0xC400;
	v34 =	vadd.s32 $0xFFFFFFFF, v62  }
0x1bb: {  	v56 =	vmin.u32 v52, $0xC400;
	v58 =	vor.u32 $0x2000, v54;
	v46 =	vadd.s32 $0xFFFFFFFF, v57;
	v18 =	vld.idx.msk [tilespmem:v18+s14+$0x0], $0xffff  }
0x1bc: {  	v45 =	vadd.s32 $0xFFFFFFFF, v56;
	v59 =	vmin.u32 v58, $0xC400  }
0x1bd: {  	vm5 =	vlt.f32 v27, v10;
	v27 =	vadd.s32 $0xFFFFFFFF, v59  }
0x1be: {  	vm15 =	vlt.f32 v19, v7;
	v19 =	vsel vm4, v30, v21;
	v23 =	vsel vm5, v31, v23;
	v33 =	vld.idx.msk [tilespmem:v33+s2+$0x0], $0xffff  }
0x1bf: {  	vm5 =	vlt.f32 v63, v8;
	vm4 =	vlt.f32 v55, v11;
	v30 =	vadd.s32 $0x40, v23;
	v31 =	vld.idx.msk [tilespmem:v34+s2+$0x0], $0xffff  }
0x1c0: {  	v28 =	vsel vm5, v32, v28;
	v29 =	vsel vm4, v36, v29;
	v62 =	vld.idx.msk [tilespmem:v46+s2+$0x0], $0xffff;
	v18 =	vsub.f32 v18, v16  }
0x1c1: {  	v21 =	vmin.u32 v30, $0xC400;
	v32 =	vadd.s32 $0x40, v28;
	v36 =	vadd.s32 $0x40, v29;
	v60 =	vld.idx.msk [tilespmem:v45+s2+$0x0], $0xffff  }
0x1c2: {  	v61 =	vmin.u32 v32, $0xC400;
	v21 =	vadd.s32 $0xFFFFFFFF, v21;
	v27 =	vld.idx.msk [tilespmem:v27+s2+$0x0], $0xffff;
	v18 =	vmul.f32 v18, v4  }
0x1c3: {  	v63 =	vmin.u32 v36, $0xC400;
	v35 =	vadd.s32 $0xFFFFFFFF, v61;
	vm4 =	vlt.f32 v33, v9  }
0x1c4: {  	v16 =	vadd.f32 v18, v16;
	vm5 =	vlt.f32 v31, v13;
	v31 =	vadd.s32 $0xFFFFFFFF, v63  }
0x1c5: {  	v24 =	vsel vm4, v24, v25;
	v18 =	vsel vm3, v38, v17;
	v17 =	vsel vm15, v39, v20  }
0x1c6: {  	vm3 =	vlt.f32 v60, v14;
	v22 =	vsel vm5, v26, v22;
	v25 =	vadd.s32 $0x20, v24  }
0x1c7: {  	v34 =	vsel vm3, v52, v37;
	vm3 =	vlt.f32 v62, v15;
	vm4 =	vlt.f32 v27, v12  }
0x1c8: {  	v21 =	vld.idx.msk [tilespmem:v21+s2+$0x0], $0xffff;
	v26 =	vor.u32 $0x1000, v22;
	v46 =	vmin.u32 v25, $0xC400;
	v27 =	vor.u32 $0x1000, v34  }
0x1c9: {  	v35 =	vld.idx.msk [tilespmem:v35+s2+$0x0], $0xffff;
	v37 =	vsel vm3, v53, v40;
	v20 =	vmin.u32 v26, $0xC400;
	v33 =	vadd.s32 $0xFFFFFFFF, v46  }
0x1ca: {  	v48 =	vsel vm4, v58, v54;
	v49 =	vmin.u32 v27, $0xC400;
	v20 =	vadd.s32 $0xFFFFFFFF, v20  }
0x1cb: {  	v40 =	vor.u32 $0x1000, v37;
	v50 =	vor.u32 $0x1000, v48;
	v39 =	vadd.s32 $0xFFFFFFFF, v49;
	v31 =	vld.idx.msk [tilespmem:v31+s2+$0x0], $0xffff  }
0x1cc: {  	v44 =	vadd.s32 $0x1, v19;
	v51 =	vmin.u32 v40, $0xC400;
	v52 =	vmin.u32 v50, $0xC400  }
0x1cd: {  	v42 =	vadd.s32 $0xFFFFFFFF, v51;
	v43 =	vadd.s32 $0xFFFFFFFF, v52;
	vm3 =	vlt.f32 v21, v10  }
0x1ce: {  	v21 =	vadd.s32 $0x1, v18;
	vm4 =	vlt.f32 v35, v8;
	v23 =	vsel vm3, v30, v23;
	v33 =	vld.idx.msk [tilespmem:v33+s2+$0x0], $0xffff  }
0x1cf: {  	v61 =	vmin.u32 v21, $0xC400;
	v28 =	vsel vm4, v32, v28;
	v30 =	vadd.s32 $0x20, v23;
	v53 =	vld.idx.msk [tilespmem:v20+s2+$0x0], $0xffff  }
0x1d0: {  	v55 =	vmin.u32 v30, $0xC400;
	v20 =	vadd.s32 $0x1, v17;
	v54 =	vld.idx.msk [tilespmem:v39+s2+$0x0], $0xffff;
	vm3 =	vlt.f32 v31, v11  }
0x1d1: {  	v35 =	vadd.s32 $0xFFFFFFFF, v55;
	v31 =	vadd.s32 $0x20, v28;
	v29 =	vsel vm3, v36, v29  }
0x1d2: {  	v57 =	vld.idx.msk [tilespmem:v42+s2+$0x0], $0xffff;
	v55 =	vmin.u32 v20, $0xC400;
	v56 =	vmin.u32 v31, $0xC400;
	v42 =	vadd.s32 $0x20, v29  }
0x1d3: {  	v36 =	vadd.s32 $0xFFFFFFFF, v56;
	v58 =	vmin.u32 v42, $0xC400;
	vm3 =	vlt.f32 v33, v9  }
0x1d4: {  	vm4 =	vlt.f32 v53, v13;
	v59 =	vadd.s32 $0xFFFFFFFF, v58;
	v24 =	vsel vm3, v25, v24  }
0x1d5: {  	v43 =	vld.idx.msk [tilespmem:v43+s2+$0x0], $0xffff;
	vm3 =	vlt.f32 v54, v14;
	v22 =	vsel vm4, v26, v22;
	v25 =	vadd.s32 $0x10, v24  }
0x1d6: {  	v35 =	vld.idx.msk [tilespmem:v35+s2+$0x0], $0xffff;
	v27 =	vsel vm3, v27, v34;
	v45 =	vadd.s32 $0x800, v22;
	v60 =	vmin.u32 v25, $0xC400  }
0x1d7: {  	vm3 =	vlt.f32 v57, v15;
	v62 =	vmin.u32 v45, $0xC400;
	v46 =	vadd.s32 $0xFFFFFFFF, v60  }
0x1d8: {  	v37 =	vsel vm3, v40, v37;
	v63 =	vld.idx.msk [tilespmem:v36+s2+$0x0], $0xffff;
	v36 =	vadd.s32 $0x800, v27;
	v32 =	vadd.s32 $0xFFFFFFFF, v62  }
0x1d9: {  	v26 =	vmin.u32 v44, $0xC400;
	v40 =	vadd.s32 $0x800, v37;
	v52 =	vmin.u32 v36, $0xC400  }
0x1da: {  	vm4 =	vlt.f32 v43, v12;
	v53 =	vmin.u32 v40, $0xC400;
	v33 =	vld.idx.msk [tilespmem:v59+s2+$0x0], $0xffff;
	v39 =	vadd.s32 $0xFFFFFFFF, v52  }
0x1db: {  	v38 =	vsel vm4, v50, v48;
	v43 =	vadd.s32 $0xFFFFFFFF, v53;
	vm3 =	vlt.f32 v35, v10  }
0x1dc: {  	v41 =	vadd.s32 $0x800, v38;
	v23 =	vsel vm3, v30, v23;
	v30 =	vadd.s32 $0xFFFFFFFF, v61;
	v46 =	vld.idx.msk [tilespmem:v46+s2+$0x0], $0xffff  }
0x1dd: {  	v26 =	vadd.s32 $0xFFFFFFFF, v26;
	v54 =	vmin.u32 v41, $0xC400;
	vm4 =	vlt.f32 v63, v8;
	v32 =	vld.idx.msk [tilespmem:v32+s2+$0x0], $0xffff  }
0x1de: {  	v48 =	vadd.s32 $0xFFFFFFFF, v54;
	v63 =	vadd.s32 $0xFFFFFFFF, v55;
	v28 =	vsel vm4, v31, v28  }
0x1df: {  	v31 =	vadd.s32 $0x10, v23;
	vm3 =	vlt.f32 v33, v11;
	v33 =	vadd.s32 $0x10, v28;
	v56 =	vld.idx.msk [tilespmem:v39+s2+$0x0], $0xffff  }
0x1e0: {  	v57 =	vmin.u32 v31, $0xC400;
	v59 =	vld.idx.msk [tilespmem:v43+s2+$0x0], $0xffff;
	v29 =	vsel vm3, v42, v29;
	v58 =	vmin.u32 v33, $0xC400  }
0x1e1: {  	v35 =	vadd.s32 $0xFFFFFFFF, v57;
	v30 =	vld.idx.msk [tilespmem:v30+s2+$0x0], $0xffff;
	v43 =	vadd.s32 $0x10, v29;
	v39 =	vadd.s32 $0xFFFFFFFF, v58  }
0x1e2: {  	v61 =	vmin.u32 v43, $0xC400;
	vm3 =	vlt.f32 v46, v9;
	vm4 =	vlt.f32 v32, v13  }
0x1e3: {  	v60 =	vld.idx.msk [tilespmem:v48+s2+$0x0], $0xffff;
	v62 =	vadd.s32 $0xFFFFFFFF, v61;
	v24 =	vsel vm3, v25, v24;
	v22 =	vsel vm4, v45, v22  }
0x1e4: {  	v25 =	vld.idx.msk [tilespmem:v26+s2+$0x0], $0xffff;
	v26 =	vadd.s32 $0x8, v24;
	vm3 =	vlt.f32 v56, v14;
	v52 =	vadd.s32 $0x400, v22  }
0x1e5: {  	v53 =	vmin.u32 v26, $0xC400;
	v27 =	vsel vm3, v36, v27;
	vm3 =	vlt.f32 v59, v15  }
0x1e6: {  	v35 =	vld.idx.msk [tilespmem:v35+s2+$0x0], $0xffff;
	vm5 =	vlt.f32 v30, v5;
	v54 =	vmin.u32 v52, $0xC400;
	v48 =	vadd.s32 $0xFFFFFFFF, v53  }
0x1e7: {  	v55 =	vld.idx.msk [tilespmem:v39+s2+$0x0], $0xffff;
	v37 =	vsel vm3, v40, v37;
	v56 =	vadd.s32 $0x400, v27;
	v34 =	vadd.s32 $0xFFFFFFFF, v54  }
0x1e8: {  	vm3 =	vlt.f32 v60, v12;
	v40 =	vadd.s32 $0x400, v37;
	v57 =	vmin.u32 v56, $0xC400  }
0x1e9: {  	v38 =	vsel vm3, v41, v38;
	v32 =	vld.idx.msk [tilespmem:v62+s2+$0x0], $0xffff;
	v58 =	vmin.u32 v40, $0xC400;
	v41 =	vadd.s32 $0xFFFFFFFF, v57  }
0x1ea: {  	v18 =	vsel vm5, v21, v18;
	v59 =	vadd.s32 $0x400, v38;
	v42 =	vadd.s32 $0xFFFFFFFF, v58  }
0x1eb: {  	vm3 =	vlt.f32 v25, v6;
	v60 =	vmin.u32 v59, $0xC400;
	vm4 =	vlt.f32 v35, v10;
	v48 =	vld.idx.msk [tilespmem:v48+s2+$0x0], $0xffff  }
0x1ec: {  	v25 =	vadd.s32 $0xFFFFFFFF, v60;
	v23 =	vsel vm4, v31, v23;
	vm4 =	vlt.f32 v55, v8;
	v34 =	vld.idx.msk [tilespmem:v34+s2+$0x0], $0xffff  }
0x1ed: {  	v19 =	vsel vm3, v44, v19;
	v31 =	vld.idx.msk [tilespmem:v63+s2+$0x0], $0xffff;
	v30 =	vadd.s32 $0x8, v23;
	v28 =	vsel vm4, v33, v28  }
0x1ee: {  	vm3 =	vlt.f32 v32, v11;
	v61 =	vmin.u32 v30, $0xC400;
	v33 =	vadd.s32 $0x8, v28;
	v62 =	vld.idx.msk [tilespmem:v41+s2+$0x0], $0xffff  }
0x1ef: {  	v29 =	vsel vm3, v43, v29;
	v32 =	vadd.s32 $0xFFFFFFFF, v61;
	v63 =	vmin.u32 v33, $0xC400;
	v45 =	vld.idx.msk [tilespmem:v42+s2+$0x0], $0xffff  }
0x1f0: {  	v49 =	vadd.s32 $0x8, v29;
	v36 =	vadd.s32 $0xFFFFFFFF, v63;
	vm3 =	vlt.f32 v48, v9  }
0x1f1: {  	v25 =	vld.idx.msk [tilespmem:v25+s2+$0x0], $0xffff;
	v50 =	vmin.u32 v49, $0xC400;
	vm4 =	vlt.f32 v34, v13;
	v26 =	vsel vm3, v26, v24  }
0x1f2: {  	v24 =	vadd.s32 $0xFFFFFFFF, v50;
	vm3 =	vlt.f32 v31, v7;
	v34 =	vsel vm4, v52, v22  }
0x1f3: {  	v22 =	vadd.s32 $0x4, v26;
	vm4 =	vlt.f32 v62, v14;
	v31 =	vadd.s32 $0x200, v34  }
0x1f4: {  	v51 =	vmin.u32 v22, $0xC400;
	v27 =	vsel vm4, v56, v27;
	vm4 =	vlt.f32 v45, v15  }
0x1f5: {  	v32 =	vld.idx.msk [tilespmem:v32+s2+$0x0], $0xffff;
	v21 =	vmin.u32 v31, $0xC400;
	v52 =	vadd.s32 $0xFFFFFFFF, v51;
	v37 =	vsel vm4, v40, v37  }
0x1f6: {  	v36 =	vld.idx.msk [tilespmem:v36+s2+$0x0], $0xffff;
	vm4 =	vlt.f32 v25, v12;
	v39 =	vadd.s32 $0x200, v27;
	v21 =	vadd.s32 $0xFFFFFFFF, v21  }
0x1f7: {  	v40 =	vadd.s32 $0x200, v37;
	v38 =	vsel vm4, v59, v38;
	v25 =	vmin.u32 v39, $0xC400;
	v24 =	vld.idx.msk [tilespmem:v24+s2+$0x0], $0xffff  }
0x1f8: {  	v53 =	vmin.u32 v40, $0xC400;
	v54 =	vadd.s32 $0x200, v38;
	v25 =	vadd.s32 $0xFFFFFFFF, v25  }
0x1f9: {  	v19 =	vld.idx.msk [tilespmem:v19+s14+$0x0], $0xffff;
	v41 =	vadd.s32 $0xFFFFFFFF, v53;
	v55 =	vmin.u32 v54, $0xC400  }
0x1fa: {  	v20 =	vsel vm3, v20, v17;
	v17 =	vadd.s32 $0xFFFFFFFF, v55;
	vm3 =	vlt.f32 v32, v10  }
0x1fb: {  	v35 =	vld.idx.msk [tilespmem:v52+s2+$0x0], $0xffff;
	v56 =	vsel vm3, v30, v23;
	vm3 =	vlt.f32 v36, v8  }
0x1fc: {  	v21 =	vld.idx.msk [tilespmem:v21+s2+$0x0], $0xffff;
	v28 =	vsel vm3, v33, v28;
	vm3 =	vlt.f32 v24, v11  }
0x1fd: {  	v57 =	vadd.s32 $0x4, v56;
	v24 =	vsel vm3, v49, v29;
	v29 =	vld.idx.msk [tilespmem:v25+s2+$0x0], $0xffff  }
0x1fe: {  	v19 =	vsub.f32 v19, v6;
	v23 =	vmin.u32 v57, $0xC400;
	v58 =	vadd.s32 $0x4, v28;
	v59 =	vld.idx.msk [tilespmem:v41+s2+$0x0], $0xffff  }
0x1ff: {  	v30 =	vadd.s32 $0xFFFFFFFF, v23;
	v23 =	vmin.u32 v58, $0xC400;
	v25 =	vadd.s32 $0x4, v24;
	v61 =	vld.idx.msk [tilespmem:v17+s2+$0x0], $0xffff  }
0x200: {  	v60 =	vadd.s32 $0xFFFFFFFF, v23;
	v17 =	vmul.f32 v19, v4;
	v19 =	vld.idx.msk [tilespmem:v20+s14+$0x0], $0xffff;
	vm3 =	vlt.f32 v35, v9  }
0x201: {  	v23 =	vmin.u32 v25, $0xC400;
	vm4 =	vlt.f32 v21, v13;
	v22 =	vsel vm3, v22, v26  }
0x202: {  	v21 =	vadd.s32 $0xFFFFFFFF, v23;
	v35 =	vsel vm4, v31, v34;
	v23 =	vadd.s32 $0x2, v22  }
0x203: {  	v36 =	vadd.s32 $0x100, v35;
	v26 =	vmin.u32 v23, $0xC400;
	vm3 =	vlt.f32 v29, v14  }
0x204: {  	v18 =	vld.idx.msk [tilespmem:v18+s14+$0x0], $0xffff;
	v20 =	vmin.u32 v36, $0xC400;
	v26 =	vadd.s32 $0xFFFFFFFF, v26;
	v29 =	vsel vm3, v39, v27  }
0x205: {  	v62 =	vld.idx.msk [tilespmem:v30+s2+$0x0], $0xffff;
	vm3 =	vlt.f32 v59, v15;
	v19 =	vsub.f32 v19, v7;
	v20 =	vadd.s32 $0xFFFFFFFF, v20  }
0x206: {  	v27 =	vld.idx.msk [tilespmem:v60+s2+$0x0], $0xffff;
	v30 =	vadd.s32 $0x100, v29;
	v31 =	vsel vm3, v40, v37;
	vm3 =	vlt.f32 v61, v12  }
0x207: {  	v63 =	vld.idx.msk [tilespmem:v21+s2+$0x0], $0xffff;
	v21 =	vmin.u32 v30, $0xC400;
	v34 =	vadd.s32 $0x100, v31;
	v32 =	vsel vm3, v54, v38  }
0x208: {  	v39 =	vadd.s32 $0xFFFFFFFF, v21;
	v21 =	vmin.u32 v34, $0xC400;
	v33 =	vadd.s32 $0x100, v32  }
0x209: {  	v18 =	vsub.f32 v18, v5;
	v38 =	vadd.s32 $0xFFFFFFFF, v21;
	v21 =	vmin.u32 v33, $0xC400  }
0x20a: {  	v19 =	vmul.f32 v19, v4;
	vm3 =	vlt.f32 v62, v10;
	v37 =	vadd.s32 $0xFFFFFFFF, v21;
	v26 =	vld.idx.msk [tilespmem:v26+s2+$0x0], $0xffff  }
0x20b: {  	s28 =	simm.s32 $0x1AEA0;
	v21 =	vmul.f32 v18, v4;
	v18 =	vsel vm3, v57, v56;
	vm3 =	vlt.f32 v27, v8;
	v40 =	vld.idx.msk [tilespmem:v20+s2+$0x0], $0xffff  }
0x20c: {  	s29 =	simm.s32 $0x8;
	[tilespmem:s28+$0x10] =	vst v16;
	v20 =	vadd.s32 $0x2, v18;
	v16 =	vsel vm3, v58, v28;
	vm3 =	vlt.f32 v63, v11  }
.LBB2_5:
0x20d: {  	v41 =	vld.idx.msk [tilespmem:v2+s2+$0x0], $0xffff;
	s29 =	sadd.s32 $0x4, s29;
	s26 =	sadd.s32 $0x40, s26;
	v42 =	vmin.u32 v20, $0xC400;
	v27 =	vadd.s32 $0x2, v16;
	v24 =	vsel vm3, v25, v24  }
0x20e: {  	v28 =	vld [tilespmem:s26+$0x10];
	p0 =	slt.u32 s29, $0x184;
	v42 =	vadd.s32 $0xFFFFFFFF, v42;
	v43 =	vmin.u32 v27, $0xC400;
	v25 =	vadd.s32 $0x2, v24  }
0x20f: {  	vm3 =	vlt.f32 v26, v9;
	v44 =	vld [tilespmem:s26+$0xFFFFFFF0];
	v43 =	vadd.s32 $0xFFFFFFFF, v43;
	v45 =	vmin.u32 v25, $0xC400  }
0x210: {  	vm4 =	vlt.f32 v40, v13;
	v22 =	vsel vm3, v23, v22;
	v26 =	vld [tilespmem:s26+$0x0];
	v40 =	vadd.s32 $0xFFFFFFFF, v45  }
0x211: {  	v17 =	vadd.f32 v17, v6;
	v6 =	vmovc v10;
	v10 =	vmovc v14;
	v23 =	vsel vm4, v36, v35;
	v35 =	vadd.s32 $0x1, v22;
	v14 =	vld [tilespmem:s26+$0xFFFFFFE0]  }
0x212: {  	v21 =	vadd.f32 v21, v5;
	v5 =	vmovc v8;
	v8 =	vmovc v15;
	v45 =	vmin.u32 v35, $0xC400;
	v36 =	vld.idx.msk [tilespmem:v39+s2+$0x0], $0xffff;
	v39 =	vadd.s32 $0x80, v23  }
0x213: {  	v45 =	vadd.s32 $0xFFFFFFFF, v45;
	vm3 =	vlt.f32 v41, v28;
	v38 =	vld.idx.msk [tilespmem:v38+s2+$0x0], $0xffff;
	v47 =	vmin.u32 v39, $0xC400;
	[tilespmem:s28+$0xFFFFFFE0] =	vst v17  }
0x214: {  	vm4 =	vlt.f32 v41, v44;
	v17 =	vsel vm3, $0x8000, v0;
	v37 =	vld.idx.msk [tilespmem:v37+s2+$0x0], $0xffff;
	v46 =	vadd.s32 $0xFFFFFFFF, v47;
	[tilespmem:s28+$0xFFFFFFF0] =	vst v21;
	v15 =	vmovc v44  }
0x215: {  	v21 =	vsel vm4, $0x8000, v0;
	vm3 =	vlt.f32 v41, v26;
	v44 =	vor.u32 $0x3FFF, v17;
	v42 =	vld.idx.msk [tilespmem:v42+s2+$0x0], $0xffff  }
0x216: {  	vm4 =	vlt.f32 v41, v14;
	v41 =	vor.u32 $0x3FFF, v21;
	v47 =	vsel vm3, $0x8000, v0;
	v43 =	vld.idx.msk [tilespmem:v43+s2+$0x0], $0xffff  }
0x217: {  	v49 =	vor.u32 $0x4000, v21;
	v48 =	vsel vm4, $0x8000, v0;
	v50 =	vor.u32 $0x3FFF, v47;
	v40 =	vld.idx.msk [tilespmem:v40+s2+$0x0], $0xffff  }
0x218: {  	v53 =	vor.u32 $0x4000, v47;
	v51 =	vor.u32 $0x4000, v48;
	v52 =	vor.u32 $0x3FFF, v48;
	v45 =	vld.idx.msk [tilespmem:v45+s2+$0x0], $0xffff  }
0x219: {  	vm3 =	vlt.f32 v36, v10;
	vm4 =	vlt.f32 v38, v8;
	v38 =	vadd.f32 v19, v7;
	v36 =	vld.idx.msk [tilespmem:v46+s2+$0x0], $0xffff  }
0x21a: {  	v29 =	vsel vm3, v30, v29;
	v30 =	vsel vm4, v34, v31;
	vm3 =	vlt.f32 v37, v12;
	v19 =	vld.idx.msk [tilespmem:v44+s2+$0x0], $0xffff  }
0x21b: {  	v7 =	vmovc v11;
	v34 =	vadd.s32 $0x80, v29;
	v37 =	vadd.s32 $0x80, v30;
	v32 =	vsel vm3, v33, v32;
	v31 =	vld.idx.msk [tilespmem:v41+s2+$0x0], $0xffff;
	[tilespmem:s28+$0x0] =	vst v38  }
0x21c: {  	v11 =	vmovc v12;
	v12 =	vmovc v26;
	v38 =	vmin.u32 v34, $0xC400;
	v41 =	vmin.u32 v37, $0xC400;
	v44 =	vadd.s32 $0x80, v32;
	v33 =	vld.idx.msk [tilespmem:v50+s2+$0x0], $0xffff  }
0x21d: {  	v38 =	vadd.s32 $0xFFFFFFFF, v38;
	v41 =	vadd.s32 $0xFFFFFFFF, v41;
	v46 =	vmin.u32 v44, $0xC400;
	v26 =	vld.idx.msk [tilespmem:v52+s2+$0x0], $0xffff  }
0x21e: {  	vm4 =	vlt.f32 v42, v6;
	v46 =	vadd.s32 $0xFFFFFFFF, v46;
	vm5 =	vlt.f32 v45, v9  }
0x21f: {  	vm3 =	vlt.f32 v43, v5;
	vm6 =	vlt.f32 v36, v13;
	v22 =	vsel vm5, v35, v22  }
0x220: {  	v35 =	vor.u32 $0x4000, v17;
	vm5 =	vlt.f32 v19, v28;
	v19 =	vsel vm6, v39, v23  }
0x221: {  	vm6 =	vlt.f32 v31, v15;
	v23 =	vsel vm5, v35, v17;
	v31 =	vadd.s32 $0x40, v19  }
0x222: {  	vm5 =	vlt.f32 v33, v12;
	v33 =	vor.u32 $0x2000, v23;
	v35 =	vmin.u32 v31, $0xC400;
	v17 =	vld.idx.msk [tilespmem:v38+s2+$0x0], $0xffff  }
0x223: {  	vm7 =	vlt.f32 v26, v14;
	v26 =	vmin.u32 v33, $0xC400;
	v35 =	vadd.s32 $0xFFFFFFFF, v35;
	v36 =	vld.idx.msk [tilespmem:v41+s2+$0x0], $0xffff  }
0x224: {  	v21 =	vsel vm6, v49, v21;
	v38 =	vsel vm7, v51, v48;
	v26 =	vadd.s32 $0xFFFFFFFF, v26;
	v22 =	vld.idx.msk [tilespmem:v22+s14+$0x0], $0xffff  }
0x225: {  	v42 =	vsel vm5, v53, v47;
	v41 =	vor.u32 $0x2000, v21;
	v39 =	vor.u32 $0x2000, v38;
	v43 =	vld.idx.msk [tilespmem:v46+s2+$0x0], $0xffff  }
0x226: {  	v47 =	vor.u32 $0x2000, v42;
	v45 =	vmin.u32 v39, $0xC400;
	v46 =	vmin.u32 v41, $0xC400  }
0x227: {  	v48 =	vmin.u32 v47, $0xC400;
	v45 =	vadd.s32 $0xFFFFFFFF, v45;
	v46 =	vadd.s32 $0xFFFFFFFF, v46  }
0x228: {  	vm5 =	vlt.f32 v40, v7;
	v48 =	vadd.s32 $0xFFFFFFFF, v48;
	vm6 =	vlt.f32 v17, v10;
	v35 =	vld.idx.msk [tilespmem:v35+s2+$0x0], $0xffff  }
0x229: {  	v17 =	vsel vm4, v20, v18;
	v29 =	vsel vm6, v34, v29;
	vm6 =	vlt.f32 v36, v8;
	v26 =	vld.idx.msk [tilespmem:v26+s2+$0x0], $0xffff  }
0x22a: {  	v34 =	vadd.s32 $0x40, v29;
	v30 =	vsel vm6, v37, v30;
	v18 =	vsub.f32 v22, v9  }
0x22b: {  	v20 =	vmin.u32 v34, $0xC400;
	v22 =	vadd.s32 $0x40, v30;
	vm4 =	vlt.f32 v43, v11  }
0x22c: {  	v37 =	vmin.u32 v22, $0xC400;
	v32 =	vsel vm4, v44, v32;
	v18 =	vmul.f32 v18, v4;
	v36 =	vld.idx.msk [tilespmem:v45+s2+$0x0], $0xffff  }
0x22d: {  	v20 =	vadd.s32 $0xFFFFFFFF, v20;
	v37 =	vadd.s32 $0xFFFFFFFF, v37;
	v43 =	vadd.s32 $0x40, v32;
	v40 =	vld.idx.msk [tilespmem:v46+s2+$0x0], $0xffff  }
0x22e: {  	v45 =	vmin.u32 v43, $0xC400;
	vm4 =	vlt.f32 v35, v13;
	v35 =	vadd.f32 v18, v9;
	v9 =	vmovc v13;
	v44 =	vld.idx.msk [tilespmem:v48+s2+$0x0], $0xffff  }
0x22f: {  	s28 =	sadd.s32 $0x40, s28;
	v13 =	vmovc v28;
	vm6 =	vlt.f32 v26, v28;
	v26 =	vadd.s32 $0xFFFFFFFF, v45;
	v31 =	vsel vm4, v31, v19  }
0x230: {  	v18 =	vsel vm3, v27, v16;
	v23 =	vsel vm6, v33, v23;
	v28 =	vadd.s32 $0x20, v31;
	[tilespmem:s28+$0x10] =	vst v35  }
0x231: {  	v16 =	vsel vm5, v25, v24;
	v27 =	vor.u32 $0x1000, v23;
	v19 =	vmin.u32 v28, $0xC400  }
0x232: {  	vm3 =	vlt.f32 v36, v14;
	v24 =	vmin.u32 v27, $0xC400;
	v19 =	vadd.s32 $0xFFFFFFFF, v19;
	v20 =	vld.idx.msk [tilespmem:v20+s2+$0x0], $0xffff  }
0x233: {  	v25 =	vsel vm3, v39, v38;
	vm3 =	vlt.f32 v40, v15;
	v24 =	vadd.s32 $0xFFFFFFFF, v24;
	v33 =	vld.idx.msk [tilespmem:v37+s2+$0x0], $0xffff  }
0x234: {  	v35 =	vor.u32 $0x1000, v25;
	v36 =	vsel vm3, v41, v21;
	vm3 =	vlt.f32 v44, v12;
	v26 =	vld.idx.msk [tilespmem:v26+s2+$0x0], $0xffff  }
0x235: {  	v21 =	vmin.u32 v35, $0xC400;
	v37 =	vor.u32 $0x1000, v36;
	v38 =	vsel vm3, v47, v42  }
0x236: {  	v39 =	vadd.s32 $0xFFFFFFFF, v21;
	v21 =	vmin.u32 v37, $0xC400;
	v40 =	vor.u32 $0x1000, v38  }
0x237: {  	v41 =	vadd.s32 $0xFFFFFFFF, v21;
	v42 =	vmin.u32 v40, $0xC400;
	v21 =	vadd.s32 $0x1, v17;
	v44 =	vld.idx.msk [tilespmem:v19+s2+$0x0], $0xffff  }
0x238: {  	v42 =	vadd.s32 $0xFFFFFFFF, v42;
	vm3 =	vlt.f32 v20, v10;
	v20 =	vadd.s32 $0x1, v18;
	v24 =	vld.idx.msk [tilespmem:v24+s2+$0x0], $0xffff  }
0x239: {  	v19 =	vadd.s32 $0x1, v16;
	v29 =	vsel vm3, v34, v29;
	vm3 =	vlt.f32 v33, v8  }
0x23a: {  	v33 =	vadd.s32 $0x20, v29;
	v22 =	vsel vm3, v22, v30;
	vm3 =	vlt.f32 v26, v11  }
0x23b: {  	v30 =	vmin.u32 v33, $0xC400;
	v34 =	vadd.s32 $0x20, v22;
	v32 =	vsel vm3, v43, v32;
	v26 =	vld.idx.msk [tilespmem:v39+s2+$0x0], $0xffff  }
0x23c: {  	v30 =	vadd.s32 $0xFFFFFFFF, v30;
	v43 =	vadd.s32 $0x20, v32;
	v39 =	vld.idx.msk [tilespmem:v41+s2+$0x0], $0xffff;
	v41 =	vmin.u32 v34, $0xC400  }
0x23d: {  	v45 =	vmin.u32 v43, $0xC400;
	vm3 =	vlt.f32 v44, v9;
	v42 =	vld.idx.msk [tilespmem:v42+s2+$0x0], $0xffff;
	v41 =	vadd.s32 $0xFFFFFFFF, v41  }
0x23e: {  	vm4 =	vlt.f32 v24, v13;
	v24 =	vadd.s32 $0xFFFFFFFF, v45;
	v28 =	vsel vm3, v28, v31  }
0x23f: {  	v31 =	vmin.u32 v21, $0xC400;
	v23 =	vsel vm4, v27, v23;
	v27 =	vadd.s32 $0x10, v28  }
0x240: {  	v46 =	vmin.u32 v20, $0xC400;
	v44 =	vadd.s32 $0x800, v23;
	v45 =	vmin.u32 v27, $0xC400  }
0x241: {  	vm3 =	vlt.f32 v26, v14;
	v26 =	vmin.u32 v44, $0xC400;
	v45 =	vadd.s32 $0xFFFFFFFF, v45;
	v30 =	vld.idx.msk [tilespmem:v30+s2+$0x0], $0xffff  }
0x242: {  	v25 =	vsel vm3, v35, v25;
	vm3 =	vlt.f32 v39, v15;
	v26 =	vadd.s32 $0xFFFFFFFF, v26;
	v35 =	vld.idx.msk [tilespmem:v41+s2+$0x0], $0xffff  }
0x243: {  	v39 =	vadd.s32 $0x800, v25;
	v36 =	vsel vm3, v37, v36;
	vm3 =	vlt.f32 v42, v12;
	v24 =	vld.idx.msk [tilespmem:v24+s2+$0x0], $0xffff  }
0x244: {  	v37 =	vmin.u32 v39, $0xC400;
	v41 =	vadd.s32 $0x800, v36;
	v38 =	vsel vm3, v40, v38  }
0x245: {  	v37 =	vadd.s32 $0xFFFFFFFF, v37;
	v40 =	vmin.u32 v41, $0xC400;
	v42 =	vadd.s32 $0x800, v38  }
0x246: {  	v48 =	vmin.u32 v19, $0xC400;
	v40 =	vadd.s32 $0xFFFFFFFF, v40;
	v47 =	vmin.u32 v42, $0xC400;
	v45 =	vld.idx.msk [tilespmem:v45+s2+$0x0], $0xffff  }
0x247: {  	v47 =	vadd.s32 $0xFFFFFFFF, v47;
	vm3 =	vlt.f32 v30, v10;
	v30 =	vadd.s32 $0xFFFFFFFF, v31;
	v26 =	vld.idx.msk [tilespmem:v26+s2+$0x0], $0xffff  }
0x248: {  	v31 =	vadd.s32 $0xFFFFFFFF, v46;
	v29 =	vsel vm3, v33, v29;
	vm3 =	vlt.f32 v35, v8  }
0x249: {  	v33 =	vadd.s32 $0x10, v29;
	v22 =	vsel vm3, v34, v22;
	vm3 =	vlt.f32 v24, v11  }
0x24a: {  	v34 =	vmin.u32 v33, $0xC400;
	v35 =	vadd.s32 $0x10, v22;
	v32 =	vsel vm3, v43, v32;
	v24 =	vld.idx.msk [tilespmem:v37+s2+$0x0], $0xffff  }
0x24b: {  	v34 =	vadd.s32 $0xFFFFFFFF, v34;
	v43 =	vadd.s32 $0x10, v32;
	v37 =	vld.idx.msk [tilespmem:v40+s2+$0x0], $0xffff;
	v40 =	vmin.u32 v35, $0xC400  }
0x24c: {  	vm3 =	vlt.f32 v45, v9;
	v46 =	vld.idx.msk [tilespmem:v47+s2+$0x0], $0xffff;
	v40 =	vadd.s32 $0xFFFFFFFF, v40;
	v47 =	vmin.u32 v43, $0xC400  }
0x24d: {  	vm4 =	vlt.f32 v26, v13;
	v27 =	vsel vm3, v27, v28;
	v26 =	vadd.s32 $0xFFFFFFFF, v47;
	v28 =	vld.idx.msk [tilespmem:v30+s2+$0x0], $0xffff  }
0x24e: {  	v23 =	vsel vm4, v44, v23;
	v30 =	vadd.s32 $0x8, v27;
	v44 =	vadd.s32 $0xFFFFFFFF, v48;
	v31 =	vld.idx.msk [tilespmem:v31+s2+$0x0], $0xffff  }
0x24f: {  	v45 =	vadd.s32 $0x400, v23;
	v47 =	vmin.u32 v30, $0xC400  }
0x250: {  	vm3 =	vlt.f32 v24, v14;
	v24 =	vmin.u32 v45, $0xC400;
	v47 =	vadd.s32 $0xFFFFFFFF, v47;
	v34 =	vld.idx.msk [tilespmem:v34+s2+$0x0], $0xffff  }
0x251: {  	v25 =	vsel vm3, v39, v25;
	vm3 =	vlt.f32 v37, v15;
	v24 =	vadd.s32 $0xFFFFFFFF, v24;
	v37 =	vld.idx.msk [tilespmem:v40+s2+$0x0], $0xffff  }
0x252: {  	v39 =	vadd.s32 $0x400, v25;
	v36 =	vsel vm3, v41, v36;
	vm3 =	vlt.f32 v46, v12;
	v26 =	vld.idx.msk [tilespmem:v26+s2+$0x0], $0xffff  }
0x253: {  	v40 =	vmin.u32 v39, $0xC400;
	v41 =	vadd.s32 $0x400, v36;
	v38 =	vsel vm3, v42, v38;
	v42 =	vld.idx.msk [tilespmem:v44+s2+$0x0], $0xffff  }
0x254: {  	v40 =	vadd.s32 $0xFFFFFFFF, v40;
	v44 =	vmin.u32 v41, $0xC400;
	v46 =	vadd.s32 $0x400, v38  }
0x255: {  	vm4 =	vlt.f32 v28, v6;
	v44 =	vadd.s32 $0xFFFFFFFF, v44;
	v48 =	vmin.u32 v46, $0xC400;
	v47 =	vld.idx.msk [tilespmem:v47+s2+$0x0], $0xffff  }
0x256: {  	vm3 =	vlt.f32 v31, v5;
	v28 =	vadd.s32 $0xFFFFFFFF, v48;
	vm5 =	vlt.f32 v34, v10;
	v24 =	vld.idx.msk [tilespmem:v24+s2+$0x0], $0xffff  }
0x257: {  	v17 =	vsel vm4, v21, v17;
	v29 =	vsel vm5, v33, v29;
	vm5 =	vlt.f32 v37, v8  }
0x258: {  	v21 =	vadd.s32 $0x8, v29;
	v22 =	vsel vm5, v35, v22;
	vm4 =	vlt.f32 v26, v11  }
0x259: {  	v31 =	vmin.u32 v21, $0xC400;
	v33 =	vadd.s32 $0x8, v22;
	v32 =	vsel vm4, v43, v32;
	v26 =	vld.idx.msk [tilespmem:v40+s2+$0x0], $0xffff  }
0x25a: {  	v31 =	vadd.s32 $0xFFFFFFFF, v31;
	v35 =	vmin.u32 v33, $0xC400;
	v37 =	vadd.s32 $0x8, v32;
	v34 =	vld.idx.msk [tilespmem:v44+s2+$0x0], $0xffff  }
0x25b: {  	v35 =	vadd.s32 $0xFFFFFFFF, v35;
	v40 =	vmin.u32 v37, $0xC400;
	vm4 =	vlt.f32 v47, v9;
	v28 =	vld.idx.msk [tilespmem:v28+s2+$0x0], $0xffff  }
0x25c: {  	vm5 =	vlt.f32 v24, v13;
	v24 =	vadd.s32 $0xFFFFFFFF, v40;
	v27 =	vsel vm4, v30, v27;
	v17 =	vld.idx.msk [tilespmem:v17+s14+$0x0], $0xffff  }
0x25d: {  	vm4 =	vlt.f32 v42, v7;
	v23 =	vsel vm5, v45, v23;
	v30 =	vadd.s32 $0x4, v27  }
0x25e: {  	v18 =	vsel vm3, v20, v18;
	v40 =	vadd.s32 $0x200, v23;
	v42 =	vmin.u32 v30, $0xC400  }
0x25f: {  	vm3 =	vlt.f32 v26, v14;
	v20 =	vmin.u32 v40, $0xC400;
	v26 =	vld.idx.msk [tilespmem:v31+s2+$0x0], $0xffff;
	v31 =	vadd.s32 $0xFFFFFFFF, v42  }
0x260: {  	v39 =	vsel vm3, v39, v25;
	vm3 =	vlt.f32 v34, v15;
	v20 =	vadd.s32 $0xFFFFFFFF, v20;
	v25 =	vld.idx.msk [tilespmem:v35+s2+$0x0], $0xffff  }
0x261: {  	v34 =	vadd.s32 $0x200, v39;
	v41 =	vsel vm3, v41, v36;
	vm3 =	vlt.f32 v28, v12;
	v24 =	vld.idx.msk [tilespmem:v24+s2+$0x0], $0xffff  }
0x262: {  	v28 =	vmin.u32 v34, $0xC400;
	v42 =	vadd.s32 $0x200, v41;
	v38 =	vsel vm3, v46, v38  }
0x263: {  	v28 =	vadd.s32 $0xFFFFFFFF, v28;
	v35 =	vmin.u32 v42, $0xC400;
	v43 =	vadd.s32 $0x200, v38;
	v18 =	vld.idx.msk [tilespmem:v18+s14+$0x0], $0xffff  }
0x264: {  	v16 =	vsel vm4, v19, v16;
	v35 =	vadd.s32 $0xFFFFFFFF, v35;
	v36 =	vmin.u32 v43, $0xC400;
	v31 =	vld.idx.msk [tilespmem:v31+s2+$0x0], $0xffff  }
0x265: {  	v17 =	vsub.f32 v17, v6;
	v19 =	vadd.s32 $0xFFFFFFFF, v36;
	vm3 =	vlt.f32 v26, v10;
	v20 =	vld.idx.msk [tilespmem:v20+s2+$0x0], $0xffff  }
0x266: {  	v44 =	vsel vm3, v21, v29;
	vm3 =	vlt.f32 v25, v8  }
0x267: {  	v45 =	vadd.s32 $0x4, v44;
	v46 =	vsel vm3, v33, v22;
	vm3 =	vlt.f32 v24, v11  }
0x268: {  	v22 =	vmin.u32 v45, $0xC400;
	v24 =	vsel vm3, v37, v32;
	v21 =	vld.idx.msk [tilespmem:v28+s2+$0x0], $0xffff;
	v28 =	vadd.s32 $0x4, v46  }
0x269: {  	v29 =	vadd.s32 $0xFFFFFFFF, v22;
	v25 =	vadd.s32 $0x4, v24;
	v26 =	vld.idx.msk [tilespmem:v35+s2+$0x0], $0xffff;
	v22 =	vmin.u32 v28, $0xC400  }
0x26a: {  	vm3 =	vlt.f32 v31, v9;
	v19 =	vld.idx.msk [tilespmem:v19+s2+$0x0], $0xffff;
	v32 =	vadd.s32 $0xFFFFFFFF, v22;
	v22 =	vmin.u32 v25, $0xC400  }
0x26b: {  	vm4 =	vlt.f32 v20, v13;
	v20 =	vadd.s32 $0xFFFFFFFF, v22;
	v22 =	vsel vm3, v30, v27;
	v16 =	vld.idx.msk [tilespmem:v16+s14+$0x0], $0xffff  }
0x26c: {  	v18 =	vsub.f32 v18, v5;
	v35 =	vsel vm4, v40, v23;
	v23 =	vadd.s32 $0x2, v22  }
0x26d: {  	v17 =	vmul.f32 v17, v4;
	v36 =	vadd.s32 $0x100, v35;
	v27 =	vmin.u32 v23, $0xC400  }
0x26e: {  	vm3 =	vlt.f32 v21, v14;
	v21 =	vmin.u32 v36, $0xC400;
	v47 =	vld.idx.msk [tilespmem:v29+s2+$0x0], $0xffff;
	v27 =	vadd.s32 $0xFFFFFFFF, v27  }
0x26f: {  	v29 =	vsel vm3, v34, v39;
	vm3 =	vlt.f32 v26, v15;
	v21 =	vadd.s32 $0xFFFFFFFF, v21;
	v48 =	vld.idx.msk [tilespmem:v32+s2+$0x0], $0xffff  }
0x270: {  	v30 =	vadd.s32 $0x100, v29;
	v31 =	vsel vm3, v42, v41;
	vm3 =	vlt.f32 v19, v12;
	v41 =	vld.idx.msk [tilespmem:v20+s2+$0x0], $0xffff  }
0x271: {  	v19 =	vmin.u32 v30, $0xC400;
	v34 =	vadd.s32 $0x100, v31;
	v32 =	vsel vm3, v43, v38  }
.Ltmp5:
0x272: {  	v39 =	vadd.s32 $0xFFFFFFFF, v19;
	v19 =	vmin.u32 v34, $0xC400;
	v33 =	vadd.s32 $0x100, v32;
	(pc) =	sbr.rel @p0 .LBB2_5-.Ltmp5, $4  }
0x273: {  	v16 =	vsub.f32 v16, v7;
	v38 =	vadd.s32 $0xFFFFFFFF, v19;
	v19 =	vmin.u32 v33, $0xC400;
	v26 =	vld.idx.msk [tilespmem:v27+s2+$0x0], $0xffff  }
0x274: {  	v37 =	vadd.s32 $0xFFFFFFFF, v19;
	vm3 =	vlt.f32 v47, v10;
	v40 =	vld.idx.msk [tilespmem:v21+s2+$0x0], $0xffff;
	v21 =	vmul.f32 v18, v4  }
0x275: {  	v19 =	vmul.f32 v16, v4;
	v18 =	vsel vm3, v45, v44;
	vm3 =	vlt.f32 v48, v8  }
0x276: {  	v20 =	vadd.s32 $0x2, v18;
	v16 =	vsel vm3, v28, v46;
	vm3 =	vlt.f32 v41, v11  }
0x277: {  	_ =	sdelay $0x3  }
0x278: {  	v27 =	vld.idx.msk [tilespmem:v39+s2+$0x0], $0xffff  }
0x279: {  	v28 =	vld.idx.msk [tilespmem:v38+s2+$0x0], $0xffff  }
0x27a: {  	v37 =	vld.idx.msk [tilespmem:v37+s2+$0x0], $0xffff;
	vm4 =	vlt.f32 v40, v13  }
0x27b: {  	v35 =	vsel vm4, v36, v35  }
0x27c: {  	v36 =	vadd.s32 $0x80, v35  }
0x27d: {  	v62 =	vmin.u32 v36, $0xC400;
	vm10 =	vlt.f32 v27, v14  }
0x27e: {  	vm5 =	vlt.f32 v28, v15;
	v63 =	vadd.s32 $0xFFFFFFFF, v62;
	v40 =	vsel vm10, v30, v29  }
0x27f: {  	vm11 =	vlt.f32 v37, v12;
	v41 =	vsel vm5, v34, v31;
	v30 =	vadd.s32 $0x80, v40  }
0x280: {  	v32 =	vsel vm11, v33, v32;
	v31 =	vadd.s32 $0x80, v41;
	v42 =	vmin.u32 v30, $0xC400  }
0x281: {  	v44 =	vadd.s32 $0x80, v32;
	v43 =	vmin.u32 v31, $0xC400;
	v33 =	vadd.s32 $0xFFFFFFFF, v42  }
0x282: {  	v45 =	vmin.u32 v44, $0xC400;
	v34 =	vadd.s32 $0xFFFFFFFF, v43  }
0x283: {  	v38 =	vadd.s32 $0xFFFFFFFF, v45;
	v27 =	vld.idx.msk [tilespmem:v63+s2+$0x0], $0xffff;
	_ =	sdelay $0x2  }
0x284: {  	v33 =	vld.idx.msk [tilespmem:v33+s2+$0x0], $0xffff  }
0x285: {  	v34 =	vld.idx.msk [tilespmem:v34+s2+$0x0], $0xffff  }
0x286: {  	v46 =	vld.idx.msk [tilespmem:v38+s2+$0x0], $0xffff;
	vm12 =	vlt.f32 v27, v13  }
0x287: {  	v35 =	vsel vm12, v36, v35  }
0x288: {  	v36 =	vadd.s32 $0x40, v35  }
0x289: {  	v47 =	vmin.u32 v36, $0xC400;
	vm13 =	vlt.f32 v33, v14  }
0x28a: {  	vm14 =	vlt.f32 v34, v15;
	v48 =	vadd.s32 $0xFFFFFFFF, v47;
	v28 =	vsel vm13, v30, v40  }
0x28b: {  	vm15 =	vlt.f32 v46, v12;
	v29 =	vsel vm14, v31, v41;
	v30 =	vadd.s32 $0x40, v28  }
0x28c: {  	v32 =	vsel vm15, v44, v32;
	v31 =	vadd.s32 $0x40, v29;
	v49 =	vmin.u32 v30, $0xC400  }
0x28d: {  	v37 =	vadd.s32 $0x40, v32;
	v50 =	vmin.u32 v31, $0xC400;
	v27 =	vadd.s32 $0xFFFFFFFF, v49  }
0x28e: {  	v51 =	vmin.u32 v37, $0xC400;
	v34 =	vadd.s32 $0xFFFFFFFF, v50  }
0x28f: {  	v38 =	vadd.s32 $0xFFFFFFFF, v51;
	v33 =	vld.idx.msk [tilespmem:v48+s2+$0x0], $0xffff;
	_ =	sdelay $0x2  }
0x290: {  	v27 =	vld.idx.msk [tilespmem:v27+s2+$0x0], $0xffff  }
0x291: {  	v34 =	vld.idx.msk [tilespmem:v34+s2+$0x0], $0xffff  }
0x292: {  	v52 =	vld.idx.msk [tilespmem:v38+s2+$0x0], $0xffff;
	vm8 =	vlt.f32 v33, v13  }
0x293: {  	v35 =	vsel vm8, v36, v35  }
0x294: {  	v36 =	vadd.s32 $0x20, v35  }
0x295: {  	v53 =	vmin.u32 v36, $0xC400;
	vm9 =	vlt.f32 v27, v14  }
0x296: {  	vm10 =	vlt.f32 v34, v15;
	v54 =	vadd.s32 $0xFFFFFFFF, v53;
	v28 =	vsel vm9, v30, v28  }
0x297: {  	vm11 =	vlt.f32 v52, v12;
	v29 =	vsel vm10, v31, v29;
	v30 =	vadd.s32 $0x20, v28  }
0x298: {  	v32 =	vsel vm11, v37, v32;
	v56 =	vadd.s32 $0x20, v29;
	v55 =	vmin.u32 v30, $0xC400  }
0x299: {  	v37 =	vadd.s32 $0x20, v32;
	v57 =	vmin.u32 v56, $0xC400;
	v31 =	vadd.s32 $0xFFFFFFFF, v55  }
0x29a: {  	v58 =	vmin.u32 v37, $0xC400;
	v34 =	vadd.s32 $0xFFFFFFFF, v57  }
0x29b: {  	v38 =	vadd.s32 $0xFFFFFFFF, v58;
	v27 =	vld.idx.msk [tilespmem:v54+s2+$0x0], $0xffff;
	_ =	sdelay $0x2  }
0x29c: {  	v31 =	vld.idx.msk [tilespmem:v31+s2+$0x0], $0xffff  }
0x29d: {  	v34 =	vld.idx.msk [tilespmem:v34+s2+$0x0], $0xffff  }
0x29e: {  	v59 =	vld.idx.msk [tilespmem:v38+s2+$0x0], $0xffff;
	vm12 =	vlt.f32 v27, v13  }
0x29f: {  	v35 =	vsel vm12, v36, v35  }
0x2a0: {  	v36 =	vadd.s32 $0x10, v35  }
0x2a1: {  	v60 =	vmin.u32 v36, $0xC400;
	vm13 =	vlt.f32 v31, v14  }
0x2a2: {  	vm14 =	vlt.f32 v34, v15;
	v61 =	vadd.s32 $0xFFFFFFFF, v60;
	v28 =	vsel vm13, v30, v28  }
0x2a3: {  	vm15 =	vlt.f32 v59, v12;
	v29 =	vsel vm14, v56, v29;
	v30 =	vadd.s32 $0x10, v28  }
0x2a4: {  	v32 =	vsel vm15, v37, v32;
	v33 =	vadd.s32 $0x10, v29;
	v62 =	vmin.u32 v30, $0xC400  }
0x2a5: {  	v37 =	vadd.s32 $0x10, v32;
	v63 =	vmin.u32 v33, $0xC400;
	v27 =	vadd.s32 $0xFFFFFFFF, v62  }
0x2a6: {  	v40 =	vmin.u32 v37, $0xC400;
	v34 =	vadd.s32 $0xFFFFFFFF, v63  }
0x2a7: {  	v38 =	vadd.s32 $0xFFFFFFFF, v40;
	v31 =	vld.idx.msk [tilespmem:v61+s2+$0x0], $0xffff;
	_ =	sdelay $0x2  }
0x2a8: {  	v27 =	vld.idx.msk [tilespmem:v27+s2+$0x0], $0xffff  }
0x2a9: {  	v34 =	vld.idx.msk [tilespmem:v34+s2+$0x0], $0xffff  }
0x2aa: {  	v41 =	vld.idx.msk [tilespmem:v38+s2+$0x0], $0xffff;
	vm8 =	vlt.f32 v31, v13  }
0x2ab: {  	v35 =	vsel vm8, v36, v35  }
0x2ac: {  	v36 =	vadd.s32 $0x8, v35  }
0x2ad: {  	v42 =	vmin.u32 v36, $0xC400;
	vm9 =	vlt.f32 v27, v14  }
0x2ae: {  	vm10 =	vlt.f32 v34, v15;
	v43 =	vadd.s32 $0xFFFFFFFF, v42;
	v28 =	vsel vm9, v30, v28  }
0x2af: {  	vm11 =	vlt.f32 v41, v12;
	v29 =	vsel vm10, v33, v29;
	v30 =	vadd.s32 $0x8, v28  }
0x2b0: {  	v32 =	vsel vm11, v37, v32;
	v33 =	vadd.s32 $0x8, v29;
	v44 =	vmin.u32 v30, $0xC400  }
0x2b1: {  	v37 =	vadd.s32 $0x8, v32;
	v45 =	vmin.u32 v33, $0xC400;
	v31 =	vadd.s32 $0xFFFFFFFF, v44  }
0x2b2: {  	v46 =	vmin.u32 v37, $0xC400;
	v34 =	vadd.s32 $0xFFFFFFFF, v45  }
0x2b3: {  	v38 =	vadd.s32 $0xFFFFFFFF, v46;
	v27 =	vld.idx.msk [tilespmem:v43+s2+$0x0], $0xffff;
	_ =	sdelay $0x2  }
0x2b4: {  	v31 =	vld.idx.msk [tilespmem:v31+s2+$0x0], $0xffff  }
0x2b5: {  	v34 =	vld.idx.msk [tilespmem:v34+s2+$0x0], $0xffff  }
0x2b6: {  	v47 =	vld.idx.msk [tilespmem:v38+s2+$0x0], $0xffff;
	vm12 =	vlt.f32 v27, v13  }
0x2b7: {  	v35 =	vsel vm12, v36, v35  }
0x2b8: {  	v36 =	vadd.s32 $0x4, v35  }
0x2b9: {  	v48 =	vmin.u32 v36, $0xC400;
	vm13 =	vlt.f32 v31, v14  }
0x2ba: {  	vm14 =	vlt.f32 v34, v15;
	v49 =	vadd.s32 $0xFFFFFFFF, v48;
	v28 =	vsel vm13, v30, v28  }
0x2bb: {  	vm15 =	vlt.f32 v47, v12;
	v29 =	vsel vm14, v33, v29;
	v30 =	vadd.s32 $0x4, v28  }
0x2bc: {  	v32 =	vsel vm15, v37, v32;
	v33 =	vadd.s32 $0x4, v29;
	v50 =	vmin.u32 v30, $0xC400  }
0x2bd: {  	v37 =	vadd.s32 $0x4, v32;
	v51 =	vmin.u32 v33, $0xC400;
	v27 =	vadd.s32 $0xFFFFFFFF, v50  }
0x2be: {  	v52 =	vmin.u32 v37, $0xC400;
	v34 =	vadd.s32 $0xFFFFFFFF, v51  }
0x2bf: {  	v38 =	vadd.s32 $0xFFFFFFFF, v52;
	v31 =	vld.idx.msk [tilespmem:v49+s2+$0x0], $0xffff  }
0x2c0: {  	v24 =	vsel vm3, v25, v24;
	v54 =	vadd.s32 $0x2, v16  }
0x2c1: {  	v56 =	vmin.u32 v54, $0xC400;
	v41 =	vadd.s32 $0x2, v24  }
0x2c2: {  	v58 =	vadd.s32 $0xFFFFFFFF, v56;
	v59 =	vmin.u32 v41, $0xC400;
	v27 =	vld.idx.msk [tilespmem:v27+s2+$0x0], $0xffff  }
0x2c3: {  	v60 =	vadd.s32 $0xFFFFFFFF, v59;
	v34 =	vld.idx.msk [tilespmem:v34+s2+$0x0], $0xffff  }
0x2c4: {  	v57 =	vld.idx.msk [tilespmem:v38+s2+$0x0], $0xffff;
	vm3 =	vlt.f32 v31, v13  }
0x2c5: {  	v53 =	vmin.u32 v20, $0xC400;
	v35 =	vsel vm3, v36, v35  }
0x2c6: {  	v55 =	vadd.s32 $0xFFFFFFFF, v53;
	v61 =	vadd.s32 $0x2, v35  }
0x2c7: {  	v63 =	vld.idx.msk [tilespmem:v58+s2+$0x0], $0xffff;
	vm3 =	vlt.f32 v26, v9;
	v62 =	vmin.u32 v61, $0xC400;
	vm8 =	vlt.f32 v27, v14  }
0x2c8: {  	v46 =	vld.idx.msk [tilespmem:v60+s2+$0x0], $0xffff;
	vm9 =	vlt.f32 v34, v15;
	v26 =	vadd.s32 $0xFFFFFFFF, v62;
	v27 =	vsel vm8, v30, v28  }
0x2c9: {  	vm10 =	vlt.f32 v57, v12;
	v29 =	vsel vm9, v33, v29;
	v28 =	vadd.s32 $0x2, v27  }
0x2ca: {  	v32 =	vsel vm10, v37, v32;
	v33 =	vadd.s32 $0x2, v29;
	v45 =	vmin.u32 v28, $0xC400  }
0x2cb: {  	v25 =	vld.idx.msk [tilespmem:v55+s2+$0x0], $0xffff;
	v37 =	vadd.s32 $0x2, v32;
	v47 =	vmin.u32 v33, $0xC400;
	v31 =	vadd.s32 $0xFFFFFFFF, v45  }
0x2cc: {  	v49 =	vmin.u32 v37, $0xC400;
	v48 =	vadd.s32 $0xFFFFFFFF, v47  }
0x2cd: {  	vm11 =	vlt.f32 v63, v8;
	vm12 =	vlt.f32 v46, v11;
	v36 =	vadd.s32 $0xFFFFFFFF, v49;
	v26 =	vld.idx.msk [tilespmem:v26+s2+$0x0], $0xffff  }
0x2ce: {  	v16 =	vsel vm11, v54, v16;
	v24 =	vsel vm12, v41, v24  }
0x2cf: {  	v53 =	vadd.s32 $0x1, v16;
	v54 =	vadd.s32 $0x1, v24  }
0x2d0: {  	v58 =	vmin.u32 v54, $0xC400;
	v22 =	vsel vm3, v23, v22;
	vm3 =	vlt.f32 v25, v10;
	v51 =	vld.idx.msk [tilespmem:v31+s2+$0x0], $0xffff  }
0x2d1: {  	v40 =	vadd.s32 $0xFFFFFFFF, v58;
	v50 =	vadd.s32 $0x1, v22;
	v18 =	vsel vm3, v20, v18;
	v23 =	vld.idx.msk [tilespmem:v48+s2+$0x0], $0xffff  }
0x2d2: {  	v57 =	vmin.u32 v53, $0xC400;
	v52 =	vadd.s32 $0x1, v18;
	v56 =	vld.idx.msk [tilespmem:v36+s2+$0x0], $0xffff;
	vm3 =	vlt.f32 v26, v13  }
0x2d3: {  	v42 =	vmin.u32 v50, $0xC400;
	v55 =	vmin.u32 v52, $0xC400;
	v35 =	vsel vm3, v61, v35  }
0x2d4: {  	v42 =	vadd.s32 $0xFFFFFFFF, v42;
	v34 =	vadd.s32 $0xFFFFFFFF, v55;
	v39 =	vadd.s32 $0x1, v35  }
0x2d5: {  	v36 =	vadd.s32 $0xFFFFFFFF, v57;
	v59 =	vmin.u32 v39, $0xC400;
	vm3 =	vlt.f32 v51, v14  }
0x2d6: {  	vm13 =	vlt.f32 v23, v15;
	v60 =	vadd.s32 $0xFFFFFFFF, v59;
	v61 =	vsel vm3, v28, v27  }
0x2d7: {  	vm3 =	vlt.f32 v56, v12;
	v62 =	vsel vm13, v33, v29;
	v27 =	vadd.s32 $0x1, v61  }
0x2d8: {  	v63 =	vsel vm3, v37, v32;
	v29 =	vadd.s32 $0x1, v62;
	v44 =	vmin.u32 v27, $0xC400  }
0x2d9: {  	v45 =	vld.idx.msk [tilespmem:v42+s2+$0x0], $0xffff;
	v37 =	vadd.s32 $0x1, v63;
	v46 =	vmin.u32 v29, $0xC400;
	v32 =	vadd.s32 $0xFFFFFFFF, v44  }
0x2da: {  	v34 =	vld.idx.msk [tilespmem:v34+s2+$0x0], $0xffff;
	v47 =	vmin.u32 v37, $0xC400;
	v41 =	vadd.s32 $0xFFFFFFFF, v46  }
0x2db: {  	v36 =	vld.idx.msk [tilespmem:v36+s2+$0x0], $0xffff;
	v42 =	vadd.s32 $0xFFFFFFFF, v47  }
0x2dc: {  	v40 =	vld.idx.msk [tilespmem:v40+s2+$0x0], $0xffff  }
0x2dd: {  	v20 =	vld.idx.msk [tilespmem:v60+s2+$0x0], $0xffff  }
0x2de: {  	vm3 =	vlt.f32 v45, v9;
	v32 =	vld.idx.msk [tilespmem:v32+s2+$0x0], $0xffff  }
0x2df: {  	v22 =	vsel vm3, v50, v22;
	vm3 =	vlt.f32 v34, v10;
	v48 =	vld.idx.msk [tilespmem:v41+s2+$0x0], $0xffff  }
0x2e0: {  	v18 =	vsel vm3, v52, v18;
	vm14 =	vlt.f32 v36, v8;
	v49 =	vld.idx.msk [tilespmem:v42+s2+$0x0], $0xffff  }
0x2e1: {  	vm3 =	vlt.f32 v40, v11;
	v16 =	vsel vm14, v53, v16  }
0x2e2: {  	v24 =	vsel vm3, v54, v24;
	vm3 =	vlt.f32 v20, v13  }
0x2e3: {  	v20 =	vsel vm3, v39, v35;
	vm3 =	vlt.f32 v32, v14  }
0x2e4: {  	v22 =	vld.idx.msk [tilespmem:v22+s14+$0x0], $0xffff;
	vm15 =	vlt.f32 v48, v15;
	v23 =	vsel vm3, v27, v61  }
0x2e5: {  	v18 =	vld.idx.msk [tilespmem:v18+s14+$0x0], $0xffff;
	vm3 =	vlt.f32 v49, v12;
	v50 =	vsel vm15, v29, v62  }
0x2e6: {  	v16 =	vld.idx.msk [tilespmem:v16+s14+$0x0], $0xffff;
	v51 =	vsel vm3, v37, v63  }
0x2e7: {  	v24 =	vld.idx.msk [tilespmem:v24+s14+$0x0], $0xffff  }
0x2e8: {  	v20 =	vld.idx.msk [tilespmem:v20+s14+$0x0], $0xffff  }
0x2e9: {  	v22 =	vsub.f32 v22, v9;
	v23 =	vld.idx.msk [tilespmem:v23+s14+$0x0], $0xffff  }
0x2ea: {  	v6 =	vadd.f32 v17, v6;
	v52 =	vsub.f32 v18, v10;
	v53 =	vld.idx.msk [tilespmem:v50+s14+$0x0], $0xffff  }
0x2eb: {  	v5 =	vadd.f32 v21, v5;
	v54 =	vmul.f32 v22, v4;
	v16 =	vsub.f32 v16, v8;
	v55 =	vld.idx.msk [tilespmem:v51+s14+$0x0], $0xffff  }
0x2ec: {  	[tilespmem:s28+$0xFFFFFFE0] =	vst v6;
	v6 =	vadd.f32 v19, v7;
	v56 =	vsub.f32 v24, v11;
	v7 =	vmul.f32 v52, v4  }
0x2ed: {  	[tilespmem:s28+$0xFFFFFFF0] =	vst v5;
	v5 =	vadd.f32 v54, v9;
	v57 =	vmul.f32 v16, v4;
	v58 =	vsub.f32 v20, v13  }
0x2ee: {  	s26 =	sadd.s32 $0x40, s28;
	[tilespmem:s28+$0x0] =	vst v6;
	v6 =	vmul.f32 v56, v4;
	v7 =	vadd.f32 v7, v10;
	v59 =	vsub.f32 v23, v14  }
0x2ef: {  	[tilespmem:s26+$0x10] =	vst v5;
	v5 =	vadd.f32 v57, v8;
	v60 =	vmul.f32 v58, v4;
	v61 =	vsub.f32 v53, v15  }
0x2f0: {  	v6 =	vadd.f32 v6, v11;
	[tilespmem:s26+$0xFFFFFFE0] =	vst v7;
	v62 =	vsub.f32 v55, v12;
	v7 =	vmul.f32 v59, v4  }
0x2f1: {  	[tilespmem:s26+$0xFFFFFFF0] =	vst v5;
	v5 =	vadd.f32 v60, v13;
	v63 =	vmul.f32 v61, v4  }
0x2f2: {  	s30 =	smul.u32 $0xC400, s24;
	[tilespmem:s26+$0x0] =	vst v6;
	s26 =	sadd.s32 $0x40, s26;
	v6 =	vmul.f32 v62, v4;
	v7 =	vadd.f32 v7, v14  }
0x2f3: {  	[tilespmem:s26+$0x10] =	vst v5;
	v5 =	vadd.f32 v63, v15  }
0x2f4: {  	s28 =	sadd.s32 s25, s30;
	v6 =	vadd.f32 v6, v12;
	[tilespmem:s26+$0xFFFFFFE0] =	vst v7  }
0x2f5: {  	s24 =	sadd.s32 $0x1, s24;
	s28 =	sshrl.u32 s28, $0x3;
	[tilespmem:s26+$0xFFFFFFF0] =	vst v5  }
0x2f6: {  	p0 =	sne.s32 s24, $0x8;
	s31 =	sadd.s32 s6, s28;
	[tilespmem:s26+$0x0] =	vst v6  }
0x2f7: {  	[hbm4b:s31+s10] =	stream.strided.scatter [tilespmem:s13], [sflag:$0x2], $0x1880, s11, s10, $0x38;
	[tilespmem:$0x1C700] =	vst v63  }
.Ltmp6:
0x2f8: {  	_ = 	snop;
	(pc) =	sbr.rel @p0 .LBB2_4-.Ltmp6, $4  }
.Ltmp7:
0x2f9: {  	_ = 	snop;
	(pc) =	sbr.rel @!p0 .LBB2_7-.Ltmp7, $4  }
0x2fa: {  	_ =	swait.ge [sflag:s12], $0x1880  }
0x2fb: {  	[sflag:s12] =	ssyncset.done $0x0  }
0x2fc: {  	[sflag:s12] =	ssyncadd.s32 $0xFFFFE780  }
0x2fd: {  	_ = 	snop  }
.LBB2_9:
0x2fe: {  	_ =	sfence.sel $0x180000  }
0x2ff: {  	[bflag:$0x0] =	sbarrier.arrive $0xFFFF  }
0x300: {  	_ =	strace $0x9000004A  }
0x301: {  	s0 =	stileid.u32;
	[bflag:$0x2] =	sbarrier.arrive $0xFFFF  }
0x302: {  	p0 =	sne.s32 s0, $0x0;
	s0 =	rddreg [dreg:$0x1]  }
0x303: {  	s0 =	sadd.s32 @!p0 $0x100000, s0  }
0x304: {  	[sflag:s0] =	ssyncadd.tile.s32 @!p0 $0x1;
	_ =	shalt  }
.Lfunc_end2:
_tile_overlayer_lowered:
.L_overlay_start_2:
0x305: {  	(tag) =	ssettag $0x2  }
0x306: {  	s0 =	rddreg [dreg:$0x0];
	s2 =	stileid.u32  }
0x307: {  	s1 =	rddreg [dreg:$0x1];
	p0 =	sne.s32 s2, $0x0  }
0x308: {  	s3 =	rddreg [dreg:$0x2];
	[bflag:$0x3] =	sbarrier.arrive $0xFFFF;
	s2 =	simm.s32 @!p0 $0x1C02  }
0x309: {  	[timem:s3], [sflag:s2] =	dma.local @!p0 [hbm:s0], s1  }
0x30a: {  	s0 =	simm.s32 @!p0 $0x2  }
0x30b: {  	_ =	swait.ge @!p0 [sflag:s0], s1  }
0x30c: {  	s1 =	ssub.s32 @!p0 $0x0, s1;
	[sflag:s0] =	ssyncset.done @!p0 $0x0  }
0x30d: {  	[sflag:s0] =	ssyncadd.s32 @!p0 s1  }
0x30e: {  	[bflag:$0x3] =	sbarrier.arrive $0xFFFF  }
0x30f: {  	_ =	shalt  }

</sc_bundles>
